<compile_context>
chip_gen: v7x
topology: tpu7x:2x2x1
jax: 0.10.2.dev20260603
libtpu: 0.0.44.dev20260713+nightly
codegen_flags: <defaults>
</compile_context>

<pallas_src>
import functools

import jax
import jax.numpy as jnp
from jax import lax
from jax.experimental import pallas as pl
from jax.experimental.pallas import tpu as pltpu
from jax.experimental.pallas import tpu_sc as plsc

D_MODEL = 2048
SEQ_LEN = 4096
BATCH = 4

NC, NS, L = 2, 16, 16
NW = NC * NS
SEQ_PER_W = SEQ_LEN // NW

CHUNK = 4
N_SEQ_CHUNKS = SEQ_PER_W // CHUNK
NXB = 8
ROW_ITERS = 16
ROW_UNROLL = D_MODEL // (ROW_ITERS * L)


def _sc_body(x_hbm, pos_hbm, out_hbm,
             xb0, xb1, xb2, xb3, xb4, xb5, xb6, xb7, pb0, pb1,
             sem_x, sem_p, sem_o):
    c = lax.axis_index("c")
    s = lax.axis_index("s")
    wid = s * NC + c
    seq0 = wid * SEQ_PER_W

    xbufs = (xb0, xb1, xb2, xb3, xb4, xb5, xb6, xb7)
    pbufs = (pb0, pb1)

    def x_row(b, sc):
        return b * SEQ_LEN + seq0 + sc * CHUNK

    def start_x(b, sc, dst):
        pltpu.async_copy(x_hbm.at[pl.ds(x_row(b, sc), CHUNK)], dst, sem_x)

    def start_p(sc, dst):
        pltpu.async_copy(pos_hbm.at[pl.ds(seq0 + sc * CHUNK, CHUNK)], dst,
                         sem_p)

    def start_o(b, sc, src):
        pltpu.async_copy(src, out_hbm.at[pl.ds(x_row(b, sc), CHUNK)], sem_o)

    def wait_x(dst):
        pltpu.make_async_copy(x_hbm.at[pl.ds(0, CHUNK)], dst, sem_x).wait()

    def wait_p(dst):
        pltpu.make_async_copy(pos_hbm.at[pl.ds(0, CHUNK)], dst, sem_p).wait()

    def wait_o(src):
        pltpu.make_async_copy(src, out_hbm.at[pl.ds(0, CHUNK)], sem_o).wait()

    def add_chunk(xbuf, pbuf):
        def body(i, acc):
            base = i * (ROW_UNROLL * L)
            for r in range(CHUNK):
                for j in range(ROW_UNROLL):
                    o = base + j * L
                    plsc.addupdate(xbuf.at[r, pl.ds(o, L)],
                                   pbuf[r, pl.ds(o, L)])
            return acc

        lax.fori_loop(0, ROW_ITERS, body, 0)

    start_p(0, pb0)
    for b in range(BATCH):
        start_x(b, 0, xbufs[b])

    def loop_body(j, acc):
        for u in range(NXB):
            pslot, b = u // BATCH, u % BATCH
            sc = 2 * j + pslot
            xbuf = xbufs[u]
            wait_x(xbuf)
            if u == 0:
                wait_p(pb0)
                start_p(2 * j + 1, pb1)
            if u == BATCH:
                wait_p(pb1)

                @pl.when(j < N_SEQ_CHUNKS // 2 - 1)
                def _():
                    start_p(2 * j + 2, pb0)

            add_chunk(xbuf, pbufs[pslot])
            start_o(b, sc, xbuf)
            if u < BATCH:
                @pl.when(j >= 1)
                def _():
                    wait_o(xbufs[(u + BATCH) % NXB])
                start_x(b, 2 * j + 1, xbufs[(u + BATCH) % NXB])
            else:
                wait_o(xbufs[(u + BATCH) % NXB])

                @pl.when(j < N_SEQ_CHUNKS // 2 - 1)
                def _():
                    start_x(b, 2 * j + 2, xbufs[(u + BATCH) % NXB])
        return acc

    lax.fori_loop(0, N_SEQ_CHUNKS // 2, loop_body, 0)

    for u in range(BATCH, NXB):
        wait_o(xbufs[u])


_sc_add = functools.partial(
    pl.kernel,
    out_type=jax.ShapeDtypeStruct((BATCH * SEQ_LEN, D_MODEL), jnp.float32),
    mesh=plsc.VectorSubcoreMesh(core_axis_name="c", subcore_axis_name="s"),
    scratch_types=[
        pltpu.VMEM((CHUNK, D_MODEL), jnp.float32),
        pltpu.VMEM((CHUNK, D_MODEL), jnp.float32),
        pltpu.VMEM((CHUNK, D_MODEL), jnp.float32),
        pltpu.VMEM((CHUNK, D_MODEL), jnp.float32),
        pltpu.VMEM((CHUNK, D_MODEL), jnp.float32),
        pltpu.VMEM((CHUNK, D_MODEL), jnp.float32),
        pltpu.VMEM((CHUNK, D_MODEL), jnp.float32),
        pltpu.VMEM((CHUNK, D_MODEL), jnp.float32),
        pltpu.VMEM((CHUNK, D_MODEL), jnp.float32),
        pltpu.VMEM((CHUNK, D_MODEL), jnp.float32),
        pltpu.SemaphoreType.DMA,
        pltpu.SemaphoreType.DMA,
        pltpu.SemaphoreType.DMA,
    ],
    compiler_params=pltpu.CompilerParams(use_tc_tiling_on_sc=True),
)(_sc_body)


@jax.jit
def kernel(x, pos_table):
    x2 = x.reshape(BATCH * SEQ_LEN, D_MODEL)
    out = _sc_add(x2, pos_table)
    return out.reshape(x.shape)

# --- scband reference (transcript-rebuilt; emitter-appended) ---
"""Pipeline reference for scband-learned-positional-embedding-43559558316686 (READ-ONLY COPY).

The authoritative reference and input builder live on the scoring server;
editing this copy changes nothing except your own understanding.
"""

import jax, jax.numpy as jnp
import numpy as np

D_MODEL = 2048
MAX_LEN = 8192
BATCH = 4
SEQ_LEN = 4096

def setup_inputs(seed: int = 0) -> dict:
    key = jax.random.key(seed)
    k1, k2 = jax.random.split(key)
    x = jax.random.normal(k1, (BATCH, SEQ_LEN, D_MODEL), dtype=jnp.float32)
    pos_table = jax.random.normal(k2, (MAX_LEN, D_MODEL), dtype=jnp.float32) * 0.02
    return {"x": x, "pos_table": pos_table}

def reference(x, pos_table):
    batch_size, seq_len, _ = x.shape
    positions = jnp.arange(seq_len)
    pos_embeddings = jnp.take(pos_table, positions, axis=0)[None, :, :]
    out = x + pos_embeddings
    # dropout p=0.0 -> identity
    return out

if __name__ == "__main__":
    import jax
    _d = setup_inputs()
    print(jax.jit(kernel)(*tuple(_d.values())))

</pallas_src>

<mosaic_0001>
#map = affine_map<(d0, d1) -> (0, 0)>
module attributes {stable_mosaic.version = 14 : i64} {
  func.func @_sc_body(%arg0: i32, %arg1: i32, %arg2: memref<16384x2048xf32, #tpu.memory_space<hbm>>, %arg3: memref<8192x2048xf32, #tpu.memory_space<hbm>>, %arg4: memref<16384x2048xf32, #tpu.memory_space<hbm>>, %arg5: memref<4x2048xf32, #tpu.memory_space<vmem>>, %arg6: memref<4x2048xf32, #tpu.memory_space<vmem>>, %arg7: memref<4x2048xf32, #tpu.memory_space<vmem>>, %arg8: memref<4x2048xf32, #tpu.memory_space<vmem>>, %arg9: memref<4x2048xf32, #tpu.memory_space<vmem>>, %arg10: memref<4x2048xf32, #tpu.memory_space<vmem>>, %arg11: memref<4x2048xf32, #tpu.memory_space<vmem>>, %arg12: memref<4x2048xf32, #tpu.memory_space<vmem>>, %arg13: memref<4x2048xf32, #tpu.memory_space<vmem>>, %arg14: memref<4x2048xf32, #tpu.memory_space<vmem>>, %arg15: memref<!tpu.dma_semaphore, #tpu.memory_space<semaphore_mem>>, %arg16: memref<!tpu.dma_semaphore, #tpu.memory_space<semaphore_mem>>, %arg17: memref<!tpu.dma_semaphore, #tpu.memory_space<semaphore_mem>>) attributes {dimension_semantics = [#tpu.dimension_semantics<core_parallel>, #tpu.dimension_semantics<subcore_parallel>], iteration_bounds = array<i64: 2, 16>, scalar_prefetch = 0 : i64, scratch_operands = 13 : i64, tpu.core_type = #tpu.core_type<sc_vector_subcore>, window_params = [{transform_indices = #map}, {transform_indices = #map}, {transform_indices = #map}]} {
    %mul3A = arith.constant 2 : i32
    %mul3A_0 = arith.muli %arg1, %mul3A : i32
    %add3A = arith.addi %mul3A_0, %arg0 : i32
    %mul3A_1 = arith.constant 128 : i32
    %mul3A_2 = arith.muli %add3A, %mul3A_1 : i32
    %add3A_3 = arith.constant 0 : i32
    %add3A_4 = arith.addi %mul3A_2, %add3A_3 : i32
    %dma_start3A = arith.constant 0 : i32
    %dma_start3A_5 = tpu.memref_slice %arg3[%add3A_4, %dma_start3A] : memref<8192x2048xf32, #tpu.memory_space<hbm>> -> memref<4x2048xf32, #tpu.memory_space<hbm>>
    %dma_start3A_6 = arith.constant 0 : i32
    %dma_start3A_7 = tpu.memref_slice %arg3[%add3A_4, %dma_start3A_6] : memref<8192x2048xf32, #tpu.memory_space<hbm>> -> memref<4x2048xf32, #tpu.memory_space<hbm>>
    tpu.enqueue_dma source(%dma_start3A_7 : memref<4x2048xf32, #tpu.memory_space<hbm>>) target(%arg13 : memref<4x2048xf32, #tpu.memory_space<vmem>>) target_semaphore(%arg16 : memref<!tpu.dma_semaphore, #tpu.memory_space<semaphore_mem>>)
    %add3A_8 = arith.constant 0 : i32
    %add3A_9 = arith.addi %add3A_8, %mul3A_2 : i32
    %add3A_10 = arith.constant 0 : i32
    %add3A_11 = arith.addi %add3A_9, %add3A_10 : i32
    %dma_start3A_12 = arith.constant 0 : i32
    %dma_start3A_13 = tpu.memref_slice %arg2[%add3A_11, %dma_start3A_12] : memref<16384x2048xf32, #tpu.memory_space<hbm>> -> memref<4x2048xf32, #tpu.memory_space<hbm>>
    %dma_start3A_14 = arith.constant 0 : i32
    %dma_start3A_15 = tpu.memref_slice %arg2[%add3A_11, %dma_start3A_14] : memref<16384x2048xf32, #tpu.memory_space<hbm>> -> memref<4x2048xf32, #tpu.memory_space<hbm>>
    tpu.enqueue_dma source(%dma_start3A_15 : memref<4x2048xf32, #tpu.memory_space<hbm>>) target(%arg5 : memref<4x2048xf32, #tpu.memory_space<vmem>>) target_semaphore(%arg15 : memref<!tpu.dma_semaphore, #tpu.memory_space<semaphore_mem>>)
    %add3A_16 = arith.constant 4096 : i32
    %add3A_17 = arith.addi %add3A_16, %mul3A_2 : i32
    %add3A_18 = arith.constant 0 : i32
    %add3A_19 = arith.addi %add3A_17, %add3A_18 : i32
    %dma_start3A_20 = arith.constant 0 : i32
    %dma_start3A_21 = tpu.memref_slice %arg2[%add3A_19, %dma_start3A_20] : memref<16384x2048xf32, #tpu.memory_space<hbm>> -> memref<4x2048xf32, #tpu.memory_space<hbm>>
    %dma_start3A_22 = arith.constant 0 : i32
    %dma_start3A_23 = tpu.memref_slice %arg2[%add3A_19, %dma_start3A_22] : memref<16384x2048xf32, #tpu.memory_space<hbm>> -> memref<4x2048xf32, #tpu.memory_space<hbm>>
    tpu.enqueue_dma source(%dma_start3A_23 : memref<4x2048xf32, #tpu.memory_space<hbm>>) target(%arg6 : memref<4x2048xf32, #tpu.memory_space<vmem>>) target_semaphore(%arg15 : memref<!tpu.dma_semaphore, #tpu.memory_space<semaphore_mem>>)
    %add3A_24 = arith.constant 8192 : i32
    %add3A_25 = arith.addi %add3A_24, %mul3A_2 : i32
    %add3A_26 = arith.constant 0 : i32
    %add3A_27 = arith.addi %add3A_25, %add3A_26 : i32
    %dma_start3A_28 = arith.constant 0 : i32
    %dma_start3A_29 = tpu.memref_slice %arg2[%add3A_27, %dma_start3A_28] : memref<16384x2048xf32, #tpu.memory_space<hbm>> -> memref<4x2048xf32, #tpu.memory_space<hbm>>
    %dma_start3A_30 = arith.constant 0 : i32
    %dma_start3A_31 = tpu.memref_slice %arg2[%add3A_27, %dma_start3A_30] : memref<16384x2048xf32, #tpu.memory_space<hbm>> -> memref<4x2048xf32, #tpu.memory_space<hbm>>
    tpu.enqueue_dma source(%dma_start3A_31 : memref<4x2048xf32, #tpu.memory_space<hbm>>) target(%arg7 : memref<4x2048xf32, #tpu.memory_space<vmem>>) target_semaphore(%arg15 : memref<!tpu.dma_semaphore, #tpu.memory_space<semaphore_mem>>)
    %add3A_32 = arith.constant 12288 : i32
    %add3A_33 = arith.addi %add3A_32, %mul3A_2 : i32
    %add3A_34 = arith.constant 0 : i32
    %add3A_35 = arith.addi %add3A_33, %add3A_34 : i32
    %dma_start3A_36 = arith.constant 0 : i32
    %dma_start3A_37 = tpu.memref_slice %arg2[%add3A_35, %dma_start3A_36] : memref<16384x2048xf32, #tpu.memory_space<hbm>> -> memref<4x2048xf32, #tpu.memory_space<hbm>>
    %dma_start3A_38 = arith.constant 0 : i32
    %dma_start3A_39 = tpu.memref_slice %arg2[%add3A_35, %dma_start3A_38] : memref<16384x2048xf32, #tpu.memory_space<hbm>> -> memref<4x2048xf32, #tpu.memory_space<hbm>>
    tpu.enqueue_dma source(%dma_start3A_39 : memref<4x2048xf32, #tpu.memory_space<hbm>>) target(%arg8 : memref<4x2048xf32, #tpu.memory_space<vmem>>) target_semaphore(%arg15 : memref<!tpu.dma_semaphore, #tpu.memory_space<semaphore_mem>>)
    %scan3A = arith.constant 0 : i32
    %scan3A_40 = arith.constant 0 : i32
    %scan3A_41 = arith.constant 16 : i32
    %scan3A_42 = arith.addi %scan3A_40, %scan3A_41 : i32
    %scan3A_43 = arith.constant 1 : i32
    scf.for %scan3A_68 = %scan3A_40 to %scan3A_42 step %scan3A_43  : i32 {
      %mul3A_69 = arith.constant 2 : i32
      %mul3A_70 = arith.muli %mul3A_69, %scan3A_68 : i32
      %add3A_71 = arith.constant 0 : i32
      %add3A_72 = arith.addi %mul3A_70, %add3A_71 : i32
      %dma_wait3A_73 = arith.constant 0 : i32
      %dma_wait3A_74 = arith.constant 0 : i32
      %dma_wait3A_75 = tpu.memref_slice %arg2[%dma_wait3A_73, %dma_wait3A_74] : memref<16384x2048xf32, #tpu.memory_space<hbm>> -> memref<4x2048xf32, #tpu.memory_space<hbm>>
      %dma_wait3A_76 = arith.constant 0 : i32
      %dma_wait3A_77 = arith.constant 0 : i32
      %dma_wait3A_78 = tpu.memref_slice %arg2[%dma_wait3A_76, %dma_wait3A_77] : memref<16384x2048xf32, #tpu.memory_space<hbm>> -> memref<4x2048xf32, #tpu.memory_space<hbm>>
      tpu.wait_dma2 semaphore(%arg15 : memref<!tpu.dma_semaphore, #tpu.memory_space<semaphore_mem>>) src(%dma_wait3A_78 : memref<4x2048xf32, #tpu.memory_space<hbm>>) dst(%arg5 : memref<4x2048xf32, #tpu.memory_space<vmem>>)
      %dma_wait3A_79 = arith.constant 0 : i32
      %dma_wait3A_80 = arith.constant 0 : i32
      %dma_wait3A_81 = tpu.memref_slice %arg3[%dma_wait3A_79, %dma_wait3A_80] : memref<8192x2048xf32, #tpu.memory_space<hbm>> -> memref<4x2048xf32, #tpu.memory_space<hbm>>
      %dma_wait3A_82 = arith.constant 0 : i32
      %dma_wait3A_83 = arith.constant 0 : i32
      %dma_wait3A_84 = tpu.memref_slice %arg3[%dma_wait3A_82, %dma_wait3A_83] : memref<8192x2048xf32, #tpu.memory_space<hbm>> -> memref<4x2048xf32, #tpu.memory_space<hbm>>
      tpu.wait_dma2 semaphore(%arg16 : memref<!tpu.dma_semaphore, #tpu.memory_space<semaphore_mem>>) src(%dma_wait3A_84 : memref<4x2048xf32, #tpu.memory_space<hbm>>) dst(%arg13 : memref<4x2048xf32, #tpu.memory_space<vmem>>)
      %mul3A_85 = arith.constant 2 : i32
      %mul3A_86 = arith.muli %mul3A_85, %scan3A_68 : i32
      %add3A_87 = arith.constant 1 : i32
      %add3A_88 = arith.addi %mul3A_86, %add3A_87 : i32
      %mul3A_89 = arith.constant 4 : i32
      %mul3A_90 = arith.muli %add3A_88, %mul3A_89 : i32
      %add3A_91 = arith.addi %mul3A_2, %mul3A_90 : i32
      %dma_start3A_92 = arith.constant 0 : i32
      %dma_start3A_93 = tpu.memref_slice %arg3[%add3A_91, %dma_start3A_92] : memref<8192x2048xf32, #tpu.memory_space<hbm>> -> memref<4x2048xf32, #tpu.memory_space<hbm>>
      %dma_start3A_94 = arith.constant 0 : i32
      %dma_start3A_95 = tpu.memref_slice %arg3[%add3A_91, %dma_start3A_94] : memref<8192x2048xf32, #tpu.memory_space<hbm>> -> memref<4x2048xf32, #tpu.memory_space<hbm>>
      tpu.enqueue_dma source(%dma_start3A_95 : memref<4x2048xf32, #tpu.memory_space<hbm>>) target(%arg14 : memref<4x2048xf32, #tpu.memory_space<vmem>>) target_semaphore(%arg16 : memref<!tpu.dma_semaphore, #tpu.memory_space<semaphore_mem>>)
      %scan3A_96 = arith.constant 0 : i32
      %scan3A_97 = arith.constant 0 : i32
      %scan3A_98 = arith.constant 16 : i32
      %scan3A_99 = arith.addi %scan3A_97, %scan3A_98 : i32
      %scan3A_100 = arith.constant 1 : i32
      scf.for %scan3A_409 = %scan3A_97 to %scan3A_99 step %scan3A_100  : i32 {
        %mul3A_410 = arith.constant 128 : i32
        %mul3A_411 = arith.muli %scan3A_409, %mul3A_410 : i32
        %add3A_412 = arith.constant 0 : i32
        %add3A_413 = arith.addi %mul3A_411, %add3A_412 : i32
        %get3A = arith.constant 0 : i32
        %get3A_414 = arith.index_cast %get3A : i32 to index
        %get3A_415 = arith.index_cast %add3A_413 : i32 to index
        %get3A_416 = tpu.vector_load %arg13[%get3A_414, %get3A_415] {strides = array<i32>} : memref<4x2048xf32, #tpu.memory_space<vmem>>, vector<1x16xf32>,
        %get3A_417 = vector.shape_cast %get3A_416 : vector<1x16xf32> to vector<16xf32>
        %swap3A = arith.constant 0 : i32
        %swap3A_418 = arith.index_cast %swap3A : i32 to index
        %swap3A_419 = arith.index_cast %add3A_413 : i32 to index
        %swap3A_420 = tpu.vector_load %arg5[%swap3A_418, %swap3A_419] {strides = array<i32>} : memref<4x2048xf32, #tpu.memory_space<vmem>>, vector<1x16xf32>,
        %swap3A_421 = vector.shape_cast %swap3A_420 : vector<1x16xf32> to vector<16xf32>
        %swap3A_422 = vector.shape_cast %get3A_417 : vector<16xf32> to vector<1x16xf32>
        tpu.vector_store %arg5[%swap3A_418, %swap3A_419], %swap3A_422 {add = true, strides = array<i32>} : memref<4x2048xf32, #tpu.memory_space<vmem>>, vector<1x16xf32>,
        %add3A_423 = arith.constant 16 : i32
        %add3A_424 = arith.addi %mul3A_411, %add3A_423 : i32
        %get3A_425 = arith.constant 0 : i32
        %get3A_426 = arith.index_cast %get3A_425 : i32 to index
        %get3A_427 = arith.index_cast %add3A_424 : i32 to index
        %get3A_428 = tpu.vector_load %arg13[%get3A_426, %get3A_427] {strides = array<i32>} : memref<4x2048xf32, #tpu.memory_space<vmem>>, vector<1x16xf32>,
        %get3A_429 = vector.shape_cast %get3A_428 : vector<1x16xf32> to vector<16xf32>
        %swap3A_430 = arith.constant 0 : i32
        %swap3A_431 = arith.index_cast %swap3A_430 : i32 to index
        %swap3A_432 = arith.index_cast %add3A_424 : i32 to index
        %swap3A_433 = tpu.vector_load %arg5[%swap3A_431, %swap3A_432] {strides = array<i32>} : memref<4x2048xf32, #tpu.memory_space<vmem>>, vector<1x16xf32>,
        %swap3A_434 = vector.shape_cast %swap3A_433 : vector<1x16xf32> to vector<16xf32>
        %swap3A_435 = vector.shape_cast %get3A_429 : vector<16xf32> to vector<1x16xf32>
        tpu.vector_store %arg5[%swap3A_431, %swap3A_432], %swap3A_435 {add = true, strides = array<i32>} : memref<4x2048xf32, #tpu.memory_space<vmem>>, vector<1x16xf32>,
        %add3A_436 = arith.constant 32 : i32
        %add3A_437 = arith.addi %mul3A_411, %add3A_436 : i32
        %get3A_438 = arith.constant 0 : i32
        %get3A_439 = arith.index_cast %get3A_438 : i32 to index
        %get3A_440 = arith.index_cast %add3A_437 : i32 to index
        %get3A_441 = tpu.vector_load %arg13[%get3A_439, %get3A_440] {strides = array<i32>} : memref<4x2048xf32, #tpu.memory_space<vmem>>, vector<1x16xf32>,
        %get3A_442 = vector.shape_cast %get3A_441 : vector<1x16xf32> to vector<16xf32>
        %swap3A_443 = arith.constant 0 : i32
        %swap3A_444 = arith.index_cast %swap3A_443 : i32 to index
        %swap3A_445 = arith.index_cast %add3A_437 : i32 to index
        %swap3A_446 = tpu.vector_load %arg5[%swap3A_444, %swap3A_445] {strides = array<i32>} : memref<4x2048xf32, #tpu.memory_space<vmem>>, vector<1x16xf32>,
        %swap3A_447 = vector.shape_cast %swap3A_446 : vector<1x16xf32> to vector<16xf32>
        %swap3A_448 = vector.shape_cast %get3A_442 : vector<16xf32> to vector<1x16xf32>
        tpu.vector_store %arg5[%swap3A_444, %swap3A_445], %swap3A_448 {add = true, strides = array<i32>} : memref<4x2048xf32, #tpu.memory_space<vmem>>, vector<1x16xf32>,
        %add3A_449 = arith.constant 48 : i32
        %add3A_450 = arith.addi %mul3A_411, %add3A_449 : i32
        %get3A_451 = arith.constant 0 : i32
        %get3A_452 = arith.index_cast %get3A_451 : i32 to index
        %get3A_453 = arith.index_cast %add3A_450 : i32 to index
        %get3A_454 = tpu.vector_load %arg13[%get3A_452, %get3A_453] {strides = array<i32>} : memref<4x2048xf32, #tpu.memory_space<vmem>>, vector<1x16xf32>,
        %get3A_455 = vector.shape_cast %get3A_454 : vector<1x16xf32> to vector<16xf32>
        %swap3A_456 = arith.constant 0 : i32
        %swap3A_457 = arith.index_cast %swap3A_456 : i32 to index
        %swap3A_458 = arith.index_cast %add3A_450 : i32 to index
        %swap3A_459 = tpu.vector_load %arg5[%swap3A_457, %swap3A_458] {strides = array<i32>} : memref<4x2048xf32, #tpu.memory_space<vmem>>, vector<1x16xf32>,
        %swap3A_460 = vector.shape_cast %swap3A_459 : vector<1x16xf32> to vector<16xf32>
        %swap3A_461 = vector.shape_cast %get3A_455 : vector<16xf32> to vector<1x16xf32>
        tpu.vector_store %arg5[%swap3A_457, %swap3A_458], %swap3A_461 {add = true, strides = array<i32>} : memref<4x2048xf32, #tpu.memory_space<vmem>>, vector<1x16xf32>,
        %add3A_462 = arith.constant 64 : i32
        %add3A_463 = arith.addi %mul3A_411, %add3A_462 : i32
        %get3A_464 = arith.constant 0 : i32
        %get3A_465 = arith.index_cast %get3A_464 : i32 to index
        %get3A_466 = arith.index_cast %add3A_463 : i32 to index
        %get3A_467 = tpu.vector_load %arg13[%get3A_465, %get3A_466] {strides = array<i32>} : memref<4x2048xf32, #tpu.memory_space<vmem>>, vector<1x16xf32>,
        %get3A_468 = vector.shape_cast %get3A_467 : vector<1x16xf32> to vector<16xf32>
        %swap3A_469 = arith.constant 0 : i32
        %swap3A_470 = arith.index_cast %swap3A_469 : i32 to index
        %swap3A_471 = arith.index_cast %add3A_463 : i32 to index
        %swap3A_472 = tpu.vector_load %arg5[%swap3A_470, %swap3A_471] {strides = array<i32>} : memref<4x2048xf32, #tpu.memory_space<vmem>>, vector<1x16xf32>,
        %swap3A_473 = vector.shape_cast %swap3A_472 : vector<1x16xf32> to vector<16xf32>
        %swap3A_474 = vector.shape_cast %get3A_468 : vector<16xf32> to vector<1x16xf32>
        tpu.vector_store %arg5[%swap3A_470, %swap3A_471], %swap3A_474 {add = true, strides = array<i32>} : memref<4x2048xf32, #tpu.memory_space<vmem>>, vector<1x16xf32>,
        %add3A_475 = arith.constant 80 : i32
        %add3A_476 = arith.addi %mul3A_411, %add3A_475 : i32
        %get3A_477 = arith.constant 0 : i32
        %get3A_478 = arith.index_cast %get3A_477 : i32 to index
        %get3A_479 = arith.index_cast %add3A_476 : i32 to index
        %get3A_480 = tpu.vector_load %arg13[%get3A_478, %get3A_479] {strides = array<i32>} : memref<4x2048xf32, #tpu.memory_space<vmem>>, vector<1x16xf32>,
        %get3A_481 = vector.shape_cast %get3A_480 : vector<1x16xf32> to vector<16xf32>
        %swap3A_482 = arith.constant 0 : i32
        %swap3A_483 = arith.index_cast %swap3A_482 : i32 to index
        %swap3A_484 = arith.index_cast %add3A_476 : i32 to index
        %swap3A_485 = tpu.vector_load %arg5[%swap3A_483, %swap3A_484] {strides = array<i32>} : memref<4x2048xf32, #tpu.memory_space<vmem>>, vector<1x16xf32>,
        %swap3A_486 = vector.shape_cast %swap3A_485 : vector<1x16xf32> to vector<16xf32>
        %swap3A_487 = vector.shape_cast %get3A_481 : vector<16xf32> to vector<1x16xf32>
        tpu.vector_store %arg5[%swap3A_483, %swap3A_484], %swap3A_487 {add = true, strides = array<i32>} : memref<4x2048xf32, #tpu.memory_space<vmem>>, vector<1x16xf32>,
        %add3A_488 = arith.constant 96 : i32
        %add3A_489 = arith.addi %mul3A_411, %add3A_488 : i32
        %get3A_490 = arith.constant 0 : i32
        %get3A_491 = arith.index_cast %get3A_490 : i32 to index
        %get3A_492 = arith.index_cast %add3A_489 : i32 to index
        %get3A_493 = tpu.vector_load %arg13[%get3A_491, %get3A_492] {strides = array<i32>} : memref<4x2048xf32, #tpu.memory_space<vmem>>, vector<1x16xf32>,
        %get3A_494 = vector.shape_cast %get3A_493 : vector<1x16xf32> to vector<16xf32>
        %swap3A_495 = arith.constant 0 : i32
        %swap3A_496 = arith.index_cast %swap3A_495 : i32 to index
        %swap3A_497 = arith.index_cast %add3A_489 : i32 to index
        %swap3A_498 = tpu.vector_load %arg5[%swap3A_496, %swap3A_497] {strides = array<i32>} : memref<4x2048xf32, #tpu.memory_space<vmem>>, vector<1x16xf32>,
        %swap3A_499 = vector.shape_cast %swap3A_498 : vector<1x16xf32> to vector<16xf32>
        %swap3A_500 = vector.shape_cast %get3A_494 : vector<16xf32> to vector<1x16xf32>
        tpu.vector_store %arg5[%swap3A_496, %swap3A_497], %swap3A_500 {add = true, strides = array<i32>} : memref<4x2048xf32, #tpu.memory_space<vmem>>, vector<1x16xf32>,
        %add3A_501 = arith.constant 112 : i32
        %add3A_502 = arith.addi %mul3A_411, %add3A_501 : i32
        %get3A_503 = arith.constant 0 : i32
        %get3A_504 = arith.index_cast %get3A_503 : i32 to index
        %get3A_505 = arith.index_cast %add3A_502 : i32 to index
        %get3A_506 = tpu.vector_load %arg13[%get3A_504, %get3A_505] {strides = array<i32>} : memref<4x2048xf32, #tpu.memory_space<vmem>>, vector<1x16xf32>,
        %get3A_507 = vector.shape_cast %get3A_506 : vector<1x16xf32> to vector<16xf32>
        %swap3A_508 = arith.constant 0 : i32
        %swap3A_509 = arith.index_cast %swap3A_508 : i32 to index
        %swap3A_510 = arith.index_cast %add3A_502 : i32 to index
        %swap3A_511 = tpu.vector_load %arg5[%swap3A_509, %swap3A_510] {strides = array<i32>} : memref<4x2048xf32, #tpu.memory_space<vmem>>, vector<1x16xf32>,
        %swap3A_512 = vector.shape_cast %swap3A_511 : vector<1x16xf32> to vector<16xf32>
        %swap3A_513 = vector.shape_cast %get3A_507 : vector<16xf32> to vector<1x16xf32>
        tpu.vector_store %arg5[%swap3A_509, %swap3A_510], %swap3A_513 {add = true, strides = array<i32>} : memref<4x2048xf32, #tpu.memory_space<vmem>>, vector<1x16xf32>,
        %add3A_514 = arith.constant 0 : i32
        %add3A_515 = arith.addi %mul3A_411, %add3A_514 : i32
        %get3A_516 = arith.constant 1 : i32
        %get3A_517 = arith.index_cast %get3A_516 : i32 to index
        %get3A_518 = arith.index_cast %add3A_515 : i32 to index
        %get3A_519 = tpu.vector_load %arg13[%get3A_517, %get3A_518] {strides = array<i32>} : memref<4x2048xf32, #tpu.memory_space<vmem>>, vector<1x16xf32>,
        %get3A_520 = vector.shape_cast %get3A_519 : vector<1x16xf32> to vector<16xf32>
        %swap3A_521 = arith.constant 1 : i32
        %swap3A_522 = arith.index_cast %swap3A_521 : i32 to index
        %swap3A_523 = arith.index_cast %add3A_515 : i32 to index
        %swap3A_524 = tpu.vector_load %arg5[%swap3A_522, %swap3A_523] {strides = array<i32>} : memref<4x2048xf32, #tpu.memory_space<vmem>>, vector<1x16xf32>,
        %swap3A_525 = vector.shape_cast %swap3A_524 : vector<1x16xf32> to vector<16xf32>
        %swap3A_526 = vector.shape_cast %get3A_520 : vector<16xf32> to vector<1x16xf32>
        tpu.vector_store %arg5[%swap3A_522, %swap3A_523], %swap3A_526 {add = true, strides = array<i32>} : memref<4x2048xf32, #tpu.memory_space<vmem>>, vector<1x16xf32>,
        %add3A_527 = arith.constant 16 : i32
        %add3A_528 = arith.addi %mul3A_411, %add3A_527 : i32
        %get3A_529 = arith.constant 1 : i32
        %get3A_530 = arith.index_cast %get3A_529 : i32 to index
        %get3A_531 = arith.index_cast %add3A_528 : i32 to index
        %get3A_532 = tpu.vector_load %arg13[%get3A_530, %get3A_531] {strides = array<i32>} : memref<4x2048xf32, #tpu.memory_space<vmem>>, vector<1x16xf32>,
        %get3A_533 = vector.shape_cast %get3A_532 : vector<1x16xf32> to vector<16xf32>
        %swap3A_534 = arith.constant 1 : i32
        %swap3A_535 = arith.index_cast %swap3A_534 : i32 to index
        %swap3A_536 = arith.index_cast %add3A_528 : i32 to index
        %swap3A_537 = tpu.vector_load %arg5[%swap3A_535, %swap3A_536] {strides = array<i32>} : memref<4x2048xf32, #tpu.memory_space<vmem>>, vector<1x16xf32>,
        %swap3A_538 = vector.shape_cast %swap3A_537 : vector<1x16xf32> to vector<16xf32>
        %swap3A_539 = vector.shape_cast %get3A_533 : vector<16xf32> to vector<1x16xf32>
        tpu.vector_store %arg5[%swap3A_535, %swap3A_536], %swap3A_539 {add = true, strides = array<i32>} : memref<4x2048xf32, #tpu.memory_space<vmem>>, vector<1x16xf32>,
        %add3A_540 = arith.constant 32 : i32
        %add3A_541 = arith.addi %mul3A_411, %add3A_540 : i32
        %get3A_542 = arith.constant 1 : i32
        %get3A_543 = arith.index_cast %get3A_542 : i32 to index
        %get3A_544 = arith.index_cast %add3A_541 : i32 to index
        %get3A_545 = tpu.vector_load %arg13[%get3A_543, %get3A_544] {strides = array<i32>} : memref<4x2048xf32, #tpu.memory_space<vmem>>, vector<1x16xf32>,
        %get3A_546 = vector.shape_cast %get3A_545 : vector<1x16xf32> to vector<16xf32>
        %swap3A_547 = arith.constant 1 : i32
        %swap3A_548 = arith.index_cast %swap3A_547 : i32 to index
        %swap3A_549 = arith.index_cast %add3A_541 : i32 to index
        %swap3A_550 = tpu.vector_load %arg5[%swap3A_548, %swap3A_549] {strides = array<i32>} : memref<4x2048xf32, #tpu.memory_space<vmem>>, vector<1x16xf32>,
        %swap3A_551 = vector.shape_cast %swap3A_550 : vector<1x16xf32> to vector<16xf32>
        %swap3A_552 = vector.shape_cast %get3A_546 : vector<16xf32> to vector<1x16xf32>
        tpu.vector_store %arg5[%swap3A_548, %swap3A_549], %swap3A_552 {add = true, strides = array<i32>} : memref<4x2048xf32, #tpu.memory_space<vmem>>, vector<1x16xf32>,
        %add3A_553 = arith.constant 48 : i32
        %add3A_554 = arith.addi %mul3A_411, %add3A_553 : i32
        %get3A_555 = arith.constant 1 : i32
        %get3A_556 = arith.index_cast %get3A_555 : i32 to index
        %get3A_557 = arith.index_cast %add3A_554 : i32 to index
        %get3A_558 = tpu.vector_load %arg13[%get3A_556, %get3A_557] {strides = array<i32>} : memref<4x2048xf32, #tpu.memory_space<vmem>>, vector<1x16xf32>,
        %get3A_559 = vector.shape_cast %get3A_558 : vector<1x16xf32> to vector<16xf32>
        %swap3A_560 = arith.constant 1 : i32
        %swap3A_561 = arith.index_cast %swap3A_560 : i32 to index
        %swap3A_562 = arith.index_cast %add3A_554 : i32 to index
        %swap3A_563 = tpu.vector_load %arg5[%swap3A_561, %swap3A_562] {strides = array<i32>} : memref<4x2048xf32, #tpu.memory_space<vmem>>, vector<1x16xf32>,
        %swap3A_564 = vector.shape_cast %swap3A_563 : vector<1x16xf32> to vector<16xf32>
        %swap3A_565 = vector.shape_cast %get3A_559 : vector<16xf32> to vector<1x16xf32>
        tpu.vector_store %arg5[%swap3A_561, %swap3A_562], %swap3A_565 {add = true, strides = array<i32>} : memref<4x2048xf32, #tpu.memory_space<vmem>>, vector<1x16xf32>,
        %add3A_566 = arith.constant 64 : i32
        %add3A_567 = arith.addi %mul3A_411, %add3A_566 : i32
        %get3A_568 = arith.constant 1 : i32
        %get3A_569 = arith.index_cast %get3A_568 : i32 to index
        %get3A_570 = arith.index_cast %add3A_567 : i32 to index
        %get3A_571 = tpu.vector_load %arg13[%get3A_569, %get3A_570] {strides = array<i32>} : memref<4x2048xf32, #tpu.memory_space<vmem>>, vector<1x16xf32>,
        %get3A_572 = vector.shape_cast %get3A_571 : vector<1x16xf32> to vector<16xf32>
        %swap3A_573 = arith.constant 1 : i32
        %swap3A_574 = arith.index_cast %swap3A_573 : i32 to index
        %swap3A_575 = arith.index_cast %add3A_567 : i32 to index
        %swap3A_576 = tpu.vector_load %arg5[%swap3A_574, %swap3A_575] {strides = array<i32>} : memref<4x2048xf32, #tpu.memory_space<vmem>>, vector<1x16xf32>,
        %swap3A_577 = vector.shape_cast %swap3A_576 : vector<1x16xf32> to vector<16xf32>
        %swap3A_578 = vector.shape_cast %get3A_572 : vector<16xf32> to vector<1x16xf32>
        tpu.vector_store %arg5[%swap3A_574, %swap3A_575], %swap3A_578 {add = true, strides = array<i32>} : memref<4x2048xf32, #tpu.memory_space<vmem>>, vector<1x16xf32>,
        %add3A_579 = arith.constant 80 : i32
        %add3A_580 = arith.addi %mul3A_411, %add3A_579 : i32
        %get3A_581 = arith.constant 1 : i32
        %get3A_582 = arith.index_cast %get3A_581 : i32 to index
        %get3A_583 = arith.index_cast %add3A_580 : i32 to index
        %get3A_584 = tpu.vector_load %arg13[%get3A_582, %get3A_583] {strides = array<i32>} : memref<4x2048xf32, #tpu.memory_space<vmem>>, vector<1x16xf32>,
        %get3A_585 = vector.shape_cast %get3A_584 : vector<1x16xf32> to vector<16xf32>
        %swap3A_586 = arith.constant 1 : i32
        %swap3A_587 = arith.index_cast %swap3A_586 : i32 to index
        %swap3A_588 = arith.index_cast %add3A_580 : i32 to index
        %swap3A_589 = tpu.vector_load %arg5[%swap3A_587, %swap3A_588] {strides = array<i32>} : memref<4x2048xf32, #tpu.memory_space<vmem>>, vector<1x16xf32>,
        %swap3A_590 = vector.shape_cast %swap3A_589 : vector<1x16xf32> to vector<16xf32>
        %swap3A_591 = vector.shape_cast %get3A_585 : vector<16xf32> to vector<1x16xf32>
        tpu.vector_store %arg5[%swap3A_587, %swap3A_588], %swap3A_591 {add = true, strides = array<i32>} : memref<4x2048xf32, #tpu.memory_space<vmem>>, vector<1x16xf32>,
        %add3A_592 = arith.constant 96 : i32
        %add3A_593 = arith.addi %mul3A_411, %add3A_592 : i32
        %get3A_594 = arith.constant 1 : i32
        %get3A_595 = arith.index_cast %get3A_594 : i32 to index
        %get3A_596 = arith.index_cast %add3A_593 : i32 to index
        %get3A_597 = tpu.vector_load %arg13[%get3A_595, %get3A_596] {strides = array<i32>} : memref<4x2048xf32, #tpu.memory_space<vmem>>, vector<1x16xf32>,
        %get3A_598 = vector.shape_cast %get3A_597 : vector<1x16xf32> to vector<16xf32>
        %swap3A_599 = arith.constant 1 : i32
        %swap3A_600 = arith.index_cast %swap3A_599 : i32 to index
        %swap3A_601 = arith.index_cast %add3A_593 : i32 to index
        %swap3A_602 = tpu.vector_load %arg5[%swap3A_600, %swap3A_601] {strides = array<i32>} : memref<4x2048xf32, #tpu.memory_space<vmem>>, vector<1x16xf32>,
        %swap3A_603 = vector.shape_cast %swap3A_602 : vector<1x16xf32> to vector<16xf32>
        %swap3A_604 = vector.shape_cast %get3A_598 : vector<16xf32> to vector<1x16xf32>
        tpu.vector_store %arg5[%swap3A_600, %swap3A_601], %swap3A_604 {add = true, strides = array<i32>} : memref<4x2048xf32, #tpu.memory_space<vmem>>, vector<1x16xf32>,
        %add3A_605 = arith.constant 112 : i32
        %add3A_606 = arith.addi %mul3A_411, %add3A_605 : i32
        %get3A_607 = arith.constant 1 : i32
        %get3A_608 = arith.index_cast %get3A_607 : i32 to index
        %get3A_609 = arith.index_cast %add3A_606 : i32 to index
        %get3A_610 = tpu.vector_load %arg13[%get3A_608, %get3A_609] {strides = array<i32>} : memref<4x2048xf32, #tpu.memory_space<vmem>>, vector<1x16xf32>,
        %get3A_611 = vector.shape_cast %get3A_610 : vector<1x16xf32> to vector<16xf32>
        %swap3A_612 = arith.constant 1 : i32
        %swap3A_613 = arith.index_cast %swap3A_612 : i32 to index
        %swap3A_614 = arith.index_cast %add3A_606 : i32 to index
        %swap3A_615 = tpu.vector_load %arg5[%swap3A_613, %swap3A_614] {strides = array<i32>} : memref<4x2048xf32, #tpu.memory_space<vmem>>, vector<1x16xf32>,
        %swap3A_616 = vector.shape_cast %swap3A_615 : vector<1x16xf32> to vector<16xf32>
        %swap3A_617 = vector.shape_cast %get3A_611 : vector<16xf32> to vector<1x16xf32>
        tpu.vector_store %arg5[%swap3A_613, %swap3A_614], %swap3A_617 {add = true, strides = array<i32>} : memref<4x2048xf32, #tpu.memory_space<vmem>>, vector<1x16xf32>,
        %add3A_618 = arith.constant 0 : i32
        %add3A_619 = arith.addi %mul3A_411, %add3A_618 : i32
        %get3A_620 = arith.constant 2 : i32
        %get3A_621 = arith.index_cast %get3A_620 : i32 to index
        %get3A_622 = arith.index_cast %add3A_619 : i32 to index
        %get3A_623 = tpu.vector_load %arg13[%get3A_621, %get3A_622] {strides = array<i32>} : memref<4x2048xf32, #tpu.memory_space<vmem>>, vector<1x16xf32>,
        %get3A_624 = vector.shape_cast %get3A_623 : vector<1x16xf32> to vector<16xf32>
        %swap3A_625 = arith.constant 2 : i32
        %swap3A_626 = arith.index_cast %swap3A_625 : i32 to index
        %swap3A_627 = arith.index_cast %add3A_619 : i32 to index
        %swap3A_628 = tpu.vector_load %arg5[%swap3A_626, %swap3A_627] {strides = array<i32>} : memref<4x2048xf32, #tpu.memory_space<vmem>>, vector<1x16xf32>,
        %swap3A_629 = vector.shape_cast %swap3A_628 : vector<1x16xf32> to vector<16xf32>
        %swap3A_630 = vector.shape_cast %get3A_624 : vector<16xf32> to vector<1x16xf32>
        tpu.vector_store %arg5[%swap3A_626, %swap3A_627], %swap3A_630 {add = true, strides = array<i32>} : memref<4x2048xf32, #tpu.memory_space<vmem>>, vector<1x16xf32>,
        %add3A_631 = arith.constant 16 : i32
        %add3A_632 = arith.addi %mul3A_411, %add3A_631 : i32
        %get3A_633 = arith.constant 2 : i32
        %get3A_634 = arith.index_cast %get3A_633 : i32 to index
        %get3A_635 = arith.index_cast %add3A_632 : i32 to index
        %get3A_636 = tpu.vector_load %arg13[%get3A_634, %get3A_635] {strides = array<i32>} : memref<4x2048xf32, #tpu.memory_space<vmem>>, vector<1x16xf32>,
        %get3A_637 = vector.shape_cast %get3A_636 : vector<1x16xf32> to vector<16xf32>
        %swap3A_638 = arith.constant 2 : i32
        %swap3A_639 = arith.index_cast %swap3A_638 : i32 to index
        %swap3A_640 = arith.index_cast %add3A_632 : i32 to index
        %swap3A_641 = tpu.vector_load %arg5[%swap3A_639, %swap3A_640] {strides = array<i32>} : memref<4x2048xf32, #tpu.memory_space<vmem>>, vector<1x16xf32>,
        %swap3A_642 = vector.shape_cast %swap3A_641 : vector<1x16xf32> to vector<16xf32>
        %swap3A_643 = vector.shape_cast %get3A_637 : vector<16xf32> to vector<1x16xf32>
        tpu.vector_store %arg5[%swap3A_639, %swap3A_640], %swap3A_643 {add = true, strides = array<i32>} : memref<4x2048xf32, #tpu.memory_space<vmem>>, vector<1x16xf32>,
        %add3A_644 = arith.constant 32 : i32
        %add3A_645 = arith.addi %mul3A_411, %add3A_644 : i32
        %get3A_646 = arith.constant 2 : i32
        %get3A_647 = arith.index_cast %get3A_646 : i32 to index
        %get3A_648 = arith.index_cast %add3A_645 : i32 to index
        %get3A_649 = tpu.vector_load %arg13[%get3A_647, %get3A_648] {strides = array<i32>} : memref<4x2048xf32, #tpu.memory_space<vmem>>, vector<1x16xf32>,
        %get3A_650 = vector.shape_cast %get3A_649 : vector<1x16xf32> to vector<16xf32>
        %swap3A_651 = arith.constant 2 : i32
        %swap3A_652 = arith.index_cast %swap3A_651 : i32 to index
        %swap3A_653 = arith.index_cast %add3A_645 : i32 to index
        %swap3A_654 = tpu.vector_load %arg5[%swap3A_652, %swap3A_653] {strides = array<i32>} : memref<4x2048xf32, #tpu.memory_space<vmem>>, vector<1x16xf32>,
        %swap3A_655 = vector.shape_cast %swap3A_654 : vector<1x16xf32> to vector<16xf32>
        %swap3A_656 = vector.shape_cast %get3A_650 : vector<16xf32> to vector<1x16xf32>
        tpu.vector_store %arg5[%swap3A_652, %swap3A_653], %swap3A_656 {add = true, strides = array<i32>} : memref<4x2048xf32, #tpu.memory_space<vmem>>, vector<1x16xf32>,
        %add3A_657 = arith.constant 48 : i32
        %add3A_658 = arith.addi %mul3A_411, %add3A_657 : i32
        %get3A_659 = arith.constant 2 : i32
        %get3A_660 = arith.index_cast %get3A_659 : i32 to index
        %get3A_661 = arith.index_cast %add3A_658 : i32 to index
        %get3A_662 = tpu.vector_load %arg13[%get3A_660, %get3A_661] {strides = array<i32>} : memref<4x2048xf32, #tpu.memory_space<vmem>>, vector<1x16xf32>,
        %get3A_663 = vector.shape_cast %get3A_662 : vector<1x16xf32> to vector<16xf32>
        %swap3A_664 = arith.constant 2 : i32
        %swap3A_665 = arith.index_cast %swap3A_664 : i32 to index
        %swap3A_666 = arith.index_cast %add3A_658 : i32 to index
        %swap3A_667 = tpu.vector_load %arg5[%swap3A_665, %swap3A_666] {strides = array<i32>} : memref<4x2048xf32, #tpu.memory_space<vmem>>, vector<1x16xf32>,
        %swap3A_668 = vector.shape_cast %swap3A_667 : vector<1x16xf32> to vector<16xf32>
        %swap3A_669 = vector.shape_cast %get3A_663 : vector<16xf32> to vector<1x16xf32>
        tpu.vector_store %arg5[%swap3A_665, %swap3A_666], %swap3A_669 {add = true, strides = array<i32>} : memref<4x2048xf32, #tpu.memory_space<vmem>>, vector<1x16xf32>,
        %add3A_670 = arith.constant 64 : i32
        %add3A_671 = arith.addi %mul3A_411, %add3A_670 : i32
        %get3A_672 = arith.constant 2 : i32
        %get3A_673 = arith.index_cast %get3A_672 : i32 to index
        %get3A_674 = arith.index_cast %add3A_671 : i32 to index
        %get3A_675 = tpu.vector_load %arg13[%get3A_673, %get3A_674] {strides = array<i32>} : memref<4x2048xf32, #tpu.memory_space<vmem>>, vector<1x16xf32>,
        %get3A_676 = vector.shape_cast %get3A_675 : vector<1x16xf32> to vector<16xf32>
        %swap3A_677 = arith.constant 2 : i32
        %swap3A_678 = arith.index_cast %swap3A_677 : i32 to index
        %swap3A_679 = arith.index_cast %add3A_671 : i32 to index
        %swap3A_680 = tpu.vector_load %arg5[%swap3A_678, %swap3A_679] {strides = array<i32>} : memref<4x2048xf32, #tpu.memory_space<vmem>>, vector<1x16xf32>,
        %swap3A_681 = vector.shape_cast %swap3A_680 : vector<1x16xf32> to vector<16xf32>
        %swap3A_682 = vector.shape_cast %get3A_676 : vector<16xf32> to vector<1x16xf32>
        tpu.vector_store %arg5[%swap3A_678, %swap3A_679], %swap3A_682 {add = true, strides = array<i32>} : memref<4x2048xf32, #tpu.memory_space<vmem>>, vector<1x16xf32>,
        %add3A_683 = arith.constant 80 : i32
        %add3A_684 = arith.addi %mul3A_411, %add3A_683 : i32
        %get3A_685 = arith.constant 2 : i32
        %get3A_686 = arith.index_cast %get3A_685 : i32 to index
        %get3A_687 = arith.index_cast %add3A_684 : i32 to index
        %get3A_688 = tpu.vector_load %arg13[%get3A_686, %get3A_687] {strides = array<i32>} : memref<4x2048xf32, #tpu.memory_space<vmem>>, vector<1x16xf32>,
        %get3A_689 = vector.shape_cast %get3A_688 : vector<1x16xf32> to vector<16xf32>
        %swap3A_690 = arith.constant 2 : i32
        %swap3A_691 = arith.index_cast %swap3A_690 : i32 to index
        %swap3A_692 = arith.index_cast %add3A_684 : i32 to index
        %swap3A_693 = tpu.vector_load %arg5[%swap3A_691, %swap3A_692] {strides = array<i32>} : memref<4x2048xf32, #tpu.memory_space<vmem>>, vector<1x16xf32>,
        %swap3A_694 = vector.shape_cast %swap3A_693 : vector<1x16xf32> to vector<16xf32>
        %swap3A_695 = vector.shape_cast %get3A_689 : vector<16xf32> to vector<1x16xf32>
        tpu.vector_store %arg5[%swap3A_691, %swap3A_692], %swap3A_695 {add = true, strides = array<i32>} : memref<4x2048xf32, #tpu.memory_space<vmem>>, vector<1x16xf32>,
        %add3A_696 = arith.constant 96 : i32
        %add3A_697 = arith.addi %mul3A_411, %add3A_696 : i32
        %get3A_698 = arith.constant 2 : i32
        %get3A_699 = arith.index_cast %get3A_698 : i32 to index
        %get3A_700 = arith.index_cast %add3A_697 : i32 to index
        %get3A_701 = tpu.vector_load %arg13[%get3A_699, %get3A_700] {strides = array<i32>} : memref<4x2048xf32, #tpu.memory_space<vmem>>, vector<1x16xf32>,
        %get3A_702 = vector.shape_cast %get3A_701 : vector<1x16xf32> to vector<16xf32>
        %swap3A_703 = arith.constant 2 : i32
        %swap3A_704 = arith.index_cast %swap3A_703 : i32 to index
        %swap3A_705 = arith.index_cast %add3A_697 : i32 to index
        %swap3A_706 = tpu.vector_load %arg5[%swap3A_704, %swap3A_705] {strides = array<i32>} : memref<4x2048xf32, #tpu.memory_space<vmem>>, vector<1x16xf32>,
        %swap3A_707 = vector.shape_cast %swap3A_706 : vector<1x16xf32> to vector<16xf32>
        %swap3A_708 = vector.shape_cast %get3A_702 : vector<16xf32> to vector<1x16xf32>
        tpu.vector_store %arg5[%swap3A_704, %swap3A_705], %swap3A_708 {add = true, strides = array<i32>} : memref<4x2048xf32, #tpu.memory_space<vmem>>, vector<1x16xf32>,
        %add3A_709 = arith.constant 112 : i32
        %add3A_710 = arith.addi %mul3A_411, %add3A_709 : i32
        %get3A_711 = arith.constant 2 : i32
        %get3A_712 = arith.index_cast %get3A_711 : i32 to index
        %get3A_713 = arith.index_cast %add3A_710 : i32 to index
        %get3A_714 = tpu.vector_load %arg13[%get3A_712, %get3A_713] {strides = array<i32>} : memref<4x2048xf32, #tpu.memory_space<vmem>>, vector<1x16xf32>,
        %get3A_715 = vector.shape_cast %get3A_714 : vector<1x16xf32> to vector<16xf32>
        %swap3A_716 = arith.constant 2 : i32
        %swap3A_717 = arith.index_cast %swap3A_716 : i32 to index
        %swap3A_718 = arith.index_cast %add3A_710 : i32 to index
        %swap3A_719 = tpu.vector_load %arg5[%swap3A_717, %swap3A_718] {strides = array<i32>} : memref<4x2048xf32, #tpu.memory_space<vmem>>, vector<1x16xf32>,
        %swap3A_720 = vector.shape_cast %swap3A_719 : vector<1x16xf32> to vector<16xf32>
        %swap3A_721 = vector.shape_cast %get3A_715 : vector<16xf32> to vector<1x16xf32>
        tpu.vector_store %arg5[%swap3A_717, %swap3A_718], %swap3A_721 {add = true, strides = array<i32>} : memref<4x2048xf32, #tpu.memory_space<vmem>>, vector<1x16xf32>,
        %add3A_722 = arith.constant 0 : i32
        %add3A_723 = arith.addi %mul3A_411, %add3A_722 : i32
        %get3A_724 = arith.constant 3 : i32
        %get3A_725 = arith.index_cast %get3A_724 : i32 to index
        %get3A_726 = arith.index_cast %add3A_723 : i32 to index
        %get3A_727 = tpu.vector_load %arg13[%get3A_725, %get3A_726] {strides = array<i32>} : memref<4x2048xf32, #tpu.memory_space<vmem>>, vector<1x16xf32>,
        %get3A_728 = vector.shape_cast %get3A_727 : vector<1x16xf32> to vector<16xf32>
        %swap3A_729 = arith.constant 3 : i32
        %swap3A_730 = arith.index_cast %swap3A_729 : i32 to index
        %swap3A_731 = arith.index_cast %add3A_723 : i32 to index
        %swap3A_732 = tpu.vector_load %arg5[%swap3A_730, %swap3A_731] {strides = array<i32>} : memref<4x2048xf32, #tpu.memory_space<vmem>>, vector<1x16xf32>,
        %swap3A_733 = vector.shape_cast %swap3A_732 : vector<1x16xf32> to vector<16xf32>
        %swap3A_734 = vector.shape_cast %get3A_728 : vector<16xf32> to vector<1x16xf32>
        tpu.vector_store %arg5[%swap3A_730, %swap3A_731], %swap3A_734 {add = true, strides = array<i32>} : memref<4x2048xf32, #tpu.memory_space<vmem>>, vector<1x16xf32>,
        %add3A_735 = arith.constant 16 : i32
        %add3A_736 = arith.addi %mul3A_411, %add3A_735 : i32
        %get3A_737 = arith.constant 3 : i32
        %get3A_738 = arith.index_cast %get3A_737 : i32 to index
        %get3A_739 = arith.index_cast %add3A_736 : i32 to index
        %get3A_740 = tpu.vector_load %arg13[%get3A_738, %get3A_739] {strides = array<i32>} : memref<4x2048xf32, #tpu.memory_space<vmem>>, vector<1x16xf32>,
        %get3A_741 = vector.shape_cast %get3A_740 : vector<1x16xf32> to vector<16xf32>
        %swap3A_742 = arith.constant 3 : i32
        %swap3A_743 = arith.index_cast %swap3A_742 : i32 to index
        %swap3A_744 = arith.index_cast %add3A_736 : i32 to index
        %swap3A_745 = tpu.vector_load %arg5[%swap3A_743, %swap3A_744] {strides = array<i32>} : memref<4x2048xf32, #tpu.memory_space<vmem>>, vector<1x16xf32>,
        %swap3A_746 = vector.shape_cast %swap3A_745 : vector<1x16xf32> to vector<16xf32>
        %swap3A_747 = vector.shape_cast %get3A_741 : vector<16xf32> to vector<1x16xf32>
        tpu.vector_store %arg5[%swap3A_743, %swap3A_744], %swap3A_747 {add = true, strides = array<i32>} : memref<4x2048xf32, #tpu.memory_space<vmem>>, vector<1x16xf32>,
        %add3A_748 = arith.constant 32 : i32
        %add3A_749 = arith.addi %mul3A_411, %add3A_748 : i32
        %get3A_750 = arith.constant 3 : i32
        %get3A_751 = arith.index_cast %get3A_750 : i32 to index
        %get3A_752 = arith.index_cast %add3A_749 : i32 to index
        %get3A_753 = tpu.vector_load %arg13[%get3A_751, %get3A_752] {strides = array<i32>} : memref<4x2048xf32, #tpu.memory_space<vmem>>, vector<1x16xf32>,
        %get3A_754 = vector.shape_cast %get3A_753 : vector<1x16xf32> to vector<16xf32>
        %swap3A_755 = arith.constant 3 : i32
        %swap3A_756 = arith.index_cast %swap3A_755 : i32 to index
        %swap3A_757 = arith.index_cast %add3A_749 : i32 to index
        %swap3A_758 = tpu.vector_load %arg5[%swap3A_756, %swap3A_757] {strides = array<i32>} : memref<4x2048xf32, #tpu.memory_space<vmem>>, vector<1x16xf32>,
        %swap3A_759 = vector.shape_cast %swap3A_758 : vector<1x16xf32> to vector<16xf32>
        %swap3A_760 = vector.shape_cast %get3A_754 : vector<16xf32> to vector<1x16xf32>
        tpu.vector_store %arg5[%swap3A_756, %swap3A_757], %swap3A_760 {add = true, strides = array<i32>} : memref<4x2048xf32, #tpu.memory_space<vmem>>, vector<1x16xf32>,
        %add3A_761 = arith.constant 48 : i32
        %add3A_762 = arith.addi %mul3A_411, %add3A_761 : i32
        %get3A_763 = arith.constant 3 : i32
        %get3A_764 = arith.index_cast %get3A_763 : i32 to index
        %get3A_765 = arith.index_cast %add3A_762 : i32 to index
        %get3A_766 = tpu.vector_load %arg13[%get3A_764, %get3A_765] {strides = array<i32>} : memref<4x2048xf32, #tpu.memory_space<vmem>>, vector<1x16xf32>,
        %get3A_767 = vector.shape_cast %get3A_766 : vector<1x16xf32> to vector<16xf32>
        %swap3A_768 = arith.constant 3 : i32
        %swap3A_769 = arith.index_cast %swap3A_768 : i32 to index
        %swap3A_770 = arith.index_cast %add3A_762 : i32 to index
        %swap3A_771 = tpu.vector_load %arg5[%swap3A_769, %swap3A_770] {strides = array<i32>} : memref<4x2048xf32, #tpu.memory_space<vmem>>, vector<1x16xf32>,
        %swap3A_772 = vector.shape_cast %swap3A_771 : vector<1x16xf32> to vector<16xf32>
        %swap3A_773 = vector.shape_cast %get3A_767 : vector<16xf32> to vector<1x16xf32>
        tpu.vector_store %arg5[%swap3A_769, %swap3A_770], %swap3A_773 {add = true, strides = array<i32>} : memref<4x2048xf32, #tpu.memory_space<vmem>>, vector<1x16xf32>,
        %add3A_774 = arith.constant 64 : i32
        %add3A_775 = arith.addi %mul3A_411, %add3A_774 : i32
        %get3A_776 = arith.constant 3 : i32
        %get3A_777 = arith.index_cast %get3A_776 : i32 to index
        %get3A_778 = arith.index_cast %add3A_775 : i32 to index
        %get3A_779 = tpu.vector_load %arg13[%get3A_777, %get3A_778] {strides = array<i32>} : memref<4x2048xf32, #tpu.memory_space<vmem>>, vector<1x16xf32>,
        %get3A_780 = vector.shape_cast %get3A_779 : vector<1x16xf32> to vector<16xf32>
        %swap3A_781 = arith.constant 3 : i32
        %swap3A_782 = arith.index_cast %swap3A_781 : i32 to index
        %swap3A_783 = arith.index_cast %add3A_775 : i32 to index
        %swap3A_784 = tpu.vector_load %arg5[%swap3A_782, %swap3A_783] {strides = array<i32>} : memref<4x2048xf32, #tpu.memory_space<vmem>>, vector<1x16xf32>,
        %swap3A_785 = vector.shape_cast %swap3A_784 : vector<1x16xf32> to vector<16xf32>
        %swap3A_786 = vector.shape_cast %get3A_780 : vector<16xf32> to vector<1x16xf32>
        tpu.vector_store %arg5[%swap3A_782, %swap3A_783], %swap3A_786 {add = true, strides = array<i32>} : memref<4x2048xf32, #tpu.memory_space<vmem>>, vector<1x16xf32>,
        %add3A_787 = arith.constant 80 : i32
        %add3A_788 = arith.addi %mul3A_411, %add3A_787 : i32
        %get3A_789 = arith.constant 3 : i32
        %get3A_790 = arith.index_cast %get3A_789 : i32 to index
        %get3A_791 = arith.index_cast %add3A_788 : i32 to index
        %get3A_792 = tpu.vector_load %arg13[%get3A_790, %get3A_791] {strides = array<i32>} : memref<4x2048xf32, #tpu.memory_space<vmem>>, vector<1x16xf32>,
        %get3A_793 = vector.shape_cast %get3A_792 : vector<1x16xf32> to vector<16xf32>
        %swap3A_794 = arith.constant 3 : i32
        %swap3A_795 = arith.index_cast %swap3A_794 : i32 to index
        %swap3A_796 = arith.index_cast %add3A_788 : i32 to index
        %swap3A_797 = tpu.vector_load %arg5[%swap3A_795, %swap3A_796] {strides = array<i32>} : memref<4x2048xf32, #tpu.memory_space<vmem>>, vector<1x16xf32>,
        %swap3A_798 = vector.shape_cast %swap3A_797 : vector<1x16xf32> to vector<16xf32>
        %swap3A_799 = vector.shape_cast %get3A_793 : vector<16xf32> to vector<1x16xf32>
        tpu.vector_store %arg5[%swap3A_795, %swap3A_796], %swap3A_799 {add = true, strides = array<i32>} : memref<4x2048xf32, #tpu.memory_space<vmem>>, vector<1x16xf32>,
        %add3A_800 = arith.constant 96 : i32
        %add3A_801 = arith.addi %mul3A_411, %add3A_800 : i32
        %get3A_802 = arith.constant 3 : i32
        %get3A_803 = arith.index_cast %get3A_802 : i32 to index
        %get3A_804 = arith.index_cast %add3A_801 : i32 to index
        %get3A_805 = tpu.vector_load %arg13[%get3A_803, %get3A_804] {strides = array<i32>} : memref<4x2048xf32, #tpu.memory_space<vmem>>, vector<1x16xf32>,
        %get3A_806 = vector.shape_cast %get3A_805 : vector<1x16xf32> to vector<16xf32>
        %swap3A_807 = arith.constant 3 : i32
        %swap3A_808 = arith.index_cast %swap3A_807 : i32 to index
        %swap3A_809 = arith.index_cast %add3A_801 : i32 to index
        %swap3A_810 = tpu.vector_load %arg5[%swap3A_808, %swap3A_809] {strides = array<i32>} : memref<4x2048xf32, #tpu.memory_space<vmem>>, vector<1x16xf32>,
        %swap3A_811 = vector.shape_cast %swap3A_810 : vector<1x16xf32> to vector<16xf32>
        %swap3A_812 = vector.shape_cast %get3A_806 : vector<16xf32> to vector<1x16xf32>
        tpu.vector_store %arg5[%swap3A_808, %swap3A_809], %swap3A_812 {add = true, strides = array<i32>} : memref<4x2048xf32, #tpu.memory_space<vmem>>, vector<1x16xf32>,
        %add3A_813 = arith.constant 112 : i32
        %add3A_814 = arith.addi %mul3A_411, %add3A_813 : i32
        %get3A_815 = arith.constant 3 : i32
        %get3A_816 = arith.index_cast %get3A_815 : i32 to index
        %get3A_817 = arith.index_cast %add3A_814 : i32 to index
        %get3A_818 = tpu.vector_load %arg13[%get3A_816, %get3A_817] {strides = array<i32>} : memref<4x2048xf32, #tpu.memory_space<vmem>>, vector<1x16xf32>,
        %get3A_819 = vector.shape_cast %get3A_818 : vector<1x16xf32> to vector<16xf32>
        %swap3A_820 = arith.constant 3 : i32
        %swap3A_821 = arith.index_cast %swap3A_820 : i32 to index
        %swap3A_822 = arith.index_cast %add3A_814 : i32 to index
        %swap3A_823 = tpu.vector_load %arg5[%swap3A_821, %swap3A_822] {strides = array<i32>} : memref<4x2048xf32, #tpu.memory_space<vmem>>, vector<1x16xf32>,
        %swap3A_824 = vector.shape_cast %swap3A_823 : vector<1x16xf32> to vector<16xf32>
        %swap3A_825 = vector.shape_cast %get3A_819 : vector<16xf32> to vector<1x16xf32>
        tpu.vector_store %arg5[%swap3A_821, %swap3A_822], %swap3A_825 {add = true, strides = array<i32>} : memref<4x2048xf32, #tpu.memory_space<vmem>>, vector<1x16xf32>,
      }
      %scan3A_101 = arith.constant 16 : i32
      %add3A_102 = arith.constant 0 : i32
      %add3A_103 = arith.addi %add3A_102, %mul3A_2 : i32
      %mul3A_104 = arith.constant 4 : i32
      %mul3A_105 = arith.muli %add3A_72, %mul3A_104 : i32
      %add3A_106 = arith.addi %add3A_103, %mul3A_105 : i32
      %dma_start3A_107 = arith.constant 0 : i32
      %dma_start3A_108 = tpu.memref_slice %arg4[%add3A_106, %dma_start3A_107] : memref<16384x2048xf32, #tpu.memory_space<hbm>> -> memref<4x2048xf32, #tpu.memory_space<hbm>>
      %dma_start3A_109 = arith.constant 0 : i32
      %dma_start3A_110 = tpu.memref_slice %arg4[%add3A_106, %dma_start3A_109] : memref<16384x2048xf32, #tpu.memory_space<hbm>> -> memref<4x2048xf32, #tpu.memory_space<hbm>>
      tpu.enqueue_dma source(%arg5 : memref<4x2048xf32, #tpu.memory_space<vmem>>) target(%dma_start3A_110 : memref<4x2048xf32, #tpu.memory_space<hbm>>) target_semaphore(%arg17 : memref<!tpu.dma_semaphore, #tpu.memory_space<semaphore_mem>>)
      %ge3A = arith.constant 1 : i32
      %ge3A_111 = arith.cmpi sge, %scan3A_68, %ge3A : i32
      %convert_element_type3A = arith.extui %ge3A_111 : i1 to i32
      %cond3A = arith.constant 0 : i32
      %cond3A_112 = arith.cmpi ne, %convert_element_type3A, %cond3A : i32
      scf.if %cond3A_112 {
        %dma_wait3A_409 = arith.constant 0 : i32
        %dma_wait3A_410 = arith.constant 0 : i32
        %dma_wait3A_411 = tpu.memref_slice %arg4[%dma_wait3A_409, %dma_wait3A_410] : memref<16384x2048xf32, #tpu.memory_space<hbm>> -> memref<4x2048xf32, #tpu.memory_space<hbm>>
        %dma_wait3A_412 = arith.constant 0 : i32
        %dma_wait3A_413 = arith.constant 0 : i32
        %dma_wait3A_414 = tpu.memref_slice %arg4[%dma_wait3A_412, %dma_wait3A_413] : memref<16384x2048xf32, #tpu.memory_space<hbm>> -> memref<4x2048xf32, #tpu.memory_space<hbm>>
        tpu.wait_dma2 semaphore(%arg17 : memref<!tpu.dma_semaphore, #tpu.memory_space<semaphore_mem>>) src(%arg9 : memref<4x2048xf32, #tpu.memory_space<vmem>>) dst(%dma_wait3A_414 : memref<4x2048xf32, #tpu.memory_space<hbm>>)
      } else {
      }
      %mul3A_113 = arith.constant 2 : i32
      %mul3A_114 = arith.muli %mul3A_113, %scan3A_68 : i32
      %add3A_115 = arith.constant 1 : i32
      %add3A_116 = arith.addi %mul3A_114, %add3A_115 : i32
      %add3A_117 = arith.constant 0 : i32
      %add3A_118 = arith.addi %add3A_117, %mul3A_2 : i32
      %mul3A_119 = arith.constant 4 : i32
      %mul3A_120 = arith.muli %add3A_116, %mul3A_119 : i32
      %add3A_121 = arith.addi %add3A_118, %mul3A_120 : i32
      %dma_start3A_122 = arith.constant 0 : i32
      %dma_start3A_123 = tpu.memref_slice %arg2[%add3A_121, %dma_start3A_122] : memref<16384x2048xf32, #tpu.memory_space<hbm>> -> memref<4x2048xf32, #tpu.memory_space<hbm>>
      %dma_start3A_124 = arith.constant 0 : i32
      %dma_start3A_125 = tpu.memref_slice %arg2[%add3A_121, %dma_start3A_124] : memref<16384x2048xf32, #tpu.memory_space<hbm>> -> memref<4x2048xf32, #tpu.memory_space<hbm>>
      tpu.enqueue_dma source(%dma_start3A_125 : memref<4x2048xf32, #tpu.memory_space<hbm>>) target(%arg9 : memref<4x2048xf32, #tpu.memory_space<vmem>>) target_semaphore(%arg15 : memref<!tpu.dma_semaphore, #tpu.memory_space<semaphore_mem>>)
      %mul3A_126 = arith.constant 2 : i32
      %mul3A_127 = arith.muli %mul3A_126, %scan3A_68 : i32
      %add3A_128 = arith.constant 0 : i32
      %add3A_129 = arith.addi %mul3A_127, %add3A_128 : i32
      %dma_wait3A_130 = arith.constant 0 : i32
      %dma_wait3A_131 = arith.constant 0 : i32
      %dma_wait3A_132 = tpu.memref_slice %arg2[%dma_wait3A_130, %dma_wait3A_131] : memref<16384x2048xf32, #tpu.memory_space<hbm>> -> memref<4x2048xf32, #tpu.memory_space<hbm>>
      %dma_wait3A_133 = arith.constant 0 : i32
      %dma_wait3A_134 = arith.constant 0 : i32
      %dma_wait3A_135 = tpu.memref_slice %arg2[%dma_wait3A_133, %dma_wait3A_134] : memref<16384x2048xf32, #tpu.memory_space<hbm>> -> memref<4x2048xf32, #tpu.memory_space<hbm>>
      tpu.wait_dma2 semaphore(%arg15 : memref<!tpu.dma_semaphore, #tpu.memory_space<semaphore_mem>>) src(%dma_wait3A_135 : memref<4x2048xf32, #tpu.memory_space<hbm>>) dst(%arg6 : memref<4x2048xf32, #tpu.memory_space<vmem>>)
      %scan3A_136 = arith.constant 0 : i32
      %scan3A_137 = arith.constant 0 : i32
      %scan3A_138 = arith.constant 16 : i32
      %scan3A_139 = arith.addi %scan3A_137, %scan3A_138 : i32
      %scan3A_140 = arith.constant 1 : i32
      scf.for %scan3A_409 = %scan3A_137 to %scan3A_139 step %scan3A_140  : i32 {
        %mul3A_410 = arith.constant 128 : i32
        %mul3A_411 = arith.muli %scan3A_409, %mul3A_410 : i32
        %add3A_412 = arith.constant 0 : i32
        %add3A_413 = arith.addi %mul3A_411, %add3A_412 : i32
        %get3A = arith.constant 0 : i32
        %get3A_414 = arith.index_cast %get3A : i32 to index
        %get3A_415 = arith.index_cast %add3A_413 : i32 to index
        %get3A_416 = tpu.vector_load %arg13[%get3A_414, %get3A_415] {strides = array<i32>} : memref<4x2048xf32, #tpu.memory_space<vmem>>, vector<1x16xf32>,
        %get3A_417 = vector.shape_cast %get3A_416 : vector<1x16xf32> to vector<16xf32>
        %swap3A = arith.constant 0 : i32
        %swap3A_418 = arith.index_cast %swap3A : i32 to index
        %swap3A_419 = arith.index_cast %add3A_413 : i32 to index
        %swap3A_420 = tpu.vector_load %arg6[%swap3A_418, %swap3A_419] {strides = array<i32>} : memref<4x2048xf32, #tpu.memory_space<vmem>>, vector<1x16xf32>,
        %swap3A_421 = vector.shape_cast %swap3A_420 : vector<1x16xf32> to vector<16xf32>
        %swap3A_422 = vector.shape_cast %get3A_417 : vector<16xf32> to vector<1x16xf32>
        tpu.vector_store %arg6[%swap3A_418, %swap3A_419], %swap3A_422 {add = true, strides = array<i32>} : memref<4x2048xf32, #tpu.memory_space<vmem>>, vector<1x16xf32>,
        %add3A_423 = arith.constant 16 : i32
        %add3A_424 = arith.addi %mul3A_411, %add3A_423 : i32
        %get3A_425 = arith.constant 0 : i32
        %get3A_426 = arith.index_cast %get3A_425 : i32 to index
        %get3A_427 = arith.index_cast %add3A_424 : i32 to index
        %get3A_428 = tpu.vector_load %arg13[%get3A_426, %get3A_427] {strides = array<i32>} : memref<4x2048xf32, #tpu.memory_space<vmem>>, vector<1x16xf32>,
        %get3A_429 = vector.shape_cast %get3A_428 : vector<1x16xf32> to vector<16xf32>
        %swap3A_430 = arith.constant 0 : i32
        %swap3A_431 = arith.index_cast %swap3A_430 : i32 to index
        %swap3A_432 = arith.index_cast %add3A_424 : i32 to index
        %swap3A_433 = tpu.vector_load %arg6[%swap3A_431, %swap3A_432] {strides = array<i32>} : memref<4x2048xf32, #tpu.memory_space<vmem>>, vector<1x16xf32>,
        %swap3A_434 = vector.shape_cast %swap3A_433 : vector<1x16xf32> to vector<16xf32>
        %swap3A_435 = vector.shape_cast %get3A_429 : vector<16xf32> to vector<1x16xf32>
        tpu.vector_store %arg6[%swap3A_431, %swap3A_432], %swap3A_435 {add = true, strides = array<i32>} : memref<4x2048xf32, #tpu.memory_space<vmem>>, vector<1x16xf32>,
        %add3A_436 = arith.constant 32 : i32
        %add3A_437 = arith.addi %mul3A_411, %add3A_436 : i32
        %get3A_438 = arith.constant 0 : i32
        %get3A_439 = arith.index_cast %get3A_438 : i32 to index
        %get3A_440 = arith.index_cast %add3A_437 : i32 to index
        %get3A_441 = tpu.vector_load %arg13[%get3A_439, %get3A_440] {strides = array<i32>} : memref<4x2048xf32, #tpu.memory_space<vmem>>, vector<1x16xf32>,
        %get3A_442 = vector.shape_cast %get3A_441 : vector<1x16xf32> to vector<16xf32>
        %swap3A_443 = arith.constant 0 : i32
        %swap3A_444 = arith.index_cast %swap3A_443 : i32 to index
        %swap3A_445 = arith.index_cast %add3A_437 : i32 to index
        %swap3A_446 = tpu.vector_load %arg6[%swap3A_444, %swap3A_445] {strides = array<i32>} : memref<4x2048xf32, #tpu.memory_space<vmem>>, vector<1x16xf32>,
        %swap3A_447 = vector.shape_cast %swap3A_446 : vector<1x16xf32> to vector<16xf32>
        %swap3A_448 = vector.shape_cast %get3A_442 : vector<16xf32> to vector<1x16xf32>
        tpu.vector_store %arg6[%swap3A_444, %swap3A_445], %swap3A_448 {add = true, strides = array<i32>} : memref<4x2048xf32, #tpu.memory_space<vmem>>, vector<1x16xf32>,
        %add3A_449 = arith.constant 48 : i32
        %add3A_450 = arith.addi %mul3A_411, %add3A_449 : i32
        %get3A_451 = arith.constant 0 : i32
        %get3A_452 = arith.index_cast %get3A_451 : i32 to index
        %get3A_453 = arith.index_cast %add3A_450 : i32 to index
        %get3A_454 = tpu.vector_load %arg13[%get3A_452, %get3A_453] {strides = array<i32>} : memref<4x2048xf32, #tpu.memory_space<vmem>>, vector<1x16xf32>,
        %get3A_455 = vector.shape_cast %get3A_454 : vector<1x16xf32> to vector<16xf32>
        %swap3A_456 = arith.constant 0 : i32
        %swap3A_457 = arith.index_cast %swap3A_456 : i32 to index
        %swap3A_458 = arith.index_cast %add3A_450 : i32 to index
        %swap3A_459 = tpu.vector_load %arg6[%swap3A_457, %swap3A_458] {strides = array<i32>} : memref<4x2048xf32, #tpu.memory_space<vmem>>, vector<1x16xf32>,
        %swap3A_460 = vector.shape_cast %swap3A_459 : vector<1x16xf32> to vector<16xf32>
        %swap3A_461 = vector.shape_cast %get3A_455 : vector<16xf32> to vector<1x16xf32>
        tpu.vector_store %arg6[%swap3A_457, %swap3A_458], %swap3A_461 {add = true, strides = array<i32>} : memref<4x2048xf32, #tpu.memory_space<vmem>>, vector<1x16xf32>,
        %add3A_462 = arith.constant 64 : i32
        %add3A_463 = arith.addi %mul3A_411, %add3A_462 : i32
        %get3A_464 = arith.constant 0 : i32
        %get3A_465 = arith.index_cast %get3A_464 : i32 to index
        %get3A_466 = arith.index_cast %add3A_463 : i32 to index
        %get3A_467 = tpu.vector_load %arg13[%get3A_465, %get3A_466] {strides = array<i32>} : memref<4x2048xf32, #tpu.memory_space<vmem>>, vector<1x16xf32>,
        %get3A_468 = vector.shape_cast %get3A_467 : vector<1x16xf32> to vector<16xf32>
        %swap3A_469 = arith.constant 0 : i32
        %swap3A_470 = arith.index_cast %swap3A_469 : i32 to index
        %swap3A_471 = arith.index_cast %add3A_463 : i32 to index
        %swap3A_472 = tpu.vector_load %arg6[%swap3A_470, %swap3A_471] {strides = array<i32>} : memref<4x2048xf32, #tpu.memory_space<vmem>>, vector<1x16xf32>,
        %swap3A_473 = vector.shape_cast %swap3A_472 : vector<1x16xf32> to vector<16xf32>
        %swap3A_474 = vector.shape_cast %get3A_468 : vector<16xf32> to vector<1x16xf32>
        tpu.vector_store %arg6[%swap3A_470, %swap3A_471], %swap3A_474 {add = true, strides = array<i32>} : memref<4x2048xf32, #tpu.memory_space<vmem>>, vector<1x16xf32>,
        %add3A_475 = arith.constant 80 : i32
        %add3A_476 = arith.addi %mul3A_411, %add3A_475 : i32
        %get3A_477 = arith.constant 0 : i32
        %get3A_478 = arith.index_cast %get3A_477 : i32 to index
        %get3A_479 = arith.index_cast %add3A_476 : i32 to index
        %get3A_480 = tpu.vector_load %arg13[%get3A_478, %get3A_479] {strides = array<i32>} : memref<4x2048xf32, #tpu.memory_space<vmem>>, vector<1x16xf32>,
        %get3A_481 = vector.shape_cast %get3A_480 : vector<1x16xf32> to vector<16xf32>
        %swap3A_482 = arith.constant 0 : i32
        %swap3A_483 = arith.index_cast %swap3A_482 : i32 to index
        %swap3A_484 = arith.index_cast %add3A_476 : i32 to index
        %swap3A_485 = tpu.vector_load %arg6[%swap3A_483, %swap3A_484] {strides = array<i32>} : memref<4x2048xf32, #tpu.memory_space<vmem>>, vector<1x16xf32>,
        %swap3A_486 = vector.shape_cast %swap3A_485 : vector<1x16xf32> to vector<16xf32>
        %swap3A_487 = vector.shape_cast %get3A_481 : vector<16xf32> to vector<1x16xf32>
        tpu.vector_store %arg6[%swap3A_483, %swap3A_484], %swap3A_487 {add = true, strides = array<i32>} : memref<4x2048xf32, #tpu.memory_space<vmem>>, vector<1x16xf32>,
        %add3A_488 = arith.constant 96 : i32
        %add3A_489 = arith.addi %mul3A_411, %add3A_488 : i32
        %get3A_490 = arith.constant 0 : i32
        %get3A_491 = arith.index_cast %get3A_490 : i32 to index
        %get3A_492 = arith.index_cast %add3A_489 : i32 to index
        %get3A_493 = tpu.vector_load %arg13[%get3A_491, %get3A_492] {strides = array<i32>} : memref<4x2048xf32, #tpu.memory_space<vmem>>, vector<1x16xf32>,
        %get3A_494 = vector.shape_cast %get3A_493 : vector<1x16xf32> to vector<16xf32>
        %swap3A_495 = arith.constant 0 : i32
        %swap3A_496 = arith.index_cast %swap3A_495 : i32 to index
        %swap3A_497 = arith.index_cast %add3A_489 : i32 to index
        %swap3A_498 = tpu.vector_load %arg6[%swap3A_496, %swap3A_497] {strides = array<i32>} : memref<4x2048xf32, #tpu.memory_space<vmem>>, vector<1x16xf32>,
        %swap3A_499 = vector.shape_cast %swap3A_498 : vector<1x16xf32> to vector<16xf32>
        %swap3A_500 = vector.shape_cast %get3A_494 : vector<16xf32> to vector<1x16xf32>
        tpu.vector_store %arg6[%swap3A_496, %swap3A_497], %swap3A_500 {add = true, strides = array<i32>} : memref<4x2048xf32, #tpu.memory_space<vmem>>, vector<1x16xf32>,
        %add3A_501 = arith.constant 112 : i32
        %add3A_502 = arith.addi %mul3A_411, %add3A_501 : i32
        %get3A_503 = arith.constant 0 : i32
        %get3A_504 = arith.index_cast %get3A_503 : i32 to index
        %get3A_505 = arith.index_cast %add3A_502 : i32 to index
        %get3A_506 = tpu.vector_load %arg13[%get3A_504, %get3A_505] {strides = array<i32>} : memref<4x2048xf32, #tpu.memory_space<vmem>>, vector<1x16xf32>,
        %get3A_507 = vector.shape_cast %get3A_506 : vector<1x16xf32> to vector<16xf32>
        %swap3A_508 = arith.constant 0 : i32
        %swap3A_509 = arith.index_cast %swap3A_508 : i32 to index
        %swap3A_510 = arith.index_cast %add3A_502 : i32 to index
        %swap3A_511 = tpu.vector_load %arg6[%swap3A_509, %swap3A_510] {strides = array<i32>} : memref<4x2048xf32, #tpu.memory_space<vmem>>, vector<1x16xf32>,
        %swap3A_512 = vector.shape_cast %swap3A_511 : vector<1x16xf32> to vector<16xf32>
        %swap3A_513 = vector.shape_cast %get3A_507 : vector<16xf32> to vector<1x16xf32>
        tpu.vector_store %arg6[%swap3A_509, %swap3A_510], %swap3A_513 {add = true, strides = array<i32>} : memref<4x2048xf32, #tpu.memory_space<vmem>>, vector<1x16xf32>,
        %add3A_514 = arith.constant 0 : i32
        %add3A_515 = arith.addi %mul3A_411, %add3A_514 : i32
        %get3A_516 = arith.constant 1 : i32
        %get3A_517 = arith.index_cast %get3A_516 : i32 to index
        %get3A_518 = arith.index_cast %add3A_515 : i32 to index
        %get3A_519 = tpu.vector_load %arg13[%get3A_517, %get3A_518] {strides = array<i32>} : memref<4x2048xf32, #tpu.memory_space<vmem>>, vector<1x16xf32>,
        %get3A_520 = vector.shape_cast %get3A_519 : vector<1x16xf32> to vector<16xf32>
        %swap3A_521 = arith.constant 1 : i32
        %swap3A_522 = arith.index_cast %swap3A_521 : i32 to index
        %swap3A_523 = arith.index_cast %add3A_515 : i32 to index
        %swap3A_524 = tpu.vector_load %arg6[%swap3A_522, %swap3A_523] {strides = array<i32>} : memref<4x2048xf32, #tpu.memory_space<vmem>>, vector<1x16xf32>,
        %swap3A_525 = vector.shape_cast %swap3A_524 : vector<1x16xf32> to vector<16xf32>
        %swap3A_526 = vector.shape_cast %get3A_520 : vector<16xf32> to vector<1x16xf32>
        tpu.vector_store %arg6[%swap3A_522, %swap3A_523], %swap3A_526 {add = true, strides = array<i32>} : memref<4x2048xf32, #tpu.memory_space<vmem>>, vector<1x16xf32>,
        %add3A_527 = arith.constant 16 : i32
        %add3A_528 = arith.addi %mul3A_411, %add3A_527 : i32
        %get3A_529 = arith.constant 1 : i32
        %get3A_530 = arith.index_cast %get3A_529 : i32 to index
        %get3A_531 = arith.index_cast %add3A_528 : i32 to index
        %get3A_532 = tpu.vector_load %arg13[%get3A_530, %get3A_531] {strides = array<i32>} : memref<4x2048xf32, #tpu.memory_space<vmem>>, vector<1x16xf32>,
        %get3A_533 = vector.shape_cast %get3A_532 : vector<1x16xf32> to vector<16xf32>
        %swap3A_534 = arith.constant 1 : i32
        %swap3A_535 = arith.index_cast %swap3A_534 : i32 to index
        %swap3A_536 = arith.index_cast %add3A_528 : i32 to index
        %swap3A_537 = tpu.vector_load %arg6[%swap3A_535, %swap3A_536] {strides = array<i32>} : memref<4x2048xf32, #tpu.memory_space<vmem>>, vector<1x16xf32>,
        %swap3A_538 = vector.shape_cast %swap3A_537 : vector<1x16xf32> to vector<16xf32>
        %swap3A_539 = vector.shape_cast %get3A_533 : vector<16xf32> to vector<1x16xf32>
        tpu.vector_store %arg6[%swap3A_535, %swap3A_536], %swap3A_539 {add = true, strides = array<i32>} : memref<4x2048xf32, #tpu.memory_space<vmem>>, vector<1x16xf32>,
        %add3A_540 = arith.constant 32 : i32
        %add3A_541 = arith.addi %mul3A_411, %add3A_540 : i32
        %get3A_542 = arith.constant 1 : i32
        %get3A_543 = arith.index_cast %get3A_542 : i32 to index
        %get3A_544 = arith.index_cast %add3A_541 : i32 to index
        %get3A_545 = tpu.vector_load %arg13[%get3A_543, %get3A_544] {strides = array<i32>} : memref<4x2048xf32, #tpu.memory_space<vmem>>, vector<1x16xf32>,
        %get3A_546 = vector.shape_cast %get3A_545 : vector<1x16xf32> to vector<16xf32>
        %swap3A_547 = arith.constant 1 : i32
        %swap3A_548 = arith.index_cast %swap3A_547 : i32 to index
        %swap3A_549 = arith.index_cast %add3A_541 : i32 to index
        %swap3A_550 = tpu.vector_load %arg6[%swap3A_548, %swap3A_549] {strides = array<i32>} : memref<4x2048xf32, #tpu.memory_space<vmem>>, vector<1x16xf32>,
        %swap3A_551 = vector.shape_cast %swap3A_550 : vector<1x16xf32> to vector<16xf32>
        %swap3A_552 = vector.shape_cast %get3A_546 : vector<16xf32> to vector<1x16xf32>
        tpu.vector_store %arg6[%swap3A_548, %swap3A_549], %swap3A_552 {add = true, strides = array<i32>} : memref<4x2048xf32, #tpu.memory_space<vmem>>, vector<1x16xf32>,
        %add3A_553 = arith.constant 48 : i32
        %add3A_554 = arith.addi %mul3A_411, %add3A_553 : i32
        %get3A_555 = arith.constant 1 : i32
        %get3A_556 = arith.index_cast %get3A_555 : i32 to index
        %get3A_557 = arith.index_cast %add3A_554 : i32 to index
        %get3A_558 = tpu.vector_load %arg13[%get3A_556, %get3A_557] {strides = array<i32>} : memref<4x2048xf32, #tpu.memory_space<vmem>>, vector<1x16xf32>,
        %get3A_559 = vector.shape_cast %get3A_558 : vector<1x16xf32> to vector<16xf32>
        %swap3A_560 = arith.constant 1 : i32
        %swap3A_561 = arith.index_cast %swap3A_560 : i32 to index
        %swap3A_562 = arith.index_cast %add3A_554 : i32 to index
        %swap3A_563 = tpu.vector_load %arg6[%swap3A_561, %swap3A_562] {strides = array<i32>} : memref<4x2048xf32, #tpu.memory_space<vmem>>, vector<1x16xf32>,
        %swap3A_564 = vector.shape_cast %swap3A_563 : vector<1x16xf32> to vector<16xf32>
        %swap3A_565 = vector.shape_cast %get3A_559 : vector<16xf32> to vector<1x16xf32>
        tpu.vector_store %arg6[%swap3A_561, %swap3A_562], %swap3A_565 {add = true, strides = array<i32>} : memref<4x2048xf32, #tpu.memory_space<vmem>>, vector<1x16xf32>,
        %add3A_566 = arith.constant 64 : i32
        %add3A_567 = arith.addi %mul3A_411, %add3A_566 : i32
        %get3A_568 = arith.constant 1 : i32
        %get3A_569 = arith.index_cast %get3A_568 : i32 to index
        %get3A_570 = arith.index_cast %add3A_567 : i32 to index
        %get3A_571 = tpu.vector_load %arg13[%get3A_569, %get3A_570] {strides = array<i32>} : memref<4x2048xf32, #tpu.memory_space<vmem>>, vector<1x16xf32>,
        %get3A_572 = vector.shape_cast %get3A_571 : vector<1x16xf32> to vector<16xf32>
        %swap3A_573 = arith.constant 1 : i32
        %swap3A_574 = arith.index_cast %swap3A_573 : i32 to index
        %swap3A_575 = arith.index_cast %add3A_567 : i32 to index
        %swap3A_576 = tpu.vector_load %arg6[%swap3A_574, %swap3A_575] {strides = array<i32>} : memref<4x2048xf32, #tpu.memory_space<vmem>>, vector<1x16xf32>,
        %swap3A_577 = vector.shape_cast %swap3A_576 : vector<1x16xf32> to vector<16xf32>
        %swap3A_578 = vector.shape_cast %get3A_572 : vector<16xf32> to vector<1x16xf32>
        tpu.vector_store %arg6[%swap3A_574, %swap3A_575], %swap3A_578 {add = true, strides = array<i32>} : memref<4x2048xf32, #tpu.memory_space<vmem>>, vector<1x16xf32>,
        %add3A_579 = arith.constant 80 : i32
        %add3A_580 = arith.addi %mul3A_411, %add3A_579 : i32
        %get3A_581 = arith.constant 1 : i32
        %get3A_582 = arith.index_cast %get3A_581 : i32 to index
        %get3A_583 = arith.index_cast %add3A_580 : i32 to index
        %get3A_584 = tpu.vector_load %arg13[%get3A_582, %get3A_583] {strides = array<i32>} : memref<4x2048xf32, #tpu.memory_space<vmem>>, vector<1x16xf32>,
        %get3A_585 = vector.shape_cast %get3A_584 : vector<1x16xf32> to vector<16xf32>
        %swap3A_586 = arith.constant 1 : i32
        %swap3A_587 = arith.index_cast %swap3A_586 : i32 to index
        %swap3A_588 = arith.index_cast %add3A_580 : i32 to index
        %swap3A_589 = tpu.vector_load %arg6[%swap3A_587, %swap3A_588] {strides = array<i32>} : memref<4x2048xf32, #tpu.memory_space<vmem>>, vector<1x16xf32>,
        %swap3A_590 = vector.shape_cast %swap3A_589 : vector<1x16xf32> to vector<16xf32>
        %swap3A_591 = vector.shape_cast %get3A_585 : vector<16xf32> to vector<1x16xf32>
        tpu.vector_store %arg6[%swap3A_587, %swap3A_588], %swap3A_591 {add = true, strides = array<i32>} : memref<4x2048xf32, #tpu.memory_space<vmem>>, vector<1x16xf32>,
        %add3A_592 = arith.constant 96 : i32
        %add3A_593 = arith.addi %mul3A_411, %add3A_592 : i32
        %get3A_594 = arith.constant 1 : i32
        %get3A_595 = arith.index_cast %get3A_594 : i32 to index
        %get3A_596 = arith.index_cast %add3A_593 : i32 to index
        %get3A_597 = tpu.vector_load %arg13[%get3A_595, %get3A_596] {strides = array<i32>} : memref<4x2048xf32, #tpu.memory_space<vmem>>, vector<1x16xf32>,
        %get3A_598 = vector.shape_cast %get3A_597 : vector<1x16xf32> to vector<16xf32>
        %swap3A_599 = arith.constant 1 : i32
        %swap3A_600 = arith.index_cast %swap3A_599 : i32 to index
        %swap3A_601 = arith.index_cast %add3A_593 : i32 to index
        %swap3A_602 = tpu.vector_load %arg6[%swap3A_600, %swap3A_601] {strides = array<i32>} : memref<4x2048xf32, #tpu.memory_space<vmem>>, vector<1x16xf32>,
        %swap3A_603 = vector.shape_cast %swap3A_602 : vector<1x16xf32> to vector<16xf32>
        %swap3A_604 = vector.shape_cast %get3A_598 : vector<16xf32> to vector<1x16xf32>
        tpu.vector_store %arg6[%swap3A_600, %swap3A_601], %swap3A_604 {add = true, strides = array<i32>} : memref<4x2048xf32, #tpu.memory_space<vmem>>, vector<1x16xf32>,
        %add3A_605 = arith.constant 112 : i32
        %add3A_606 = arith.addi %mul3A_411, %add3A_605 : i32
        %get3A_607 = arith.constant 1 : i32
        %get3A_608 = arith.index_cast %get3A_607 : i32 to index
        %get3A_609 = arith.index_cast %add3A_606 : i32 to index
        %get3A_610 = tpu.vector_load %arg13[%get3A_608, %get3A_609] {strides = array<i32>} : memref<4x2048xf32, #tpu.memory_space<vmem>>, vector<1x16xf32>,
        %get3A_611 = vector.shape_cast %get3A_610 : vector<1x16xf32> to vector<16xf32>
        %swap3A_612 = arith.constant 1 : i32
        %swap3A_613 = arith.index_cast %swap3A_612 : i32 to index
        %swap3A_614 = arith.index_cast %add3A_606 : i32 to index
        %swap3A_615 = tpu.vector_load %arg6[%swap3A_613, %swap3A_614] {strides = array<i32>} : memref<4x2048xf32, #tpu.memory_space<vmem>>, vector<1x16xf32>,
        %swap3A_616 = vector.shape_cast %swap3A_615 : vector<1x16xf32> to vector<16xf32>
        %swap3A_617 = vector.shape_cast %get3A_611 : vector<16xf32> to vector<1x16xf32>
        tpu.vector_store %arg6[%swap3A_613, %swap3A_614], %swap3A_617 {add = true, strides = array<i32>} : memref<4x2048xf32, #tpu.memory_space<vmem>>, vector<1x16xf32>,
        %add3A_618 = arith.constant 0 : i32
        %add3A_619 = arith.addi %mul3A_411, %add3A_618 : i32
        %get3A_620 = arith.constant 2 : i32
        %get3A_621 = arith.index_cast %get3A_620 : i32 to index
        %get3A_622 = arith.index_cast %add3A_619 : i32 to index
        %get3A_623 = tpu.vector_load %arg13[%get3A_621, %get3A_622] {strides = array<i32>} : memref<4x2048xf32, #tpu.memory_space<vmem>>, vector<1x16xf32>,
        %get3A_624 = vector.shape_cast %get3A_623 : vector<1x16xf32> to vector<16xf32>
        %swap3A_625 = arith.constant 2 : i32
        %swap3A_626 = arith.index_cast %swap3A_625 : i32 to index
        %swap3A_627 = arith.index_cast %add3A_619 : i32 to index
        %swap3A_628 = tpu.vector_load %arg6[%swap3A_626, %swap3A_627] {strides = array<i32>} : memref<4x2048xf32, #tpu.memory_space<vmem>>, vector<1x16xf32>,
        %swap3A_629 = vector.shape_cast %swap3A_628 : vector<1x16xf32> to vector<16xf32>
        %swap3A_630 = vector.shape_cast %get3A_624 : vector<16xf32> to vector<1x16xf32>
        tpu.vector_store %arg6[%swap3A_626, %swap3A_627], %swap3A_630 {add = true, strides = array<i32>} : memref<4x2048xf32, #tpu.memory_space<vmem>>, vector<1x16xf32>,
        %add3A_631 = arith.constant 16 : i32
        %add3A_632 = arith.addi %mul3A_411, %add3A_631 : i32
        %get3A_633 = arith.constant 2 : i32
        %get3A_634 = arith.index_cast %get3A_633 : i32 to index
        %get3A_635 = arith.index_cast %add3A_632 : i32 to index
        %get3A_636 = tpu.vector_load %arg13[%get3A_634, %get3A_635] {strides = array<i32>} : memref<4x2048xf32, #tpu.memory_space<vmem>>, vector<1x16xf32>,
        %get3A_637 = vector.shape_cast %get3A_636 : vector<1x16xf32> to vector<16xf32>
        %swap3A_638 = arith.constant 2 : i32
        %swap3A_639 = arith.index_cast %swap3A_638 : i32 to index
        %swap3A_640 = arith.index_cast %add3A_632 : i32 to index
        %swap3A_641 = tpu.vector_load %arg6[%swap3A_639, %swap3A_640] {strides = array<i32>} : memref<4x2048xf32, #tpu.memory_space<vmem>>, vector<1x16xf32>,
        %swap3A_642 = vector.shape_cast %swap3A_641 : vector<1x16xf32> to vector<16xf32>
        %swap3A_643 = vector.shape_cast %get3A_637 : vector<16xf32> to vector<1x16xf32>
        tpu.vector_store %arg6[%swap3A_639, %swap3A_640], %swap3A_643 {add = true, strides = array<i32>} : memref<4x2048xf32, #tpu.memory_space<vmem>>, vector<1x16xf32>,
        %add3A_644 = arith.constant 32 : i32
        %add3A_645 = arith.addi %mul3A_411, %add3A_644 : i32
        %get3A_646 = arith.constant 2 : i32
        %get3A_647 = arith.index_cast %get3A_646 : i32 to index
        %get3A_648 = arith.index_cast %add3A_645 : i32 to index
        %get3A_649 = tpu.vector_load %arg13[%get3A_647, %get3A_648] {strides = array<i32>} : memref<4x2048xf32, #tpu.memory_space<vmem>>, vector<1x16xf32>,
        %get3A_650 = vector.shape_cast %get3A_649 : vector<1x16xf32> to vector<16xf32>
        %swap3A_651 = arith.constant 2 : i32
        %swap3A_652 = arith.index_cast %swap3A_651 : i32 to index
        %swap3A_653 = arith.index_cast %add3A_645 : i32 to index
        %swap3A_654 = tpu.vector_load %arg6[%swap3A_652, %swap3A_653] {strides = array<i32>} : memref<4x2048xf32, #tpu.memory_space<vmem>>, vector<1x16xf32>,
        %swap3A_655 = vector.shape_cast %swap3A_654 : vector<1x16xf32> to vector<16xf32>
        %swap3A_656 = vector.shape_cast %get3A_650 : vector<16xf32> to vector<1x16xf32>
        tpu.vector_store %arg6[%swap3A_652, %swap3A_653], %swap3A_656 {add = true, strides = array<i32>} : memref<4x2048xf32, #tpu.memory_space<vmem>>, vector<1x16xf32>,
        %add3A_657 = arith.constant 48 : i32
        %add3A_658 = arith.addi %mul3A_411, %add3A_657 : i32
        %get3A_659 = arith.constant 2 : i32
        %get3A_660 = arith.index_cast %get3A_659 : i32 to index
        %get3A_661 = arith.index_cast %add3A_658 : i32 to index
        %get3A_662 = tpu.vector_load %arg13[%get3A_660, %get3A_661] {strides = array<i32>} : memref<4x2048xf32, #tpu.memory_space<vmem>>, vector<1x16xf32>,
        %get3A_663 = vector.shape_cast %get3A_662 : vector<1x16xf32> to vector<16xf32>
        %swap3A_664 = arith.constant 2 : i32
        %swap3A_665 = arith.index_cast %swap3A_664 : i32 to index
        %swap3A_666 = arith.index_cast %add3A_658 : i32 to index
        %swap3A_667 = tpu.vector_load %arg6[%swap3A_665, %swap3A_666] {strides = array<i32>} : memref<4x2048xf32, #tpu.memory_space<vmem>>, vector<1x16xf32>,
        %swap3A_668 = vector.shape_cast %swap3A_667 : vector<1x16xf32> to vector<16xf32>
        %swap3A_669 = vector.shape_cast %get3A_663 : vector<16xf32> to vector<1x16xf32>
        tpu.vector_store %arg6[%swap3A_665, %swap3A_666], %swap3A_669 {add = true, strides = array<i32>} : memref<4x2048xf32, #tpu.memory_space<vmem>>, vector<1x16xf32>,
        %add3A_670 = arith.constant 64 : i32
        %add3A_671 = arith.addi %mul3A_411, %add3A_670 : i32
        %get3A_672 = arith.constant 2 : i32
        %get3A_673 = arith.index_cast %get3A_672 : i32 to index
        %get3A_674 = arith.index_cast %add3A_671 : i32 to index
        %get3A_675 = tpu.vector_load %arg13[%get3A_673, %get3A_674] {strides = array<i32>} : memref<4x2048xf32, #tpu.memory_space<vmem>>, vector<1x16xf32>,
        %get3A_676 = vector.shape_cast %get3A_675 : vector<1x16xf32> to vector<16xf32>
        %swap3A_677 = arith.constant 2 : i32
        %swap3A_678 = arith.index_cast %swap3A_677 : i32 to index
        %swap3A_679 = arith.index_cast %add3A_671 : i32 to index
        %swap3A_680 = tpu.vector_load %arg6[%swap3A_678, %swap3A_679] {strides = array<i32>} : memref<4x2048xf32, #tpu.memory_space<vmem>>, vector<1x16xf32>,
        %swap3A_681 = vector.shape_cast %swap3A_680 : vector<1x16xf32> to vector<16xf32>
        %swap3A_682 = vector.shape_cast %get3A_676 : vector<16xf32> to vector<1x16xf32>
        tpu.vector_store %arg6[%swap3A_678, %swap3A_679], %swap3A_682 {add = true, strides = array<i32>} : memref<4x2048xf32, #tpu.memory_space<vmem>>, vector<1x16xf32>,
        %add3A_683 = arith.constant 80 : i32
        %add3A_684 = arith.addi %mul3A_411, %add3A_683 : i32
        %get3A_685 = arith.constant 2 : i32
        %get3A_686 = arith.index_cast %get3A_685 : i32 to index
        %get3A_687 = arith.index_cast %add3A_684 : i32 to index
        %get3A_688 = tpu.vector_load %arg13[%get3A_686, %get3A_687] {strides = array<i32>} : memref<4x2048xf32, #tpu.memory_space<vmem>>, vector<1x16xf32>,
        %get3A_689 = vector.shape_cast %get3A_688 : vector<1x16xf32> to vector<16xf32>
        %swap3A_690 = arith.constant 2 : i32
        %swap3A_691 = arith.index_cast %swap3A_690 : i32 to index
        %swap3A_692 = arith.index_cast %add3A_684 : i32 to index
        %swap3A_693 = tpu.vector_load %arg6[%swap3A_691, %swap3A_692] {strides = array<i32>} : memref<4x2048xf32, #tpu.memory_space<vmem>>, vector<1x16xf32>,
        %swap3A_694 = vector.shape_cast %swap3A_693 : vector<1x16xf32> to vector<16xf32>
        %swap3A_695 = vector.shape_cast %get3A_689 : vector<16xf32> to vector<1x16xf32>
        tpu.vector_store %arg6[%swap3A_691, %swap3A_692], %swap3A_695 {add = true, strides = array<i32>} : memref<4x2048xf32, #tpu.memory_space<vmem>>, vector<1x16xf32>,
        %add3A_696 = arith.constant 96 : i32
        %add3A_697 = arith.addi %mul3A_411, %add3A_696 : i32
        %get3A_698 = arith.constant 2 : i32
        %get3A_699 = arith.index_cast %get3A_698 : i32 to index
        %get3A_700 = arith.index_cast %add3A_697 : i32 to index
        %get3A_701 = tpu.vector_load %arg13[%get3A_699, %get3A_700] {strides = array<i32>} : memref<4x2048xf32, #tpu.memory_space<vmem>>, vector<1x16xf32>,
        %get3A_702 = vector.shape_cast %get3A_701 : vector<1x16xf32> to vector<16xf32>
        %swap3A_703 = arith.constant 2 : i32
        %swap3A_704 = arith.index_cast %swap3A_703 : i32 to index
        %swap3A_705 = arith.index_cast %add3A_697 : i32 to index
        %swap3A_706 = tpu.vector_load %arg6[%swap3A_704, %swap3A_705] {strides = array<i32>} : memref<4x2048xf32, #tpu.memory_space<vmem>>, vector<1x16xf32>,
        %swap3A_707 = vector.shape_cast %swap3A_706 : vector<1x16xf32> to vector<16xf32>
        %swap3A_708 = vector.shape_cast %get3A_702 : vector<16xf32> to vector<1x16xf32>
        tpu.vector_store %arg6[%swap3A_704, %swap3A_705], %swap3A_708 {add = true, strides = array<i32>} : memref<4x2048xf32, #tpu.memory_space<vmem>>, vector<1x16xf32>,
        %add3A_709 = arith.constant 112 : i32
        %add3A_710 = arith.addi %mul3A_411, %add3A_709 : i32
        %get3A_711 = arith.constant 2 : i32
        %get3A_712 = arith.index_cast %get3A_711 : i32 to index
        %get3A_713 = arith.index_cast %add3A_710 : i32 to index
        %get3A_714 = tpu.vector_load %arg13[%get3A_712, %get3A_713] {strides = array<i32>} : memref<4x2048xf32, #tpu.memory_space<vmem>>, vector<1x16xf32>,
        %get3A_715 = vector.shape_cast %get3A_714 : vector<1x16xf32> to vector<16xf32>
        %swap3A_716 = arith.constant 2 : i32
        %swap3A_717 = arith.index_cast %swap3A_716 : i32 to index
        %swap3A_718 = arith.index_cast %add3A_710 : i32 to index
        %swap3A_719 = tpu.vector_load %arg6[%swap3A_717, %swap3A_718] {strides = array<i32>} : memref<4x2048xf32, #tpu.memory_space<vmem>>, vector<1x16xf32>,
        %swap3A_720 = vector.shape_cast %swap3A_719 : vector<1x16xf32> to vector<16xf32>
        %swap3A_721 = vector.shape_cast %get3A_715 : vector<16xf32> to vector<1x16xf32>
        tpu.vector_store %arg6[%swap3A_717, %swap3A_718], %swap3A_721 {add = true, strides = array<i32>} : memref<4x2048xf32, #tpu.memory_space<vmem>>, vector<1x16xf32>,
        %add3A_722 = arith.constant 0 : i32
        %add3A_723 = arith.addi %mul3A_411, %add3A_722 : i32
        %get3A_724 = arith.constant 3 : i32
        %get3A_725 = arith.index_cast %get3A_724 : i32 to index
        %get3A_726 = arith.index_cast %add3A_723 : i32 to index
        %get3A_727 = tpu.vector_load %arg13[%get3A_725, %get3A_726] {strides = array<i32>} : memref<4x2048xf32, #tpu.memory_space<vmem>>, vector<1x16xf32>,
        %get3A_728 = vector.shape_cast %get3A_727 : vector<1x16xf32> to vector<16xf32>
        %swap3A_729 = arith.constant 3 : i32
        %swap3A_730 = arith.index_cast %swap3A_729 : i32 to index
        %swap3A_731 = arith.index_cast %add3A_723 : i32 to index
        %swap3A_732 = tpu.vector_load %arg6[%swap3A_730, %swap3A_731] {strides = array<i32>} : memref<4x2048xf32, #tpu.memory_space<vmem>>, vector<1x16xf32>,
        %swap3A_733 = vector.shape_cast %swap3A_732 : vector<1x16xf32> to vector<16xf32>
        %swap3A_734 = vector.shape_cast %get3A_728 : vector<16xf32> to vector<1x16xf32>
        tpu.vector_store %arg6[%swap3A_730, %swap3A_731], %swap3A_734 {add = true, strides = array<i32>} : memref<4x2048xf32, #tpu.memory_space<vmem>>, vector<1x16xf32>,
        %add3A_735 = arith.constant 16 : i32
        %add3A_736 = arith.addi %mul3A_411, %add3A_735 : i32
        %get3A_737 = arith.constant 3 : i32
        %get3A_738 = arith.index_cast %get3A_737 : i32 to index
        %get3A_739 = arith.index_cast %add3A_736 : i32 to index
        %get3A_740 = tpu.vector_load %arg13[%get3A_738, %get3A_739] {strides = array<i32>} : memref<4x2048xf32, #tpu.memory_space<vmem>>, vector<1x16xf32>,
        %get3A_741 = vector.shape_cast %get3A_740 : vector<1x16xf32> to vector<16xf32>
        %swap3A_742 = arith.constant 3 : i32
        %swap3A_743 = arith.index_cast %swap3A_742 : i32 to index
        %swap3A_744 = arith.index_cast %add3A_736 : i32 to index
        %swap3A_745 = tpu.vector_load %arg6[%swap3A_743, %swap3A_744] {strides = array<i32>} : memref<4x2048xf32, #tpu.memory_space<vmem>>, vector<1x16xf32>,
        %swap3A_746 = vector.shape_cast %swap3A_745 : vector<1x16xf32> to vector<16xf32>
        %swap3A_747 = vector.shape_cast %get3A_741 : vector<16xf32> to vector<1x16xf32>
        tpu.vector_store %arg6[%swap3A_743, %swap3A_744], %swap3A_747 {add = true, strides = array<i32>} : memref<4x2048xf32, #tpu.memory_space<vmem>>, vector<1x16xf32>,
        %add3A_748 = arith.constant 32 : i32
        %add3A_749 = arith.addi %mul3A_411, %add3A_748 : i32
        %get3A_750 = arith.constant 3 : i32
        %get3A_751 = arith.index_cast %get3A_750 : i32 to index
        %get3A_752 = arith.index_cast %add3A_749 : i32 to index
        %get3A_753 = tpu.vector_load %arg13[%get3A_751, %get3A_752] {strides = array<i32>} : memref<4x2048xf32, #tpu.memory_space<vmem>>, vector<1x16xf32>,
        %get3A_754 = vector.shape_cast %get3A_753 : vector<1x16xf32> to vector<16xf32>
        %swap3A_755 = arith.constant 3 : i32
        %swap3A_756 = arith.index_cast %swap3A_755 : i32 to index
        %swap3A_757 = arith.index_cast %add3A_749 : i32 to index
        %swap3A_758 = tpu.vector_load %arg6[%swap3A_756, %swap3A_757] {strides = array<i32>} : memref<4x2048xf32, #tpu.memory_space<vmem>>, vector<1x16xf32>,
        %swap3A_759 = vector.shape_cast %swap3A_758 : vector<1x16xf32> to vector<16xf32>
        %swap3A_760 = vector.shape_cast %get3A_754 : vector<16xf32> to vector<1x16xf32>
        tpu.vector_store %arg6[%swap3A_756, %swap3A_757], %swap3A_760 {add = true, strides = array<i32>} : memref<4x2048xf32, #tpu.memory_space<vmem>>, vector<1x16xf32>,
        %add3A_761 = arith.constant 48 : i32
        %add3A_762 = arith.addi %mul3A_411, %add3A_761 : i32
        %get3A_763 = arith.constant 3 : i32
        %get3A_764 = arith.index_cast %get3A_763 : i32 to index
        %get3A_765 = arith.index_cast %add3A_762 : i32 to index
        %get3A_766 = tpu.vector_load %arg13[%get3A_764, %get3A_765] {strides = array<i32>} : memref<4x2048xf32, #tpu.memory_space<vmem>>, vector<1x16xf32>,
        %get3A_767 = vector.shape_cast %get3A_766 : vector<1x16xf32> to vector<16xf32>
        %swap3A_768 = arith.constant 3 : i32
        %swap3A_769 = arith.index_cast %swap3A_768 : i32 to index
        %swap3A_770 = arith.index_cast %add3A_762 : i32 to index
        %swap3A_771 = tpu.vector_load %arg6[%swap3A_769, %swap3A_770] {strides = array<i32>} : memref<4x2048xf32, #tpu.memory_space<vmem>>, vector<1x16xf32>,
        %swap3A_772 = vector.shape_cast %swap3A_771 : vector<1x16xf32> to vector<16xf32>
        %swap3A_773 = vector.shape_cast %get3A_767 : vector<16xf32> to vector<1x16xf32>
        tpu.vector_store %arg6[%swap3A_769, %swap3A_770], %swap3A_773 {add = true, strides = array<i32>} : memref<4x2048xf32, #tpu.memory_space<vmem>>, vector<1x16xf32>,
        %add3A_774 = arith.constant 64 : i32
        %add3A_775 = arith.addi %mul3A_411, %add3A_774 : i32
        %get3A_776 = arith.constant 3 : i32
        %get3A_777 = arith.index_cast %get3A_776 : i32 to index
        %get3A_778 = arith.index_cast %add3A_775 : i32 to index
        %get3A_779 = tpu.vector_load %arg13[%get3A_777, %get3A_778] {strides = array<i32>} : memref<4x2048xf32, #tpu.memory_space<vmem>>, vector<1x16xf32>,
        %get3A_780 = vector.shape_cast %get3A_779 : vector<1x16xf32> to vector<16xf32>
        %swap3A_781 = arith.constant 3 : i32
        %swap3A_782 = arith.index_cast %swap3A_781 : i32 to index
        %swap3A_783 = arith.index_cast %add3A_775 : i32 to index
        %swap3A_784 = tpu.vector_load %arg6[%swap3A_782, %swap3A_783] {strides = array<i32>} : memref<4x2048xf32, #tpu.memory_space<vmem>>, vector<1x16xf32>,
        %swap3A_785 = vector.shape_cast %swap3A_784 : vector<1x16xf32> to vector<16xf32>
        %swap3A_786 = vector.shape_cast %get3A_780 : vector<16xf32> to vector<1x16xf32>
        tpu.vector_store %arg6[%swap3A_782, %swap3A_783], %swap3A_786 {add = true, strides = array<i32>} : memref<4x2048xf32, #tpu.memory_space<vmem>>, vector<1x16xf32>,
        %add3A_787 = arith.constant 80 : i32
        %add3A_788 = arith.addi %mul3A_411, %add3A_787 : i32
        %get3A_789 = arith.constant 3 : i32
        %get3A_790 = arith.index_cast %get3A_789 : i32 to index
        %get3A_791 = arith.index_cast %add3A_788 : i32 to index
        %get3A_792 = tpu.vector_load %arg13[%get3A_790, %get3A_791] {strides = array<i32>} : memref<4x2048xf32, #tpu.memory_space<vmem>>, vector<1x16xf32>,
        %get3A_793 = vector.shape_cast %get3A_792 : vector<1x16xf32> to vector<16xf32>
        %swap3A_794 = arith.constant 3 : i32
        %swap3A_795 = arith.index_cast %swap3A_794 : i32 to index
        %swap3A_796 = arith.index_cast %add3A_788 : i32 to index
        %swap3A_797 = tpu.vector_load %arg6[%swap3A_795, %swap3A_796] {strides = array<i32>} : memref<4x2048xf32, #tpu.memory_space<vmem>>, vector<1x16xf32>,
        %swap3A_798 = vector.shape_cast %swap3A_797 : vector<1x16xf32> to vector<16xf32>
        %swap3A_799 = vector.shape_cast %get3A_793 : vector<16xf32> to vector<1x16xf32>
        tpu.vector_store %arg6[%swap3A_795, %swap3A_796], %swap3A_799 {add = true, strides = array<i32>} : memref<4x2048xf32, #tpu.memory_space<vmem>>, vector<1x16xf32>,
        %add3A_800 = arith.constant 96 : i32
        %add3A_801 = arith.addi %mul3A_411, %add3A_800 : i32
        %get3A_802 = arith.constant 3 : i32
        %get3A_803 = arith.index_cast %get3A_802 : i32 to index
        %get3A_804 = arith.index_cast %add3A_801 : i32 to index
        %get3A_805 = tpu.vector_load %arg13[%get3A_803, %get3A_804] {strides = array<i32>} : memref<4x2048xf32, #tpu.memory_space<vmem>>, vector<1x16xf32>,
        %get3A_806 = vector.shape_cast %get3A_805 : vector<1x16xf32> to vector<16xf32>
        %swap3A_807 = arith.constant 3 : i32
        %swap3A_808 = arith.index_cast %swap3A_807 : i32 to index
        %swap3A_809 = arith.index_cast %add3A_801 : i32 to index
        %swap3A_810 = tpu.vector_load %arg6[%swap3A_808, %swap3A_809] {strides = array<i32>} : memref<4x2048xf32, #tpu.memory_space<vmem>>, vector<1x16xf32>,
        %swap3A_811 = vector.shape_cast %swap3A_810 : vector<1x16xf32> to vector<16xf32>
        %swap3A_812 = vector.shape_cast %get3A_806 : vector<16xf32> to vector<1x16xf32>
        tpu.vector_store %arg6[%swap3A_808, %swap3A_809], %swap3A_812 {add = true, strides = array<i32>} : memref<4x2048xf32, #tpu.memory_space<vmem>>, vector<1x16xf32>,
        %add3A_813 = arith.constant 112 : i32
        %add3A_814 = arith.addi %mul3A_411, %add3A_813 : i32
        %get3A_815 = arith.constant 3 : i32
        %get3A_816 = arith.index_cast %get3A_815 : i32 to index
        %get3A_817 = arith.index_cast %add3A_814 : i32 to index
        %get3A_818 = tpu.vector_load %arg13[%get3A_816, %get3A_817] {strides = array<i32>} : memref<4x2048xf32, #tpu.memory_space<vmem>>, vector<1x16xf32>,
        %get3A_819 = vector.shape_cast %get3A_818 : vector<1x16xf32> to vector<16xf32>
        %swap3A_820 = arith.constant 3 : i32
        %swap3A_821 = arith.index_cast %swap3A_820 : i32 to index
        %swap3A_822 = arith.index_cast %add3A_814 : i32 to index
        %swap3A_823 = tpu.vector_load %arg6[%swap3A_821, %swap3A_822] {strides = array<i32>} : memref<4x2048xf32, #tpu.memory_space<vmem>>, vector<1x16xf32>,
        %swap3A_824 = vector.shape_cast %swap3A_823 : vector<1x16xf32> to vector<16xf32>
        %swap3A_825 = vector.shape_cast %get3A_819 : vector<16xf32> to vector<1x16xf32>
        tpu.vector_store %arg6[%swap3A_821, %swap3A_822], %swap3A_825 {add = true, strides = array<i32>} : memref<4x2048xf32, #tpu.memory_space<vmem>>, vector<1x16xf32>,
      }
      %scan3A_141 = arith.constant 16 : i32
      %add3A_142 = arith.constant 4096 : i32
      %add3A_143 = arith.addi %add3A_142, %mul3A_2 : i32
      %mul3A_144 = arith.constant 4 : i32
      %mul3A_145 = arith.muli %add3A_129, %mul3A_144 : i32
      %add3A_146 = arith.addi %add3A_143, %mul3A_145 : i32
      %dma_start3A_147 = arith.constant 0 : i32
      %dma_start3A_148 = tpu.memref_slice %arg4[%add3A_146, %dma_start3A_147] : memref<16384x2048xf32, #tpu.memory_space<hbm>> -> memref<4x2048xf32, #tpu.memory_space<hbm>>
      %dma_start3A_149 = arith.constant 0 : i32
      %dma_start3A_150 = tpu.memref_slice %arg4[%add3A_146, %dma_start3A_149] : memref<16384x2048xf32, #tpu.memory_space<hbm>> -> memref<4x2048xf32, #tpu.memory_space<hbm>>
      tpu.enqueue_dma source(%arg6 : memref<4x2048xf32, #tpu.memory_space<vmem>>) target(%dma_start3A_150 : memref<4x2048xf32, #tpu.memory_space<hbm>>) target_semaphore(%arg17 : memref<!tpu.dma_semaphore, #tpu.memory_space<semaphore_mem>>)
      %ge3A_151 = arith.constant 1 : i32
      %ge3A_152 = arith.cmpi sge, %scan3A_68, %ge3A_151 : i32
      %convert_element_type3A_153 = arith.extui %ge3A_152 : i1 to i32
      %cond3A_154 = arith.constant 0 : i32
      %cond3A_155 = arith.cmpi ne, %convert_element_type3A_153, %cond3A_154 : i32
      scf.if %cond3A_155 {
        %dma_wait3A_409 = arith.constant 0 : i32
        %dma_wait3A_410 = arith.constant 0 : i32
        %dma_wait3A_411 = tpu.memref_slice %arg4[%dma_wait3A_409, %dma_wait3A_410] : memref<16384x2048xf32, #tpu.memory_space<hbm>> -> memref<4x2048xf32, #tpu.memory_space<hbm>>
        %dma_wait3A_412 = arith.constant 0 : i32
        %dma_wait3A_413 = arith.constant 0 : i32
        %dma_wait3A_414 = tpu.memref_slice %arg4[%dma_wait3A_412, %dma_wait3A_413] : memref<16384x2048xf32, #tpu.memory_space<hbm>> -> memref<4x2048xf32, #tpu.memory_space<hbm>>
        tpu.wait_dma2 semaphore(%arg17 : memref<!tpu.dma_semaphore, #tpu.memory_space<semaphore_mem>>) src(%arg10 : memref<4x2048xf32, #tpu.memory_space<vmem>>) dst(%dma_wait3A_414 : memref<4x2048xf32, #tpu.memory_space<hbm>>)
      } else {
      }
      %mul3A_156 = arith.constant 2 : i32
      %mul3A_157 = arith.muli %mul3A_156, %scan3A_68 : i32
      %add3A_158 = arith.constant 1 : i32
      %add3A_159 = arith.addi %mul3A_157, %add3A_158 : i32
      %add3A_160 = arith.constant 4096 : i32
      %add3A_161 = arith.addi %add3A_160, %mul3A_2 : i32
      %mul3A_162 = arith.constant 4 : i32
      %mul3A_163 = arith.muli %add3A_159, %mul3A_162 : i32
      %add3A_164 = arith.addi %add3A_161, %mul3A_163 : i32
      %dma_start3A_165 = arith.constant 0 : i32
      %dma_start3A_166 = tpu.memref_slice %arg2[%add3A_164, %dma_start3A_165] : memref<16384x2048xf32, #tpu.memory_space<hbm>> -> memref<4x2048xf32, #tpu.memory_space<hbm>>
      %dma_start3A_167 = arith.constant 0 : i32
      %dma_start3A_168 = tpu.memref_slice %arg2[%add3A_164, %dma_start3A_167] : memref<16384x2048xf32, #tpu.memory_space<hbm>> -> memref<4x2048xf32, #tpu.memory_space<hbm>>
      tpu.enqueue_dma source(%dma_start3A_168 : memref<4x2048xf32, #tpu.memory_space<hbm>>) target(%arg10 : memref<4x2048xf32, #tpu.memory_space<vmem>>) target_semaphore(%arg15 : memref<!tpu.dma_semaphore, #tpu.memory_space<semaphore_mem>>)
      %mul3A_169 = arith.constant 2 : i32
      %mul3A_170 = arith.muli %mul3A_169, %scan3A_68 : i32
      %add3A_171 = arith.constant 0 : i32
      %add3A_172 = arith.addi %mul3A_170, %add3A_171 : i32
      %dma_wait3A_173 = arith.constant 0 : i32
      %dma_wait3A_174 = arith.constant 0 : i32
      %dma_wait3A_175 = tpu.memref_slice %arg2[%dma_wait3A_173, %dma_wait3A_174] : memref<16384x2048xf32, #tpu.memory_space<hbm>> -> memref<4x2048xf32, #tpu.memory_space<hbm>>
      %dma_wait3A_176 = arith.constant 0 : i32
      %dma_wait3A_177 = arith.constant 0 : i32
      %dma_wait3A_178 = tpu.memref_slice %arg2[%dma_wait3A_176, %dma_wait3A_177] : memref<16384x2048xf32, #tpu.memory_space<hbm>> -> memref<4x2048xf32, #tpu.memory_space<hbm>>
      tpu.wait_dma2 semaphore(%arg15 : memref<!tpu.dma_semaphore, #tpu.memory_space<semaphore_mem>>) src(%dma_wait3A_178 : memref<4x2048xf32, #tpu.memory_space<hbm>>) dst(%arg7 : memref<4x2048xf32, #tpu.memory_space<vmem>>)
      %scan3A_179 = arith.constant 0 : i32
      %scan3A_180 = arith.constant 0 : i32
      %scan3A_181 = arith.constant 16 : i32
      %scan3A_182 = arith.addi %scan3A_180, %scan3A_181 : i32
      %scan3A_183 = arith.constant 1 : i32
      scf.for %scan3A_409 = %scan3A_180 to %scan3A_182 step %scan3A_183  : i32 {
        %mul3A_410 = arith.constant 128 : i32
        %mul3A_411 = arith.muli %scan3A_409, %mul3A_410 : i32
        %add3A_412 = arith.constant 0 : i32
        %add3A_413 = arith.addi %mul3A_411, %add3A_412 : i32
        %get3A = arith.constant 0 : i32
        %get3A_414 = arith.index_cast %get3A : i32 to index
        %get3A_415 = arith.index_cast %add3A_413 : i32 to index
        %get3A_416 = tpu.vector_load %arg13[%get3A_414, %get3A_415] {strides = array<i32>} : memref<4x2048xf32, #tpu.memory_space<vmem>>, vector<1x16xf32>,
        %get3A_417 = vector.shape_cast %get3A_416 : vector<1x16xf32> to vector<16xf32>
        %swap3A = arith.constant 0 : i32
        %swap3A_418 = arith.index_cast %swap3A : i32 to index
        %swap3A_419 = arith.index_cast %add3A_413 : i32 to index
        %swap3A_420 = tpu.vector_load %arg7[%swap3A_418, %swap3A_419] {strides = array<i32>} : memref<4x2048xf32, #tpu.memory_space<vmem>>, vector<1x16xf32>,
        %swap3A_421 = vector.shape_cast %swap3A_420 : vector<1x16xf32> to vector<16xf32>
        %swap3A_422 = vector.shape_cast %get3A_417 : vector<16xf32> to vector<1x16xf32>
        tpu.vector_store %arg7[%swap3A_418, %swap3A_419], %swap3A_422 {add = true, strides = array<i32>} : memref<4x2048xf32, #tpu.memory_space<vmem>>, vector<1x16xf32>,
        %add3A_423 = arith.constant 16 : i32
        %add3A_424 = arith.addi %mul3A_411, %add3A_423 : i32
        %get3A_425 = arith.constant 0 : i32
        %get3A_426 = arith.index_cast %get3A_425 : i32 to index
        %get3A_427 = arith.index_cast %add3A_424 : i32 to index
        %get3A_428 = tpu.vector_load %arg13[%get3A_426, %get3A_427] {strides = array<i32>} : memref<4x2048xf32, #tpu.memory_space<vmem>>, vector<1x16xf32>,
        %get3A_429 = vector.shape_cast %get3A_428 : vector<1x16xf32> to vector<16xf32>
        %swap3A_430 = arith.constant 0 : i32
        %swap3A_431 = arith.index_cast %swap3A_430 : i32 to index
        %swap3A_432 = arith.index_cast %add3A_424 : i32 to index
        %swap3A_433 = tpu.vector_load %arg7[%swap3A_431, %swap3A_432] {strides = array<i32>} : memref<4x2048xf32, #tpu.memory_space<vmem>>, vector<1x16xf32>,
        %swap3A_434 = vector.shape_cast %swap3A_433 : vector<1x16xf32> to vector<16xf32>
        %swap3A_435 = vector.shape_cast %get3A_429 : vector<16xf32> to vector<1x16xf32>
        tpu.vector_store %arg7[%swap3A_431, %swap3A_432], %swap3A_435 {add = true, strides = array<i32>} : memref<4x2048xf32, #tpu.memory_space<vmem>>, vector<1x16xf32>,
        %add3A_436 = arith.constant 32 : i32
        %add3A_437 = arith.addi %mul3A_411, %add3A_436 : i32
        %get3A_438 = arith.constant 0 : i32
        %get3A_439 = arith.index_cast %get3A_438 : i32 to index
        %get3A_440 = arith.index_cast %add3A_437 : i32 to index
        %get3A_441 = tpu.vector_load %arg13[%get3A_439, %get3A_440] {strides = array<i32>} : memref<4x2048xf32, #tpu.memory_space<vmem>>, vector<1x16xf32>,
        %get3A_442 = vector.shape_cast %get3A_441 : vector<1x16xf32> to vector<16xf32>
        %swap3A_443 = arith.constant 0 : i32
        %swap3A_444 = arith.index_cast %swap3A_443 : i32 to index
        %swap3A_445 = arith.index_cast %add3A_437 : i32 to index
        %swap3A_446 = tpu.vector_load %arg7[%swap3A_444, %swap3A_445] {strides = array<i32>} : memref<4x2048xf32, #tpu.memory_space<vmem>>, vector<1x16xf32>,
        %swap3A_447 = vector.shape_cast %swap3A_446 : vector<1x16xf32> to vector<16xf32>
        %swap3A_448 = vector.shape_cast %get3A_442 : vector<16xf32> to vector<1x16xf32>
        tpu.vector_store %arg7[%swap3A_444, %swap3A_445], %swap3A_448 {add = true, strides = array<i32>} : memref<4x2048xf32, #tpu.memory_space<vmem>>, vector<1x16xf32>,
        %add3A_449 = arith.constant 48 : i32
        %add3A_450 = arith.addi %mul3A_411, %add3A_449 : i32
        %get3A_451 = arith.constant 0 : i32
        %get3A_452 = arith.index_cast %get3A_451 : i32 to index
        %get3A_453 = arith.index_cast %add3A_450 : i32 to index
        %get3A_454 = tpu.vector_load %arg13[%get3A_452, %get3A_453] {strides = array<i32>} : memref<4x2048xf32, #tpu.memory_space<vmem>>, vector<1x16xf32>,
        %get3A_455 = vector.shape_cast %get3A_454 : vector<1x16xf32> to vector<16xf32>
        %swap3A_456 = arith.constant 0 : i32
        %swap3A_457 = arith.index_cast %swap3A_456 : i32 to index
        %swap3A_458 = arith.index_cast %add3A_450 : i32 to index
        %swap3A_459 = tpu.vector_load %arg7[%swap3A_457, %swap3A_458] {strides = array<i32>} : memref<4x2048xf32, #tpu.memory_space<vmem>>, vector<1x16xf32>,
        %swap3A_460 = vector.shape_cast %swap3A_459 : vector<1x16xf32> to vector<16xf32>
        %swap3A_461 = vector.shape_cast %get3A_455 : vector<16xf32> to vector<1x16xf32>
        tpu.vector_store %arg7[%swap3A_457, %swap3A_458], %swap3A_461 {add = true, strides = array<i32>} : memref<4x2048xf32, #tpu.memory_space<vmem>>, vector<1x16xf32>,
        %add3A_462 = arith.constant 64 : i32
        %add3A_463 = arith.addi %mul3A_411, %add3A_462 : i32
        %get3A_464 = arith.constant 0 : i32
        %get3A_465 = arith.index_cast %get3A_464 : i32 to index
        %get3A_466 = arith.index_cast %add3A_463 : i32 to index
        %get3A_467 = tpu.vector_load %arg13[%get3A_465, %get3A_466] {strides = array<i32>} : memref<4x2048xf32, #tpu.memory_space<vmem>>, vector<1x16xf32>,
        %get3A_468 = vector.shape_cast %get3A_467 : vector<1x16xf32> to vector<16xf32>
        %swap3A_469 = arith.constant 0 : i32
        %swap3A_470 = arith.index_cast %swap3A_469 : i32 to index
        %swap3A_471 = arith.index_cast %add3A_463 : i32 to index
        %swap3A_472 = tpu.vector_load %arg7[%swap3A_470, %swap3A_471] {strides = array<i32>} : memref<4x2048xf32, #tpu.memory_space<vmem>>, vector<1x16xf32>,
        %swap3A_473 = vector.shape_cast %swap3A_472 : vector<1x16xf32> to vector<16xf32>
        %swap3A_474 = vector.shape_cast %get3A_468 : vector<16xf32> to vector<1x16xf32>
        tpu.vector_store %arg7[%swap3A_470, %swap3A_471], %swap3A_474 {add = true, strides = array<i32>} : memref<4x2048xf32, #tpu.memory_space<vmem>>, vector<1x16xf32>,
        %add3A_475 = arith.constant 80 : i32
        %add3A_476 = arith.addi %mul3A_411, %add3A_475 : i32
        %get3A_477 = arith.constant 0 : i32
        %get3A_478 = arith.index_cast %get3A_477 : i32 to index
        %get3A_479 = arith.index_cast %add3A_476 : i32 to index
        %get3A_480 = tpu.vector_load %arg13[%get3A_478, %get3A_479] {strides = array<i32>} : memref<4x2048xf32, #tpu.memory_space<vmem>>, vector<1x16xf32>,
        %get3A_481 = vector.shape_cast %get3A_480 : vector<1x16xf32> to vector<16xf32>
        %swap3A_482 = arith.constant 0 : i32
        %swap3A_483 = arith.index_cast %swap3A_482 : i32 to index
        %swap3A_484 = arith.index_cast %add3A_476 : i32 to index
        %swap3A_485 = tpu.vector_load %arg7[%swap3A_483, %swap3A_484] {strides = array<i32>} : memref<4x2048xf32, #tpu.memory_space<vmem>>, vector<1x16xf32>,
        %swap3A_486 = vector.shape_cast %swap3A_485 : vector<1x16xf32> to vector<16xf32>
        %swap3A_487 = vector.shape_cast %get3A_481 : vector<16xf32> to vector<1x16xf32>
        tpu.vector_store %arg7[%swap3A_483, %swap3A_484], %swap3A_487 {add = true, strides = array<i32>} : memref<4x2048xf32, #tpu.memory_space<vmem>>, vector<1x16xf32>,
        %add3A_488 = arith.constant 96 : i32
        %add3A_489 = arith.addi %mul3A_411, %add3A_488 : i32
        %get3A_490 = arith.constant 0 : i32
        %get3A_491 = arith.index_cast %get3A_490 : i32 to index
        %get3A_492 = arith.index_cast %add3A_489 : i32 to index
        %get3A_493 = tpu.vector_load %arg13[%get3A_491, %get3A_492] {strides = array<i32>} : memref<4x2048xf32, #tpu.memory_space<vmem>>, vector<1x16xf32>,
        %get3A_494 = vector.shape_cast %get3A_493 : vector<1x16xf32> to vector<16xf32>
        %swap3A_495 = arith.constant 0 : i32
        %swap3A_496 = arith.index_cast %swap3A_495 : i32 to index
        %swap3A_497 = arith.index_cast %add3A_489 : i32 to index
        %swap3A_498 = tpu.vector_load %arg7[%swap3A_496, %swap3A_497] {strides = array<i32>} : memref<4x2048xf32, #tpu.memory_space<vmem>>, vector<1x16xf32>,
        %swap3A_499 = vector.shape_cast %swap3A_498 : vector<1x16xf32> to vector<16xf32>
        %swap3A_500 = vector.shape_cast %get3A_494 : vector<16xf32> to vector<1x16xf32>
        tpu.vector_store %arg7[%swap3A_496, %swap3A_497], %swap3A_500 {add = true, strides = array<i32>} : memref<4x2048xf32, #tpu.memory_space<vmem>>, vector<1x16xf32>,
        %add3A_501 = arith.constant 112 : i32
        %add3A_502 = arith.addi %mul3A_411, %add3A_501 : i32
        %get3A_503 = arith.constant 0 : i32
        %get3A_504 = arith.index_cast %get3A_503 : i32 to index
        %get3A_505 = arith.index_cast %add3A_502 : i32 to index
        %get3A_506 = tpu.vector_load %arg13[%get3A_504, %get3A_505] {strides = array<i32>} : memref<4x2048xf32, #tpu.memory_space<vmem>>, vector<1x16xf32>,
        %get3A_507 = vector.shape_cast %get3A_506 : vector<1x16xf32> to vector<16xf32>
        %swap3A_508 = arith.constant 0 : i32
        %swap3A_509 = arith.index_cast %swap3A_508 : i32 to index
        %swap3A_510 = arith.index_cast %add3A_502 : i32 to index
        %swap3A_511 = tpu.vector_load %arg7[%swap3A_509, %swap3A_510] {strides = array<i32>} : memref<4x2048xf32, #tpu.memory_space<vmem>>, vector<1x16xf32>,
        %swap3A_512 = vector.shape_cast %swap3A_511 : vector<1x16xf32> to vector<16xf32>
        %swap3A_513 = vector.shape_cast %get3A_507 : vector<16xf32> to vector<1x16xf32>
        tpu.vector_store %arg7[%swap3A_509, %swap3A_510], %swap3A_513 {add = true, strides = array<i32>} : memref<4x2048xf32, #tpu.memory_space<vmem>>, vector<1x16xf32>,
        %add3A_514 = arith.constant 0 : i32
        %add3A_515 = arith.addi %mul3A_411, %add3A_514 : i32
        %get3A_516 = arith.constant 1 : i32
        %get3A_517 = arith.index_cast %get3A_516 : i32 to index
        %get3A_518 = arith.index_cast %add3A_515 : i32 to index
        %get3A_519 = tpu.vector_load %arg13[%get3A_517, %get3A_518] {strides = array<i32>} : memref<4x2048xf32, #tpu.memory_space<vmem>>, vector<1x16xf32>,
        %get3A_520 = vector.shape_cast %get3A_519 : vector<1x16xf32> to vector<16xf32>
        %swap3A_521 = arith.constant 1 : i32
        %swap3A_522 = arith.index_cast %swap3A_521 : i32 to index
        %swap3A_523 = arith.index_cast %add3A_515 : i32 to index
        %swap3A_524 = tpu.vector_load %arg7[%swap3A_522, %swap3A_523] {strides = array<i32>} : memref<4x2048xf32, #tpu.memory_space<vmem>>, vector<1x16xf32>,
        %swap3A_525 = vector.shape_cast %swap3A_524 : vector<1x16xf32> to vector<16xf32>
        %swap3A_526 = vector.shape_cast %get3A_520 : vector<16xf32> to vector<1x16xf32>
        tpu.vector_store %arg7[%swap3A_522, %swap3A_523], %swap3A_526 {add = true, strides = array<i32>} : memref<4x2048xf32, #tpu.memory_space<vmem>>, vector<1x16xf32>,
        %add3A_527 = arith.constant 16 : i32
        %add3A_528 = arith.addi %mul3A_411, %add3A_527 : i32
        %get3A_529 = arith.constant 1 : i32
        %get3A_530 = arith.index_cast %get3A_529 : i32 to index
        %get3A_531 = arith.index_cast %add3A_528 : i32 to index
        %get3A_532 = tpu.vector_load %arg13[%get3A_530, %get3A_531] {strides = array<i32>} : memref<4x2048xf32, #tpu.memory_space<vmem>>, vector<1x16xf32>,
        %get3A_533 = vector.shape_cast %get3A_532 : vector<1x16xf32> to vector<16xf32>
        %swap3A_534 = arith.constant 1 : i32
        %swap3A_535 = arith.index_cast %swap3A_534 : i32 to index
        %swap3A_536 = arith.index_cast %add3A_528 : i32 to index
        %swap3A_537 = tpu.vector_load %arg7[%swap3A_535, %swap3A_536] {strides = array<i32>} : memref<4x2048xf32, #tpu.memory_space<vmem>>, vector<1x16xf32>,
        %swap3A_538 = vector.shape_cast %swap3A_537 : vector<1x16xf32> to vector<16xf32>
        %swap3A_539 = vector.shape_cast %get3A_533 : vector<16xf32> to vector<1x16xf32>
        tpu.vector_store %arg7[%swap3A_535, %swap3A_536], %swap3A_539 {add = true, strides = array<i32>} : memref<4x2048xf32, #tpu.memory_space<vmem>>, vector<1x16xf32>,
        %add3A_540 = arith.constant 32 : i32
        %add3A_541 = arith.addi %mul3A_411, %add3A_540 : i32
        %get3A_542 = arith.constant 1 : i32
        %get3A_543 = arith.index_cast %get3A_542 : i32 to index
        %get3A_544 = arith.index_cast %add3A_541 : i32 to index
        %get3A_545 = tpu.vector_load %arg13[%get3A_543, %get3A_544] {strides = array<i32>} : memref<4x2048xf32, #tpu.memory_space<vmem>>, vector<1x16xf32>,
        %get3A_546 = vector.shape_cast %get3A_545 : vector<1x16xf32> to vector<16xf32>
        %swap3A_547 = arith.constant 1 : i32
        %swap3A_548 = arith.index_cast %swap3A_547 : i32 to index
        %swap3A_549 = arith.index_cast %add3A_541 : i32 to index
        %swap3A_550 = tpu.vector_load %arg7[%swap3A_548, %swap3A_549] {strides = array<i32>} : memref<4x2048xf32, #tpu.memory_space<vmem>>, vector<1x16xf32>,
        %swap3A_551 = vector.shape_cast %swap3A_550 : vector<1x16xf32> to vector<16xf32>
        %swap3A_552 = vector.shape_cast %get3A_546 : vector<16xf32> to vector<1x16xf32>
        tpu.vector_store %arg7[%swap3A_548, %swap3A_549], %swap3A_552 {add = true, strides = array<i32>} : memref<4x2048xf32, #tpu.memory_space<vmem>>, vector<1x16xf32>,
        %add3A_553 = arith.constant 48 : i32
        %add3A_554 = arith.addi %mul3A_411, %add3A_553 : i32
        %get3A_555 = arith.constant 1 : i32
        %get3A_556 = arith.index_cast %get3A_555 : i32 to index
        %get3A_557 = arith.index_cast %add3A_554 : i32 to index
        %get3A_558 = tpu.vector_load %arg13[%get3A_556, %get3A_557] {strides = array<i32>} : memref<4x2048xf32, #tpu.memory_space<vmem>>, vector<1x16xf32>,
        %get3A_559 = vector.shape_cast %get3A_558 : vector<1x16xf32> to vector<16xf32>
        %swap3A_560 = arith.constant 1 : i32
        %swap3A_561 = arith.index_cast %swap3A_560 : i32 to index
        %swap3A_562 = arith.index_cast %add3A_554 : i32 to index
        %swap3A_563 = tpu.vector_load %arg7[%swap3A_561, %swap3A_562] {strides = array<i32>} : memref<4x2048xf32, #tpu.memory_space<vmem>>, vector<1x16xf32>,
        %swap3A_564 = vector.shape_cast %swap3A_563 : vector<1x16xf32> to vector<16xf32>
        %swap3A_565 = vector.shape_cast %get3A_559 : vector<16xf32> to vector<1x16xf32>
        tpu.vector_store %arg7[%swap3A_561, %swap3A_562], %swap3A_565 {add = true, strides = array<i32>} : memref<4x2048xf32, #tpu.memory_space<vmem>>, vector<1x16xf32>,
        %add3A_566 = arith.constant 64 : i32
        %add3A_567 = arith.addi %mul3A_411, %add3A_566 : i32
        %get3A_568 = arith.constant 1 : i32
        %get3A_569 = arith.index_cast %get3A_568 : i32 to index
        %get3A_570 = arith.index_cast %add3A_567 : i32 to index
        %get3A_571 = tpu.vector_load %arg13[%get3A_569, %get3A_570] {strides = array<i32>} : memref<4x2048xf32, #tpu.memory_space<vmem>>, vector<1x16xf32>,
        %get3A_572 = vector.shape_cast %get3A_571 : vector<1x16xf32> to vector<16xf32>
        %swap3A_573 = arith.constant 1 : i32
        %swap3A_574 = arith.index_cast %swap3A_573 : i32 to index
        %swap3A_575 = arith.index_cast %add3A_567 : i32 to index
        %swap3A_576 = tpu.vector_load %arg7[%swap3A_574, %swap3A_575] {strides = array<i32>} : memref<4x2048xf32, #tpu.memory_space<vmem>>, vector<1x16xf32>,
        %swap3A_577 = vector.shape_cast %swap3A_576 : vector<1x16xf32> to vector<16xf32>
        %swap3A_578 = vector.shape_cast %get3A_572 : vector<16xf32> to vector<1x16xf32>
        tpu.vector_store %arg7[%swap3A_574, %swap3A_575], %swap3A_578 {add = true, strides = array<i32>} : memref<4x2048xf32, #tpu.memory_space<vmem>>, vector<1x16xf32>,
        %add3A_579 = arith.constant 80 : i32
        %add3A_580 = arith.addi %mul3A_411, %add3A_579 : i32
        %get3A_581 = arith.constant 1 : i32
        %get3A_582 = arith.index_cast %get3A_581 : i32 to index
        %get3A_583 = arith.index_cast %add3A_580 : i32 to index
        %get3A_584 = tpu.vector_load %arg13[%get3A_582, %get3A_583] {strides = array<i32>} : memref<4x2048xf32, #tpu.memory_space<vmem>>, vector<1x16xf32>,
        %get3A_585 = vector.shape_cast %get3A_584 : vector<1x16xf32> to vector<16xf32>
        %swap3A_586 = arith.constant 1 : i32
        %swap3A_587 = arith.index_cast %swap3A_586 : i32 to index
        %swap3A_588 = arith.index_cast %add3A_580 : i32 to index
        %swap3A_589 = tpu.vector_load %arg7[%swap3A_587, %swap3A_588] {strides = array<i32>} : memref<4x2048xf32, #tpu.memory_space<vmem>>, vector<1x16xf32>,
        %swap3A_590 = vector.shape_cast %swap3A_589 : vector<1x16xf32> to vector<16xf32>
        %swap3A_591 = vector.shape_cast %get3A_585 : vector<16xf32> to vector<1x16xf32>
        tpu.vector_store %arg7[%swap3A_587, %swap3A_588], %swap3A_591 {add = true, strides = array<i32>} : memref<4x2048xf32, #tpu.memory_space<vmem>>, vector<1x16xf32>,
        %add3A_592 = arith.constant 96 : i32
        %add3A_593 = arith.addi %mul3A_411, %add3A_592 : i32
        %get3A_594 = arith.constant 1 : i32
        %get3A_595 = arith.index_cast %get3A_594 : i32 to index
        %get3A_596 = arith.index_cast %add3A_593 : i32 to index
        %get3A_597 = tpu.vector_load %arg13[%get3A_595, %get3A_596] {strides = array<i32>} : memref<4x2048xf32, #tpu.memory_space<vmem>>, vector<1x16xf32>,
        %get3A_598 = vector.shape_cast %get3A_597 : vector<1x16xf32> to vector<16xf32>
        %swap3A_599 = arith.constant 1 : i32
        %swap3A_600 = arith.index_cast %swap3A_599 : i32 to index
        %swap3A_601 = arith.index_cast %add3A_593 : i32 to index
        %swap3A_602 = tpu.vector_load %arg7[%swap3A_600, %swap3A_601] {strides = array<i32>} : memref<4x2048xf32, #tpu.memory_space<vmem>>, vector<1x16xf32>,
        %swap3A_603 = vector.shape_cast %swap3A_602 : vector<1x16xf32> to vector<16xf32>
        %swap3A_604 = vector.shape_cast %get3A_598 : vector<16xf32> to vector<1x16xf32>
        tpu.vector_store %arg7[%swap3A_600, %swap3A_601], %swap3A_604 {add = true, strides = array<i32>} : memref<4x2048xf32, #tpu.memory_space<vmem>>, vector<1x16xf32>,
        %add3A_605 = arith.constant 112 : i32
        %add3A_606 = arith.addi %mul3A_411, %add3A_605 : i32
        %get3A_607 = arith.constant 1 : i32
        %get3A_608 = arith.index_cast %get3A_607 : i32 to index
        %get3A_609 = arith.index_cast %add3A_606 : i32 to index
        %get3A_610 = tpu.vector_load %arg13[%get3A_608, %get3A_609] {strides = array<i32>} : memref<4x2048xf32, #tpu.memory_space<vmem>>, vector<1x16xf32>,
        %get3A_611 = vector.shape_cast %get3A_610 : vector<1x16xf32> to vector<16xf32>
        %swap3A_612 = arith.constant 1 : i32
        %swap3A_613 = arith.index_cast %swap3A_612 : i32 to index
        %swap3A_614 = arith.index_cast %add3A_606 : i32 to index
        %swap3A_615 = tpu.vector_load %arg7[%swap3A_613, %swap3A_614] {strides = array<i32>} : memref<4x2048xf32, #tpu.memory_space<vmem>>, vector<1x16xf32>,
        %swap3A_616 = vector.shape_cast %swap3A_615 : vector<1x16xf32> to vector<16xf32>
        %swap3A_617 = vector.shape_cast %get3A_611 : vector<16xf32> to vector<1x16xf32>
        tpu.vector_store %arg7[%swap3A_613, %swap3A_614], %swap3A_617 {add = true, strides = array<i32>} : memref<4x2048xf32, #tpu.memory_space<vmem>>, vector<1x16xf32>,
        %add3A_618 = arith.constant 0 : i32
        %add3A_619 = arith.addi %mul3A_411, %add3A_618 : i32
        %get3A_620 = arith.constant 2 : i32
        %get3A_621 = arith.index_cast %get3A_620 : i32 to index
        %get3A_622 = arith.index_cast %add3A_619 : i32 to index
        %get3A_623 = tpu.vector_load %arg13[%get3A_621, %get3A_622] {strides = array<i32>} : memref<4x2048xf32, #tpu.memory_space<vmem>>, vector<1x16xf32>,
        %get3A_624 = vector.shape_cast %get3A_623 : vector<1x16xf32> to vector<16xf32>
        %swap3A_625 = arith.constant 2 : i32
        %swap3A_626 = arith.index_cast %swap3A_625 : i32 to index
        %swap3A_627 = arith.index_cast %add3A_619 : i32 to index
        %swap3A_628 = tpu.vector_load %arg7[%swap3A_626, %swap3A_627] {strides = array<i32>} : memref<4x2048xf32, #tpu.memory_space<vmem>>, vector<1x16xf32>,
        %swap3A_629 = vector.shape_cast %swap3A_628 : vector<1x16xf32> to vector<16xf32>
        %swap3A_630 = vector.shape_cast %get3A_624 : vector<16xf32> to vector<1x16xf32>
        tpu.vector_store %arg7[%swap3A_626, %swap3A_627], %swap3A_630 {add = true, strides = array<i32>} : memref<4x2048xf32, #tpu.memory_space<vmem>>, vector<1x16xf32>,
        %add3A_631 = arith.constant 16 : i32
        %add3A_632 = arith.addi %mul3A_411, %add3A_631 : i32
        %get3A_633 = arith.constant 2 : i32
        %get3A_634 = arith.index_cast %get3A_633 : i32 to index
        %get3A_635 = arith.index_cast %add3A_632 : i32 to index
        %get3A_636 = tpu.vector_load %arg13[%get3A_634, %get3A_635] {strides = array<i32>} : memref<4x2048xf32, #tpu.memory_space<vmem>>, vector<1x16xf32>,
        %get3A_637 = vector.shape_cast %get3A_636 : vector<1x16xf32> to vector<16xf32>
        %swap3A_638 = arith.constant 2 : i32
        %swap3A_639 = arith.index_cast %swap3A_638 : i32 to index
        %swap3A_640 = arith.index_cast %add3A_632 : i32 to index
        %swap3A_641 = tpu.vector_load %arg7[%swap3A_639, %swap3A_640] {strides = array<i32>} : memref<4x2048xf32, #tpu.memory_space<vmem>>, vector<1x16xf32>,
        %swap3A_642 = vector.shape_cast %swap3A_641 : vector<1x16xf32> to vector<16xf32>
        %swap3A_643 = vector.shape_cast %get3A_637 : vector<16xf32> to vector<1x16xf32>
        tpu.vector_store %arg7[%swap3A_639, %swap3A_640], %swap3A_643 {add = true, strides = array<i32>} : memref<4x2048xf32, #tpu.memory_space<vmem>>, vector<1x16xf32>,
        %add3A_644 = arith.constant 32 : i32
        %add3A_645 = arith.addi %mul3A_411, %add3A_644 : i32
        %get3A_646 = arith.constant 2 : i32
        %get3A_647 = arith.index_cast %get3A_646 : i32 to index
        %get3A_648 = arith.index_cast %add3A_645 : i32 to index
        %get3A_649 = tpu.vector_load %arg13[%get3A_647, %get3A_648] {strides = array<i32>} : memref<4x2048xf32, #tpu.memory_space<vmem>>, vector<1x16xf32>,
        %get3A_650 = vector.shape_cast %get3A_649 : vector<1x16xf32> to vector<16xf32>
        %swap3A_651 = arith.constant 2 : i32
        %swap3A_652 = arith.index_cast %swap3A_651 : i32 to index
        %swap3A_653 = arith.index_cast %add3A_645 : i32 to index
        %swap3A_654 = tpu.vector_load %arg7[%swap3A_652, %swap3A_653] {strides = array<i32>} : memref<4x2048xf32, #tpu.memory_space<vmem>>, vector<1x16xf32>,
        %swap3A_655 = vector.shape_cast %swap3A_654 : vector<1x16xf32> to vector<16xf32>
        %swap3A_656 = vector.shape_cast %get3A_650 : vector<16xf32> to vector<1x16xf32>
        tpu.vector_store %arg7[%swap3A_652, %swap3A_653], %swap3A_656 {add = true, strides = array<i32>} : memref<4x2048xf32, #tpu.memory_space<vmem>>, vector<1x16xf32>,
        %add3A_657 = arith.constant 48 : i32
        %add3A_658 = arith.addi %mul3A_411, %add3A_657 : i32
        %get3A_659 = arith.constant 2 : i32
        %get3A_660 = arith.index_cast %get3A_659 : i32 to index
        %get3A_661 = arith.index_cast %add3A_658 : i32 to index
        %get3A_662 = tpu.vector_load %arg13[%get3A_660, %get3A_661] {strides = array<i32>} : memref<4x2048xf32, #tpu.memory_space<vmem>>, vector<1x16xf32>,
        %get3A_663 = vector.shape_cast %get3A_662 : vector<1x16xf32> to vector<16xf32>
        %swap3A_664 = arith.constant 2 : i32
        %swap3A_665 = arith.index_cast %swap3A_664 : i32 to index
        %swap3A_666 = arith.index_cast %add3A_658 : i32 to index
        %swap3A_667 = tpu.vector_load %arg7[%swap3A_665, %swap3A_666] {strides = array<i32>} : memref<4x2048xf32, #tpu.memory_space<vmem>>, vector<1x16xf32>,
        %swap3A_668 = vector.shape_cast %swap3A_667 : vector<1x16xf32> to vector<16xf32>
        %swap3A_669 = vector.shape_cast %get3A_663 : vector<16xf32> to vector<1x16xf32>
        tpu.vector_store %arg7[%swap3A_665, %swap3A_666], %swap3A_669 {add = true, strides = array<i32>} : memref<4x2048xf32, #tpu.memory_space<vmem>>, vector<1x16xf32>,
        %add3A_670 = arith.constant 64 : i32
        %add3A_671 = arith.addi %mul3A_411, %add3A_670 : i32
        %get3A_672 = arith.constant 2 : i32
        %get3A_673 = arith.index_cast %get3A_672 : i32 to index
        %get3A_674 = arith.index_cast %add3A_671 : i32 to index
        %get3A_675 = tpu.vector_load %arg13[%get3A_673, %get3A_674] {strides = array<i32>} : memref<4x2048xf32, #tpu.memory_space<vmem>>, vector<1x16xf32>,
        %get3A_676 = vector.shape_cast %get3A_675 : vector<1x16xf32> to vector<16xf32>
        %swap3A_677 = arith.constant 2 : i32
        %swap3A_678 = arith.index_cast %swap3A_677 : i32 to index
        %swap3A_679 = arith.index_cast %add3A_671 : i32 to index
        %swap3A_680 = tpu.vector_load %arg7[%swap3A_678, %swap3A_679] {strides = array<i32>} : memref<4x2048xf32, #tpu.memory_space<vmem>>, vector<1x16xf32>,
        %swap3A_681 = vector.shape_cast %swap3A_680 : vector<1x16xf32> to vector<16xf32>
        %swap3A_682 = vector.shape_cast %get3A_676 : vector<16xf32> to vector<1x16xf32>
        tpu.vector_store %arg7[%swap3A_678, %swap3A_679], %swap3A_682 {add = true, strides = array<i32>} : memref<4x2048xf32, #tpu.memory_space<vmem>>, vector<1x16xf32>,
        %add3A_683 = arith.constant 80 : i32
        %add3A_684 = arith.addi %mul3A_411, %add3A_683 : i32
        %get3A_685 = arith.constant 2 : i32
        %get3A_686 = arith.index_cast %get3A_685 : i32 to index
        %get3A_687 = arith.index_cast %add3A_684 : i32 to index
        %get3A_688 = tpu.vector_load %arg13[%get3A_686, %get3A_687] {strides = array<i32>} : memref<4x2048xf32, #tpu.memory_space<vmem>>, vector<1x16xf32>,
        %get3A_689 = vector.shape_cast %get3A_688 : vector<1x16xf32> to vector<16xf32>
        %swap3A_690 = arith.constant 2 : i32
        %swap3A_691 = arith.index_cast %swap3A_690 : i32 to index
        %swap3A_692 = arith.index_cast %add3A_684 : i32 to index
        %swap3A_693 = tpu.vector_load %arg7[%swap3A_691, %swap3A_692] {strides = array<i32>} : memref<4x2048xf32, #tpu.memory_space<vmem>>, vector<1x16xf32>,
        %swap3A_694 = vector.shape_cast %swap3A_693 : vector<1x16xf32> to vector<16xf32>
        %swap3A_695 = vector.shape_cast %get3A_689 : vector<16xf32> to vector<1x16xf32>
        tpu.vector_store %arg7[%swap3A_691, %swap3A_692], %swap3A_695 {add = true, strides = array<i32>} : memref<4x2048xf32, #tpu.memory_space<vmem>>, vector<1x16xf32>,
        %add3A_696 = arith.constant 96 : i32
        %add3A_697 = arith.addi %mul3A_411, %add3A_696 : i32
        %get3A_698 = arith.constant 2 : i32
        %get3A_699 = arith.index_cast %get3A_698 : i32 to index
        %get3A_700 = arith.index_cast %add3A_697 : i32 to index
        %get3A_701 = tpu.vector_load %arg13[%get3A_699, %get3A_700] {strides = array<i32>} : memref<4x2048xf32, #tpu.memory_space<vmem>>, vector<1x16xf32>,
        %get3A_702 = vector.shape_cast %get3A_701 : vector<1x16xf32> to vector<16xf32>
        %swap3A_703 = arith.constant 2 : i32
        %swap3A_704 = arith.index_cast %swap3A_703 : i32 to index
        %swap3A_705 = arith.index_cast %add3A_697 : i32 to index
        %swap3A_706 = tpu.vector_load %arg7[%swap3A_704, %swap3A_705] {strides = array<i32>} : memref<4x2048xf32, #tpu.memory_space<vmem>>, vector<1x16xf32>,
        %swap3A_707 = vector.shape_cast %swap3A_706 : vector<1x16xf32> to vector<16xf32>
        %swap3A_708 = vector.shape_cast %get3A_702 : vector<16xf32> to vector<1x16xf32>
        tpu.vector_store %arg7[%swap3A_704, %swap3A_705], %swap3A_708 {add = true, strides = array<i32>} : memref<4x2048xf32, #tpu.memory_space<vmem>>, vector<1x16xf32>,
        %add3A_709 = arith.constant 112 : i32
        %add3A_710 = arith.addi %mul3A_411, %add3A_709 : i32
        %get3A_711 = arith.constant 2 : i32
        %get3A_712 = arith.index_cast %get3A_711 : i32 to index
        %get3A_713 = arith.index_cast %add3A_710 : i32 to index
        %get3A_714 = tpu.vector_load %arg13[%get3A_712, %get3A_713] {strides = array<i32>} : memref<4x2048xf32, #tpu.memory_space<vmem>>, vector<1x16xf32>,
        %get3A_715 = vector.shape_cast %get3A_714 : vector<1x16xf32> to vector<16xf32>
        %swap3A_716 = arith.constant 2 : i32
        %swap3A_717 = arith.index_cast %swap3A_716 : i32 to index
        %swap3A_718 = arith.index_cast %add3A_710 : i32 to index
        %swap3A_719 = tpu.vector_load %arg7[%swap3A_717, %swap3A_718] {strides = array<i32>} : memref<4x2048xf32, #tpu.memory_space<vmem>>, vector<1x16xf32>,
        %swap3A_720 = vector.shape_cast %swap3A_719 : vector<1x16xf32> to vector<16xf32>
        %swap3A_721 = vector.shape_cast %get3A_715 : vector<16xf32> to vector<1x16xf32>
        tpu.vector_store %arg7[%swap3A_717, %swap3A_718], %swap3A_721 {add = true, strides = array<i32>} : memref<4x2048xf32, #tpu.memory_space<vmem>>, vector<1x16xf32>,
        %add3A_722 = arith.constant 0 : i32
        %add3A_723 = arith.addi %mul3A_411, %add3A_722 : i32
        %get3A_724 = arith.constant 3 : i32
        %get3A_725 = arith.index_cast %get3A_724 : i32 to index
        %get3A_726 = arith.index_cast %add3A_723 : i32 to index
        %get3A_727 = tpu.vector_load %arg13[%get3A_725, %get3A_726] {strides = array<i32>} : memref<4x2048xf32, #tpu.memory_space<vmem>>, vector<1x16xf32>,
        %get3A_728 = vector.shape_cast %get3A_727 : vector<1x16xf32> to vector<16xf32>
        %swap3A_729 = arith.constant 3 : i32
        %swap3A_730 = arith.index_cast %swap3A_729 : i32 to index
        %swap3A_731 = arith.index_cast %add3A_723 : i32 to index
        %swap3A_732 = tpu.vector_load %arg7[%swap3A_730, %swap3A_731] {strides = array<i32>} : memref<4x2048xf32, #tpu.memory_space<vmem>>, vector<1x16xf32>,
        %swap3A_733 = vector.shape_cast %swap3A_732 : vector<1x16xf32> to vector<16xf32>
        %swap3A_734 = vector.shape_cast %get3A_728 : vector<16xf32> to vector<1x16xf32>
        tpu.vector_store %arg7[%swap3A_730, %swap3A_731], %swap3A_734 {add = true, strides = array<i32>} : memref<4x2048xf32, #tpu.memory_space<vmem>>, vector<1x16xf32>,
        %add3A_735 = arith.constant 16 : i32
        %add3A_736 = arith.addi %mul3A_411, %add3A_735 : i32
        %get3A_737 = arith.constant 3 : i32
        %get3A_738 = arith.index_cast %get3A_737 : i32 to index
        %get3A_739 = arith.index_cast %add3A_736 : i32 to index
        %get3A_740 = tpu.vector_load %arg13[%get3A_738, %get3A_739] {strides = array<i32>} : memref<4x2048xf32, #tpu.memory_space<vmem>>, vector<1x16xf32>,
        %get3A_741 = vector.shape_cast %get3A_740 : vector<1x16xf32> to vector<16xf32>
        %swap3A_742 = arith.constant 3 : i32
        %swap3A_743 = arith.index_cast %swap3A_742 : i32 to index
        %swap3A_744 = arith.index_cast %add3A_736 : i32 to index
        %swap3A_745 = tpu.vector_load %arg7[%swap3A_743, %swap3A_744] {strides = array<i32>} : memref<4x2048xf32, #tpu.memory_space<vmem>>, vector<1x16xf32>,
        %swap3A_746 = vector.shape_cast %swap3A_745 : vector<1x16xf32> to vector<16xf32>
        %swap3A_747 = vector.shape_cast %get3A_741 : vector<16xf32> to vector<1x16xf32>
        tpu.vector_store %arg7[%swap3A_743, %swap3A_744], %swap3A_747 {add = true, strides = array<i32>} : memref<4x2048xf32, #tpu.memory_space<vmem>>, vector<1x16xf32>,
        %add3A_748 = arith.constant 32 : i32
        %add3A_749 = arith.addi %mul3A_411, %add3A_748 : i32
        %get3A_750 = arith.constant 3 : i32
        %get3A_751 = arith.index_cast %get3A_750 : i32 to index
        %get3A_752 = arith.index_cast %add3A_749 : i32 to index
        %get3A_753 = tpu.vector_load %arg13[%get3A_751, %get3A_752] {strides = array<i32>} : memref<4x2048xf32, #tpu.memory_space<vmem>>, vector<1x16xf32>,
        %get3A_754 = vector.shape_cast %get3A_753 : vector<1x16xf32> to vector<16xf32>
        %swap3A_755 = arith.constant 3 : i32
        %swap3A_756 = arith.index_cast %swap3A_755 : i32 to index
        %swap3A_757 = arith.index_cast %add3A_749 : i32 to index
        %swap3A_758 = tpu.vector_load %arg7[%swap3A_756, %swap3A_757] {strides = array<i32>} : memref<4x2048xf32, #tpu.memory_space<vmem>>, vector<1x16xf32>,
        %swap3A_759 = vector.shape_cast %swap3A_758 : vector<1x16xf32> to vector<16xf32>
        %swap3A_760 = vector.shape_cast %get3A_754 : vector<16xf32> to vector<1x16xf32>
        tpu.vector_store %arg7[%swap3A_756, %swap3A_757], %swap3A_760 {add = true, strides = array<i32>} : memref<4x2048xf32, #tpu.memory_space<vmem>>, vector<1x16xf32>,
        %add3A_761 = arith.constant 48 : i32
        %add3A_762 = arith.addi %mul3A_411, %add3A_761 : i32
        %get3A_763 = arith.constant 3 : i32
        %get3A_764 = arith.index_cast %get3A_763 : i32 to index
        %get3A_765 = arith.index_cast %add3A_762 : i32 to index
        %get3A_766 = tpu.vector_load %arg13[%get3A_764, %get3A_765] {strides = array<i32>} : memref<4x2048xf32, #tpu.memory_space<vmem>>, vector<1x16xf32>,
        %get3A_767 = vector.shape_cast %get3A_766 : vector<1x16xf32> to vector<16xf32>
        %swap3A_768 = arith.constant 3 : i32
        %swap3A_769 = arith.index_cast %swap3A_768 : i32 to index
        %swap3A_770 = arith.index_cast %add3A_762 : i32 to index
        %swap3A_771 = tpu.vector_load %arg7[%swap3A_769, %swap3A_770] {strides = array<i32>} : memref<4x2048xf32, #tpu.memory_space<vmem>>, vector<1x16xf32>,
        %swap3A_772 = vector.shape_cast %swap3A_771 : vector<1x16xf32> to vector<16xf32>
        %swap3A_773 = vector.shape_cast %get3A_767 : vector<16xf32> to vector<1x16xf32>
        tpu.vector_store %arg7[%swap3A_769, %swap3A_770], %swap3A_773 {add = true, strides = array<i32>} : memref<4x2048xf32, #tpu.memory_space<vmem>>, vector<1x16xf32>,
        %add3A_774 = arith.constant 64 : i32
        %add3A_775 = arith.addi %mul3A_411, %add3A_774 : i32
        %get3A_776 = arith.constant 3 : i32
        %get3A_777 = arith.index_cast %get3A_776 : i32 to index
        %get3A_778 = arith.index_cast %add3A_775 : i32 to index
        %get3A_779 = tpu.vector_load %arg13[%get3A_777, %get3A_778] {strides = array<i32>} : memref<4x2048xf32, #tpu.memory_space<vmem>>, vector<1x16xf32>,
        %get3A_780 = vector.shape_cast %get3A_779 : vector<1x16xf32> to vector<16xf32>
        %swap3A_781 = arith.constant 3 : i32
        %swap3A_782 = arith.index_cast %swap3A_781 : i32 to index
        %swap3A_783 = arith.index_cast %add3A_775 : i32 to index
        %swap3A_784 = tpu.vector_load %arg7[%swap3A_782, %swap3A_783] {strides = array<i32>} : memref<4x2048xf32, #tpu.memory_space<vmem>>, vector<1x16xf32>,
        %swap3A_785 = vector.shape_cast %swap3A_784 : vector<1x16xf32> to vector<16xf32>
        %swap3A_786 = vector.shape_cast %get3A_780 : vector<16xf32> to vector<1x16xf32>
        tpu.vector_store %arg7[%swap3A_782, %swap3A_783], %swap3A_786 {add = true, strides = array<i32>} : memref<4x2048xf32, #tpu.memory_space<vmem>>, vector<1x16xf32>,
        %add3A_787 = arith.constant 80 : i32
        %add3A_788 = arith.addi %mul3A_411, %add3A_787 : i32
        %get3A_789 = arith.constant 3 : i32
        %get3A_790 = arith.index_cast %get3A_789 : i32 to index
        %get3A_791 = arith.index_cast %add3A_788 : i32 to index
        %get3A_792 = tpu.vector_load %arg13[%get3A_790, %get3A_791] {strides = array<i32>} : memref<4x2048xf32, #tpu.memory_space<vmem>>, vector<1x16xf32>,
        %get3A_793 = vector.shape_cast %get3A_792 : vector<1x16xf32> to vector<16xf32>
        %swap3A_794 = arith.constant 3 : i32
        %swap3A_795 = arith.index_cast %swap3A_794 : i32 to index
        %swap3A_796 = arith.index_cast %add3A_788 : i32 to index
        %swap3A_797 = tpu.vector_load %arg7[%swap3A_795, %swap3A_796] {strides = array<i32>} : memref<4x2048xf32, #tpu.memory_space<vmem>>, vector<1x16xf32>,
        %swap3A_798 = vector.shape_cast %swap3A_797 : vector<1x16xf32> to vector<16xf32>
        %swap3A_799 = vector.shape_cast %get3A_793 : vector<16xf32> to vector<1x16xf32>
        tpu.vector_store %arg7[%swap3A_795, %swap3A_796], %swap3A_799 {add = true, strides = array<i32>} : memref<4x2048xf32, #tpu.memory_space<vmem>>, vector<1x16xf32>,
        %add3A_800 = arith.constant 96 : i32
        %add3A_801 = arith.addi %mul3A_411, %add3A_800 : i32
        %get3A_802 = arith.constant 3 : i32
        %get3A_803 = arith.index_cast %get3A_802 : i32 to index
        %get3A_804 = arith.index_cast %add3A_801 : i32 to index
        %get3A_805 = tpu.vector_load %arg13[%get3A_803, %get3A_804] {strides = array<i32>} : memref<4x2048xf32, #tpu.memory_space<vmem>>, vector<1x16xf32>,
        %get3A_806 = vector.shape_cast %get3A_805 : vector<1x16xf32> to vector<16xf32>
        %swap3A_807 = arith.constant 3 : i32
        %swap3A_808 = arith.index_cast %swap3A_807 : i32 to index
        %swap3A_809 = arith.index_cast %add3A_801 : i32 to index
        %swap3A_810 = tpu.vector_load %arg7[%swap3A_808, %swap3A_809] {strides = array<i32>} : memref<4x2048xf32, #tpu.memory_space<vmem>>, vector<1x16xf32>,
        %swap3A_811 = vector.shape_cast %swap3A_810 : vector<1x16xf32> to vector<16xf32>
        %swap3A_812 = vector.shape_cast %get3A_806 : vector<16xf32> to vector<1x16xf32>
        tpu.vector_store %arg7[%swap3A_808, %swap3A_809], %swap3A_812 {add = true, strides = array<i32>} : memref<4x2048xf32, #tpu.memory_space<vmem>>, vector<1x16xf32>,
        %add3A_813 = arith.constant 112 : i32
        %add3A_814 = arith.addi %mul3A_411, %add3A_813 : i32
        %get3A_815 = arith.constant 3 : i32
        %get3A_816 = arith.index_cast %get3A_815 : i32 to index
        %get3A_817 = arith.index_cast %add3A_814 : i32 to index
        %get3A_818 = tpu.vector_load %arg13[%get3A_816, %get3A_817] {strides = array<i32>} : memref<4x2048xf32, #tpu.memory_space<vmem>>, vector<1x16xf32>,
        %get3A_819 = vector.shape_cast %get3A_818 : vector<1x16xf32> to vector<16xf32>
        %swap3A_820 = arith.constant 3 : i32
        %swap3A_821 = arith.index_cast %swap3A_820 : i32 to index
        %swap3A_822 = arith.index_cast %add3A_814 : i32 to index
        %swap3A_823 = tpu.vector_load %arg7[%swap3A_821, %swap3A_822] {strides = array<i32>} : memref<4x2048xf32, #tpu.memory_space<vmem>>, vector<1x16xf32>,
        %swap3A_824 = vector.shape_cast %swap3A_823 : vector<1x16xf32> to vector<16xf32>
        %swap3A_825 = vector.shape_cast %get3A_819 : vector<16xf32> to vector<1x16xf32>
        tpu.vector_store %arg7[%swap3A_821, %swap3A_822], %swap3A_825 {add = true, strides = array<i32>} : memref<4x2048xf32, #tpu.memory_space<vmem>>, vector<1x16xf32>,
      }
      %scan3A_184 = arith.constant 16 : i32
      %add3A_185 = arith.constant 8192 : i32
      %add3A_186 = arith.addi %add3A_185, %mul3A_2 : i32
      %mul3A_187 = arith.constant 4 : i32
      %mul3A_188 = arith.muli %add3A_172, %mul3A_187 : i32
      %add3A_189 = arith.addi %add3A_186, %mul3A_188 : i32
      %dma_start3A_190 = arith.constant 0 : i32
      %dma_start3A_191 = tpu.memref_slice %arg4[%add3A_189, %dma_start3A_190] : memref<16384x2048xf32, #tpu.memory_space<hbm>> -> memref<4x2048xf32, #tpu.memory_space<hbm>>
      %dma_start3A_192 = arith.constant 0 : i32
      %dma_start3A_193 = tpu.memref_slice %arg4[%add3A_189, %dma_start3A_192] : memref<16384x2048xf32, #tpu.memory_space<hbm>> -> memref<4x2048xf32, #tpu.memory_space<hbm>>
      tpu.enqueue_dma source(%arg7 : memref<4x2048xf32, #tpu.memory_space<vmem>>) target(%dma_start3A_193 : memref<4x2048xf32, #tpu.memory_space<hbm>>) target_semaphore(%arg17 : memref<!tpu.dma_semaphore, #tpu.memory_space<semaphore_mem>>)
      %ge3A_194 = arith.constant 1 : i32
      %ge3A_195 = arith.cmpi sge, %scan3A_68, %ge3A_194 : i32
      %convert_element_type3A_196 = arith.extui %ge3A_195 : i1 to i32
      %cond3A_197 = arith.constant 0 : i32
      %cond3A_198 = arith.cmpi ne, %convert_element_type3A_196, %cond3A_197 : i32
      scf.if %cond3A_198 {
        %dma_wait3A_409 = arith.constant 0 : i32
        %dma_wait3A_410 = arith.constant 0 : i32
        %dma_wait3A_411 = tpu.memref_slice %arg4[%dma_wait3A_409, %dma_wait3A_410] : memref<16384x2048xf32, #tpu.memory_space<hbm>> -> memref<4x2048xf32, #tpu.memory_space<hbm>>
        %dma_wait3A_412 = arith.constant 0 : i32
        %dma_wait3A_413 = arith.constant 0 : i32
        %dma_wait3A_414 = tpu.memref_slice %arg4[%dma_wait3A_412, %dma_wait3A_413] : memref<16384x2048xf32, #tpu.memory_space<hbm>> -> memref<4x2048xf32, #tpu.memory_space<hbm>>
        tpu.wait_dma2 semaphore(%arg17 : memref<!tpu.dma_semaphore, #tpu.memory_space<semaphore_mem>>) src(%arg11 : memref<4x2048xf32, #tpu.memory_space<vmem>>) dst(%dma_wait3A_414 : memref<4x2048xf32, #tpu.memory_space<hbm>>)
      } else {
      }
      %mul3A_199 = arith.constant 2 : i32
      %mul3A_200 = arith.muli %mul3A_199, %scan3A_68 : i32
      %add3A_201 = arith.constant 1 : i32
      %add3A_202 = arith.addi %mul3A_200, %add3A_201 : i32
      %add3A_203 = arith.constant 8192 : i32
      %add3A_204 = arith.addi %add3A_203, %mul3A_2 : i32
      %mul3A_205 = arith.constant 4 : i32
      %mul3A_206 = arith.muli %add3A_202, %mul3A_205 : i32
      %add3A_207 = arith.addi %add3A_204, %mul3A_206 : i32
      %dma_start3A_208 = arith.constant 0 : i32
      %dma_start3A_209 = tpu.memref_slice %arg2[%add3A_207, %dma_start3A_208] : memref<16384x2048xf32, #tpu.memory_space<hbm>> -> memref<4x2048xf32, #tpu.memory_space<hbm>>
      %dma_start3A_210 = arith.constant 0 : i32
      %dma_start3A_211 = tpu.memref_slice %arg2[%add3A_207, %dma_start3A_210] : memref<16384x2048xf32, #tpu.memory_space<hbm>> -> memref<4x2048xf32, #tpu.memory_space<hbm>>
      tpu.enqueue_dma source(%dma_start3A_211 : memref<4x2048xf32, #tpu.memory_space<hbm>>) target(%arg11 : memref<4x2048xf32, #tpu.memory_space<vmem>>) target_semaphore(%arg15 : memref<!tpu.dma_semaphore, #tpu.memory_space<semaphore_mem>>)
      %mul3A_212 = arith.constant 2 : i32
      %mul3A_213 = arith.muli %mul3A_212, %scan3A_68 : i32
      %add3A_214 = arith.constant 0 : i32
      %add3A_215 = arith.addi %mul3A_213, %add3A_214 : i32
      %dma_wait3A_216 = arith.constant 0 : i32
      %dma_wait3A_217 = arith.constant 0 : i32
      %dma_wait3A_218 = tpu.memref_slice %arg2[%dma_wait3A_216, %dma_wait3A_217] : memref<16384x2048xf32, #tpu.memory_space<hbm>> -> memref<4x2048xf32, #tpu.memory_space<hbm>>
      %dma_wait3A_219 = arith.constant 0 : i32
      %dma_wait3A_220 = arith.constant 0 : i32
      %dma_wait3A_221 = tpu.memref_slice %arg2[%dma_wait3A_219, %dma_wait3A_220] : memref<16384x2048xf32, #tpu.memory_space<hbm>> -> memref<4x2048xf32, #tpu.memory_space<hbm>>
      tpu.wait_dma2 semaphore(%arg15 : memref<!tpu.dma_semaphore, #tpu.memory_space<semaphore_mem>>) src(%dma_wait3A_221 : memref<4x2048xf32, #tpu.memory_space<hbm>>) dst(%arg8 : memref<4x2048xf32, #tpu.memory_space<vmem>>)
      %scan3A_222 = arith.constant 0 : i32
      %scan3A_223 = arith.constant 0 : i32
      %scan3A_224 = arith.constant 16 : i32
      %scan3A_225 = arith.addi %scan3A_223, %scan3A_224 : i32
      %scan3A_226 = arith.constant 1 : i32
      scf.for %scan3A_409 = %scan3A_223 to %scan3A_225 step %scan3A_226  : i32 {
        %mul3A_410 = arith.constant 128 : i32
        %mul3A_411 = arith.muli %scan3A_409, %mul3A_410 : i32
        %add3A_412 = arith.constant 0 : i32
        %add3A_413 = arith.addi %mul3A_411, %add3A_412 : i32
        %get3A = arith.constant 0 : i32
        %get3A_414 = arith.index_cast %get3A : i32 to index
        %get3A_415 = arith.index_cast %add3A_413 : i32 to index
        %get3A_416 = tpu.vector_load %arg13[%get3A_414, %get3A_415] {strides = array<i32>} : memref<4x2048xf32, #tpu.memory_space<vmem>>, vector<1x16xf32>,
        %get3A_417 = vector.shape_cast %get3A_416 : vector<1x16xf32> to vector<16xf32>
        %swap3A = arith.constant 0 : i32
        %swap3A_418 = arith.index_cast %swap3A : i32 to index
        %swap3A_419 = arith.index_cast %add3A_413 : i32 to index
        %swap3A_420 = tpu.vector_load %arg8[%swap3A_418, %swap3A_419] {strides = array<i32>} : memref<4x2048xf32, #tpu.memory_space<vmem>>, vector<1x16xf32>,
        %swap3A_421 = vector.shape_cast %swap3A_420 : vector<1x16xf32> to vector<16xf32>
        %swap3A_422 = vector.shape_cast %get3A_417 : vector<16xf32> to vector<1x16xf32>
        tpu.vector_store %arg8[%swap3A_418, %swap3A_419], %swap3A_422 {add = true, strides = array<i32>} : memref<4x2048xf32, #tpu.memory_space<vmem>>, vector<1x16xf32>,
        %add3A_423 = arith.constant 16 : i32
        %add3A_424 = arith.addi %mul3A_411, %add3A_423 : i32
        %get3A_425 = arith.constant 0 : i32
        %get3A_426 = arith.index_cast %get3A_425 : i32 to index
        %get3A_427 = arith.index_cast %add3A_424 : i32 to index
        %get3A_428 = tpu.vector_load %arg13[%get3A_426, %get3A_427] {strides = array<i32>} : memref<4x2048xf32, #tpu.memory_space<vmem>>, vector<1x16xf32>,
        %get3A_429 = vector.shape_cast %get3A_428 : vector<1x16xf32> to vector<16xf32>
        %swap3A_430 = arith.constant 0 : i32
        %swap3A_431 = arith.index_cast %swap3A_430 : i32 to index
        %swap3A_432 = arith.index_cast %add3A_424 : i32 to index
        %swap3A_433 = tpu.vector_load %arg8[%swap3A_431, %swap3A_432] {strides = array<i32>} : memref<4x2048xf32, #tpu.memory_space<vmem>>, vector<1x16xf32>,
        %swap3A_434 = vector.shape_cast %swap3A_433 : vector<1x16xf32> to vector<16xf32>
        %swap3A_435 = vector.shape_cast %get3A_429 : vector<16xf32> to vector<1x16xf32>
        tpu.vector_store %arg8[%swap3A_431, %swap3A_432], %swap3A_435 {add = true, strides = array<i32>} : memref<4x2048xf32, #tpu.memory_space<vmem>>, vector<1x16xf32>,
        %add3A_436 = arith.constant 32 : i32
        %add3A_437 = arith.addi %mul3A_411, %add3A_436 : i32
        %get3A_438 = arith.constant 0 : i32
        %get3A_439 = arith.index_cast %get3A_438 : i32 to index
        %get3A_440 = arith.index_cast %add3A_437 : i32 to index
        %get3A_441 = tpu.vector_load %arg13[%get3A_439, %get3A_440] {strides = array<i32>} : memref<4x2048xf32, #tpu.memory_space<vmem>>, vector<1x16xf32>,
        %get3A_442 = vector.shape_cast %get3A_441 : vector<1x16xf32> to vector<16xf32>
        %swap3A_443 = arith.constant 0 : i32
        %swap3A_444 = arith.index_cast %swap3A_443 : i32 to index
        %swap3A_445 = arith.index_cast %add3A_437 : i32 to index
        %swap3A_446 = tpu.vector_load %arg8[%swap3A_444, %swap3A_445] {strides = array<i32>} : memref<4x2048xf32, #tpu.memory_space<vmem>>, vector<1x16xf32>,
        %swap3A_447 = vector.shape_cast %swap3A_446 : vector<1x16xf32> to vector<16xf32>
        %swap3A_448 = vector.shape_cast %get3A_442 : vector<16xf32> to vector<1x16xf32>
        tpu.vector_store %arg8[%swap3A_444, %swap3A_445], %swap3A_448 {add = true, strides = array<i32>} : memref<4x2048xf32, #tpu.memory_space<vmem>>, vector<1x16xf32>,
        %add3A_449 = arith.constant 48 : i32
        %add3A_450 = arith.addi %mul3A_411, %add3A_449 : i32
        %get3A_451 = arith.constant 0 : i32
        %get3A_452 = arith.index_cast %get3A_451 : i32 to index
        %get3A_453 = arith.index_cast %add3A_450 : i32 to index
        %get3A_454 = tpu.vector_load %arg13[%get3A_452, %get3A_453] {strides = array<i32>} : memref<4x2048xf32, #tpu.memory_space<vmem>>, vector<1x16xf32>,
        %get3A_455 = vector.shape_cast %get3A_454 : vector<1x16xf32> to vector<16xf32>
        %swap3A_456 = arith.constant 0 : i32
        %swap3A_457 = arith.index_cast %swap3A_456 : i32 to index
        %swap3A_458 = arith.index_cast %add3A_450 : i32 to index
        %swap3A_459 = tpu.vector_load %arg8[%swap3A_457, %swap3A_458] {strides = array<i32>} : memref<4x2048xf32, #tpu.memory_space<vmem>>, vector<1x16xf32>,
        %swap3A_460 = vector.shape_cast %swap3A_459 : vector<1x16xf32> to vector<16xf32>
        %swap3A_461 = vector.shape_cast %get3A_455 : vector<16xf32> to vector<1x16xf32>
        tpu.vector_store %arg8[%swap3A_457, %swap3A_458], %swap3A_461 {add = true, strides = array<i32>} : memref<4x2048xf32, #tpu.memory_space<vmem>>, vector<1x16xf32>,
        %add3A_462 = arith.constant 64 : i32
        %add3A_463 = arith.addi %mul3A_411, %add3A_462 : i32
        %get3A_464 = arith.constant 0 : i32
        %get3A_465 = arith.index_cast %get3A_464 : i32 to index
        %get3A_466 = arith.index_cast %add3A_463 : i32 to index
        %get3A_467 = tpu.vector_load %arg13[%get3A_465, %get3A_466] {strides = array<i32>} : memref<4x2048xf32, #tpu.memory_space<vmem>>, vector<1x16xf32>,
        %get3A_468 = vector.shape_cast %get3A_467 : vector<1x16xf32> to vector<16xf32>
        %swap3A_469 = arith.constant 0 : i32
        %swap3A_470 = arith.index_cast %swap3A_469 : i32 to index
        %swap3A_471 = arith.index_cast %add3A_463 : i32 to index
        %swap3A_472 = tpu.vector_load %arg8[%swap3A_470, %swap3A_471] {strides = array<i32>} : memref<4x2048xf32, #tpu.memory_space<vmem>>, vector<1x16xf32>,
        %swap3A_473 = vector.shape_cast %swap3A_472 : vector<1x16xf32> to vector<16xf32>
        %swap3A_474 = vector.shape_cast %get3A_468 : vector<16xf32> to vector<1x16xf32>
        tpu.vector_store %arg8[%swap3A_470, %swap3A_471], %swap3A_474 {add = true, strides = array<i32>} : memref<4x2048xf32, #tpu.memory_space<vmem>>, vector<1x16xf32>,
        %add3A_475 = arith.constant 80 : i32
        %add3A_476 = arith.addi %mul3A_411, %add3A_475 : i32
        %get3A_477 = arith.constant 0 : i32
        %get3A_478 = arith.index_cast %get3A_477 : i32 to index
        %get3A_479 = arith.index_cast %add3A_476 : i32 to index
        %get3A_480 = tpu.vector_load %arg13[%get3A_478, %get3A_479] {strides = array<i32>} : memref<4x2048xf32, #tpu.memory_space<vmem>>, vector<1x16xf32>,
        %get3A_481 = vector.shape_cast %get3A_480 : vector<1x16xf32> to vector<16xf32>
        %swap3A_482 = arith.constant 0 : i32
        %swap3A_483 = arith.index_cast %swap3A_482 : i32 to index
        %swap3A_484 = arith.index_cast %add3A_476 : i32 to index
        %swap3A_485 = tpu.vector_load %arg8[%swap3A_483, %swap3A_484] {strides = array<i32>} : memref<4x2048xf32, #tpu.memory_space<vmem>>, vector<1x16xf32>,
        %swap3A_486 = vector.shape_cast %swap3A_485 : vector<1x16xf32> to vector<16xf32>
        %swap3A_487 = vector.shape_cast %get3A_481 : vector<16xf32> to vector<1x16xf32>
        tpu.vector_store %arg8[%swap3A_483, %swap3A_484], %swap3A_487 {add = true, strides = array<i32>} : memref<4x2048xf32, #tpu.memory_space<vmem>>, vector<1x16xf32>,
        %add3A_488 = arith.constant 96 : i32
        %add3A_489 = arith.addi %mul3A_411, %add3A_488 : i32
        %get3A_490 = arith.constant 0 : i32
        %get3A_491 = arith.index_cast %get3A_490 : i32 to index
        %get3A_492 = arith.index_cast %add3A_489 : i32 to index
        %get3A_493 = tpu.vector_load %arg13[%get3A_491, %get3A_492] {strides = array<i32>} : memref<4x2048xf32, #tpu.memory_space<vmem>>, vector<1x16xf32>,
        %get3A_494 = vector.shape_cast %get3A_493 : vector<1x16xf32> to vector<16xf32>
        %swap3A_495 = arith.constant 0 : i32
        %swap3A_496 = arith.index_cast %swap3A_495 : i32 to index
        %swap3A_497 = arith.index_cast %add3A_489 : i32 to index
        %swap3A_498 = tpu.vector_load %arg8[%swap3A_496, %swap3A_497] {strides = array<i32>} : memref<4x2048xf32, #tpu.memory_space<vmem>>, vector<1x16xf32>,
        %swap3A_499 = vector.shape_cast %swap3A_498 : vector<1x16xf32> to vector<16xf32>
        %swap3A_500 = vector.shape_cast %get3A_494 : vector<16xf32> to vector<1x16xf32>
        tpu.vector_store %arg8[%swap3A_496, %swap3A_497], %swap3A_500 {add = true, strides = array<i32>} : memref<4x2048xf32, #tpu.memory_space<vmem>>, vector<1x16xf32>,
        %add3A_501 = arith.constant 112 : i32
        %add3A_502 = arith.addi %mul3A_411, %add3A_501 : i32
        %get3A_503 = arith.constant 0 : i32
        %get3A_504 = arith.index_cast %get3A_503 : i32 to index
        %get3A_505 = arith.index_cast %add3A_502 : i32 to index
        %get3A_506 = tpu.vector_load %arg13[%get3A_504, %get3A_505] {strides = array<i32>} : memref<4x2048xf32, #tpu.memory_space<vmem>>, vector<1x16xf32>,
        %get3A_507 = vector.shape_cast %get3A_506 : vector<1x16xf32> to vector<16xf32>
        %swap3A_508 = arith.constant 0 : i32
        %swap3A_509 = arith.index_cast %swap3A_508 : i32 to index
        %swap3A_510 = arith.index_cast %add3A_502 : i32 to index
        %swap3A_511 = tpu.vector_load %arg8[%swap3A_509, %swap3A_510] {strides = array<i32>} : memref<4x2048xf32, #tpu.memory_space<vmem>>, vector<1x16xf32>,
        %swap3A_512 = vector.shape_cast %swap3A_511 : vector<1x16xf32> to vector<16xf32>
        %swap3A_513 = vector.shape_cast %get3A_507 : vector<16xf32> to vector<1x16xf32>
        tpu.vector_store %arg8[%swap3A_509, %swap3A_510], %swap3A_513 {add = true, strides = array<i32>} : memref<4x2048xf32, #tpu.memory_space<vmem>>, vector<1x16xf32>,
        %add3A_514 = arith.constant 0 : i32
        %add3A_515 = arith.addi %mul3A_411, %add3A_514 : i32
        %get3A_516 = arith.constant 1 : i32
        %get3A_517 = arith.index_cast %get3A_516 : i32 to index
        %get3A_518 = arith.index_cast %add3A_515 : i32 to index
        %get3A_519 = tpu.vector_load %arg13[%get3A_517, %get3A_518] {strides = array<i32>} : memref<4x2048xf32, #tpu.memory_space<vmem>>, vector<1x16xf32>,
        %get3A_520 = vector.shape_cast %get3A_519 : vector<1x16xf32> to vector<16xf32>
        %swap3A_521 = arith.constant 1 : i32
        %swap3A_522 = arith.index_cast %swap3A_521 : i32 to index
        %swap3A_523 = arith.index_cast %add3A_515 : i32 to index
        %swap3A_524 = tpu.vector_load %arg8[%swap3A_522, %swap3A_523] {strides = array<i32>} : memref<4x2048xf32, #tpu.memory_space<vmem>>, vector<1x16xf32>,
        %swap3A_525 = vector.shape_cast %swap3A_524 : vector<1x16xf32> to vector<16xf32>
        %swap3A_526 = vector.shape_cast %get3A_520 : vector<16xf32> to vector<1x16xf32>
        tpu.vector_store %arg8[%swap3A_522, %swap3A_523], %swap3A_526 {add = true, strides = array<i32>} : memref<4x2048xf32, #tpu.memory_space<vmem>>, vector<1x16xf32>,
        %add3A_527 = arith.constant 16 : i32
        %add3A_528 = arith.addi %mul3A_411, %add3A_527 : i32
        %get3A_529 = arith.constant 1 : i32
        %get3A_530 = arith.index_cast %get3A_529 : i32 to index
        %get3A_531 = arith.index_cast %add3A_528 : i32 to index
        %get3A_532 = tpu.vector_load %arg13[%get3A_530, %get3A_531] {strides = array<i32>} : memref<4x2048xf32, #tpu.memory_space<vmem>>, vector<1x16xf32>,
        %get3A_533 = vector.shape_cast %get3A_532 : vector<1x16xf32> to vector<16xf32>
        %swap3A_534 = arith.constant 1 : i32
        %swap3A_535 = arith.index_cast %swap3A_534 : i32 to index
        %swap3A_536 = arith.index_cast %add3A_528 : i32 to index
        %swap3A_537 = tpu.vector_load %arg8[%swap3A_535, %swap3A_536] {strides = array<i32>} : memref<4x2048xf32, #tpu.memory_space<vmem>>, vector<1x16xf32>,
        %swap3A_538 = vector.shape_cast %swap3A_537 : vector<1x16xf32> to vector<16xf32>
        %swap3A_539 = vector.shape_cast %get3A_533 : vector<16xf32> to vector<1x16xf32>
        tpu.vector_store %arg8[%swap3A_535, %swap3A_536], %swap3A_539 {add = true, strides = array<i32>} : memref<4x2048xf32, #tpu.memory_space<vmem>>, vector<1x16xf32>,
        %add3A_540 = arith.constant 32 : i32
        %add3A_541 = arith.addi %mul3A_411, %add3A_540 : i32
        %get3A_542 = arith.constant 1 : i32
        %get3A_543 = arith.index_cast %get3A_542 : i32 to index
        %get3A_544 = arith.index_cast %add3A_541 : i32 to index
        %get3A_545 = tpu.vector_load %arg13[%get3A_543, %get3A_544] {strides = array<i32>} : memref<4x2048xf32, #tpu.memory_space<vmem>>, vector<1x16xf32>,
        %get3A_546 = vector.shape_cast %get3A_545 : vector<1x16xf32> to vector<16xf32>
        %swap3A_547 = arith.constant 1 : i32
        %swap3A_548 = arith.index_cast %swap3A_547 : i32 to index
        %swap3A_549 = arith.index_cast %add3A_541 : i32 to index
        %swap3A_550 = tpu.vector_load %arg8[%swap3A_548, %swap3A_549] {strides = array<i32>} : memref<4x2048xf32, #tpu.memory_space<vmem>>, vector<1x16xf32>,
        %swap3A_551 = vector.shape_cast %swap3A_550 : vector<1x16xf32> to vector<16xf32>
        %swap3A_552 = vector.shape_cast %get3A_546 : vector<16xf32> to vector<1x16xf32>
        tpu.vector_store %arg8[%swap3A_548, %swap3A_549], %swap3A_552 {add = true, strides = array<i32>} : memref<4x2048xf32, #tpu.memory_space<vmem>>, vector<1x16xf32>,
        %add3A_553 = arith.constant 48 : i32
        %add3A_554 = arith.addi %mul3A_411, %add3A_553 : i32
        %get3A_555 = arith.constant 1 : i32
        %get3A_556 = arith.index_cast %get3A_555 : i32 to index
        %get3A_557 = arith.index_cast %add3A_554 : i32 to index
        %get3A_558 = tpu.vector_load %arg13[%get3A_556, %get3A_557] {strides = array<i32>} : memref<4x2048xf32, #tpu.memory_space<vmem>>, vector<1x16xf32>,
        %get3A_559 = vector.shape_cast %get3A_558 : vector<1x16xf32> to vector<16xf32>
        %swap3A_560 = arith.constant 1 : i32
        %swap3A_561 = arith.index_cast %swap3A_560 : i32 to index
        %swap3A_562 = arith.index_cast %add3A_554 : i32 to index
        %swap3A_563 = tpu.vector_load %arg8[%swap3A_561, %swap3A_562] {strides = array<i32>} : memref<4x2048xf32, #tpu.memory_space<vmem>>, vector<1x16xf32>,
        %swap3A_564 = vector.shape_cast %swap3A_563 : vector<1x16xf32> to vector<16xf32>
        %swap3A_565 = vector.shape_cast %get3A_559 : vector<16xf32> to vector<1x16xf32>
        tpu.vector_store %arg8[%swap3A_561, %swap3A_562], %swap3A_565 {add = true, strides = array<i32>} : memref<4x2048xf32, #tpu.memory_space<vmem>>, vector<1x16xf32>,
        %add3A_566 = arith.constant 64 : i32
        %add3A_567 = arith.addi %mul3A_411, %add3A_566 : i32
        %get3A_568 = arith.constant 1 : i32
        %get3A_569 = arith.index_cast %get3A_568 : i32 to index
        %get3A_570 = arith.index_cast %add3A_567 : i32 to index
        %get3A_571 = tpu.vector_load %arg13[%get3A_569, %get3A_570] {strides = array<i32>} : memref<4x2048xf32, #tpu.memory_space<vmem>>, vector<1x16xf32>,
        %get3A_572 = vector.shape_cast %get3A_571 : vector<1x16xf32> to vector<16xf32>
        %swap3A_573 = arith.constant 1 : i32
        %swap3A_574 = arith.index_cast %swap3A_573 : i32 to index
        %swap3A_575 = arith.index_cast %add3A_567 : i32 to index
        %swap3A_576 = tpu.vector_load %arg8[%swap3A_574, %swap3A_575] {strides = array<i32>} : memref<4x2048xf32, #tpu.memory_space<vmem>>, vector<1x16xf32>,
        %swap3A_577 = vector.shape_cast %swap3A_576 : vector<1x16xf32> to vector<16xf32>
        %swap3A_578 = vector.shape_cast %get3A_572 : vector<16xf32> to vector<1x16xf32>
        tpu.vector_store %arg8[%swap3A_574, %swap3A_575], %swap3A_578 {add = true, strides = array<i32>} : memref<4x2048xf32, #tpu.memory_space<vmem>>, vector<1x16xf32>,
        %add3A_579 = arith.constant 80 : i32
        %add3A_580 = arith.addi %mul3A_411, %add3A_579 : i32
        %get3A_581 = arith.constant 1 : i32
        %get3A_582 = arith.index_cast %get3A_581 : i32 to index
        %get3A_583 = arith.index_cast %add3A_580 : i32 to index
        %get3A_584 = tpu.vector_load %arg13[%get3A_582, %get3A_583] {strides = array<i32>} : memref<4x2048xf32, #tpu.memory_space<vmem>>, vector<1x16xf32>,
        %get3A_585 = vector.shape_cast %get3A_584 : vector<1x16xf32> to vector<16xf32>
        %swap3A_586 = arith.constant 1 : i32
        %swap3A_587 = arith.index_cast %swap3A_586 : i32 to index
        %swap3A_588 = arith.index_cast %add3A_580 : i32 to index
        %swap3A_589 = tpu.vector_load %arg8[%swap3A_587, %swap3A_588] {strides = array<i32>} : memref<4x2048xf32, #tpu.memory_space<vmem>>, vector<1x16xf32>,
        %swap3A_590 = vector.shape_cast %swap3A_589 : vector<1x16xf32> to vector<16xf32>
        %swap3A_591 = vector.shape_cast %get3A_585 : vector<16xf32> to vector<1x16xf32>
        tpu.vector_store %arg8[%swap3A_587, %swap3A_588], %swap3A_591 {add = true, strides = array<i32>} : memref<4x2048xf32, #tpu.memory_space<vmem>>, vector<1x16xf32>,
        %add3A_592 = arith.constant 96 : i32
        %add3A_593 = arith.addi %mul3A_411, %add3A_592 : i32
        %get3A_594 = arith.constant 1 : i32
        %get3A_595 = arith.index_cast %get3A_594 : i32 to index
        %get3A_596 = arith.index_cast %add3A_593 : i32 to index
        %get3A_597 = tpu.vector_load %arg13[%get3A_595, %get3A_596] {strides = array<i32>} : memref<4x2048xf32, #tpu.memory_space<vmem>>, vector<1x16xf32>,
        %get3A_598 = vector.shape_cast %get3A_597 : vector<1x16xf32> to vector<16xf32>
        %swap3A_599 = arith.constant 1 : i32
        %swap3A_600 = arith.index_cast %swap3A_599 : i32 to index
        %swap3A_601 = arith.index_cast %add3A_593 : i32 to index
        %swap3A_602 = tpu.vector_load %arg8[%swap3A_600, %swap3A_601] {strides = array<i32>} : memref<4x2048xf32, #tpu.memory_space<vmem>>, vector<1x16xf32>,
        %swap3A_603 = vector.shape_cast %swap3A_602 : vector<1x16xf32> to vector<16xf32>
        %swap3A_604 = vector.shape_cast %get3A_598 : vector<16xf32> to vector<1x16xf32>
        tpu.vector_store %arg8[%swap3A_600, %swap3A_601], %swap3A_604 {add = true, strides = array<i32>} : memref<4x2048xf32, #tpu.memory_space<vmem>>, vector<1x16xf32>,
        %add3A_605 = arith.constant 112 : i32
        %add3A_606 = arith.addi %mul3A_411, %add3A_605 : i32
        %get3A_607 = arith.constant 1 : i32
        %get3A_608 = arith.index_cast %get3A_607 : i32 to index
        %get3A_609 = arith.index_cast %add3A_606 : i32 to index
        %get3A_610 = tpu.vector_load %arg13[%get3A_608, %get3A_609] {strides = array<i32>} : memref<4x2048xf32, #tpu.memory_space<vmem>>, vector<1x16xf32>,
        %get3A_611 = vector.shape_cast %get3A_610 : vector<1x16xf32> to vector<16xf32>
        %swap3A_612 = arith.constant 1 : i32
        %swap3A_613 = arith.index_cast %swap3A_612 : i32 to index
        %swap3A_614 = arith.index_cast %add3A_606 : i32 to index
        %swap3A_615 = tpu.vector_load %arg8[%swap3A_613, %swap3A_614] {strides = array<i32>} : memref<4x2048xf32, #tpu.memory_space<vmem>>, vector<1x16xf32>,
        %swap3A_616 = vector.shape_cast %swap3A_615 : vector<1x16xf32> to vector<16xf32>
        %swap3A_617 = vector.shape_cast %get3A_611 : vector<16xf32> to vector<1x16xf32>
        tpu.vector_store %arg8[%swap3A_613, %swap3A_614], %swap3A_617 {add = true, strides = array<i32>} : memref<4x2048xf32, #tpu.memory_space<vmem>>, vector<1x16xf32>,
        %add3A_618 = arith.constant 0 : i32
        %add3A_619 = arith.addi %mul3A_411, %add3A_618 : i32
        %get3A_620 = arith.constant 2 : i32
        %get3A_621 = arith.index_cast %get3A_620 : i32 to index
        %get3A_622 = arith.index_cast %add3A_619 : i32 to index
        %get3A_623 = tpu.vector_load %arg13[%get3A_621, %get3A_622] {strides = array<i32>} : memref<4x2048xf32, #tpu.memory_space<vmem>>, vector<1x16xf32>,
        %get3A_624 = vector.shape_cast %get3A_623 : vector<1x16xf32> to vector<16xf32>
        %swap3A_625 = arith.constant 2 : i32
        %swap3A_626 = arith.index_cast %swap3A_625 : i32 to index
        %swap3A_627 = arith.index_cast %add3A_619 : i32 to index
        %swap3A_628 = tpu.vector_load %arg8[%swap3A_626, %swap3A_627] {strides = array<i32>} : memref<4x2048xf32, #tpu.memory_space<vmem>>, vector<1x16xf32>,
        %swap3A_629 = vector.shape_cast %swap3A_628 : vector<1x16xf32> to vector<16xf32>
        %swap3A_630 = vector.shape_cast %get3A_624 : vector<16xf32> to vector<1x16xf32>
        tpu.vector_store %arg8[%swap3A_626, %swap3A_627], %swap3A_630 {add = true, strides = array<i32>} : memref<4x2048xf32, #tpu.memory_space<vmem>>, vector<1x16xf32>,
        %add3A_631 = arith.constant 16 : i32
        %add3A_632 = arith.addi %mul3A_411, %add3A_631 : i32
        %get3A_633 = arith.constant 2 : i32
        %get3A_634 = arith.index_cast %get3A_633 : i32 to index
        %get3A_635 = arith.index_cast %add3A_632 : i32 to index
        %get3A_636 = tpu.vector_load %arg13[%get3A_634, %get3A_635] {strides = array<i32>} : memref<4x2048xf32, #tpu.memory_space<vmem>>, vector<1x16xf32>,
        %get3A_637 = vector.shape_cast %get3A_636 : vector<1x16xf32> to vector<16xf32>
        %swap3A_638 = arith.constant 2 : i32
        %swap3A_639 = arith.index_cast %swap3A_638 : i32 to index
        %swap3A_640 = arith.index_cast %add3A_632 : i32 to index
        %swap3A_641 = tpu.vector_load %arg8[%swap3A_639, %swap3A_640] {strides = array<i32>} : memref<4x2048xf32, #tpu.memory_space<vmem>>, vector<1x16xf32>,
        %swap3A_642 = vector.shape_cast %swap3A_641 : vector<1x16xf32> to vector<16xf32>
        %swap3A_643 = vector.shape_cast %get3A_637 : vector<16xf32> to vector<1x16xf32>
        tpu.vector_store %arg8[%swap3A_639, %swap3A_640], %swap3A_643 {add = true, strides = array<i32>} : memref<4x2048xf32, #tpu.memory_space<vmem>>, vector<1x16xf32>,
        %add3A_644 = arith.constant 32 : i32
        %add3A_645 = arith.addi %mul3A_411, %add3A_644 : i32
        %get3A_646 = arith.constant 2 : i32
        %get3A_647 = arith.index_cast %get3A_646 : i32 to index
        %get3A_648 = arith.index_cast %add3A_645 : i32 to index
        %get3A_649 = tpu.vector_load %arg13[%get3A_647, %get3A_648] {strides = array<i32>} : memref<4x2048xf32, #tpu.memory_space<vmem>>, vector<1x16xf32>,
        %get3A_650 = vector.shape_cast %get3A_649 : vector<1x16xf32> to vector<16xf32>
        %swap3A_651 = arith.constant 2 : i32
        %swap3A_652 = arith.index_cast %swap3A_651 : i32 to index
        %swap3A_653 = arith.index_cast %add3A_645 : i32 to index
        %swap3A_654 = tpu.vector_load %arg8[%swap3A_652, %swap3A_653] {strides = array<i32>} : memref<4x2048xf32, #tpu.memory_space<vmem>>, vector<1x16xf32>,
        %swap3A_655 = vector.shape_cast %swap3A_654 : vector<1x16xf32> to vector<16xf32>
        %swap3A_656 = vector.shape_cast %get3A_650 : vector<16xf32> to vector<1x16xf32>
        tpu.vector_store %arg8[%swap3A_652, %swap3A_653], %swap3A_656 {add = true, strides = array<i32>} : memref<4x2048xf32, #tpu.memory_space<vmem>>, vector<1x16xf32>,
        %add3A_657 = arith.constant 48 : i32
        %add3A_658 = arith.addi %mul3A_411, %add3A_657 : i32
        %get3A_659 = arith.constant 2 : i32
        %get3A_660 = arith.index_cast %get3A_659 : i32 to index
        %get3A_661 = arith.index_cast %add3A_658 : i32 to index
        %get3A_662 = tpu.vector_load %arg13[%get3A_660, %get3A_661] {strides = array<i32>} : memref<4x2048xf32, #tpu.memory_space<vmem>>, vector<1x16xf32>,
        %get3A_663 = vector.shape_cast %get3A_662 : vector<1x16xf32> to vector<16xf32>
        %swap3A_664 = arith.constant 2 : i32
        %swap3A_665 = arith.index_cast %swap3A_664 : i32 to index
        %swap3A_666 = arith.index_cast %add3A_658 : i32 to index
        %swap3A_667 = tpu.vector_load %arg8[%swap3A_665, %swap3A_666] {strides = array<i32>} : memref<4x2048xf32, #tpu.memory_space<vmem>>, vector<1x16xf32>,
        %swap3A_668 = vector.shape_cast %swap3A_667 : vector<1x16xf32> to vector<16xf32>
        %swap3A_669 = vector.shape_cast %get3A_663 : vector<16xf32> to vector<1x16xf32>
        tpu.vector_store %arg8[%swap3A_665, %swap3A_666], %swap3A_669 {add = true, strides = array<i32>} : memref<4x2048xf32, #tpu.memory_space<vmem>>, vector<1x16xf32>,
        %add3A_670 = arith.constant 64 : i32
        %add3A_671 = arith.addi %mul3A_411, %add3A_670 : i32
        %get3A_672 = arith.constant 2 : i32
        %get3A_673 = arith.index_cast %get3A_672 : i32 to index
        %get3A_674 = arith.index_cast %add3A_671 : i32 to index
        %get3A_675 = tpu.vector_load %arg13[%get3A_673, %get3A_674] {strides = array<i32>} : memref<4x2048xf32, #tpu.memory_space<vmem>>, vector<1x16xf32>,
        %get3A_676 = vector.shape_cast %get3A_675 : vector<1x16xf32> to vector<16xf32>
        %swap3A_677 = arith.constant 2 : i32
        %swap3A_678 = arith.index_cast %swap3A_677 : i32 to index
        %swap3A_679 = arith.index_cast %add3A_671 : i32 to index
        %swap3A_680 = tpu.vector_load %arg8[%swap3A_678, %swap3A_679] {strides = array<i32>} : memref<4x2048xf32, #tpu.memory_space<vmem>>, vector<1x16xf32>,
        %swap3A_681 = vector.shape_cast %swap3A_680 : vector<1x16xf32> to vector<16xf32>
        %swap3A_682 = vector.shape_cast %get3A_676 : vector<16xf32> to vector<1x16xf32>
        tpu.vector_store %arg8[%swap3A_678, %swap3A_679], %swap3A_682 {add = true, strides = array<i32>} : memref<4x2048xf32, #tpu.memory_space<vmem>>, vector<1x16xf32>,
        %add3A_683 = arith.constant 80 : i32
        %add3A_684 = arith.addi %mul3A_411, %add3A_683 : i32
        %get3A_685 = arith.constant 2 : i32
        %get3A_686 = arith.index_cast %get3A_685 : i32 to index
        %get3A_687 = arith.index_cast %add3A_684 : i32 to index
        %get3A_688 = tpu.vector_load %arg13[%get3A_686, %get3A_687] {strides = array<i32>} : memref<4x2048xf32, #tpu.memory_space<vmem>>, vector<1x16xf32>,
        %get3A_689 = vector.shape_cast %get3A_688 : vector<1x16xf32> to vector<16xf32>
        %swap3A_690 = arith.constant 2 : i32
        %swap3A_691 = arith.index_cast %swap3A_690 : i32 to index
        %swap3A_692 = arith.index_cast %add3A_684 : i32 to index
        %swap3A_693 = tpu.vector_load %arg8[%swap3A_691, %swap3A_692] {strides = array<i32>} : memref<4x2048xf32, #tpu.memory_space<vmem>>, vector<1x16xf32>,
        %swap3A_694 = vector.shape_cast %swap3A_693 : vector<1x16xf32> to vector<16xf32>
        %swap3A_695 = vector.shape_cast %get3A_689 : vector<16xf32> to vector<1x16xf32>
        tpu.vector_store %arg8[%swap3A_691, %swap3A_692], %swap3A_695 {add = true, strides = array<i32>} : memref<4x2048xf32, #tpu.memory_space<vmem>>, vector<1x16xf32>,
        %add3A_696 = arith.constant 96 : i32
        %add3A_697 = arith.addi %mul3A_411, %add3A_696 : i32
        %get3A_698 = arith.constant 2 : i32
        %get3A_699 = arith.index_cast %get3A_698 : i32 to index
        %get3A_700 = arith.index_cast %add3A_697 : i32 to index
        %get3A_701 = tpu.vector_load %arg13[%get3A_699, %get3A_700] {strides = array<i32>} : memref<4x2048xf32, #tpu.memory_space<vmem>>, vector<1x16xf32>,
        %get3A_702 = vector.shape_cast %get3A_701 : vector<1x16xf32> to vector<16xf32>
        %swap3A_703 = arith.constant 2 : i32
        %swap3A_704 = arith.index_cast %swap3A_703 : i32 to index
        %swap3A_705 = arith.index_cast %add3A_697 : i32 to index
        %swap3A_706 = tpu.vector_load %arg8[%swap3A_704, %swap3A_705] {strides = array<i32>} : memref<4x2048xf32, #tpu.memory_space<vmem>>, vector<1x16xf32>,
        %swap3A_707 = vector.shape_cast %swap3A_706 : vector<1x16xf32> to vector<16xf32>
        %swap3A_708 = vector.shape_cast %get3A_702 : vector<16xf32> to vector<1x16xf32>
        tpu.vector_store %arg8[%swap3A_704, %swap3A_705], %swap3A_708 {add = true, strides = array<i32>} : memref<4x2048xf32, #tpu.memory_space<vmem>>, vector<1x16xf32>,
        %add3A_709 = arith.constant 112 : i32
        %add3A_710 = arith.addi %mul3A_411, %add3A_709 : i32
        %get3A_711 = arith.constant 2 : i32
        %get3A_712 = arith.index_cast %get3A_711 : i32 to index
        %get3A_713 = arith.index_cast %add3A_710 : i32 to index
        %get3A_714 = tpu.vector_load %arg13[%get3A_712, %get3A_713] {strides = array<i32>} : memref<4x2048xf32, #tpu.memory_space<vmem>>, vector<1x16xf32>,
        %get3A_715 = vector.shape_cast %get3A_714 : vector<1x16xf32> to vector<16xf32>
        %swap3A_716 = arith.constant 2 : i32
        %swap3A_717 = arith.index_cast %swap3A_716 : i32 to index
        %swap3A_718 = arith.index_cast %add3A_710 : i32 to index
        %swap3A_719 = tpu.vector_load %arg8[%swap3A_717, %swap3A_718] {strides = array<i32>} : memref<4x2048xf32, #tpu.memory_space<vmem>>, vector<1x16xf32>,
        %swap3A_720 = vector.shape_cast %swap3A_719 : vector<1x16xf32> to vector<16xf32>
        %swap3A_721 = vector.shape_cast %get3A_715 : vector<16xf32> to vector<1x16xf32>
        tpu.vector_store %arg8[%swap3A_717, %swap3A_718], %swap3A_721 {add = true, strides = array<i32>} : memref<4x2048xf32, #tpu.memory_space<vmem>>, vector<1x16xf32>,
        %add3A_722 = arith.constant 0 : i32
        %add3A_723 = arith.addi %mul3A_411, %add3A_722 : i32
        %get3A_724 = arith.constant 3 : i32
        %get3A_725 = arith.index_cast %get3A_724 : i32 to index
        %get3A_726 = arith.index_cast %add3A_723 : i32 to index
        %get3A_727 = tpu.vector_load %arg13[%get3A_725, %get3A_726] {strides = array<i32>} : memref<4x2048xf32, #tpu.memory_space<vmem>>, vector<1x16xf32>,
        %get3A_728 = vector.shape_cast %get3A_727 : vector<1x16xf32> to vector<16xf32>
        %swap3A_729 = arith.constant 3 : i32
        %swap3A_730 = arith.index_cast %swap3A_729 : i32 to index
        %swap3A_731 = arith.index_cast %add3A_723 : i32 to index
        %swap3A_732 = tpu.vector_load %arg8[%swap3A_730, %swap3A_731] {strides = array<i32>} : memref<4x2048xf32, #tpu.memory_space<vmem>>, vector<1x16xf32>,
        %swap3A_733 = vector.shape_cast %swap3A_732 : vector<1x16xf32> to vector<16xf32>
        %swap3A_734 = vector.shape_cast %get3A_728 : vector<16xf32> to vector<1x16xf32>
        tpu.vector_store %arg8[%swap3A_730, %swap3A_731], %swap3A_734 {add = true, strides = array<i32>} : memref<4x2048xf32, #tpu.memory_space<vmem>>, vector<1x16xf32>,
        %add3A_735 = arith.constant 16 : i32
        %add3A_736 = arith.addi %mul3A_411, %add3A_735 : i32
        %get3A_737 = arith.constant 3 : i32
        %get3A_738 = arith.index_cast %get3A_737 : i32 to index
        %get3A_739 = arith.index_cast %add3A_736 : i32 to index
        %get3A_740 = tpu.vector_load %arg13[%get3A_738, %get3A_739] {strides = array<i32>} : memref<4x2048xf32, #tpu.memory_space<vmem>>, vector<1x16xf32>,
        %get3A_741 = vector.shape_cast %get3A_740 : vector<1x16xf32> to vector<16xf32>
        %swap3A_742 = arith.constant 3 : i32
        %swap3A_743 = arith.index_cast %swap3A_742 : i32 to index
        %swap3A_744 = arith.index_cast %add3A_736 : i32 to index
        %swap3A_745 = tpu.vector_load %arg8[%swap3A_743, %swap3A_744] {strides = array<i32>} : memref<4x2048xf32, #tpu.memory_space<vmem>>, vector<1x16xf32>,
        %swap3A_746 = vector.shape_cast %swap3A_745 : vector<1x16xf32> to vector<16xf32>
        %swap3A_747 = vector.shape_cast %get3A_741 : vector<16xf32> to vector<1x16xf32>
        tpu.vector_store %arg8[%swap3A_743, %swap3A_744], %swap3A_747 {add = true, strides = array<i32>} : memref<4x2048xf32, #tpu.memory_space<vmem>>, vector<1x16xf32>,
        %add3A_748 = arith.constant 32 : i32
        %add3A_749 = arith.addi %mul3A_411, %add3A_748 : i32
        %get3A_750 = arith.constant 3 : i32
        %get3A_751 = arith.index_cast %get3A_750 : i32 to index
        %get3A_752 = arith.index_cast %add3A_749 : i32 to index
        %get3A_753 = tpu.vector_load %arg13[%get3A_751, %get3A_752] {strides = array<i32>} : memref<4x2048xf32, #tpu.memory_space<vmem>>, vector<1x16xf32>,
        %get3A_754 = vector.shape_cast %get3A_753 : vector<1x16xf32> to vector<16xf32>
        %swap3A_755 = arith.constant 3 : i32
        %swap3A_756 = arith.index_cast %swap3A_755 : i32 to index
        %swap3A_757 = arith.index_cast %add3A_749 : i32 to index
        %swap3A_758 = tpu.vector_load %arg8[%swap3A_756, %swap3A_757] {strides = array<i32>} : memref<4x2048xf32, #tpu.memory_space<vmem>>, vector<1x16xf32>,
        %swap3A_759 = vector.shape_cast %swap3A_758 : vector<1x16xf32> to vector<16xf32>
        %swap3A_760 = vector.shape_cast %get3A_754 : vector<16xf32> to vector<1x16xf32>
        tpu.vector_store %arg8[%swap3A_756, %swap3A_757], %swap3A_760 {add = true, strides = array<i32>} : memref<4x2048xf32, #tpu.memory_space<vmem>>, vector<1x16xf32>,
        %add3A_761 = arith.constant 48 : i32
        %add3A_762 = arith.addi %mul3A_411, %add3A_761 : i32
        %get3A_763 = arith.constant 3 : i32
        %get3A_764 = arith.index_cast %get3A_763 : i32 to index
        %get3A_765 = arith.index_cast %add3A_762 : i32 to index
        %get3A_766 = tpu.vector_load %arg13[%get3A_764, %get3A_765] {strides = array<i32>} : memref<4x2048xf32, #tpu.memory_space<vmem>>, vector<1x16xf32>,
        %get3A_767 = vector.shape_cast %get3A_766 : vector<1x16xf32> to vector<16xf32>
        %swap3A_768 = arith.constant 3 : i32
        %swap3A_769 = arith.index_cast %swap3A_768 : i32 to index
        %swap3A_770 = arith.index_cast %add3A_762 : i32 to index
        %swap3A_771 = tpu.vector_load %arg8[%swap3A_769, %swap3A_770] {strides = array<i32>} : memref<4x2048xf32, #tpu.memory_space<vmem>>, vector<1x16xf32>,
        %swap3A_772 = vector.shape_cast %swap3A_771 : vector<1x16xf32> to vector<16xf32>
        %swap3A_773 = vector.shape_cast %get3A_767 : vector<16xf32> to vector<1x16xf32>
        tpu.vector_store %arg8[%swap3A_769, %swap3A_770], %swap3A_773 {add = true, strides = array<i32>} : memref<4x2048xf32, #tpu.memory_space<vmem>>, vector<1x16xf32>,
        %add3A_774 = arith.constant 64 : i32
        %add3A_775 = arith.addi %mul3A_411, %add3A_774 : i32
        %get3A_776 = arith.constant 3 : i32
        %get3A_777 = arith.index_cast %get3A_776 : i32 to index
        %get3A_778 = arith.index_cast %add3A_775 : i32 to index
        %get3A_779 = tpu.vector_load %arg13[%get3A_777, %get3A_778] {strides = array<i32>} : memref<4x2048xf32, #tpu.memory_space<vmem>>, vector<1x16xf32>,
        %get3A_780 = vector.shape_cast %get3A_779 : vector<1x16xf32> to vector<16xf32>
        %swap3A_781 = arith.constant 3 : i32
        %swap3A_782 = arith.index_cast %swap3A_781 : i32 to index
        %swap3A_783 = arith.index_cast %add3A_775 : i32 to index
        %swap3A_784 = tpu.vector_load %arg8[%swap3A_782, %swap3A_783] {strides = array<i32>} : memref<4x2048xf32, #tpu.memory_space<vmem>>, vector<1x16xf32>,
        %swap3A_785 = vector.shape_cast %swap3A_784 : vector<1x16xf32> to vector<16xf32>
        %swap3A_786 = vector.shape_cast %get3A_780 : vector<16xf32> to vector<1x16xf32>
        tpu.vector_store %arg8[%swap3A_782, %swap3A_783], %swap3A_786 {add = true, strides = array<i32>} : memref<4x2048xf32, #tpu.memory_space<vmem>>, vector<1x16xf32>,
        %add3A_787 = arith.constant 80 : i32
        %add3A_788 = arith.addi %mul3A_411, %add3A_787 : i32
        %get3A_789 = arith.constant 3 : i32
        %get3A_790 = arith.index_cast %get3A_789 : i32 to index
        %get3A_791 = arith.index_cast %add3A_788 : i32 to index
        %get3A_792 = tpu.vector_load %arg13[%get3A_790, %get3A_791] {strides = array<i32>} : memref<4x2048xf32, #tpu.memory_space<vmem>>, vector<1x16xf32>,
        %get3A_793 = vector.shape_cast %get3A_792 : vector<1x16xf32> to vector<16xf32>
        %swap3A_794 = arith.constant 3 : i32
        %swap3A_795 = arith.index_cast %swap3A_794 : i32 to index
        %swap3A_796 = arith.index_cast %add3A_788 : i32 to index
        %swap3A_797 = tpu.vector_load %arg8[%swap3A_795, %swap3A_796] {strides = array<i32>} : memref<4x2048xf32, #tpu.memory_space<vmem>>, vector<1x16xf32>,
        %swap3A_798 = vector.shape_cast %swap3A_797 : vector<1x16xf32> to vector<16xf32>
        %swap3A_799 = vector.shape_cast %get3A_793 : vector<16xf32> to vector<1x16xf32>
        tpu.vector_store %arg8[%swap3A_795, %swap3A_796], %swap3A_799 {add = true, strides = array<i32>} : memref<4x2048xf32, #tpu.memory_space<vmem>>, vector<1x16xf32>,
        %add3A_800 = arith.constant 96 : i32
        %add3A_801 = arith.addi %mul3A_411, %add3A_800 : i32
        %get3A_802 = arith.constant 3 : i32
        %get3A_803 = arith.index_cast %get3A_802 : i32 to index
        %get3A_804 = arith.index_cast %add3A_801 : i32 to index
        %get3A_805 = tpu.vector_load %arg13[%get3A_803, %get3A_804] {strides = array<i32>} : memref<4x2048xf32, #tpu.memory_space<vmem>>, vector<1x16xf32>,
        %get3A_806 = vector.shape_cast %get3A_805 : vector<1x16xf32> to vector<16xf32>
        %swap3A_807 = arith.constant 3 : i32
        %swap3A_808 = arith.index_cast %swap3A_807 : i32 to index
        %swap3A_809 = arith.index_cast %add3A_801 : i32 to index
        %swap3A_810 = tpu.vector_load %arg8[%swap3A_808, %swap3A_809] {strides = array<i32>} : memref<4x2048xf32, #tpu.memory_space<vmem>>, vector<1x16xf32>,
        %swap3A_811 = vector.shape_cast %swap3A_810 : vector<1x16xf32> to vector<16xf32>
        %swap3A_812 = vector.shape_cast %get3A_806 : vector<16xf32> to vector<1x16xf32>
        tpu.vector_store %arg8[%swap3A_808, %swap3A_809], %swap3A_812 {add = true, strides = array<i32>} : memref<4x2048xf32, #tpu.memory_space<vmem>>, vector<1x16xf32>,
        %add3A_813 = arith.constant 112 : i32
        %add3A_814 = arith.addi %mul3A_411, %add3A_813 : i32
        %get3A_815 = arith.constant 3 : i32
        %get3A_816 = arith.index_cast %get3A_815 : i32 to index
        %get3A_817 = arith.index_cast %add3A_814 : i32 to index
        %get3A_818 = tpu.vector_load %arg13[%get3A_816, %get3A_817] {strides = array<i32>} : memref<4x2048xf32, #tpu.memory_space<vmem>>, vector<1x16xf32>,
        %get3A_819 = vector.shape_cast %get3A_818 : vector<1x16xf32> to vector<16xf32>
        %swap3A_820 = arith.constant 3 : i32
        %swap3A_821 = arith.index_cast %swap3A_820 : i32 to index
        %swap3A_822 = arith.index_cast %add3A_814 : i32 to index
        %swap3A_823 = tpu.vector_load %arg8[%swap3A_821, %swap3A_822] {strides = array<i32>} : memref<4x2048xf32, #tpu.memory_space<vmem>>, vector<1x16xf32>,
        %swap3A_824 = vector.shape_cast %swap3A_823 : vector<1x16xf32> to vector<16xf32>
        %swap3A_825 = vector.shape_cast %get3A_819 : vector<16xf32> to vector<1x16xf32>
        tpu.vector_store %arg8[%swap3A_821, %swap3A_822], %swap3A_825 {add = true, strides = array<i32>} : memref<4x2048xf32, #tpu.memory_space<vmem>>, vector<1x16xf32>,
      }
      %scan3A_227 = arith.constant 16 : i32
      %add3A_228 = arith.constant 12288 : i32
      %add3A_229 = arith.addi %add3A_228, %mul3A_2 : i32
      %mul3A_230 = arith.constant 4 : i32
      %mul3A_231 = arith.muli %add3A_215, %mul3A_230 : i32
      %add3A_232 = arith.addi %add3A_229, %mul3A_231 : i32
      %dma_start3A_233 = arith.constant 0 : i32
      %dma_start3A_234 = tpu.memref_slice %arg4[%add3A_232, %dma_start3A_233] : memref<16384x2048xf32, #tpu.memory_space<hbm>> -> memref<4x2048xf32, #tpu.memory_space<hbm>>
      %dma_start3A_235 = arith.constant 0 : i32
      %dma_start3A_236 = tpu.memref_slice %arg4[%add3A_232, %dma_start3A_235] : memref<16384x2048xf32, #tpu.memory_space<hbm>> -> memref<4x2048xf32, #tpu.memory_space<hbm>>
      tpu.enqueue_dma source(%arg8 : memref<4x2048xf32, #tpu.memory_space<vmem>>) target(%dma_start3A_236 : memref<4x2048xf32, #tpu.memory_space<hbm>>) target_semaphore(%arg17 : memref<!tpu.dma_semaphore, #tpu.memory_space<semaphore_mem>>)
      %ge3A_237 = arith.constant 1 : i32
      %ge3A_238 = arith.cmpi sge, %scan3A_68, %ge3A_237 : i32
      %convert_element_type3A_239 = arith.extui %ge3A_238 : i1 to i32
      %cond3A_240 = arith.constant 0 : i32
      %cond3A_241 = arith.cmpi ne, %convert_element_type3A_239, %cond3A_240 : i32
      scf.if %cond3A_241 {
        %dma_wait3A_409 = arith.constant 0 : i32
        %dma_wait3A_410 = arith.constant 0 : i32
        %dma_wait3A_411 = tpu.memref_slice %arg4[%dma_wait3A_409, %dma_wait3A_410] : memref<16384x2048xf32, #tpu.memory_space<hbm>> -> memref<4x2048xf32, #tpu.memory_space<hbm>>
        %dma_wait3A_412 = arith.constant 0 : i32
        %dma_wait3A_413 = arith.constant 0 : i32
        %dma_wait3A_414 = tpu.memref_slice %arg4[%dma_wait3A_412, %dma_wait3A_413] : memref<16384x2048xf32, #tpu.memory_space<hbm>> -> memref<4x2048xf32, #tpu.memory_space<hbm>>
        tpu.wait_dma2 semaphore(%arg17 : memref<!tpu.dma_semaphore, #tpu.memory_space<semaphore_mem>>) src(%arg12 : memref<4x2048xf32, #tpu.memory_space<vmem>>) dst(%dma_wait3A_414 : memref<4x2048xf32, #tpu.memory_space<hbm>>)
      } else {
      }
      %mul3A_242 = arith.constant 2 : i32
      %mul3A_243 = arith.muli %mul3A_242, %scan3A_68 : i32
      %add3A_244 = arith.constant 1 : i32
      %add3A_245 = arith.addi %mul3A_243, %add3A_244 : i32
      %add3A_246 = arith.constant 12288 : i32
      %add3A_247 = arith.addi %add3A_246, %mul3A_2 : i32
      %mul3A_248 = arith.constant 4 : i32
      %mul3A_249 = arith.muli %add3A_245, %mul3A_248 : i32
      %add3A_250 = arith.addi %add3A_247, %mul3A_249 : i32
      %dma_start3A_251 = arith.constant 0 : i32
      %dma_start3A_252 = tpu.memref_slice %arg2[%add3A_250, %dma_start3A_251] : memref<16384x2048xf32, #tpu.memory_space<hbm>> -> memref<4x2048xf32, #tpu.memory_space<hbm>>
      %dma_start3A_253 = arith.constant 0 : i32
      %dma_start3A_254 = tpu.memref_slice %arg2[%add3A_250, %dma_start3A_253] : memref<16384x2048xf32, #tpu.memory_space<hbm>> -> memref<4x2048xf32, #tpu.memory_space<hbm>>
      tpu.enqueue_dma source(%dma_start3A_254 : memref<4x2048xf32, #tpu.memory_space<hbm>>) target(%arg12 : memref<4x2048xf32, #tpu.memory_space<vmem>>) target_semaphore(%arg15 : memref<!tpu.dma_semaphore, #tpu.memory_space<semaphore_mem>>)
      %mul3A_255 = arith.constant 2 : i32
      %mul3A_256 = arith.muli %mul3A_255, %scan3A_68 : i32
      %add3A_257 = arith.constant 1 : i32
      %add3A_258 = arith.addi %mul3A_256, %add3A_257 : i32
      %dma_wait3A_259 = arith.constant 0 : i32
      %dma_wait3A_260 = arith.constant 0 : i32
      %dma_wait3A_261 = tpu.memref_slice %arg2[%dma_wait3A_259, %dma_wait3A_260] : memref<16384x2048xf32, #tpu.memory_space<hbm>> -> memref<4x2048xf32, #tpu.memory_space<hbm>>
      %dma_wait3A_262 = arith.constant 0 : i32
      %dma_wait3A_263 = arith.constant 0 : i32
      %dma_wait3A_264 = tpu.memref_slice %arg2[%dma_wait3A_262, %dma_wait3A_263] : memref<16384x2048xf32, #tpu.memory_space<hbm>> -> memref<4x2048xf32, #tpu.memory_space<hbm>>
      tpu.wait_dma2 semaphore(%arg15 : memref<!tpu.dma_semaphore, #tpu.memory_space<semaphore_mem>>) src(%dma_wait3A_264 : memref<4x2048xf32, #tpu.memory_space<hbm>>) dst(%arg9 : memref<4x2048xf32, #tpu.memory_space<vmem>>)
      %dma_wait3A_265 = arith.constant 0 : i32
      %dma_wait3A_266 = arith.constant 0 : i32
      %dma_wait3A_267 = tpu.memref_slice %arg3[%dma_wait3A_265, %dma_wait3A_266] : memref<8192x2048xf32, #tpu.memory_space<hbm>> -> memref<4x2048xf32, #tpu.memory_space<hbm>>
      %dma_wait3A_268 = arith.constant 0 : i32
      %dma_wait3A_269 = arith.constant 0 : i32
      %dma_wait3A_270 = tpu.memref_slice %arg3[%dma_wait3A_268, %dma_wait3A_269] : memref<8192x2048xf32, #tpu.memory_space<hbm>> -> memref<4x2048xf32, #tpu.memory_space<hbm>>
      tpu.wait_dma2 semaphore(%arg16 : memref<!tpu.dma_semaphore, #tpu.memory_space<semaphore_mem>>) src(%dma_wait3A_270 : memref<4x2048xf32, #tpu.memory_space<hbm>>) dst(%arg14 : memref<4x2048xf32, #tpu.memory_space<vmem>>)
      %lt3A = arith.constant 15 : i32
      %lt3A_271 = arith.cmpi slt, %scan3A_68, %lt3A : i32
      %convert_element_type3A_272 = arith.extui %lt3A_271 : i1 to i32
      %cond3A_273 = arith.constant 0 : i32
      %cond3A_274 = arith.cmpi ne, %convert_element_type3A_272, %cond3A_273 : i32
      scf.if %cond3A_274 {
        %mul3A_409 = arith.constant 2 : i32
        %mul3A_410 = arith.muli %mul3A_409, %scan3A_68 : i32
        %add3A_411 = arith.constant 2 : i32
        %add3A_412 = arith.addi %mul3A_410, %add3A_411 : i32
        %mul3A_413 = arith.constant 4 : i32
        %mul3A_414 = arith.muli %add3A_412, %mul3A_413 : i32
        %add3A_415 = arith.addi %mul3A_2, %mul3A_414 : i32
        %dma_start3A_416 = arith.constant 0 : i32
        %dma_start3A_417 = tpu.memref_slice %arg3[%add3A_415, %dma_start3A_416] : memref<8192x2048xf32, #tpu.memory_space<hbm>> -> memref<4x2048xf32, #tpu.memory_space<hbm>>
        %dma_start3A_418 = arith.constant 0 : i32
        %dma_start3A_419 = tpu.memref_slice %arg3[%add3A_415, %dma_start3A_418] : memref<8192x2048xf32, #tpu.memory_space<hbm>> -> memref<4x2048xf32, #tpu.memory_space<hbm>>
        tpu.enqueue_dma source(%dma_start3A_419 : memref<4x2048xf32, #tpu.memory_space<hbm>>) target(%arg13 : memref<4x2048xf32, #tpu.memory_space<vmem>>) target_semaphore(%arg16 : memref<!tpu.dma_semaphore, #tpu.memory_space<semaphore_mem>>)
      } else {
      }
      %scan3A_275 = arith.constant 0 : i32
      %scan3A_276 = arith.constant 0 : i32
      %scan3A_277 = arith.constant 16 : i32
      %scan3A_278 = arith.addi %scan3A_276, %scan3A_277 : i32
      %scan3A_279 = arith.constant 1 : i32
      scf.for %scan3A_409 = %scan3A_276 to %scan3A_278 step %scan3A_279  : i32 {
        %mul3A_410 = arith.constant 128 : i32
        %mul3A_411 = arith.muli %scan3A_409, %mul3A_410 : i32
        %add3A_412 = arith.constant 0 : i32
        %add3A_413 = arith.addi %mul3A_411, %add3A_412 : i32
        %get3A = arith.constant 0 : i32
        %get3A_414 = arith.index_cast %get3A : i32 to index
        %get3A_415 = arith.index_cast %add3A_413 : i32 to index
        %get3A_416 = tpu.vector_load %arg14[%get3A_414, %get3A_415] {strides = array<i32>} : memref<4x2048xf32, #tpu.memory_space<vmem>>, vector<1x16xf32>,
        %get3A_417 = vector.shape_cast %get3A_416 : vector<1x16xf32> to vector<16xf32>
        %swap3A = arith.constant 0 : i32
        %swap3A_418 = arith.index_cast %swap3A : i32 to index
        %swap3A_419 = arith.index_cast %add3A_413 : i32 to index
        %swap3A_420 = tpu.vector_load %arg9[%swap3A_418, %swap3A_419] {strides = array<i32>} : memref<4x2048xf32, #tpu.memory_space<vmem>>, vector<1x16xf32>,
        %swap3A_421 = vector.shape_cast %swap3A_420 : vector<1x16xf32> to vector<16xf32>
        %swap3A_422 = vector.shape_cast %get3A_417 : vector<16xf32> to vector<1x16xf32>
        tpu.vector_store %arg9[%swap3A_418, %swap3A_419], %swap3A_422 {add = true, strides = array<i32>} : memref<4x2048xf32, #tpu.memory_space<vmem>>, vector<1x16xf32>,
        %add3A_423 = arith.constant 16 : i32
        %add3A_424 = arith.addi %mul3A_411, %add3A_423 : i32
        %get3A_425 = arith.constant 0 : i32
        %get3A_426 = arith.index_cast %get3A_425 : i32 to index
        %get3A_427 = arith.index_cast %add3A_424 : i32 to index
        %get3A_428 = tpu.vector_load %arg14[%get3A_426, %get3A_427] {strides = array<i32>} : memref<4x2048xf32, #tpu.memory_space<vmem>>, vector<1x16xf32>,
        %get3A_429 = vector.shape_cast %get3A_428 : vector<1x16xf32> to vector<16xf32>
        %swap3A_430 = arith.constant 0 : i32
        %swap3A_431 = arith.index_cast %swap3A_430 : i32 to index
        %swap3A_432 = arith.index_cast %add3A_424 : i32 to index
        %swap3A_433 = tpu.vector_load %arg9[%swap3A_431, %swap3A_432] {strides = array<i32>} : memref<4x2048xf32, #tpu.memory_space<vmem>>, vector<1x16xf32>,
        %swap3A_434 = vector.shape_cast %swap3A_433 : vector<1x16xf32> to vector<16xf32>
        %swap3A_435 = vector.shape_cast %get3A_429 : vector<16xf32> to vector<1x16xf32>
        tpu.vector_store %arg9[%swap3A_431, %swap3A_432], %swap3A_435 {add = true, strides = array<i32>} : memref<4x2048xf32, #tpu.memory_space<vmem>>, vector<1x16xf32>,
        %add3A_436 = arith.constant 32 : i32
        %add3A_437 = arith.addi %mul3A_411, %add3A_436 : i32
        %get3A_438 = arith.constant 0 : i32
        %get3A_439 = arith.index_cast %get3A_438 : i32 to index
        %get3A_440 = arith.index_cast %add3A_437 : i32 to index
        %get3A_441 = tpu.vector_load %arg14[%get3A_439, %get3A_440] {strides = array<i32>} : memref<4x2048xf32, #tpu.memory_space<vmem>>, vector<1x16xf32>,
        %get3A_442 = vector.shape_cast %get3A_441 : vector<1x16xf32> to vector<16xf32>
        %swap3A_443 = arith.constant 0 : i32
        %swap3A_444 = arith.index_cast %swap3A_443 : i32 to index
        %swap3A_445 = arith.index_cast %add3A_437 : i32 to index
        %swap3A_446 = tpu.vector_load %arg9[%swap3A_444, %swap3A_445] {strides = array<i32>} : memref<4x2048xf32, #tpu.memory_space<vmem>>, vector<1x16xf32>,
        %swap3A_447 = vector.shape_cast %swap3A_446 : vector<1x16xf32> to vector<16xf32>
        %swap3A_448 = vector.shape_cast %get3A_442 : vector<16xf32> to vector<1x16xf32>
        tpu.vector_store %arg9[%swap3A_444, %swap3A_445], %swap3A_448 {add = true, strides = array<i32>} : memref<4x2048xf32, #tpu.memory_space<vmem>>, vector<1x16xf32>,
        %add3A_449 = arith.constant 48 : i32
        %add3A_450 = arith.addi %mul3A_411, %add3A_449 : i32
        %get3A_451 = arith.constant 0 : i32
        %get3A_452 = arith.index_cast %get3A_451 : i32 to index
        %get3A_453 = arith.index_cast %add3A_450 : i32 to index
        %get3A_454 = tpu.vector_load %arg14[%get3A_452, %get3A_453] {strides = array<i32>} : memref<4x2048xf32, #tpu.memory_space<vmem>>, vector<1x16xf32>,
        %get3A_455 = vector.shape_cast %get3A_454 : vector<1x16xf32> to vector<16xf32>
        %swap3A_456 = arith.constant 0 : i32
        %swap3A_457 = arith.index_cast %swap3A_456 : i32 to index
        %swap3A_458 = arith.index_cast %add3A_450 : i32 to index
        %swap3A_459 = tpu.vector_load %arg9[%swap3A_457, %swap3A_458] {strides = array<i32>} : memref<4x2048xf32, #tpu.memory_space<vmem>>, vector<1x16xf32>,
        %swap3A_460 = vector.shape_cast %swap3A_459 : vector<1x16xf32> to vector<16xf32>
        %swap3A_461 = vector.shape_cast %get3A_455 : vector<16xf32> to vector<1x16xf32>
        tpu.vector_store %arg9[%swap3A_457, %swap3A_458], %swap3A_461 {add = true, strides = array<i32>} : memref<4x2048xf32, #tpu.memory_space<vmem>>, vector<1x16xf32>,
        %add3A_462 = arith.constant 64 : i32
        %add3A_463 = arith.addi %mul3A_411, %add3A_462 : i32
        %get3A_464 = arith.constant 0 : i32
        %get3A_465 = arith.index_cast %get3A_464 : i32 to index
        %get3A_466 = arith.index_cast %add3A_463 : i32 to index
        %get3A_467 = tpu.vector_load %arg14[%get3A_465, %get3A_466] {strides = array<i32>} : memref<4x2048xf32, #tpu.memory_space<vmem>>, vector<1x16xf32>,
        %get3A_468 = vector.shape_cast %get3A_467 : vector<1x16xf32> to vector<16xf32>
        %swap3A_469 = arith.constant 0 : i32
        %swap3A_470 = arith.index_cast %swap3A_469 : i32 to index
        %swap3A_471 = arith.index_cast %add3A_463 : i32 to index
        %swap3A_472 = tpu.vector_load %arg9[%swap3A_470, %swap3A_471] {strides = array<i32>} : memref<4x2048xf32, #tpu.memory_space<vmem>>, vector<1x16xf32>,
        %swap3A_473 = vector.shape_cast %swap3A_472 : vector<1x16xf32> to vector<16xf32>
        %swap3A_474 = vector.shape_cast %get3A_468 : vector<16xf32> to vector<1x16xf32>
        tpu.vector_store %arg9[%swap3A_470, %swap3A_471], %swap3A_474 {add = true, strides = array<i32>} : memref<4x2048xf32, #tpu.memory_space<vmem>>, vector<1x16xf32>,
        %add3A_475 = arith.constant 80 : i32
        %add3A_476 = arith.addi %mul3A_411, %add3A_475 : i32
        %get3A_477 = arith.constant 0 : i32
        %get3A_478 = arith.index_cast %get3A_477 : i32 to index
        %get3A_479 = arith.index_cast %add3A_476 : i32 to index
        %get3A_480 = tpu.vector_load %arg14[%get3A_478, %get3A_479] {strides = array<i32>} : memref<4x2048xf32, #tpu.memory_space<vmem>>, vector<1x16xf32>,
        %get3A_481 = vector.shape_cast %get3A_480 : vector<1x16xf32> to vector<16xf32>
        %swap3A_482 = arith.constant 0 : i32
        %swap3A_483 = arith.index_cast %swap3A_482 : i32 to index
        %swap3A_484 = arith.index_cast %add3A_476 : i32 to index
        %swap3A_485 = tpu.vector_load %arg9[%swap3A_483, %swap3A_484] {strides = array<i32>} : memref<4x2048xf32, #tpu.memory_space<vmem>>, vector<1x16xf32>,
        %swap3A_486 = vector.shape_cast %swap3A_485 : vector<1x16xf32> to vector<16xf32>
        %swap3A_487 = vector.shape_cast %get3A_481 : vector<16xf32> to vector<1x16xf32>
        tpu.vector_store %arg9[%swap3A_483, %swap3A_484], %swap3A_487 {add = true, strides = array<i32>} : memref<4x2048xf32, #tpu.memory_space<vmem>>, vector<1x16xf32>,
        %add3A_488 = arith.constant 96 : i32
        %add3A_489 = arith.addi %mul3A_411, %add3A_488 : i32
        %get3A_490 = arith.constant 0 : i32
        %get3A_491 = arith.index_cast %get3A_490 : i32 to index
        %get3A_492 = arith.index_cast %add3A_489 : i32 to index
        %get3A_493 = tpu.vector_load %arg14[%get3A_491, %get3A_492] {strides = array<i32>} : memref<4x2048xf32, #tpu.memory_space<vmem>>, vector<1x16xf32>,
        %get3A_494 = vector.shape_cast %get3A_493 : vector<1x16xf32> to vector<16xf32>
        %swap3A_495 = arith.constant 0 : i32
        %swap3A_496 = arith.index_cast %swap3A_495 : i32 to index
        %swap3A_497 = arith.index_cast %add3A_489 : i32 to index
        %swap3A_498 = tpu.vector_load %arg9[%swap3A_496, %swap3A_497] {strides = array<i32>} : memref<4x2048xf32, #tpu.memory_space<vmem>>, vector<1x16xf32>,
        %swap3A_499 = vector.shape_cast %swap3A_498 : vector<1x16xf32> to vector<16xf32>
        %swap3A_500 = vector.shape_cast %get3A_494 : vector<16xf32> to vector<1x16xf32>
        tpu.vector_store %arg9[%swap3A_496, %swap3A_497], %swap3A_500 {add = true, strides = array<i32>} : memref<4x2048xf32, #tpu.memory_space<vmem>>, vector<1x16xf32>,
        %add3A_501 = arith.constant 112 : i32
        %add3A_502 = arith.addi %mul3A_411, %add3A_501 : i32
        %get3A_503 = arith.constant 0 : i32
        %get3A_504 = arith.index_cast %get3A_503 : i32 to index
        %get3A_505 = arith.index_cast %add3A_502 : i32 to index
        %get3A_506 = tpu.vector_load %arg14[%get3A_504, %get3A_505] {strides = array<i32>} : memref<4x2048xf32, #tpu.memory_space<vmem>>, vector<1x16xf32>,
        %get3A_507 = vector.shape_cast %get3A_506 : vector<1x16xf32> to vector<16xf32>
        %swap3A_508 = arith.constant 0 : i32
        %swap3A_509 = arith.index_cast %swap3A_508 : i32 to index
        %swap3A_510 = arith.index_cast %add3A_502 : i32 to index
        %swap3A_511 = tpu.vector_load %arg9[%swap3A_509, %swap3A_510] {strides = array<i32>} : memref<4x2048xf32, #tpu.memory_space<vmem>>, vector<1x16xf32>,
        %swap3A_512 = vector.shape_cast %swap3A_511 : vector<1x16xf32> to vector<16xf32>
        %swap3A_513 = vector.shape_cast %get3A_507 : vector<16xf32> to vector<1x16xf32>
        tpu.vector_store %arg9[%swap3A_509, %swap3A_510], %swap3A_513 {add = true, strides = array<i32>} : memref<4x2048xf32, #tpu.memory_space<vmem>>, vector<1x16xf32>,
        %add3A_514 = arith.constant 0 : i32
        %add3A_515 = arith.addi %mul3A_411, %add3A_514 : i32
        %get3A_516 = arith.constant 1 : i32
        %get3A_517 = arith.index_cast %get3A_516 : i32 to index
        %get3A_518 = arith.index_cast %add3A_515 : i32 to index
        %get3A_519 = tpu.vector_load %arg14[%get3A_517, %get3A_518] {strides = array<i32>} : memref<4x2048xf32, #tpu.memory_space<vmem>>, vector<1x16xf32>,
        %get3A_520 = vector.shape_cast %get3A_519 : vector<1x16xf32> to vector<16xf32>
        %swap3A_521 = arith.constant 1 : i32
        %swap3A_522 = arith.index_cast %swap3A_521 : i32 to index
        %swap3A_523 = arith.index_cast %add3A_515 : i32 to index
        %swap3A_524 = tpu.vector_load %arg9[%swap3A_522, %swap3A_523] {strides = array<i32>} : memref<4x2048xf32, #tpu.memory_space<vmem>>, vector<1x16xf32>,
        %swap3A_525 = vector.shape_cast %swap3A_524 : vector<1x16xf32> to vector<16xf32>
        %swap3A_526 = vector.shape_cast %get3A_520 : vector<16xf32> to vector<1x16xf32>
        tpu.vector_store %arg9[%swap3A_522, %swap3A_523], %swap3A_526 {add = true, strides = array<i32>} : memref<4x2048xf32, #tpu.memory_space<vmem>>, vector<1x16xf32>,
        %add3A_527 = arith.constant 16 : i32
        %add3A_528 = arith.addi %mul3A_411, %add3A_527 : i32
        %get3A_529 = arith.constant 1 : i32
        %get3A_530 = arith.index_cast %get3A_529 : i32 to index
        %get3A_531 = arith.index_cast %add3A_528 : i32 to index
        %get3A_532 = tpu.vector_load %arg14[%get3A_530, %get3A_531] {strides = array<i32>} : memref<4x2048xf32, #tpu.memory_space<vmem>>, vector<1x16xf32>,
        %get3A_533 = vector.shape_cast %get3A_532 : vector<1x16xf32> to vector<16xf32>
        %swap3A_534 = arith.constant 1 : i32
        %swap3A_535 = arith.index_cast %swap3A_534 : i32 to index
        %swap3A_536 = arith.index_cast %add3A_528 : i32 to index
        %swap3A_537 = tpu.vector_load %arg9[%swap3A_535, %swap3A_536] {strides = array<i32>} : memref<4x2048xf32, #tpu.memory_space<vmem>>, vector<1x16xf32>,
        %swap3A_538 = vector.shape_cast %swap3A_537 : vector<1x16xf32> to vector<16xf32>
        %swap3A_539 = vector.shape_cast %get3A_533 : vector<16xf32> to vector<1x16xf32>
        tpu.vector_store %arg9[%swap3A_535, %swap3A_536], %swap3A_539 {add = true, strides = array<i32>} : memref<4x2048xf32, #tpu.memory_space<vmem>>, vector<1x16xf32>,
        %add3A_540 = arith.constant 32 : i32
        %add3A_541 = arith.addi %mul3A_411, %add3A_540 : i32
        %get3A_542 = arith.constant 1 : i32
        %get3A_543 = arith.index_cast %get3A_542 : i32 to index
        %get3A_544 = arith.index_cast %add3A_541 : i32 to index
        %get3A_545 = tpu.vector_load %arg14[%get3A_543, %get3A_544] {strides = array<i32>} : memref<4x2048xf32, #tpu.memory_space<vmem>>, vector<1x16xf32>,
        %get3A_546 = vector.shape_cast %get3A_545 : vector<1x16xf32> to vector<16xf32>
        %swap3A_547 = arith.constant 1 : i32
        %swap3A_548 = arith.index_cast %swap3A_547 : i32 to index
        %swap3A_549 = arith.index_cast %add3A_541 : i32 to index
        %swap3A_550 = tpu.vector_load %arg9[%swap3A_548, %swap3A_549] {strides = array<i32>} : memref<4x2048xf32, #tpu.memory_space<vmem>>, vector<1x16xf32>,
        %swap3A_551 = vector.shape_cast %swap3A_550 : vector<1x16xf32> to vector<16xf32>
        %swap3A_552 = vector.shape_cast %get3A_546 : vector<16xf32> to vector<1x16xf32>
        tpu.vector_store %arg9[%swap3A_548, %swap3A_549], %swap3A_552 {add = true, strides = array<i32>} : memref<4x2048xf32, #tpu.memory_space<vmem>>, vector<1x16xf32>,
        %add3A_553 = arith.constant 48 : i32
        %add3A_554 = arith.addi %mul3A_411, %add3A_553 : i32
        %get3A_555 = arith.constant 1 : i32
        %get3A_556 = arith.index_cast %get3A_555 : i32 to index
        %get3A_557 = arith.index_cast %add3A_554 : i32 to index
        %get3A_558 = tpu.vector_load %arg14[%get3A_556, %get3A_557] {strides = array<i32>} : memref<4x2048xf32, #tpu.memory_space<vmem>>, vector<1x16xf32>,
        %get3A_559 = vector.shape_cast %get3A_558 : vector<1x16xf32> to vector<16xf32>
        %swap3A_560 = arith.constant 1 : i32
        %swap3A_561 = arith.index_cast %swap3A_560 : i32 to index
        %swap3A_562 = arith.index_cast %add3A_554 : i32 to index
        %swap3A_563 = tpu.vector_load %arg9[%swap3A_561, %swap3A_562] {strides = array<i32>} : memref<4x2048xf32, #tpu.memory_space<vmem>>, vector<1x16xf32>,
        %swap3A_564 = vector.shape_cast %swap3A_563 : vector<1x16xf32> to vector<16xf32>
        %swap3A_565 = vector.shape_cast %get3A_559 : vector<16xf32> to vector<1x16xf32>
        tpu.vector_store %arg9[%swap3A_561, %swap3A_562], %swap3A_565 {add = true, strides = array<i32>} : memref<4x2048xf32, #tpu.memory_space<vmem>>, vector<1x16xf32>,
        %add3A_566 = arith.constant 64 : i32
        %add3A_567 = arith.addi %mul3A_411, %add3A_566 : i32
        %get3A_568 = arith.constant 1 : i32
        %get3A_569 = arith.index_cast %get3A_568 : i32 to index
        %get3A_570 = arith.index_cast %add3A_567 : i32 to index
        %get3A_571 = tpu.vector_load %arg14[%get3A_569, %get3A_570] {strides = array<i32>} : memref<4x2048xf32, #tpu.memory_space<vmem>>, vector<1x16xf32>,
        %get3A_572 = vector.shape_cast %get3A_571 : vector<1x16xf32> to vector<16xf32>
        %swap3A_573 = arith.constant 1 : i32
        %swap3A_574 = arith.index_cast %swap3A_573 : i32 to index
        %swap3A_575 = arith.index_cast %add3A_567 : i32 to index
        %swap3A_576 = tpu.vector_load %arg9[%swap3A_574, %swap3A_575] {strides = array<i32>} : memref<4x2048xf32, #tpu.memory_space<vmem>>, vector<1x16xf32>,
        %swap3A_577 = vector.shape_cast %swap3A_576 : vector<1x16xf32> to vector<16xf32>
        %swap3A_578 = vector.shape_cast %get3A_572 : vector<16xf32> to vector<1x16xf32>
        tpu.vector_store %arg9[%swap3A_574, %swap3A_575], %swap3A_578 {add = true, strides = array<i32>} : memref<4x2048xf32, #tpu.memory_space<vmem>>, vector<1x16xf32>,
        %add3A_579 = arith.constant 80 : i32
        %add3A_580 = arith.addi %mul3A_411, %add3A_579 : i32
        %get3A_581 = arith.constant 1 : i32
        %get3A_582 = arith.index_cast %get3A_581 : i32 to index
        %get3A_583 = arith.index_cast %add3A_580 : i32 to index
        %get3A_584 = tpu.vector_load %arg14[%get3A_582, %get3A_583] {strides = array<i32>} : memref<4x2048xf32, #tpu.memory_space<vmem>>, vector<1x16xf32>,
        %get3A_585 = vector.shape_cast %get3A_584 : vector<1x16xf32> to vector<16xf32>
        %swap3A_586 = arith.constant 1 : i32
        %swap3A_587 = arith.index_cast %swap3A_586 : i32 to index
        %swap3A_588 = arith.index_cast %add3A_580 : i32 to index
        %swap3A_589 = tpu.vector_load %arg9[%swap3A_587, %swap3A_588] {strides = array<i32>} : memref<4x2048xf32, #tpu.memory_space<vmem>>, vector<1x16xf32>,
        %swap3A_590 = vector.shape_cast %swap3A_589 : vector<1x16xf32> to vector<16xf32>
        %swap3A_591 = vector.shape_cast %get3A_585 : vector<16xf32> to vector<1x16xf32>
        tpu.vector_store %arg9[%swap3A_587, %swap3A_588], %swap3A_591 {add = true, strides = array<i32>} : memref<4x2048xf32, #tpu.memory_space<vmem>>, vector<1x16xf32>,
        %add3A_592 = arith.constant 96 : i32
        %add3A_593 = arith.addi %mul3A_411, %add3A_592 : i32
        %get3A_594 = arith.constant 1 : i32
        %get3A_595 = arith.index_cast %get3A_594 : i32 to index
        %get3A_596 = arith.index_cast %add3A_593 : i32 to index
        %get3A_597 = tpu.vector_load %arg14[%get3A_595, %get3A_596] {strides = array<i32>} : memref<4x2048xf32, #tpu.memory_space<vmem>>, vector<1x16xf32>,
        %get3A_598 = vector.shape_cast %get3A_597 : vector<1x16xf32> to vector<16xf32>
        %swap3A_599 = arith.constant 1 : i32
        %swap3A_600 = arith.index_cast %swap3A_599 : i32 to index
        %swap3A_601 = arith.index_cast %add3A_593 : i32 to index
        %swap3A_602 = tpu.vector_load %arg9[%swap3A_600, %swap3A_601] {strides = array<i32>} : memref<4x2048xf32, #tpu.memory_space<vmem>>, vector<1x16xf32>,
        %swap3A_603 = vector.shape_cast %swap3A_602 : vector<1x16xf32> to vector<16xf32>
        %swap3A_604 = vector.shape_cast %get3A_598 : vector<16xf32> to vector<1x16xf32>
        tpu.vector_store %arg9[%swap3A_600, %swap3A_601], %swap3A_604 {add = true, strides = array<i32>} : memref<4x2048xf32, #tpu.memory_space<vmem>>, vector<1x16xf32>,
        %add3A_605 = arith.constant 112 : i32
        %add3A_606 = arith.addi %mul3A_411, %add3A_605 : i32
        %get3A_607 = arith.constant 1 : i32
        %get3A_608 = arith.index_cast %get3A_607 : i32 to index
        %get3A_609 = arith.index_cast %add3A_606 : i32 to index
        %get3A_610 = tpu.vector_load %arg14[%get3A_608, %get3A_609] {strides = array<i32>} : memref<4x2048xf32, #tpu.memory_space<vmem>>, vector<1x16xf32>,
        %get3A_611 = vector.shape_cast %get3A_610 : vector<1x16xf32> to vector<16xf32>
        %swap3A_612 = arith.constant 1 : i32
        %swap3A_613 = arith.index_cast %swap3A_612 : i32 to index
        %swap3A_614 = arith.index_cast %add3A_606 : i32 to index
        %swap3A_615 = tpu.vector_load %arg9[%swap3A_613, %swap3A_614] {strides = array<i32>} : memref<4x2048xf32, #tpu.memory_space<vmem>>, vector<1x16xf32>,
        %swap3A_616 = vector.shape_cast %swap3A_615 : vector<1x16xf32> to vector<16xf32>
        %swap3A_617 = vector.shape_cast %get3A_611 : vector<16xf32> to vector<1x16xf32>
        tpu.vector_store %arg9[%swap3A_613, %swap3A_614], %swap3A_617 {add = true, strides = array<i32>} : memref<4x2048xf32, #tpu.memory_space<vmem>>, vector<1x16xf32>,
        %add3A_618 = arith.constant 0 : i32
        %add3A_619 = arith.addi %mul3A_411, %add3A_618 : i32
        %get3A_620 = arith.constant 2 : i32
        %get3A_621 = arith.index_cast %get3A_620 : i32 to index
        %get3A_622 = arith.index_cast %add3A_619 : i32 to index
        %get3A_623 = tpu.vector_load %arg14[%get3A_621, %get3A_622] {strides = array<i32>} : memref<4x2048xf32, #tpu.memory_space<vmem>>, vector<1x16xf32>,
        %get3A_624 = vector.shape_cast %get3A_623 : vector<1x16xf32> to vector<16xf32>
        %swap3A_625 = arith.constant 2 : i32
        %swap3A_626 = arith.index_cast %swap3A_625 : i32 to index
        %swap3A_627 = arith.index_cast %add3A_619 : i32 to index
        %swap3A_628 = tpu.vector_load %arg9[%swap3A_626, %swap3A_627] {strides = array<i32>} : memref<4x2048xf32, #tpu.memory_space<vmem>>, vector<1x16xf32>,
        %swap3A_629 = vector.shape_cast %swap3A_628 : vector<1x16xf32> to vector<16xf32>
        %swap3A_630 = vector.shape_cast %get3A_624 : vector<16xf32> to vector<1x16xf32>
        tpu.vector_store %arg9[%swap3A_626, %swap3A_627], %swap3A_630 {add = true, strides = array<i32>} : memref<4x2048xf32, #tpu.memory_space<vmem>>, vector<1x16xf32>,
        %add3A_631 = arith.constant 16 : i32
        %add3A_632 = arith.addi %mul3A_411, %add3A_631 : i32
        %get3A_633 = arith.constant 2 : i32
        %get3A_634 = arith.index_cast %get3A_633 : i32 to index
        %get3A_635 = arith.index_cast %add3A_632 : i32 to index
        %get3A_636 = tpu.vector_load %arg14[%get3A_634, %get3A_635] {strides = array<i32>} : memref<4x2048xf32, #tpu.memory_space<vmem>>, vector<1x16xf32>,
        %get3A_637 = vector.shape_cast %get3A_636 : vector<1x16xf32> to vector<16xf32>
        %swap3A_638 = arith.constant 2 : i32
        %swap3A_639 = arith.index_cast %swap3A_638 : i32 to index
        %swap3A_640 = arith.index_cast %add3A_632 : i32 to index
        %swap3A_641 = tpu.vector_load %arg9[%swap3A_639, %swap3A_640] {strides = array<i32>} : memref<4x2048xf32, #tpu.memory_space<vmem>>, vector<1x16xf32>,
        %swap3A_642 = vector.shape_cast %swap3A_641 : vector<1x16xf32> to vector<16xf32>
        %swap3A_643 = vector.shape_cast %get3A_637 : vector<16xf32> to vector<1x16xf32>
        tpu.vector_store %arg9[%swap3A_639, %swap3A_640], %swap3A_643 {add = true, strides = array<i32>} : memref<4x2048xf32, #tpu.memory_space<vmem>>, vector<1x16xf32>,
        %add3A_644 = arith.constant 32 : i32
        %add3A_645 = arith.addi %mul3A_411, %add3A_644 : i32
        %get3A_646 = arith.constant 2 : i32
        %get3A_647 = arith.index_cast %get3A_646 : i32 to index
        %get3A_648 = arith.index_cast %add3A_645 : i32 to index
        %get3A_649 = tpu.vector_load %arg14[%get3A_647, %get3A_648] {strides = array<i32>} : memref<4x2048xf32, #tpu.memory_space<vmem>>, vector<1x16xf32>,
        %get3A_650 = vector.shape_cast %get3A_649 : vector<1x16xf32> to vector<16xf32>
        %swap3A_651 = arith.constant 2 : i32
        %swap3A_652 = arith.index_cast %swap3A_651 : i32 to index
        %swap3A_653 = arith.index_cast %add3A_645 : i32 to index
        %swap3A_654 = tpu.vector_load %arg9[%swap3A_652, %swap3A_653] {strides = array<i32>} : memref<4x2048xf32, #tpu.memory_space<vmem>>, vector<1x16xf32>,
        %swap3A_655 = vector.shape_cast %swap3A_654 : vector<1x16xf32> to vector<16xf32>
        %swap3A_656 = vector.shape_cast %get3A_650 : vector<16xf32> to vector<1x16xf32>
        tpu.vector_store %arg9[%swap3A_652, %swap3A_653], %swap3A_656 {add = true, strides = array<i32>} : memref<4x2048xf32, #tpu.memory_space<vmem>>, vector<1x16xf32>,
        %add3A_657 = arith.constant 48 : i32
        %add3A_658 = arith.addi %mul3A_411, %add3A_657 : i32
        %get3A_659 = arith.constant 2 : i32
        %get3A_660 = arith.index_cast %get3A_659 : i32 to index
        %get3A_661 = arith.index_cast %add3A_658 : i32 to index
        %get3A_662 = tpu.vector_load %arg14[%get3A_660, %get3A_661] {strides = array<i32>} : memref<4x2048xf32, #tpu.memory_space<vmem>>, vector<1x16xf32>,
        %get3A_663 = vector.shape_cast %get3A_662 : vector<1x16xf32> to vector<16xf32>
        %swap3A_664 = arith.constant 2 : i32
        %swap3A_665 = arith.index_cast %swap3A_664 : i32 to index
        %swap3A_666 = arith.index_cast %add3A_658 : i32 to index
        %swap3A_667 = tpu.vector_load %arg9[%swap3A_665, %swap3A_666] {strides = array<i32>} : memref<4x2048xf32, #tpu.memory_space<vmem>>, vector<1x16xf32>,
        %swap3A_668 = vector.shape_cast %swap3A_667 : vector<1x16xf32> to vector<16xf32>
        %swap3A_669 = vector.shape_cast %get3A_663 : vector<16xf32> to vector<1x16xf32>
        tpu.vector_store %arg9[%swap3A_665, %swap3A_666], %swap3A_669 {add = true, strides = array<i32>} : memref<4x2048xf32, #tpu.memory_space<vmem>>, vector<1x16xf32>,
        %add3A_670 = arith.constant 64 : i32
        %add3A_671 = arith.addi %mul3A_411, %add3A_670 : i32
        %get3A_672 = arith.constant 2 : i32
        %get3A_673 = arith.index_cast %get3A_672 : i32 to index
        %get3A_674 = arith.index_cast %add3A_671 : i32 to index
        %get3A_675 = tpu.vector_load %arg14[%get3A_673, %get3A_674] {strides = array<i32>} : memref<4x2048xf32, #tpu.memory_space<vmem>>, vector<1x16xf32>,
        %get3A_676 = vector.shape_cast %get3A_675 : vector<1x16xf32> to vector<16xf32>
        %swap3A_677 = arith.constant 2 : i32
        %swap3A_678 = arith.index_cast %swap3A_677 : i32 to index
        %swap3A_679 = arith.index_cast %add3A_671 : i32 to index
        %swap3A_680 = tpu.vector_load %arg9[%swap3A_678, %swap3A_679] {strides = array<i32>} : memref<4x2048xf32, #tpu.memory_space<vmem>>, vector<1x16xf32>,
        %swap3A_681 = vector.shape_cast %swap3A_680 : vector<1x16xf32> to vector<16xf32>
        %swap3A_682 = vector.shape_cast %get3A_676 : vector<16xf32> to vector<1x16xf32>
        tpu.vector_store %arg9[%swap3A_678, %swap3A_679], %swap3A_682 {add = true, strides = array<i32>} : memref<4x2048xf32, #tpu.memory_space<vmem>>, vector<1x16xf32>,
        %add3A_683 = arith.constant 80 : i32
        %add3A_684 = arith.addi %mul3A_411, %add3A_683 : i32
        %get3A_685 = arith.constant 2 : i32
        %get3A_686 = arith.index_cast %get3A_685 : i32 to index
        %get3A_687 = arith.index_cast %add3A_684 : i32 to index
        %get3A_688 = tpu.vector_load %arg14[%get3A_686, %get3A_687] {strides = array<i32>} : memref<4x2048xf32, #tpu.memory_space<vmem>>, vector<1x16xf32>,
        %get3A_689 = vector.shape_cast %get3A_688 : vector<1x16xf32> to vector<16xf32>
        %swap3A_690 = arith.constant 2 : i32
        %swap3A_691 = arith.index_cast %swap3A_690 : i32 to index
        %swap3A_692 = arith.index_cast %add3A_684 : i32 to index
        %swap3A_693 = tpu.vector_load %arg9[%swap3A_691, %swap3A_692] {strides = array<i32>} : memref<4x2048xf32, #tpu.memory_space<vmem>>, vector<1x16xf32>,
        %swap3A_694 = vector.shape_cast %swap3A_693 : vector<1x16xf32> to vector<16xf32>
        %swap3A_695 = vector.shape_cast %get3A_689 : vector<16xf32> to vector<1x16xf32>
        tpu.vector_store %arg9[%swap3A_691, %swap3A_692], %swap3A_695 {add = true, strides = array<i32>} : memref<4x2048xf32, #tpu.memory_space<vmem>>, vector<1x16xf32>,
        %add3A_696 = arith.constant 96 : i32
        %add3A_697 = arith.addi %mul3A_411, %add3A_696 : i32
        %get3A_698 = arith.constant 2 : i32
        %get3A_699 = arith.index_cast %get3A_698 : i32 to index
        %get3A_700 = arith.index_cast %add3A_697 : i32 to index
        %get3A_701 = tpu.vector_load %arg14[%get3A_699, %get3A_700] {strides = array<i32>} : memref<4x2048xf32, #tpu.memory_space<vmem>>, vector<1x16xf32>,
        %get3A_702 = vector.shape_cast %get3A_701 : vector<1x16xf32> to vector<16xf32>
        %swap3A_703 = arith.constant 2 : i32
        %swap3A_704 = arith.index_cast %swap3A_703 : i32 to index
        %swap3A_705 = arith.index_cast %add3A_697 : i32 to index
        %swap3A_706 = tpu.vector_load %arg9[%swap3A_704, %swap3A_705] {strides = array<i32>} : memref<4x2048xf32, #tpu.memory_space<vmem>>, vector<1x16xf32>,
        %swap3A_707 = vector.shape_cast %swap3A_706 : vector<1x16xf32> to vector<16xf32>
        %swap3A_708 = vector.shape_cast %get3A_702 : vector<16xf32> to vector<1x16xf32>
        tpu.vector_store %arg9[%swap3A_704, %swap3A_705], %swap3A_708 {add = true, strides = array<i32>} : memref<4x2048xf32, #tpu.memory_space<vmem>>, vector<1x16xf32>,
        %add3A_709 = arith.constant 112 : i32
        %add3A_710 = arith.addi %mul3A_411, %add3A_709 : i32
        %get3A_711 = arith.constant 2 : i32
        %get3A_712 = arith.index_cast %get3A_711 : i32 to index
        %get3A_713 = arith.index_cast %add3A_710 : i32 to index
        %get3A_714 = tpu.vector_load %arg14[%get3A_712, %get3A_713] {strides = array<i32>} : memref<4x2048xf32, #tpu.memory_space<vmem>>, vector<1x16xf32>,
        %get3A_715 = vector.shape_cast %get3A_714 : vector<1x16xf32> to vector<16xf32>
        %swap3A_716 = arith.constant 2 : i32
        %swap3A_717 = arith.index_cast %swap3A_716 : i32 to index
        %swap3A_718 = arith.index_cast %add3A_710 : i32 to index
        %swap3A_719 = tpu.vector_load %arg9[%swap3A_717, %swap3A_718] {strides = array<i32>} : memref<4x2048xf32, #tpu.memory_space<vmem>>, vector<1x16xf32>,
        %swap3A_720 = vector.shape_cast %swap3A_719 : vector<1x16xf32> to vector<16xf32>
        %swap3A_721 = vector.shape_cast %get3A_715 : vector<16xf32> to vector<1x16xf32>
        tpu.vector_store %arg9[%swap3A_717, %swap3A_718], %swap3A_721 {add = true, strides = array<i32>} : memref<4x2048xf32, #tpu.memory_space<vmem>>, vector<1x16xf32>,
        %add3A_722 = arith.constant 0 : i32
        %add3A_723 = arith.addi %mul3A_411, %add3A_722 : i32
        %get3A_724 = arith.constant 3 : i32
        %get3A_725 = arith.index_cast %get3A_724 : i32 to index
        %get3A_726 = arith.index_cast %add3A_723 : i32 to index
        %get3A_727 = tpu.vector_load %arg14[%get3A_725, %get3A_726] {strides = array<i32>} : memref<4x2048xf32, #tpu.memory_space<vmem>>, vector<1x16xf32>,
        %get3A_728 = vector.shape_cast %get3A_727 : vector<1x16xf32> to vector<16xf32>
        %swap3A_729 = arith.constant 3 : i32
        %swap3A_730 = arith.index_cast %swap3A_729 : i32 to index
        %swap3A_731 = arith.index_cast %add3A_723 : i32 to index
        %swap3A_732 = tpu.vector_load %arg9[%swap3A_730, %swap3A_731] {strides = array<i32>} : memref<4x2048xf32, #tpu.memory_space<vmem>>, vector<1x16xf32>,
        %swap3A_733 = vector.shape_cast %swap3A_732 : vector<1x16xf32> to vector<16xf32>
        %swap3A_734 = vector.shape_cast %get3A_728 : vector<16xf32> to vector<1x16xf32>
        tpu.vector_store %arg9[%swap3A_730, %swap3A_731], %swap3A_734 {add = true, strides = array<i32>} : memref<4x2048xf32, #tpu.memory_space<vmem>>, vector<1x16xf32>,
        %add3A_735 = arith.constant 16 : i32
        %add3A_736 = arith.addi %mul3A_411, %add3A_735 : i32
        %get3A_737 = arith.constant 3 : i32
        %get3A_738 = arith.index_cast %get3A_737 : i32 to index
        %get3A_739 = arith.index_cast %add3A_736 : i32 to index
        %get3A_740 = tpu.vector_load %arg14[%get3A_738, %get3A_739] {strides = array<i32>} : memref<4x2048xf32, #tpu.memory_space<vmem>>, vector<1x16xf32>,
        %get3A_741 = vector.shape_cast %get3A_740 : vector<1x16xf32> to vector<16xf32>
        %swap3A_742 = arith.constant 3 : i32
        %swap3A_743 = arith.index_cast %swap3A_742 : i32 to index
        %swap3A_744 = arith.index_cast %add3A_736 : i32 to index
        %swap3A_745 = tpu.vector_load %arg9[%swap3A_743, %swap3A_744] {strides = array<i32>} : memref<4x2048xf32, #tpu.memory_space<vmem>>, vector<1x16xf32>,
        %swap3A_746 = vector.shape_cast %swap3A_745 : vector<1x16xf32> to vector<16xf32>
        %swap3A_747 = vector.shape_cast %get3A_741 : vector<16xf32> to vector<1x16xf32>
        tpu.vector_store %arg9[%swap3A_743, %swap3A_744], %swap3A_747 {add = true, strides = array<i32>} : memref<4x2048xf32, #tpu.memory_space<vmem>>, vector<1x16xf32>,
        %add3A_748 = arith.constant 32 : i32
        %add3A_749 = arith.addi %mul3A_411, %add3A_748 : i32
        %get3A_750 = arith.constant 3 : i32
        %get3A_751 = arith.index_cast %get3A_750 : i32 to index
        %get3A_752 = arith.index_cast %add3A_749 : i32 to index
        %get3A_753 = tpu.vector_load %arg14[%get3A_751, %get3A_752] {strides = array<i32>} : memref<4x2048xf32, #tpu.memory_space<vmem>>, vector<1x16xf32>,
        %get3A_754 = vector.shape_cast %get3A_753 : vector<1x16xf32> to vector<16xf32>
        %swap3A_755 = arith.constant 3 : i32
        %swap3A_756 = arith.index_cast %swap3A_755 : i32 to index
        %swap3A_757 = arith.index_cast %add3A_749 : i32 to index
        %swap3A_758 = tpu.vector_load %arg9[%swap3A_756, %swap3A_757] {strides = array<i32>} : memref<4x2048xf32, #tpu.memory_space<vmem>>, vector<1x16xf32>,
        %swap3A_759 = vector.shape_cast %swap3A_758 : vector<1x16xf32> to vector<16xf32>
        %swap3A_760 = vector.shape_cast %get3A_754 : vector<16xf32> to vector<1x16xf32>
        tpu.vector_store %arg9[%swap3A_756, %swap3A_757], %swap3A_760 {add = true, strides = array<i32>} : memref<4x2048xf32, #tpu.memory_space<vmem>>, vector<1x16xf32>,
        %add3A_761 = arith.constant 48 : i32
        %add3A_762 = arith.addi %mul3A_411, %add3A_761 : i32
        %get3A_763 = arith.constant 3 : i32
        %get3A_764 = arith.index_cast %get3A_763 : i32 to index
        %get3A_765 = arith.index_cast %add3A_762 : i32 to index
        %get3A_766 = tpu.vector_load %arg14[%get3A_764, %get3A_765] {strides = array<i32>} : memref<4x2048xf32, #tpu.memory_space<vmem>>, vector<1x16xf32>,
        %get3A_767 = vector.shape_cast %get3A_766 : vector<1x16xf32> to vector<16xf32>
        %swap3A_768 = arith.constant 3 : i32
        %swap3A_769 = arith.index_cast %swap3A_768 : i32 to index
        %swap3A_770 = arith.index_cast %add3A_762 : i32 to index
        %swap3A_771 = tpu.vector_load %arg9[%swap3A_769, %swap3A_770] {strides = array<i32>} : memref<4x2048xf32, #tpu.memory_space<vmem>>, vector<1x16xf32>,
        %swap3A_772 = vector.shape_cast %swap3A_771 : vector<1x16xf32> to vector<16xf32>
        %swap3A_773 = vector.shape_cast %get3A_767 : vector<16xf32> to vector<1x16xf32>
        tpu.vector_store %arg9[%swap3A_769, %swap3A_770], %swap3A_773 {add = true, strides = array<i32>} : memref<4x2048xf32, #tpu.memory_space<vmem>>, vector<1x16xf32>,
        %add3A_774 = arith.constant 64 : i32
        %add3A_775 = arith.addi %mul3A_411, %add3A_774 : i32
        %get3A_776 = arith.constant 3 : i32
        %get3A_777 = arith.index_cast %get3A_776 : i32 to index
        %get3A_778 = arith.index_cast %add3A_775 : i32 to index
        %get3A_779 = tpu.vector_load %arg14[%get3A_777, %get3A_778] {strides = array<i32>} : memref<4x2048xf32, #tpu.memory_space<vmem>>, vector<1x16xf32>,
        %get3A_780 = vector.shape_cast %get3A_779 : vector<1x16xf32> to vector<16xf32>
        %swap3A_781 = arith.constant 3 : i32
        %swap3A_782 = arith.index_cast %swap3A_781 : i32 to index
        %swap3A_783 = arith.index_cast %add3A_775 : i32 to index
        %swap3A_784 = tpu.vector_load %arg9[%swap3A_782, %swap3A_783] {strides = array<i32>} : memref<4x2048xf32, #tpu.memory_space<vmem>>, vector<1x16xf32>,
        %swap3A_785 = vector.shape_cast %swap3A_784 : vector<1x16xf32> to vector<16xf32>
        %swap3A_786 = vector.shape_cast %get3A_780 : vector<16xf32> to vector<1x16xf32>
        tpu.vector_store %arg9[%swap3A_782, %swap3A_783], %swap3A_786 {add = true, strides = array<i32>} : memref<4x2048xf32, #tpu.memory_space<vmem>>, vector<1x16xf32>,
        %add3A_787 = arith.constant 80 : i32
        %add3A_788 = arith.addi %mul3A_411, %add3A_787 : i32
        %get3A_789 = arith.constant 3 : i32
        %get3A_790 = arith.index_cast %get3A_789 : i32 to index
        %get3A_791 = arith.index_cast %add3A_788 : i32 to index
        %get3A_792 = tpu.vector_load %arg14[%get3A_790, %get3A_791] {strides = array<i32>} : memref<4x2048xf32, #tpu.memory_space<vmem>>, vector<1x16xf32>,
        %get3A_793 = vector.shape_cast %get3A_792 : vector<1x16xf32> to vector<16xf32>
        %swap3A_794 = arith.constant 3 : i32
        %swap3A_795 = arith.index_cast %swap3A_794 : i32 to index
        %swap3A_796 = arith.index_cast %add3A_788 : i32 to index
        %swap3A_797 = tpu.vector_load %arg9[%swap3A_795, %swap3A_796] {strides = array<i32>} : memref<4x2048xf32, #tpu.memory_space<vmem>>, vector<1x16xf32>,
        %swap3A_798 = vector.shape_cast %swap3A_797 : vector<1x16xf32> to vector<16xf32>
        %swap3A_799 = vector.shape_cast %get3A_793 : vector<16xf32> to vector<1x16xf32>
        tpu.vector_store %arg9[%swap3A_795, %swap3A_796], %swap3A_799 {add = true, strides = array<i32>} : memref<4x2048xf32, #tpu.memory_space<vmem>>, vector<1x16xf32>,
        %add3A_800 = arith.constant 96 : i32
        %add3A_801 = arith.addi %mul3A_411, %add3A_800 : i32
        %get3A_802 = arith.constant 3 : i32
        %get3A_803 = arith.index_cast %get3A_802 : i32 to index
        %get3A_804 = arith.index_cast %add3A_801 : i32 to index
        %get3A_805 = tpu.vector_load %arg14[%get3A_803, %get3A_804] {strides = array<i32>} : memref<4x2048xf32, #tpu.memory_space<vmem>>, vector<1x16xf32>,
        %get3A_806 = vector.shape_cast %get3A_805 : vector<1x16xf32> to vector<16xf32>
        %swap3A_807 = arith.constant 3 : i32
        %swap3A_808 = arith.index_cast %swap3A_807 : i32 to index
        %swap3A_809 = arith.index_cast %add3A_801 : i32 to index
        %swap3A_810 = tpu.vector_load %arg9[%swap3A_808, %swap3A_809] {strides = array<i32>} : memref<4x2048xf32, #tpu.memory_space<vmem>>, vector<1x16xf32>,
        %swap3A_811 = vector.shape_cast %swap3A_810 : vector<1x16xf32> to vector<16xf32>
        %swap3A_812 = vector.shape_cast %get3A_806 : vector<16xf32> to vector<1x16xf32>
        tpu.vector_store %arg9[%swap3A_808, %swap3A_809], %swap3A_812 {add = true, strides = array<i32>} : memref<4x2048xf32, #tpu.memory_space<vmem>>, vector<1x16xf32>,
        %add3A_813 = arith.constant 112 : i32
        %add3A_814 = arith.addi %mul3A_411, %add3A_813 : i32
        %get3A_815 = arith.constant 3 : i32
        %get3A_816 = arith.index_cast %get3A_815 : i32 to index
        %get3A_817 = arith.index_cast %add3A_814 : i32 to index
        %get3A_818 = tpu.vector_load %arg14[%get3A_816, %get3A_817] {strides = array<i32>} : memref<4x2048xf32, #tpu.memory_space<vmem>>, vector<1x16xf32>,
        %get3A_819 = vector.shape_cast %get3A_818 : vector<1x16xf32> to vector<16xf32>
        %swap3A_820 = arith.constant 3 : i32
        %swap3A_821 = arith.index_cast %swap3A_820 : i32 to index
        %swap3A_822 = arith.index_cast %add3A_814 : i32 to index
        %swap3A_823 = tpu.vector_load %arg9[%swap3A_821, %swap3A_822] {strides = array<i32>} : memref<4x2048xf32, #tpu.memory_space<vmem>>, vector<1x16xf32>,
        %swap3A_824 = vector.shape_cast %swap3A_823 : vector<1x16xf32> to vector<16xf32>
        %swap3A_825 = vector.shape_cast %get3A_819 : vector<16xf32> to vector<1x16xf32>
        tpu.vector_store %arg9[%swap3A_821, %swap3A_822], %swap3A_825 {add = true, strides = array<i32>} : memref<4x2048xf32, #tpu.memory_space<vmem>>, vector<1x16xf32>,
      }
      %scan3A_280 = arith.constant 16 : i32
      %add3A_281 = arith.constant 0 : i32
      %add3A_282 = arith.addi %add3A_281, %mul3A_2 : i32
      %mul3A_283 = arith.constant 4 : i32
      %mul3A_284 = arith.muli %add3A_258, %mul3A_283 : i32
      %add3A_285 = arith.addi %add3A_282, %mul3A_284 : i32
      %dma_start3A_286 = arith.constant 0 : i32
      %dma_start3A_287 = tpu.memref_slice %arg4[%add3A_285, %dma_start3A_286] : memref<16384x2048xf32, #tpu.memory_space<hbm>> -> memref<4x2048xf32, #tpu.memory_space<hbm>>
      %dma_start3A_288 = arith.constant 0 : i32
      %dma_start3A_289 = tpu.memref_slice %arg4[%add3A_285, %dma_start3A_288] : memref<16384x2048xf32, #tpu.memory_space<hbm>> -> memref<4x2048xf32, #tpu.memory_space<hbm>>
      tpu.enqueue_dma source(%arg9 : memref<4x2048xf32, #tpu.memory_space<vmem>>) target(%dma_start3A_289 : memref<4x2048xf32, #tpu.memory_space<hbm>>) target_semaphore(%arg17 : memref<!tpu.dma_semaphore, #tpu.memory_space<semaphore_mem>>)
      %dma_wait3A_290 = arith.constant 0 : i32
      %dma_wait3A_291 = arith.constant 0 : i32
      %dma_wait3A_292 = tpu.memref_slice %arg4[%dma_wait3A_290, %dma_wait3A_291] : memref<16384x2048xf32, #tpu.memory_space<hbm>> -> memref<4x2048xf32, #tpu.memory_space<hbm>>
      %dma_wait3A_293 = arith.constant 0 : i32
      %dma_wait3A_294 = arith.constant 0 : i32
      %dma_wait3A_295 = tpu.memref_slice %arg4[%dma_wait3A_293, %dma_wait3A_294] : memref<16384x2048xf32, #tpu.memory_space<hbm>> -> memref<4x2048xf32, #tpu.memory_space<hbm>>
      tpu.wait_dma2 semaphore(%arg17 : memref<!tpu.dma_semaphore, #tpu.memory_space<semaphore_mem>>) src(%arg5 : memref<4x2048xf32, #tpu.memory_space<vmem>>) dst(%dma_wait3A_295 : memref<4x2048xf32, #tpu.memory_space<hbm>>)
      %lt3A_296 = arith.constant 15 : i32
      %lt3A_297 = arith.cmpi slt, %scan3A_68, %lt3A_296 : i32
      %convert_element_type3A_298 = arith.extui %lt3A_297 : i1 to i32
      %cond3A_299 = arith.constant 0 : i32
      %cond3A_300 = arith.cmpi ne, %convert_element_type3A_298, %cond3A_299 : i32
      scf.if %cond3A_300 {
        %mul3A_409 = arith.constant 2 : i32
        %mul3A_410 = arith.muli %mul3A_409, %scan3A_68 : i32
        %add3A_411 = arith.constant 2 : i32
        %add3A_412 = arith.addi %mul3A_410, %add3A_411 : i32
        %add3A_413 = arith.constant 0 : i32
        %add3A_414 = arith.addi %add3A_413, %mul3A_2 : i32
        %mul3A_415 = arith.constant 4 : i32
        %mul3A_416 = arith.muli %add3A_412, %mul3A_415 : i32
        %add3A_417 = arith.addi %add3A_414, %mul3A_416 : i32
        %dma_start3A_418 = arith.constant 0 : i32
        %dma_start3A_419 = tpu.memref_slice %arg2[%add3A_417, %dma_start3A_418] : memref<16384x2048xf32, #tpu.memory_space<hbm>> -> memref<4x2048xf32, #tpu.memory_space<hbm>>
        %dma_start3A_420 = arith.constant 0 : i32
        %dma_start3A_421 = tpu.memref_slice %arg2[%add3A_417, %dma_start3A_420] : memref<16384x2048xf32, #tpu.memory_space<hbm>> -> memref<4x2048xf32, #tpu.memory_space<hbm>>
        tpu.enqueue_dma source(%dma_start3A_421 : memref<4x2048xf32, #tpu.memory_space<hbm>>) target(%arg5 : memref<4x2048xf32, #tpu.memory_space<vmem>>) target_semaphore(%arg15 : memref<!tpu.dma_semaphore, #tpu.memory_space<semaphore_mem>>)
      } else {
      }
      %mul3A_301 = arith.constant 2 : i32
      %mul3A_302 = arith.muli %mul3A_301, %scan3A_68 : i32
      %add3A_303 = arith.constant 1 : i32
      %add3A_304 = arith.addi %mul3A_302, %add3A_303 : i32
      %dma_wait3A_305 = arith.constant 0 : i32
      %dma_wait3A_306 = arith.constant 0 : i32
      %dma_wait3A_307 = tpu.memref_slice %arg2[%dma_wait3A_305, %dma_wait3A_306] : memref<16384x2048xf32, #tpu.memory_space<hbm>> -> memref<4x2048xf32, #tpu.memory_space<hbm>>
      %dma_wait3A_308 = arith.constant 0 : i32
      %dma_wait3A_309 = arith.constant 0 : i32
      %dma_wait3A_310 = tpu.memref_slice %arg2[%dma_wait3A_308, %dma_wait3A_309] : memref<16384x2048xf32, #tpu.memory_space<hbm>> -> memref<4x2048xf32, #tpu.memory_space<hbm>>
      tpu.wait_dma2 semaphore(%arg15 : memref<!tpu.dma_semaphore, #tpu.memory_space<semaphore_mem>>) src(%dma_wait3A_310 : memref<4x2048xf32, #tpu.memory_space<hbm>>) dst(%arg10 : memref<4x2048xf32, #tpu.memory_space<vmem>>)
      %scan3A_311 = arith.constant 0 : i32
      %scan3A_312 = arith.constant 0 : i32
      %scan3A_313 = arith.constant 16 : i32
      %scan3A_314 = arith.addi %scan3A_312, %scan3A_313 : i32
      %scan3A_315 = arith.constant 1 : i32
      scf.for %scan3A_409 = %scan3A_312 to %scan3A_314 step %scan3A_315  : i32 {
        %mul3A_410 = arith.constant 128 : i32
        %mul3A_411 = arith.muli %scan3A_409, %mul3A_410 : i32
        %add3A_412 = arith.constant 0 : i32
        %add3A_413 = arith.addi %mul3A_411, %add3A_412 : i32
        %get3A = arith.constant 0 : i32
        %get3A_414 = arith.index_cast %get3A : i32 to index
        %get3A_415 = arith.index_cast %add3A_413 : i32 to index
        %get3A_416 = tpu.vector_load %arg14[%get3A_414, %get3A_415] {strides = array<i32>} : memref<4x2048xf32, #tpu.memory_space<vmem>>, vector<1x16xf32>,
        %get3A_417 = vector.shape_cast %get3A_416 : vector<1x16xf32> to vector<16xf32>
        %swap3A = arith.constant 0 : i32
        %swap3A_418 = arith.index_cast %swap3A : i32 to index
        %swap3A_419 = arith.index_cast %add3A_413 : i32 to index
        %swap3A_420 = tpu.vector_load %arg10[%swap3A_418, %swap3A_419] {strides = array<i32>} : memref<4x2048xf32, #tpu.memory_space<vmem>>, vector<1x16xf32>,
        %swap3A_421 = vector.shape_cast %swap3A_420 : vector<1x16xf32> to vector<16xf32>
        %swap3A_422 = vector.shape_cast %get3A_417 : vector<16xf32> to vector<1x16xf32>
        tpu.vector_store %arg10[%swap3A_418, %swap3A_419], %swap3A_422 {add = true, strides = array<i32>} : memref<4x2048xf32, #tpu.memory_space<vmem>>, vector<1x16xf32>,
        %add3A_423 = arith.constant 16 : i32
        %add3A_424 = arith.addi %mul3A_411, %add3A_423 : i32
        %get3A_425 = arith.constant 0 : i32
        %get3A_426 = arith.index_cast %get3A_425 : i32 to index
        %get3A_427 = arith.index_cast %add3A_424 : i32 to index
        %get3A_428 = tpu.vector_load %arg14[%get3A_426, %get3A_427] {strides = array<i32>} : memref<4x2048xf32, #tpu.memory_space<vmem>>, vector<1x16xf32>,
        %get3A_429 = vector.shape_cast %get3A_428 : vector<1x16xf32> to vector<16xf32>
        %swap3A_430 = arith.constant 0 : i32
        %swap3A_431 = arith.index_cast %swap3A_430 : i32 to index
        %swap3A_432 = arith.index_cast %add3A_424 : i32 to index
        %swap3A_433 = tpu.vector_load %arg10[%swap3A_431, %swap3A_432] {strides = array<i32>} : memref<4x2048xf32, #tpu.memory_space<vmem>>, vector<1x16xf32>,
        %swap3A_434 = vector.shape_cast %swap3A_433 : vector<1x16xf32> to vector<16xf32>
        %swap3A_435 = vector.shape_cast %get3A_429 : vector<16xf32> to vector<1x16xf32>
        tpu.vector_store %arg10[%swap3A_431, %swap3A_432], %swap3A_435 {add = true, strides = array<i32>} : memref<4x2048xf32, #tpu.memory_space<vmem>>, vector<1x16xf32>,
        %add3A_436 = arith.constant 32 : i32
        %add3A_437 = arith.addi %mul3A_411, %add3A_436 : i32
        %get3A_438 = arith.constant 0 : i32
        %get3A_439 = arith.index_cast %get3A_438 : i32 to index
        %get3A_440 = arith.index_cast %add3A_437 : i32 to index
        %get3A_441 = tpu.vector_load %arg14[%get3A_439, %get3A_440] {strides = array<i32>} : memref<4x2048xf32, #tpu.memory_space<vmem>>, vector<1x16xf32>,
        %get3A_442 = vector.shape_cast %get3A_441 : vector<1x16xf32> to vector<16xf32>
        %swap3A_443 = arith.constant 0 : i32
        %swap3A_444 = arith.index_cast %swap3A_443 : i32 to index
        %swap3A_445 = arith.index_cast %add3A_437 : i32 to index
        %swap3A_446 = tpu.vector_load %arg10[%swap3A_444, %swap3A_445] {strides = array<i32>} : memref<4x2048xf32, #tpu.memory_space<vmem>>, vector<1x16xf32>,
        %swap3A_447 = vector.shape_cast %swap3A_446 : vector<1x16xf32> to vector<16xf32>
        %swap3A_448 = vector.shape_cast %get3A_442 : vector<16xf32> to vector<1x16xf32>
        tpu.vector_store %arg10[%swap3A_444, %swap3A_445], %swap3A_448 {add = true, strides = array<i32>} : memref<4x2048xf32, #tpu.memory_space<vmem>>, vector<1x16xf32>,
        %add3A_449 = arith.constant 48 : i32
        %add3A_450 = arith.addi %mul3A_411, %add3A_449 : i32
        %get3A_451 = arith.constant 0 : i32
        %get3A_452 = arith.index_cast %get3A_451 : i32 to index
        %get3A_453 = arith.index_cast %add3A_450 : i32 to index
        %get3A_454 = tpu.vector_load %arg14[%get3A_452, %get3A_453] {strides = array<i32>} : memref<4x2048xf32, #tpu.memory_space<vmem>>, vector<1x16xf32>,
        %get3A_455 = vector.shape_cast %get3A_454 : vector<1x16xf32> to vector<16xf32>
        %swap3A_456 = arith.constant 0 : i32
        %swap3A_457 = arith.index_cast %swap3A_456 : i32 to index
        %swap3A_458 = arith.index_cast %add3A_450 : i32 to index
        %swap3A_459 = tpu.vector_load %arg10[%swap3A_457, %swap3A_458] {strides = array<i32>} : memref<4x2048xf32, #tpu.memory_space<vmem>>, vector<1x16xf32>,
        %swap3A_460 = vector.shape_cast %swap3A_459 : vector<1x16xf32> to vector<16xf32>
        %swap3A_461 = vector.shape_cast %get3A_455 : vector<16xf32> to vector<1x16xf32>
        tpu.vector_store %arg10[%swap3A_457, %swap3A_458], %swap3A_461 {add = true, strides = array<i32>} : memref<4x2048xf32, #tpu.memory_space<vmem>>, vector<1x16xf32>,
        %add3A_462 = arith.constant 64 : i32
        %add3A_463 = arith.addi %mul3A_411, %add3A_462 : i32
        %get3A_464 = arith.constant 0 : i32
        %get3A_465 = arith.index_cast %get3A_464 : i32 to index
        %get3A_466 = arith.index_cast %add3A_463 : i32 to index
        %get3A_467 = tpu.vector_load %arg14[%get3A_465, %get3A_466] {strides = array<i32>} : memref<4x2048xf32, #tpu.memory_space<vmem>>, vector<1x16xf32>,
        %get3A_468 = vector.shape_cast %get3A_467 : vector<1x16xf32> to vector<16xf32>
        %swap3A_469 = arith.constant 0 : i32
        %swap3A_470 = arith.index_cast %swap3A_469 : i32 to index
        %swap3A_471 = arith.index_cast %add3A_463 : i32 to index
        %swap3A_472 = tpu.vector_load %arg10[%swap3A_470, %swap3A_471] {strides = array<i32>} : memref<4x2048xf32, #tpu.memory_space<vmem>>, vector<1x16xf32>,
        %swap3A_473 = vector.shape_cast %swap3A_472 : vector<1x16xf32> to vector<16xf32>
        %swap3A_474 = vector.shape_cast %get3A_468 : vector<16xf32> to vector<1x16xf32>
        tpu.vector_store %arg10[%swap3A_470, %swap3A_471], %swap3A_474 {add = true, strides = array<i32>} : memref<4x2048xf32, #tpu.memory_space<vmem>>, vector<1x16xf32>,
        %add3A_475 = arith.constant 80 : i32
        %add3A_476 = arith.addi %mul3A_411, %add3A_475 : i32
        %get3A_477 = arith.constant 0 : i32
        %get3A_478 = arith.index_cast %get3A_477 : i32 to index
        %get3A_479 = arith.index_cast %add3A_476 : i32 to index
        %get3A_480 = tpu.vector_load %arg14[%get3A_478, %get3A_479] {strides = array<i32>} : memref<4x2048xf32, #tpu.memory_space<vmem>>, vector<1x16xf32>,
        %get3A_481 = vector.shape_cast %get3A_480 : vector<1x16xf32> to vector<16xf32>
        %swap3A_482 = arith.constant 0 : i32
        %swap3A_483 = arith.index_cast %swap3A_482 : i32 to index
        %swap3A_484 = arith.index_cast %add3A_476 : i32 to index
        %swap3A_485 = tpu.vector_load %arg10[%swap3A_483, %swap3A_484] {strides = array<i32>} : memref<4x2048xf32, #tpu.memory_space<vmem>>, vector<1x16xf32>,
        %swap3A_486 = vector.shape_cast %swap3A_485 : vector<1x16xf32> to vector<16xf32>
        %swap3A_487 = vector.shape_cast %get3A_481 : vector<16xf32> to vector<1x16xf32>
        tpu.vector_store %arg10[%swap3A_483, %swap3A_484], %swap3A_487 {add = true, strides = array<i32>} : memref<4x2048xf32, #tpu.memory_space<vmem>>, vector<1x16xf32>,
        %add3A_488 = arith.constant 96 : i32
        %add3A_489 = arith.addi %mul3A_411, %add3A_488 : i32
        %get3A_490 = arith.constant 0 : i32
        %get3A_491 = arith.index_cast %get3A_490 : i32 to index
        %get3A_492 = arith.index_cast %add3A_489 : i32 to index
        %get3A_493 = tpu.vector_load %arg14[%get3A_491, %get3A_492] {strides = array<i32>} : memref<4x2048xf32, #tpu.memory_space<vmem>>, vector<1x16xf32>,
        %get3A_494 = vector.shape_cast %get3A_493 : vector<1x16xf32> to vector<16xf32>
        %swap3A_495 = arith.constant 0 : i32
        %swap3A_496 = arith.index_cast %swap3A_495 : i32 to index
        %swap3A_497 = arith.index_cast %add3A_489 : i32 to index
        %swap3A_498 = tpu.vector_load %arg10[%swap3A_496, %swap3A_497] {strides = array<i32>} : memref<4x2048xf32, #tpu.memory_space<vmem>>, vector<1x16xf32>,
        %swap3A_499 = vector.shape_cast %swap3A_498 : vector<1x16xf32> to vector<16xf32>
        %swap3A_500 = vector.shape_cast %get3A_494 : vector<16xf32> to vector<1x16xf32>
        tpu.vector_store %arg10[%swap3A_496, %swap3A_497], %swap3A_500 {add = true, strides = array<i32>} : memref<4x2048xf32, #tpu.memory_space<vmem>>, vector<1x16xf32>,
        %add3A_501 = arith.constant 112 : i32
        %add3A_502 = arith.addi %mul3A_411, %add3A_501 : i32
        %get3A_503 = arith.constant 0 : i32
        %get3A_504 = arith.index_cast %get3A_503 : i32 to index
        %get3A_505 = arith.index_cast %add3A_502 : i32 to index
        %get3A_506 = tpu.vector_load %arg14[%get3A_504, %get3A_505] {strides = array<i32>} : memref<4x2048xf32, #tpu.memory_space<vmem>>, vector<1x16xf32>,
        %get3A_507 = vector.shape_cast %get3A_506 : vector<1x16xf32> to vector<16xf32>
        %swap3A_508 = arith.constant 0 : i32
        %swap3A_509 = arith.index_cast %swap3A_508 : i32 to index
        %swap3A_510 = arith.index_cast %add3A_502 : i32 to index
        %swap3A_511 = tpu.vector_load %arg10[%swap3A_509, %swap3A_510] {strides = array<i32>} : memref<4x2048xf32, #tpu.memory_space<vmem>>, vector<1x16xf32>,
        %swap3A_512 = vector.shape_cast %swap3A_511 : vector<1x16xf32> to vector<16xf32>
        %swap3A_513 = vector.shape_cast %get3A_507 : vector<16xf32> to vector<1x16xf32>
        tpu.vector_store %arg10[%swap3A_509, %swap3A_510], %swap3A_513 {add = true, strides = array<i32>} : memref<4x2048xf32, #tpu.memory_space<vmem>>, vector<1x16xf32>,
        %add3A_514 = arith.constant 0 : i32
        %add3A_515 = arith.addi %mul3A_411, %add3A_514 : i32
        %get3A_516 = arith.constant 1 : i32
        %get3A_517 = arith.index_cast %get3A_516 : i32 to index
        %get3A_518 = arith.index_cast %add3A_515 : i32 to index
        %get3A_519 = tpu.vector_load %arg14[%get3A_517, %get3A_518] {strides = array<i32>} : memref<4x2048xf32, #tpu.memory_space<vmem>>, vector<1x16xf32>,
        %get3A_520 = vector.shape_cast %get3A_519 : vector<1x16xf32> to vector<16xf32>
        %swap3A_521 = arith.constant 1 : i32
        %swap3A_522 = arith.index_cast %swap3A_521 : i32 to index
        %swap3A_523 = arith.index_cast %add3A_515 : i32 to index
        %swap3A_524 = tpu.vector_load %arg10[%swap3A_522, %swap3A_523] {strides = array<i32>} : memref<4x2048xf32, #tpu.memory_space<vmem>>, vector<1x16xf32>,
        %swap3A_525 = vector.shape_cast %swap3A_524 : vector<1x16xf32> to vector<16xf32>
        %swap3A_526 = vector.shape_cast %get3A_520 : vector<16xf32> to vector<1x16xf32>
        tpu.vector_store %arg10[%swap3A_522, %swap3A_523], %swap3A_526 {add = true, strides = array<i32>} : memref<4x2048xf32, #tpu.memory_space<vmem>>, vector<1x16xf32>,
        %add3A_527 = arith.constant 16 : i32
        %add3A_528 = arith.addi %mul3A_411, %add3A_527 : i32
        %get3A_529 = arith.constant 1 : i32
        %get3A_530 = arith.index_cast %get3A_529 : i32 to index
        %get3A_531 = arith.index_cast %add3A_528 : i32 to index
        %get3A_532 = tpu.vector_load %arg14[%get3A_530, %get3A_531] {strides = array<i32>} : memref<4x2048xf32, #tpu.memory_space<vmem>>, vector<1x16xf32>,
        %get3A_533 = vector.shape_cast %get3A_532 : vector<1x16xf32> to vector<16xf32>
        %swap3A_534 = arith.constant 1 : i32
        %swap3A_535 = arith.index_cast %swap3A_534 : i32 to index
        %swap3A_536 = arith.index_cast %add3A_528 : i32 to index
        %swap3A_537 = tpu.vector_load %arg10[%swap3A_535, %swap3A_536] {strides = array<i32>} : memref<4x2048xf32, #tpu.memory_space<vmem>>, vector<1x16xf32>,
        %swap3A_538 = vector.shape_cast %swap3A_537 : vector<1x16xf32> to vector<16xf32>
        %swap3A_539 = vector.shape_cast %get3A_533 : vector<16xf32> to vector<1x16xf32>
        tpu.vector_store %arg10[%swap3A_535, %swap3A_536], %swap3A_539 {add = true, strides = array<i32>} : memref<4x2048xf32, #tpu.memory_space<vmem>>, vector<1x16xf32>,
        %add3A_540 = arith.constant 32 : i32
        %add3A_541 = arith.addi %mul3A_411, %add3A_540 : i32
        %get3A_542 = arith.constant 1 : i32
        %get3A_543 = arith.index_cast %get3A_542 : i32 to index
        %get3A_544 = arith.index_cast %add3A_541 : i32 to index
        %get3A_545 = tpu.vector_load %arg14[%get3A_543, %get3A_544] {strides = array<i32>} : memref<4x2048xf32, #tpu.memory_space<vmem>>, vector<1x16xf32>,
        %get3A_546 = vector.shape_cast %get3A_545 : vector<1x16xf32> to vector<16xf32>
        %swap3A_547 = arith.constant 1 : i32
        %swap3A_548 = arith.index_cast %swap3A_547 : i32 to index
        %swap3A_549 = arith.index_cast %add3A_541 : i32 to index
        %swap3A_550 = tpu.vector_load %arg10[%swap3A_548, %swap3A_549] {strides = array<i32>} : memref<4x2048xf32, #tpu.memory_space<vmem>>, vector<1x16xf32>,
        %swap3A_551 = vector.shape_cast %swap3A_550 : vector<1x16xf32> to vector<16xf32>
        %swap3A_552 = vector.shape_cast %get3A_546 : vector<16xf32> to vector<1x16xf32>
        tpu.vector_store %arg10[%swap3A_548, %swap3A_549], %swap3A_552 {add = true, strides = array<i32>} : memref<4x2048xf32, #tpu.memory_space<vmem>>, vector<1x16xf32>,
        %add3A_553 = arith.constant 48 : i32
        %add3A_554 = arith.addi %mul3A_411, %add3A_553 : i32
        %get3A_555 = arith.constant 1 : i32
        %get3A_556 = arith.index_cast %get3A_555 : i32 to index
        %get3A_557 = arith.index_cast %add3A_554 : i32 to index
        %get3A_558 = tpu.vector_load %arg14[%get3A_556, %get3A_557] {strides = array<i32>} : memref<4x2048xf32, #tpu.memory_space<vmem>>, vector<1x16xf32>,
        %get3A_559 = vector.shape_cast %get3A_558 : vector<1x16xf32> to vector<16xf32>
        %swap3A_560 = arith.constant 1 : i32
        %swap3A_561 = arith.index_cast %swap3A_560 : i32 to index
        %swap3A_562 = arith.index_cast %add3A_554 : i32 to index
        %swap3A_563 = tpu.vector_load %arg10[%swap3A_561, %swap3A_562] {strides = array<i32>} : memref<4x2048xf32, #tpu.memory_space<vmem>>, vector<1x16xf32>,
        %swap3A_564 = vector.shape_cast %swap3A_563 : vector<1x16xf32> to vector<16xf32>
        %swap3A_565 = vector.shape_cast %get3A_559 : vector<16xf32> to vector<1x16xf32>
        tpu.vector_store %arg10[%swap3A_561, %swap3A_562], %swap3A_565 {add = true, strides = array<i32>} : memref<4x2048xf32, #tpu.memory_space<vmem>>, vector<1x16xf32>,
        %add3A_566 = arith.constant 64 : i32
        %add3A_567 = arith.addi %mul3A_411, %add3A_566 : i32
        %get3A_568 = arith.constant 1 : i32
        %get3A_569 = arith.index_cast %get3A_568 : i32 to index
        %get3A_570 = arith.index_cast %add3A_567 : i32 to index
        %get3A_571 = tpu.vector_load %arg14[%get3A_569, %get3A_570] {strides = array<i32>} : memref<4x2048xf32, #tpu.memory_space<vmem>>, vector<1x16xf32>,
        %get3A_572 = vector.shape_cast %get3A_571 : vector<1x16xf32> to vector<16xf32>
        %swap3A_573 = arith.constant 1 : i32
        %swap3A_574 = arith.index_cast %swap3A_573 : i32 to index
        %swap3A_575 = arith.index_cast %add3A_567 : i32 to index
        %swap3A_576 = tpu.vector_load %arg10[%swap3A_574, %swap3A_575] {strides = array<i32>} : memref<4x2048xf32, #tpu.memory_space<vmem>>, vector<1x16xf32>,
        %swap3A_577 = vector.shape_cast %swap3A_576 : vector<1x16xf32> to vector<16xf32>
        %swap3A_578 = vector.shape_cast %get3A_572 : vector<16xf32> to vector<1x16xf32>
        tpu.vector_store %arg10[%swap3A_574, %swap3A_575], %swap3A_578 {add = true, strides = array<i32>} : memref<4x2048xf32, #tpu.memory_space<vmem>>, vector<1x16xf32>,
        %add3A_579 = arith.constant 80 : i32
        %add3A_580 = arith.addi %mul3A_411, %add3A_579 : i32
        %get3A_581 = arith.constant 1 : i32
        %get3A_582 = arith.index_cast %get3A_581 : i32 to index
        %get3A_583 = arith.index_cast %add3A_580 : i32 to index
        %get3A_584 = tpu.vector_load %arg14[%get3A_582, %get3A_583] {strides = array<i32>} : memref<4x2048xf32, #tpu.memory_space<vmem>>, vector<1x16xf32>,
        %get3A_585 = vector.shape_cast %get3A_584 : vector<1x16xf32> to vector<16xf32>
        %swap3A_586 = arith.constant 1 : i32
        %swap3A_587 = arith.index_cast %swap3A_586 : i32 to index
        %swap3A_588 = arith.index_cast %add3A_580 : i32 to index
        %swap3A_589 = tpu.vector_load %arg10[%swap3A_587, %swap3A_588] {strides = array<i32>} : memref<4x2048xf32, #tpu.memory_space<vmem>>, vector<1x16xf32>,
        %swap3A_590 = vector.shape_cast %swap3A_589 : vector<1x16xf32> to vector<16xf32>
        %swap3A_591 = vector.shape_cast %get3A_585 : vector<16xf32> to vector<1x16xf32>
        tpu.vector_store %arg10[%swap3A_587, %swap3A_588], %swap3A_591 {add = true, strides = array<i32>} : memref<4x2048xf32, #tpu.memory_space<vmem>>, vector<1x16xf32>,
        %add3A_592 = arith.constant 96 : i32
        %add3A_593 = arith.addi %mul3A_411, %add3A_592 : i32
        %get3A_594 = arith.constant 1 : i32
        %get3A_595 = arith.index_cast %get3A_594 : i32 to index
        %get3A_596 = arith.index_cast %add3A_593 : i32 to index
        %get3A_597 = tpu.vector_load %arg14[%get3A_595, %get3A_596] {strides = array<i32>} : memref<4x2048xf32, #tpu.memory_space<vmem>>, vector<1x16xf32>,
        %get3A_598 = vector.shape_cast %get3A_597 : vector<1x16xf32> to vector<16xf32>
        %swap3A_599 = arith.constant 1 : i32
        %swap3A_600 = arith.index_cast %swap3A_599 : i32 to index
        %swap3A_601 = arith.index_cast %add3A_593 : i32 to index
        %swap3A_602 = tpu.vector_load %arg10[%swap3A_600, %swap3A_601] {strides = array<i32>} : memref<4x2048xf32, #tpu.memory_space<vmem>>, vector<1x16xf32>,
        %swap3A_603 = vector.shape_cast %swap3A_602 : vector<1x16xf32> to vector<16xf32>
        %swap3A_604 = vector.shape_cast %get3A_598 : vector<16xf32> to vector<1x16xf32>
        tpu.vector_store %arg10[%swap3A_600, %swap3A_601], %swap3A_604 {add = true, strides = array<i32>} : memref<4x2048xf32, #tpu.memory_space<vmem>>, vector<1x16xf32>,
        %add3A_605 = arith.constant 112 : i32
        %add3A_606 = arith.addi %mul3A_411, %add3A_605 : i32
        %get3A_607 = arith.constant 1 : i32
        %get3A_608 = arith.index_cast %get3A_607 : i32 to index
        %get3A_609 = arith.index_cast %add3A_606 : i32 to index
        %get3A_610 = tpu.vector_load %arg14[%get3A_608, %get3A_609] {strides = array<i32>} : memref<4x2048xf32, #tpu.memory_space<vmem>>, vector<1x16xf32>,
        %get3A_611 = vector.shape_cast %get3A_610 : vector<1x16xf32> to vector<16xf32>
        %swap3A_612 = arith.constant 1 : i32
        %swap3A_613 = arith.index_cast %swap3A_612 : i32 to index
        %swap3A_614 = arith.index_cast %add3A_606 : i32 to index
        %swap3A_615 = tpu.vector_load %arg10[%swap3A_613, %swap3A_614] {strides = array<i32>} : memref<4x2048xf32, #tpu.memory_space<vmem>>, vector<1x16xf32>,
        %swap3A_616 = vector.shape_cast %swap3A_615 : vector<1x16xf32> to vector<16xf32>
        %swap3A_617 = vector.shape_cast %get3A_611 : vector<16xf32> to vector<1x16xf32>
        tpu.vector_store %arg10[%swap3A_613, %swap3A_614], %swap3A_617 {add = true, strides = array<i32>} : memref<4x2048xf32, #tpu.memory_space<vmem>>, vector<1x16xf32>,
        %add3A_618 = arith.constant 0 : i32
        %add3A_619 = arith.addi %mul3A_411, %add3A_618 : i32
        %get3A_620 = arith.constant 2 : i32
        %get3A_621 = arith.index_cast %get3A_620 : i32 to index
        %get3A_622 = arith.index_cast %add3A_619 : i32 to index
        %get3A_623 = tpu.vector_load %arg14[%get3A_621, %get3A_622] {strides = array<i32>} : memref<4x2048xf32, #tpu.memory_space<vmem>>, vector<1x16xf32>,
        %get3A_624 = vector.shape_cast %get3A_623 : vector<1x16xf32> to vector<16xf32>
        %swap3A_625 = arith.constant 2 : i32
        %swap3A_626 = arith.index_cast %swap3A_625 : i32 to index
        %swap3A_627 = arith.index_cast %add3A_619 : i32 to index
        %swap3A_628 = tpu.vector_load %arg10[%swap3A_626, %swap3A_627] {strides = array<i32>} : memref<4x2048xf32, #tpu.memory_space<vmem>>, vector<1x16xf32>,
        %swap3A_629 = vector.shape_cast %swap3A_628 : vector<1x16xf32> to vector<16xf32>
        %swap3A_630 = vector.shape_cast %get3A_624 : vector<16xf32> to vector<1x16xf32>
        tpu.vector_store %arg10[%swap3A_626, %swap3A_627], %swap3A_630 {add = true, strides = array<i32>} : memref<4x2048xf32, #tpu.memory_space<vmem>>, vector<1x16xf32>,
        %add3A_631 = arith.constant 16 : i32
        %add3A_632 = arith.addi %mul3A_411, %add3A_631 : i32
        %get3A_633 = arith.constant 2 : i32
        %get3A_634 = arith.index_cast %get3A_633 : i32 to index
        %get3A_635 = arith.index_cast %add3A_632 : i32 to index
        %get3A_636 = tpu.vector_load %arg14[%get3A_634, %get3A_635] {strides = array<i32>} : memref<4x2048xf32, #tpu.memory_space<vmem>>, vector<1x16xf32>,
        %get3A_637 = vector.shape_cast %get3A_636 : vector<1x16xf32> to vector<16xf32>
        %swap3A_638 = arith.constant 2 : i32
        %swap3A_639 = arith.index_cast %swap3A_638 : i32 to index
        %swap3A_640 = arith.index_cast %add3A_632 : i32 to index
        %swap3A_641 = tpu.vector_load %arg10[%swap3A_639, %swap3A_640] {strides = array<i32>} : memref<4x2048xf32, #tpu.memory_space<vmem>>, vector<1x16xf32>,
        %swap3A_642 = vector.shape_cast %swap3A_641 : vector<1x16xf32> to vector<16xf32>
        %swap3A_643 = vector.shape_cast %get3A_637 : vector<16xf32> to vector<1x16xf32>
        tpu.vector_store %arg10[%swap3A_639, %swap3A_640], %swap3A_643 {add = true, strides = array<i32>} : memref<4x2048xf32, #tpu.memory_space<vmem>>, vector<1x16xf32>,
        %add3A_644 = arith.constant 32 : i32
        %add3A_645 = arith.addi %mul3A_411, %add3A_644 : i32
        %get3A_646 = arith.constant 2 : i32
        %get3A_647 = arith.index_cast %get3A_646 : i32 to index
        %get3A_648 = arith.index_cast %add3A_645 : i32 to index
        %get3A_649 = tpu.vector_load %arg14[%get3A_647, %get3A_648] {strides = array<i32>} : memref<4x2048xf32, #tpu.memory_space<vmem>>, vector<1x16xf32>,
        %get3A_650 = vector.shape_cast %get3A_649 : vector<1x16xf32> to vector<16xf32>
        %swap3A_651 = arith.constant 2 : i32
        %swap3A_652 = arith.index_cast %swap3A_651 : i32 to index
        %swap3A_653 = arith.index_cast %add3A_645 : i32 to index
        %swap3A_654 = tpu.vector_load %arg10[%swap3A_652, %swap3A_653] {strides = array<i32>} : memref<4x2048xf32, #tpu.memory_space<vmem>>, vector<1x16xf32>,
        %swap3A_655 = vector.shape_cast %swap3A_654 : vector<1x16xf32> to vector<16xf32>
        %swap3A_656 = vector.shape_cast %get3A_650 : vector<16xf32> to vector<1x16xf32>
        tpu.vector_store %arg10[%swap3A_652, %swap3A_653], %swap3A_656 {add = true, strides = array<i32>} : memref<4x2048xf32, #tpu.memory_space<vmem>>, vector<1x16xf32>,
        %add3A_657 = arith.constant 48 : i32
        %add3A_658 = arith.addi %mul3A_411, %add3A_657 : i32
        %get3A_659 = arith.constant 2 : i32
        %get3A_660 = arith.index_cast %get3A_659 : i32 to index
        %get3A_661 = arith.index_cast %add3A_658 : i32 to index
        %get3A_662 = tpu.vector_load %arg14[%get3A_660, %get3A_661] {strides = array<i32>} : memref<4x2048xf32, #tpu.memory_space<vmem>>, vector<1x16xf32>,
        %get3A_663 = vector.shape_cast %get3A_662 : vector<1x16xf32> to vector<16xf32>
        %swap3A_664 = arith.constant 2 : i32
        %swap3A_665 = arith.index_cast %swap3A_664 : i32 to index
        %swap3A_666 = arith.index_cast %add3A_658 : i32 to index
        %swap3A_667 = tpu.vector_load %arg10[%swap3A_665, %swap3A_666] {strides = array<i32>} : memref<4x2048xf32, #tpu.memory_space<vmem>>, vector<1x16xf32>,
        %swap3A_668 = vector.shape_cast %swap3A_667 : vector<1x16xf32> to vector<16xf32>
        %swap3A_669 = vector.shape_cast %get3A_663 : vector<16xf32> to vector<1x16xf32>
        tpu.vector_store %arg10[%swap3A_665, %swap3A_666], %swap3A_669 {add = true, strides = array<i32>} : memref<4x2048xf32, #tpu.memory_space<vmem>>, vector<1x16xf32>,
        %add3A_670 = arith.constant 64 : i32
        %add3A_671 = arith.addi %mul3A_411, %add3A_670 : i32
        %get3A_672 = arith.constant 2 : i32
        %get3A_673 = arith.index_cast %get3A_672 : i32 to index
        %get3A_674 = arith.index_cast %add3A_671 : i32 to index
        %get3A_675 = tpu.vector_load %arg14[%get3A_673, %get3A_674] {strides = array<i32>} : memref<4x2048xf32, #tpu.memory_space<vmem>>, vector<1x16xf32>,
        %get3A_676 = vector.shape_cast %get3A_675 : vector<1x16xf32> to vector<16xf32>
        %swap3A_677 = arith.constant 2 : i32
        %swap3A_678 = arith.index_cast %swap3A_677 : i32 to index
        %swap3A_679 = arith.index_cast %add3A_671 : i32 to index
        %swap3A_680 = tpu.vector_load %arg10[%swap3A_678, %swap3A_679] {strides = array<i32>} : memref<4x2048xf32, #tpu.memory_space<vmem>>, vector<1x16xf32>,
        %swap3A_681 = vector.shape_cast %swap3A_680 : vector<1x16xf32> to vector<16xf32>
        %swap3A_682 = vector.shape_cast %get3A_676 : vector<16xf32> to vector<1x16xf32>
        tpu.vector_store %arg10[%swap3A_678, %swap3A_679], %swap3A_682 {add = true, strides = array<i32>} : memref<4x2048xf32, #tpu.memory_space<vmem>>, vector<1x16xf32>,
        %add3A_683 = arith.constant 80 : i32
        %add3A_684 = arith.addi %mul3A_411, %add3A_683 : i32
        %get3A_685 = arith.constant 2 : i32
        %get3A_686 = arith.index_cast %get3A_685 : i32 to index
        %get3A_687 = arith.index_cast %add3A_684 : i32 to index
        %get3A_688 = tpu.vector_load %arg14[%get3A_686, %get3A_687] {strides = array<i32>} : memref<4x2048xf32, #tpu.memory_space<vmem>>, vector<1x16xf32>,
        %get3A_689 = vector.shape_cast %get3A_688 : vector<1x16xf32> to vector<16xf32>
        %swap3A_690 = arith.constant 2 : i32
        %swap3A_691 = arith.index_cast %swap3A_690 : i32 to index
        %swap3A_692 = arith.index_cast %add3A_684 : i32 to index
        %swap3A_693 = tpu.vector_load %arg10[%swap3A_691, %swap3A_692] {strides = array<i32>} : memref<4x2048xf32, #tpu.memory_space<vmem>>, vector<1x16xf32>,
        %swap3A_694 = vector.shape_cast %swap3A_693 : vector<1x16xf32> to vector<16xf32>
        %swap3A_695 = vector.shape_cast %get3A_689 : vector<16xf32> to vector<1x16xf32>
        tpu.vector_store %arg10[%swap3A_691, %swap3A_692], %swap3A_695 {add = true, strides = array<i32>} : memref<4x2048xf32, #tpu.memory_space<vmem>>, vector<1x16xf32>,
        %add3A_696 = arith.constant 96 : i32
        %add3A_697 = arith.addi %mul3A_411, %add3A_696 : i32
        %get3A_698 = arith.constant 2 : i32
        %get3A_699 = arith.index_cast %get3A_698 : i32 to index
        %get3A_700 = arith.index_cast %add3A_697 : i32 to index
        %get3A_701 = tpu.vector_load %arg14[%get3A_699, %get3A_700] {strides = array<i32>} : memref<4x2048xf32, #tpu.memory_space<vmem>>, vector<1x16xf32>,
        %get3A_702 = vector.shape_cast %get3A_701 : vector<1x16xf32> to vector<16xf32>
        %swap3A_703 = arith.constant 2 : i32
        %swap3A_704 = arith.index_cast %swap3A_703 : i32 to index
        %swap3A_705 = arith.index_cast %add3A_697 : i32 to index
        %swap3A_706 = tpu.vector_load %arg10[%swap3A_704, %swap3A_705] {strides = array<i32>} : memref<4x2048xf32, #tpu.memory_space<vmem>>, vector<1x16xf32>,
        %swap3A_707 = vector.shape_cast %swap3A_706 : vector<1x16xf32> to vector<16xf32>
        %swap3A_708 = vector.shape_cast %get3A_702 : vector<16xf32> to vector<1x16xf32>
        tpu.vector_store %arg10[%swap3A_704, %swap3A_705], %swap3A_708 {add = true, strides = array<i32>} : memref<4x2048xf32, #tpu.memory_space<vmem>>, vector<1x16xf32>,
        %add3A_709 = arith.constant 112 : i32
        %add3A_710 = arith.addi %mul3A_411, %add3A_709 : i32
        %get3A_711 = arith.constant 2 : i32
        %get3A_712 = arith.index_cast %get3A_711 : i32 to index
        %get3A_713 = arith.index_cast %add3A_710 : i32 to index
        %get3A_714 = tpu.vector_load %arg14[%get3A_712, %get3A_713] {strides = array<i32>} : memref<4x2048xf32, #tpu.memory_space<vmem>>, vector<1x16xf32>,
        %get3A_715 = vector.shape_cast %get3A_714 : vector<1x16xf32> to vector<16xf32>
        %swap3A_716 = arith.constant 2 : i32
        %swap3A_717 = arith.index_cast %swap3A_716 : i32 to index
        %swap3A_718 = arith.index_cast %add3A_710 : i32 to index
        %swap3A_719 = tpu.vector_load %arg10[%swap3A_717, %swap3A_718] {strides = array<i32>} : memref<4x2048xf32, #tpu.memory_space<vmem>>, vector<1x16xf32>,
        %swap3A_720 = vector.shape_cast %swap3A_719 : vector<1x16xf32> to vector<16xf32>
        %swap3A_721 = vector.shape_cast %get3A_715 : vector<16xf32> to vector<1x16xf32>
        tpu.vector_store %arg10[%swap3A_717, %swap3A_718], %swap3A_721 {add = true, strides = array<i32>} : memref<4x2048xf32, #tpu.memory_space<vmem>>, vector<1x16xf32>,
        %add3A_722 = arith.constant 0 : i32
        %add3A_723 = arith.addi %mul3A_411, %add3A_722 : i32
        %get3A_724 = arith.constant 3 : i32
        %get3A_725 = arith.index_cast %get3A_724 : i32 to index
        %get3A_726 = arith.index_cast %add3A_723 : i32 to index
        %get3A_727 = tpu.vector_load %arg14[%get3A_725, %get3A_726] {strides = array<i32>} : memref<4x2048xf32, #tpu.memory_space<vmem>>, vector<1x16xf32>,
        %get3A_728 = vector.shape_cast %get3A_727 : vector<1x16xf32> to vector<16xf32>
        %swap3A_729 = arith.constant 3 : i32
        %swap3A_730 = arith.index_cast %swap3A_729 : i32 to index
        %swap3A_731 = arith.index_cast %add3A_723 : i32 to index
        %swap3A_732 = tpu.vector_load %arg10[%swap3A_730, %swap3A_731] {strides = array<i32>} : memref<4x2048xf32, #tpu.memory_space<vmem>>, vector<1x16xf32>,
        %swap3A_733 = vector.shape_cast %swap3A_732 : vector<1x16xf32> to vector<16xf32>
        %swap3A_734 = vector.shape_cast %get3A_728 : vector<16xf32> to vector<1x16xf32>
        tpu.vector_store %arg10[%swap3A_730, %swap3A_731], %swap3A_734 {add = true, strides = array<i32>} : memref<4x2048xf32, #tpu.memory_space<vmem>>, vector<1x16xf32>,
        %add3A_735 = arith.constant 16 : i32
        %add3A_736 = arith.addi %mul3A_411, %add3A_735 : i32
        %get3A_737 = arith.constant 3 : i32
        %get3A_738 = arith.index_cast %get3A_737 : i32 to index
        %get3A_739 = arith.index_cast %add3A_736 : i32 to index
        %get3A_740 = tpu.vector_load %arg14[%get3A_738, %get3A_739] {strides = array<i32>} : memref<4x2048xf32, #tpu.memory_space<vmem>>, vector<1x16xf32>,
        %get3A_741 = vector.shape_cast %get3A_740 : vector<1x16xf32> to vector<16xf32>
        %swap3A_742 = arith.constant 3 : i32
        %swap3A_743 = arith.index_cast %swap3A_742 : i32 to index
        %swap3A_744 = arith.index_cast %add3A_736 : i32 to index
        %swap3A_745 = tpu.vector_load %arg10[%swap3A_743, %swap3A_744] {strides = array<i32>} : memref<4x2048xf32, #tpu.memory_space<vmem>>, vector<1x16xf32>,
        %swap3A_746 = vector.shape_cast %swap3A_745 : vector<1x16xf32> to vector<16xf32>
        %swap3A_747 = vector.shape_cast %get3A_741 : vector<16xf32> to vector<1x16xf32>
        tpu.vector_store %arg10[%swap3A_743, %swap3A_744], %swap3A_747 {add = true, strides = array<i32>} : memref<4x2048xf32, #tpu.memory_space<vmem>>, vector<1x16xf32>,
        %add3A_748 = arith.constant 32 : i32
        %add3A_749 = arith.addi %mul3A_411, %add3A_748 : i32
        %get3A_750 = arith.constant 3 : i32
        %get3A_751 = arith.index_cast %get3A_750 : i32 to index
        %get3A_752 = arith.index_cast %add3A_749 : i32 to index
        %get3A_753 = tpu.vector_load %arg14[%get3A_751, %get3A_752] {strides = array<i32>} : memref<4x2048xf32, #tpu.memory_space<vmem>>, vector<1x16xf32>,
        %get3A_754 = vector.shape_cast %get3A_753 : vector<1x16xf32> to vector<16xf32>
        %swap3A_755 = arith.constant 3 : i32
        %swap3A_756 = arith.index_cast %swap3A_755 : i32 to index
        %swap3A_757 = arith.index_cast %add3A_749 : i32 to index
        %swap3A_758 = tpu.vector_load %arg10[%swap3A_756, %swap3A_757] {strides = array<i32>} : memref<4x2048xf32, #tpu.memory_space<vmem>>, vector<1x16xf32>,
        %swap3A_759 = vector.shape_cast %swap3A_758 : vector<1x16xf32> to vector<16xf32>
        %swap3A_760 = vector.shape_cast %get3A_754 : vector<16xf32> to vector<1x16xf32>
        tpu.vector_store %arg10[%swap3A_756, %swap3A_757], %swap3A_760 {add = true, strides = array<i32>} : memref<4x2048xf32, #tpu.memory_space<vmem>>, vector<1x16xf32>,
        %add3A_761 = arith.constant 48 : i32
        %add3A_762 = arith.addi %mul3A_411, %add3A_761 : i32
        %get3A_763 = arith.constant 3 : i32
        %get3A_764 = arith.index_cast %get3A_763 : i32 to index
        %get3A_765 = arith.index_cast %add3A_762 : i32 to index
        %get3A_766 = tpu.vector_load %arg14[%get3A_764, %get3A_765] {strides = array<i32>} : memref<4x2048xf32, #tpu.memory_space<vmem>>, vector<1x16xf32>,
        %get3A_767 = vector.shape_cast %get3A_766 : vector<1x16xf32> to vector<16xf32>
        %swap3A_768 = arith.constant 3 : i32
        %swap3A_769 = arith.index_cast %swap3A_768 : i32 to index
        %swap3A_770 = arith.index_cast %add3A_762 : i32 to index
        %swap3A_771 = tpu.vector_load %arg10[%swap3A_769, %swap3A_770] {strides = array<i32>} : memref<4x2048xf32, #tpu.memory_space<vmem>>, vector<1x16xf32>,
        %swap3A_772 = vector.shape_cast %swap3A_771 : vector<1x16xf32> to vector<16xf32>
        %swap3A_773 = vector.shape_cast %get3A_767 : vector<16xf32> to vector<1x16xf32>
        tpu.vector_store %arg10[%swap3A_769, %swap3A_770], %swap3A_773 {add = true, strides = array<i32>} : memref<4x2048xf32, #tpu.memory_space<vmem>>, vector<1x16xf32>,
        %add3A_774 = arith.constant 64 : i32
        %add3A_775 = arith.addi %mul3A_411, %add3A_774 : i32
        %get3A_776 = arith.constant 3 : i32
        %get3A_777 = arith.index_cast %get3A_776 : i32 to index
        %get3A_778 = arith.index_cast %add3A_775 : i32 to index
        %get3A_779 = tpu.vector_load %arg14[%get3A_777, %get3A_778] {strides = array<i32>} : memref<4x2048xf32, #tpu.memory_space<vmem>>, vector<1x16xf32>,
        %get3A_780 = vector.shape_cast %get3A_779 : vector<1x16xf32> to vector<16xf32>
        %swap3A_781 = arith.constant 3 : i32
        %swap3A_782 = arith.index_cast %swap3A_781 : i32 to index
        %swap3A_783 = arith.index_cast %add3A_775 : i32 to index
        %swap3A_784 = tpu.vector_load %arg10[%swap3A_782, %swap3A_783] {strides = array<i32>} : memref<4x2048xf32, #tpu.memory_space<vmem>>, vector<1x16xf32>,
        %swap3A_785 = vector.shape_cast %swap3A_784 : vector<1x16xf32> to vector<16xf32>
        %swap3A_786 = vector.shape_cast %get3A_780 : vector<16xf32> to vector<1x16xf32>
        tpu.vector_store %arg10[%swap3A_782, %swap3A_783], %swap3A_786 {add = true, strides = array<i32>} : memref<4x2048xf32, #tpu.memory_space<vmem>>, vector<1x16xf32>,
        %add3A_787 = arith.constant 80 : i32
        %add3A_788 = arith.addi %mul3A_411, %add3A_787 : i32
        %get3A_789 = arith.constant 3 : i32
        %get3A_790 = arith.index_cast %get3A_789 : i32 to index
        %get3A_791 = arith.index_cast %add3A_788 : i32 to index
        %get3A_792 = tpu.vector_load %arg14[%get3A_790, %get3A_791] {strides = array<i32>} : memref<4x2048xf32, #tpu.memory_space<vmem>>, vector<1x16xf32>,
        %get3A_793 = vector.shape_cast %get3A_792 : vector<1x16xf32> to vector<16xf32>
        %swap3A_794 = arith.constant 3 : i32
        %swap3A_795 = arith.index_cast %swap3A_794 : i32 to index
        %swap3A_796 = arith.index_cast %add3A_788 : i32 to index
        %swap3A_797 = tpu.vector_load %arg10[%swap3A_795, %swap3A_796] {strides = array<i32>} : memref<4x2048xf32, #tpu.memory_space<vmem>>, vector<1x16xf32>,
        %swap3A_798 = vector.shape_cast %swap3A_797 : vector<1x16xf32> to vector<16xf32>
        %swap3A_799 = vector.shape_cast %get3A_793 : vector<16xf32> to vector<1x16xf32>
        tpu.vector_store %arg10[%swap3A_795, %swap3A_796], %swap3A_799 {add = true, strides = array<i32>} : memref<4x2048xf32, #tpu.memory_space<vmem>>, vector<1x16xf32>,
        %add3A_800 = arith.constant 96 : i32
        %add3A_801 = arith.addi %mul3A_411, %add3A_800 : i32
        %get3A_802 = arith.constant 3 : i32
        %get3A_803 = arith.index_cast %get3A_802 : i32 to index
        %get3A_804 = arith.index_cast %add3A_801 : i32 to index
        %get3A_805 = tpu.vector_load %arg14[%get3A_803, %get3A_804] {strides = array<i32>} : memref<4x2048xf32, #tpu.memory_space<vmem>>, vector<1x16xf32>,
        %get3A_806 = vector.shape_cast %get3A_805 : vector<1x16xf32> to vector<16xf32>
        %swap3A_807 = arith.constant 3 : i32
        %swap3A_808 = arith.index_cast %swap3A_807 : i32 to index
        %swap3A_809 = arith.index_cast %add3A_801 : i32 to index
        %swap3A_810 = tpu.vector_load %arg10[%swap3A_808, %swap3A_809] {strides = array<i32>} : memref<4x2048xf32, #tpu.memory_space<vmem>>, vector<1x16xf32>,
        %swap3A_811 = vector.shape_cast %swap3A_810 : vector<1x16xf32> to vector<16xf32>
        %swap3A_812 = vector.shape_cast %get3A_806 : vector<16xf32> to vector<1x16xf32>
        tpu.vector_store %arg10[%swap3A_808, %swap3A_809], %swap3A_812 {add = true, strides = array<i32>} : memref<4x2048xf32, #tpu.memory_space<vmem>>, vector<1x16xf32>,
        %add3A_813 = arith.constant 112 : i32
        %add3A_814 = arith.addi %mul3A_411, %add3A_813 : i32
        %get3A_815 = arith.constant 3 : i32
        %get3A_816 = arith.index_cast %get3A_815 : i32 to index
        %get3A_817 = arith.index_cast %add3A_814 : i32 to index
        %get3A_818 = tpu.vector_load %arg14[%get3A_816, %get3A_817] {strides = array<i32>} : memref<4x2048xf32, #tpu.memory_space<vmem>>, vector<1x16xf32>,
        %get3A_819 = vector.shape_cast %get3A_818 : vector<1x16xf32> to vector<16xf32>
        %swap3A_820 = arith.constant 3 : i32
        %swap3A_821 = arith.index_cast %swap3A_820 : i32 to index
        %swap3A_822 = arith.index_cast %add3A_814 : i32 to index
        %swap3A_823 = tpu.vector_load %arg10[%swap3A_821, %swap3A_822] {strides = array<i32>} : memref<4x2048xf32, #tpu.memory_space<vmem>>, vector<1x16xf32>,
        %swap3A_824 = vector.shape_cast %swap3A_823 : vector<1x16xf32> to vector<16xf32>
        %swap3A_825 = vector.shape_cast %get3A_819 : vector<16xf32> to vector<1x16xf32>
        tpu.vector_store %arg10[%swap3A_821, %swap3A_822], %swap3A_825 {add = true, strides = array<i32>} : memref<4x2048xf32, #tpu.memory_space<vmem>>, vector<1x16xf32>,
      }
      %scan3A_316 = arith.constant 16 : i32
      %add3A_317 = arith.constant 4096 : i32
      %add3A_318 = arith.addi %add3A_317, %mul3A_2 : i32
      %mul3A_319 = arith.constant 4 : i32
      %mul3A_320 = arith.muli %add3A_304, %mul3A_319 : i32
      %add3A_321 = arith.addi %add3A_318, %mul3A_320 : i32
      %dma_start3A_322 = arith.constant 0 : i32
      %dma_start3A_323 = tpu.memref_slice %arg4[%add3A_321, %dma_start3A_322] : memref<16384x2048xf32, #tpu.memory_space<hbm>> -> memref<4x2048xf32, #tpu.memory_space<hbm>>
      %dma_start3A_324 = arith.constant 0 : i32
      %dma_start3A_325 = tpu.memref_slice %arg4[%add3A_321, %dma_start3A_324] : memref<16384x2048xf32, #tpu.memory_space<hbm>> -> memref<4x2048xf32, #tpu.memory_space<hbm>>
      tpu.enqueue_dma source(%arg10 : memref<4x2048xf32, #tpu.memory_space<vmem>>) target(%dma_start3A_325 : memref<4x2048xf32, #tpu.memory_space<hbm>>) target_semaphore(%arg17 : memref<!tpu.dma_semaphore, #tpu.memory_space<semaphore_mem>>)
      %dma_wait3A_326 = arith.constant 0 : i32
      %dma_wait3A_327 = arith.constant 0 : i32
      %dma_wait3A_328 = tpu.memref_slice %arg4[%dma_wait3A_326, %dma_wait3A_327] : memref<16384x2048xf32, #tpu.memory_space<hbm>> -> memref<4x2048xf32, #tpu.memory_space<hbm>>
      %dma_wait3A_329 = arith.constant 0 : i32
      %dma_wait3A_330 = arith.constant 0 : i32
      %dma_wait3A_331 = tpu.memref_slice %arg4[%dma_wait3A_329, %dma_wait3A_330] : memref<16384x2048xf32, #tpu.memory_space<hbm>> -> memref<4x2048xf32, #tpu.memory_space<hbm>>
      tpu.wait_dma2 semaphore(%arg17 : memref<!tpu.dma_semaphore, #tpu.memory_space<semaphore_mem>>) src(%arg6 : memref<4x2048xf32, #tpu.memory_space<vmem>>) dst(%dma_wait3A_331 : memref<4x2048xf32, #tpu.memory_space<hbm>>)
      %lt3A_332 = arith.constant 15 : i32
      %lt3A_333 = arith.cmpi slt, %scan3A_68, %lt3A_332 : i32
      %convert_element_type3A_334 = arith.extui %lt3A_333 : i1 to i32
      %cond3A_335 = arith.constant 0 : i32
      %cond3A_336 = arith.cmpi ne, %convert_element_type3A_334, %cond3A_335 : i32
      scf.if %cond3A_336 {
        %mul3A_409 = arith.constant 2 : i32
        %mul3A_410 = arith.muli %mul3A_409, %scan3A_68 : i32
        %add3A_411 = arith.constant 2 : i32
        %add3A_412 = arith.addi %mul3A_410, %add3A_411 : i32
        %add3A_413 = arith.constant 4096 : i32
        %add3A_414 = arith.addi %add3A_413, %mul3A_2 : i32
        %mul3A_415 = arith.constant 4 : i32
        %mul3A_416 = arith.muli %add3A_412, %mul3A_415 : i32
        %add3A_417 = arith.addi %add3A_414, %mul3A_416 : i32
        %dma_start3A_418 = arith.constant 0 : i32
        %dma_start3A_419 = tpu.memref_slice %arg2[%add3A_417, %dma_start3A_418] : memref<16384x2048xf32, #tpu.memory_space<hbm>> -> memref<4x2048xf32, #tpu.memory_space<hbm>>
        %dma_start3A_420 = arith.constant 0 : i32
        %dma_start3A_421 = tpu.memref_slice %arg2[%add3A_417, %dma_start3A_420] : memref<16384x2048xf32, #tpu.memory_space<hbm>> -> memref<4x2048xf32, #tpu.memory_space<hbm>>
        tpu.enqueue_dma source(%dma_start3A_421 : memref<4x2048xf32, #tpu.memory_space<hbm>>) target(%arg6 : memref<4x2048xf32, #tpu.memory_space<vmem>>) target_semaphore(%arg15 : memref<!tpu.dma_semaphore, #tpu.memory_space<semaphore_mem>>)
      } else {
      }
      %mul3A_337 = arith.constant 2 : i32
      %mul3A_338 = arith.muli %mul3A_337, %scan3A_68 : i32
      %add3A_339 = arith.constant 1 : i32
      %add3A_340 = arith.addi %mul3A_338, %add3A_339 : i32
      %dma_wait3A_341 = arith.constant 0 : i32
      %dma_wait3A_342 = arith.constant 0 : i32
      %dma_wait3A_343 = tpu.memref_slice %arg2[%dma_wait3A_341, %dma_wait3A_342] : memref<16384x2048xf32, #tpu.memory_space<hbm>> -> memref<4x2048xf32, #tpu.memory_space<hbm>>
      %dma_wait3A_344 = arith.constant 0 : i32
      %dma_wait3A_345 = arith.constant 0 : i32
      %dma_wait3A_346 = tpu.memref_slice %arg2[%dma_wait3A_344, %dma_wait3A_345] : memref<16384x2048xf32, #tpu.memory_space<hbm>> -> memref<4x2048xf32, #tpu.memory_space<hbm>>
      tpu.wait_dma2 semaphore(%arg15 : memref<!tpu.dma_semaphore, #tpu.memory_space<semaphore_mem>>) src(%dma_wait3A_346 : memref<4x2048xf32, #tpu.memory_space<hbm>>) dst(%arg11 : memref<4x2048xf32, #tpu.memory_space<vmem>>)
      %scan3A_347 = arith.constant 0 : i32
      %scan3A_348 = arith.constant 0 : i32
      %scan3A_349 = arith.constant 16 : i32
      %scan3A_350 = arith.addi %scan3A_348, %scan3A_349 : i32
      %scan3A_351 = arith.constant 1 : i32
      scf.for %scan3A_409 = %scan3A_348 to %scan3A_350 step %scan3A_351  : i32 {
        %mul3A_410 = arith.constant 128 : i32
        %mul3A_411 = arith.muli %scan3A_409, %mul3A_410 : i32
        %add3A_412 = arith.constant 0 : i32
        %add3A_413 = arith.addi %mul3A_411, %add3A_412 : i32
        %get3A = arith.constant 0 : i32
        %get3A_414 = arith.index_cast %get3A : i32 to index
        %get3A_415 = arith.index_cast %add3A_413 : i32 to index
        %get3A_416 = tpu.vector_load %arg14[%get3A_414, %get3A_415] {strides = array<i32>} : memref<4x2048xf32, #tpu.memory_space<vmem>>, vector<1x16xf32>,
        %get3A_417 = vector.shape_cast %get3A_416 : vector<1x16xf32> to vector<16xf32>
        %swap3A = arith.constant 0 : i32
        %swap3A_418 = arith.index_cast %swap3A : i32 to index
        %swap3A_419 = arith.index_cast %add3A_413 : i32 to index
        %swap3A_420 = tpu.vector_load %arg11[%swap3A_418, %swap3A_419] {strides = array<i32>} : memref<4x2048xf32, #tpu.memory_space<vmem>>, vector<1x16xf32>,
        %swap3A_421 = vector.shape_cast %swap3A_420 : vector<1x16xf32> to vector<16xf32>
        %swap3A_422 = vector.shape_cast %get3A_417 : vector<16xf32> to vector<1x16xf32>
        tpu.vector_store %arg11[%swap3A_418, %swap3A_419], %swap3A_422 {add = true, strides = array<i32>} : memref<4x2048xf32, #tpu.memory_space<vmem>>, vector<1x16xf32>,
        %add3A_423 = arith.constant 16 : i32
        %add3A_424 = arith.addi %mul3A_411, %add3A_423 : i32
        %get3A_425 = arith.constant 0 : i32
        %get3A_426 = arith.index_cast %get3A_425 : i32 to index
        %get3A_427 = arith.index_cast %add3A_424 : i32 to index
        %get3A_428 = tpu.vector_load %arg14[%get3A_426, %get3A_427] {strides = array<i32>} : memref<4x2048xf32, #tpu.memory_space<vmem>>, vector<1x16xf32>,
        %get3A_429 = vector.shape_cast %get3A_428 : vector<1x16xf32> to vector<16xf32>
        %swap3A_430 = arith.constant 0 : i32
        %swap3A_431 = arith.index_cast %swap3A_430 : i32 to index
        %swap3A_432 = arith.index_cast %add3A_424 : i32 to index
        %swap3A_433 = tpu.vector_load %arg11[%swap3A_431, %swap3A_432] {strides = array<i32>} : memref<4x2048xf32, #tpu.memory_space<vmem>>, vector<1x16xf32>,
        %swap3A_434 = vector.shape_cast %swap3A_433 : vector<1x16xf32> to vector<16xf32>
        %swap3A_435 = vector.shape_cast %get3A_429 : vector<16xf32> to vector<1x16xf32>
        tpu.vector_store %arg11[%swap3A_431, %swap3A_432], %swap3A_435 {add = true, strides = array<i32>} : memref<4x2048xf32, #tpu.memory_space<vmem>>, vector<1x16xf32>,
        %add3A_436 = arith.constant 32 : i32
        %add3A_437 = arith.addi %mul3A_411, %add3A_436 : i32
        %get3A_438 = arith.constant 0 : i32
        %get3A_439 = arith.index_cast %get3A_438 : i32 to index
        %get3A_440 = arith.index_cast %add3A_437 : i32 to index
        %get3A_441 = tpu.vector_load %arg14[%get3A_439, %get3A_440] {strides = array<i32>} : memref<4x2048xf32, #tpu.memory_space<vmem>>, vector<1x16xf32>,
        %get3A_442 = vector.shape_cast %get3A_441 : vector<1x16xf32> to vector<16xf32>
        %swap3A_443 = arith.constant 0 : i32
        %swap3A_444 = arith.index_cast %swap3A_443 : i32 to index
        %swap3A_445 = arith.index_cast %add3A_437 : i32 to index
        %swap3A_446 = tpu.vector_load %arg11[%swap3A_444, %swap3A_445] {strides = array<i32>} : memref<4x2048xf32, #tpu.memory_space<vmem>>, vector<1x16xf32>,
        %swap3A_447 = vector.shape_cast %swap3A_446 : vector<1x16xf32> to vector<16xf32>
        %swap3A_448 = vector.shape_cast %get3A_442 : vector<16xf32> to vector<1x16xf32>
        tpu.vector_store %arg11[%swap3A_444, %swap3A_445], %swap3A_448 {add = true, strides = array<i32>} : memref<4x2048xf32, #tpu.memory_space<vmem>>, vector<1x16xf32>,
        %add3A_449 = arith.constant 48 : i32
        %add3A_450 = arith.addi %mul3A_411, %add3A_449 : i32
        %get3A_451 = arith.constant 0 : i32
        %get3A_452 = arith.index_cast %get3A_451 : i32 to index
        %get3A_453 = arith.index_cast %add3A_450 : i32 to index
        %get3A_454 = tpu.vector_load %arg14[%get3A_452, %get3A_453] {strides = array<i32>} : memref<4x2048xf32, #tpu.memory_space<vmem>>, vector<1x16xf32>,
        %get3A_455 = vector.shape_cast %get3A_454 : vector<1x16xf32> to vector<16xf32>
        %swap3A_456 = arith.constant 0 : i32
        %swap3A_457 = arith.index_cast %swap3A_456 : i32 to index
        %swap3A_458 = arith.index_cast %add3A_450 : i32 to index
        %swap3A_459 = tpu.vector_load %arg11[%swap3A_457, %swap3A_458] {strides = array<i32>} : memref<4x2048xf32, #tpu.memory_space<vmem>>, vector<1x16xf32>,
        %swap3A_460 = vector.shape_cast %swap3A_459 : vector<1x16xf32> to vector<16xf32>
        %swap3A_461 = vector.shape_cast %get3A_455 : vector<16xf32> to vector<1x16xf32>
        tpu.vector_store %arg11[%swap3A_457, %swap3A_458], %swap3A_461 {add = true, strides = array<i32>} : memref<4x2048xf32, #tpu.memory_space<vmem>>, vector<1x16xf32>,
        %add3A_462 = arith.constant 64 : i32
        %add3A_463 = arith.addi %mul3A_411, %add3A_462 : i32
        %get3A_464 = arith.constant 0 : i32
        %get3A_465 = arith.index_cast %get3A_464 : i32 to index
        %get3A_466 = arith.index_cast %add3A_463 : i32 to index
        %get3A_467 = tpu.vector_load %arg14[%get3A_465, %get3A_466] {strides = array<i32>} : memref<4x2048xf32, #tpu.memory_space<vmem>>, vector<1x16xf32>,
        %get3A_468 = vector.shape_cast %get3A_467 : vector<1x16xf32> to vector<16xf32>
        %swap3A_469 = arith.constant 0 : i32
        %swap3A_470 = arith.index_cast %swap3A_469 : i32 to index
        %swap3A_471 = arith.index_cast %add3A_463 : i32 to index
        %swap3A_472 = tpu.vector_load %arg11[%swap3A_470, %swap3A_471] {strides = array<i32>} : memref<4x2048xf32, #tpu.memory_space<vmem>>, vector<1x16xf32>,
        %swap3A_473 = vector.shape_cast %swap3A_472 : vector<1x16xf32> to vector<16xf32>
        %swap3A_474 = vector.shape_cast %get3A_468 : vector<16xf32> to vector<1x16xf32>
        tpu.vector_store %arg11[%swap3A_470, %swap3A_471], %swap3A_474 {add = true, strides = array<i32>} : memref<4x2048xf32, #tpu.memory_space<vmem>>, vector<1x16xf32>,
        %add3A_475 = arith.constant 80 : i32
        %add3A_476 = arith.addi %mul3A_411, %add3A_475 : i32
        %get3A_477 = arith.constant 0 : i32
        %get3A_478 = arith.index_cast %get3A_477 : i32 to index
        %get3A_479 = arith.index_cast %add3A_476 : i32 to index
        %get3A_480 = tpu.vector_load %arg14[%get3A_478, %get3A_479] {strides = array<i32>} : memref<4x2048xf32, #tpu.memory_space<vmem>>, vector<1x16xf32>,
        %get3A_481 = vector.shape_cast %get3A_480 : vector<1x16xf32> to vector<16xf32>
        %swap3A_482 = arith.constant 0 : i32
        %swap3A_483 = arith.index_cast %swap3A_482 : i32 to index
        %swap3A_484 = arith.index_cast %add3A_476 : i32 to index
        %swap3A_485 = tpu.vector_load %arg11[%swap3A_483, %swap3A_484] {strides = array<i32>} : memref<4x2048xf32, #tpu.memory_space<vmem>>, vector<1x16xf32>,
        %swap3A_486 = vector.shape_cast %swap3A_485 : vector<1x16xf32> to vector<16xf32>
        %swap3A_487 = vector.shape_cast %get3A_481 : vector<16xf32> to vector<1x16xf32>
        tpu.vector_store %arg11[%swap3A_483, %swap3A_484], %swap3A_487 {add = true, strides = array<i32>} : memref<4x2048xf32, #tpu.memory_space<vmem>>, vector<1x16xf32>,
        %add3A_488 = arith.constant 96 : i32
        %add3A_489 = arith.addi %mul3A_411, %add3A_488 : i32
        %get3A_490 = arith.constant 0 : i32
        %get3A_491 = arith.index_cast %get3A_490 : i32 to index
        %get3A_492 = arith.index_cast %add3A_489 : i32 to index
        %get3A_493 = tpu.vector_load %arg14[%get3A_491, %get3A_492] {strides = array<i32>} : memref<4x2048xf32, #tpu.memory_space<vmem>>, vector<1x16xf32>,
        %get3A_494 = vector.shape_cast %get3A_493 : vector<1x16xf32> to vector<16xf32>
        %swap3A_495 = arith.constant 0 : i32
        %swap3A_496 = arith.index_cast %swap3A_495 : i32 to index
        %swap3A_497 = arith.index_cast %add3A_489 : i32 to index
        %swap3A_498 = tpu.vector_load %arg11[%swap3A_496, %swap3A_497] {strides = array<i32>} : memref<4x2048xf32, #tpu.memory_space<vmem>>, vector<1x16xf32>,
        %swap3A_499 = vector.shape_cast %swap3A_498 : vector<1x16xf32> to vector<16xf32>
        %swap3A_500 = vector.shape_cast %get3A_494 : vector<16xf32> to vector<1x16xf32>
        tpu.vector_store %arg11[%swap3A_496, %swap3A_497], %swap3A_500 {add = true, strides = array<i32>} : memref<4x2048xf32, #tpu.memory_space<vmem>>, vector<1x16xf32>,
        %add3A_501 = arith.constant 112 : i32
        %add3A_502 = arith.addi %mul3A_411, %add3A_501 : i32
        %get3A_503 = arith.constant 0 : i32
        %get3A_504 = arith.index_cast %get3A_503 : i32 to index
        %get3A_505 = arith.index_cast %add3A_502 : i32 to index
        %get3A_506 = tpu.vector_load %arg14[%get3A_504, %get3A_505] {strides = array<i32>} : memref<4x2048xf32, #tpu.memory_space<vmem>>, vector<1x16xf32>,
        %get3A_507 = vector.shape_cast %get3A_506 : vector<1x16xf32> to vector<16xf32>
        %swap3A_508 = arith.constant 0 : i32
        %swap3A_509 = arith.index_cast %swap3A_508 : i32 to index
        %swap3A_510 = arith.index_cast %add3A_502 : i32 to index
        %swap3A_511 = tpu.vector_load %arg11[%swap3A_509, %swap3A_510] {strides = array<i32>} : memref<4x2048xf32, #tpu.memory_space<vmem>>, vector<1x16xf32>,
        %swap3A_512 = vector.shape_cast %swap3A_511 : vector<1x16xf32> to vector<16xf32>
        %swap3A_513 = vector.shape_cast %get3A_507 : vector<16xf32> to vector<1x16xf32>
        tpu.vector_store %arg11[%swap3A_509, %swap3A_510], %swap3A_513 {add = true, strides = array<i32>} : memref<4x2048xf32, #tpu.memory_space<vmem>>, vector<1x16xf32>,
        %add3A_514 = arith.constant 0 : i32
        %add3A_515 = arith.addi %mul3A_411, %add3A_514 : i32
        %get3A_516 = arith.constant 1 : i32
        %get3A_517 = arith.index_cast %get3A_516 : i32 to index
        %get3A_518 = arith.index_cast %add3A_515 : i32 to index
        %get3A_519 = tpu.vector_load %arg14[%get3A_517, %get3A_518] {strides = array<i32>} : memref<4x2048xf32, #tpu.memory_space<vmem>>, vector<1x16xf32>,
        %get3A_520 = vector.shape_cast %get3A_519 : vector<1x16xf32> to vector<16xf32>
        %swap3A_521 = arith.constant 1 : i32
        %swap3A_522 = arith.index_cast %swap3A_521 : i32 to index
        %swap3A_523 = arith.index_cast %add3A_515 : i32 to index
        %swap3A_524 = tpu.vector_load %arg11[%swap3A_522, %swap3A_523] {strides = array<i32>} : memref<4x2048xf32, #tpu.memory_space<vmem>>, vector<1x16xf32>,
        %swap3A_525 = vector.shape_cast %swap3A_524 : vector<1x16xf32> to vector<16xf32>
        %swap3A_526 = vector.shape_cast %get3A_520 : vector<16xf32> to vector<1x16xf32>
        tpu.vector_store %arg11[%swap3A_522, %swap3A_523], %swap3A_526 {add = true, strides = array<i32>} : memref<4x2048xf32, #tpu.memory_space<vmem>>, vector<1x16xf32>,
        %add3A_527 = arith.constant 16 : i32
        %add3A_528 = arith.addi %mul3A_411, %add3A_527 : i32
        %get3A_529 = arith.constant 1 : i32
        %get3A_530 = arith.index_cast %get3A_529 : i32 to index
        %get3A_531 = arith.index_cast %add3A_528 : i32 to index
        %get3A_532 = tpu.vector_load %arg14[%get3A_530, %get3A_531] {strides = array<i32>} : memref<4x2048xf32, #tpu.memory_space<vmem>>, vector<1x16xf32>,
        %get3A_533 = vector.shape_cast %get3A_532 : vector<1x16xf32> to vector<16xf32>
        %swap3A_534 = arith.constant 1 : i32
        %swap3A_535 = arith.index_cast %swap3A_534 : i32 to index
        %swap3A_536 = arith.index_cast %add3A_528 : i32 to index
        %swap3A_537 = tpu.vector_load %arg11[%swap3A_535, %swap3A_536] {strides = array<i32>} : memref<4x2048xf32, #tpu.memory_space<vmem>>, vector<1x16xf32>,
        %swap3A_538 = vector.shape_cast %swap3A_537 : vector<1x16xf32> to vector<16xf32>
        %swap3A_539 = vector.shape_cast %get3A_533 : vector<16xf32> to vector<1x16xf32>
        tpu.vector_store %arg11[%swap3A_535, %swap3A_536], %swap3A_539 {add = true, strides = array<i32>} : memref<4x2048xf32, #tpu.memory_space<vmem>>, vector<1x16xf32>,
        %add3A_540 = arith.constant 32 : i32
        %add3A_541 = arith.addi %mul3A_411, %add3A_540 : i32
        %get3A_542 = arith.constant 1 : i32
        %get3A_543 = arith.index_cast %get3A_542 : i32 to index
        %get3A_544 = arith.index_cast %add3A_541 : i32 to index
        %get3A_545 = tpu.vector_load %arg14[%get3A_543, %get3A_544] {strides = array<i32>} : memref<4x2048xf32, #tpu.memory_space<vmem>>, vector<1x16xf32>,
        %get3A_546 = vector.shape_cast %get3A_545 : vector<1x16xf32> to vector<16xf32>
        %swap3A_547 = arith.constant 1 : i32
        %swap3A_548 = arith.index_cast %swap3A_547 : i32 to index
        %swap3A_549 = arith.index_cast %add3A_541 : i32 to index
        %swap3A_550 = tpu.vector_load %arg11[%swap3A_548, %swap3A_549] {strides = array<i32>} : memref<4x2048xf32, #tpu.memory_space<vmem>>, vector<1x16xf32>,
        %swap3A_551 = vector.shape_cast %swap3A_550 : vector<1x16xf32> to vector<16xf32>
        %swap3A_552 = vector.shape_cast %get3A_546 : vector<16xf32> to vector<1x16xf32>
        tpu.vector_store %arg11[%swap3A_548, %swap3A_549], %swap3A_552 {add = true, strides = array<i32>} : memref<4x2048xf32, #tpu.memory_space<vmem>>, vector<1x16xf32>,
        %add3A_553 = arith.constant 48 : i32
        %add3A_554 = arith.addi %mul3A_411, %add3A_553 : i32
        %get3A_555 = arith.constant 1 : i32
        %get3A_556 = arith.index_cast %get3A_555 : i32 to index
        %get3A_557 = arith.index_cast %add3A_554 : i32 to index
        %get3A_558 = tpu.vector_load %arg14[%get3A_556, %get3A_557] {strides = array<i32>} : memref<4x2048xf32, #tpu.memory_space<vmem>>, vector<1x16xf32>,
        %get3A_559 = vector.shape_cast %get3A_558 : vector<1x16xf32> to vector<16xf32>
        %swap3A_560 = arith.constant 1 : i32
        %swap3A_561 = arith.index_cast %swap3A_560 : i32 to index
        %swap3A_562 = arith.index_cast %add3A_554 : i32 to index
        %swap3A_563 = tpu.vector_load %arg11[%swap3A_561, %swap3A_562] {strides = array<i32>} : memref<4x2048xf32, #tpu.memory_space<vmem>>, vector<1x16xf32>,
        %swap3A_564 = vector.shape_cast %swap3A_563 : vector<1x16xf32> to vector<16xf32>
        %swap3A_565 = vector.shape_cast %get3A_559 : vector<16xf32> to vector<1x16xf32>
        tpu.vector_store %arg11[%swap3A_561, %swap3A_562], %swap3A_565 {add = true, strides = array<i32>} : memref<4x2048xf32, #tpu.memory_space<vmem>>, vector<1x16xf32>,
        %add3A_566 = arith.constant 64 : i32
        %add3A_567 = arith.addi %mul3A_411, %add3A_566 : i32
        %get3A_568 = arith.constant 1 : i32
        %get3A_569 = arith.index_cast %get3A_568 : i32 to index
        %get3A_570 = arith.index_cast %add3A_567 : i32 to index
        %get3A_571 = tpu.vector_load %arg14[%get3A_569, %get3A_570] {strides = array<i32>} : memref<4x2048xf32, #tpu.memory_space<vmem>>, vector<1x16xf32>,
        %get3A_572 = vector.shape_cast %get3A_571 : vector<1x16xf32> to vector<16xf32>
        %swap3A_573 = arith.constant 1 : i32
        %swap3A_574 = arith.index_cast %swap3A_573 : i32 to index
        %swap3A_575 = arith.index_cast %add3A_567 : i32 to index
        %swap3A_576 = tpu.vector_load %arg11[%swap3A_574, %swap3A_575] {strides = array<i32>} : memref<4x2048xf32, #tpu.memory_space<vmem>>, vector<1x16xf32>,
        %swap3A_577 = vector.shape_cast %swap3A_576 : vector<1x16xf32> to vector<16xf32>
        %swap3A_578 = vector.shape_cast %get3A_572 : vector<16xf32> to vector<1x16xf32>
        tpu.vector_store %arg11[%swap3A_574, %swap3A_575], %swap3A_578 {add = true, strides = array<i32>} : memref<4x2048xf32, #tpu.memory_space<vmem>>, vector<1x16xf32>,
        %add3A_579 = arith.constant 80 : i32
        %add3A_580 = arith.addi %mul3A_411, %add3A_579 : i32
        %get3A_581 = arith.constant 1 : i32
        %get3A_582 = arith.index_cast %get3A_581 : i32 to index
        %get3A_583 = arith.index_cast %add3A_580 : i32 to index
        %get3A_584 = tpu.vector_load %arg14[%get3A_582, %get3A_583] {strides = array<i32>} : memref<4x2048xf32, #tpu.memory_space<vmem>>, vector<1x16xf32>,
        %get3A_585 = vector.shape_cast %get3A_584 : vector<1x16xf32> to vector<16xf32>
        %swap3A_586 = arith.constant 1 : i32
        %swap3A_587 = arith.index_cast %swap3A_586 : i32 to index
        %swap3A_588 = arith.index_cast %add3A_580 : i32 to index
        %swap3A_589 = tpu.vector_load %arg11[%swap3A_587, %swap3A_588] {strides = array<i32>} : memref<4x2048xf32, #tpu.memory_space<vmem>>, vector<1x16xf32>,
        %swap3A_590 = vector.shape_cast %swap3A_589 : vector<1x16xf32> to vector<16xf32>
        %swap3A_591 = vector.shape_cast %get3A_585 : vector<16xf32> to vector<1x16xf32>
        tpu.vector_store %arg11[%swap3A_587, %swap3A_588], %swap3A_591 {add = true, strides = array<i32>} : memref<4x2048xf32, #tpu.memory_space<vmem>>, vector<1x16xf32>,
        %add3A_592 = arith.constant 96 : i32
        %add3A_593 = arith.addi %mul3A_411, %add3A_592 : i32
        %get3A_594 = arith.constant 1 : i32
        %get3A_595 = arith.index_cast %get3A_594 : i32 to index
        %get3A_596 = arith.index_cast %add3A_593 : i32 to index
        %get3A_597 = tpu.vector_load %arg14[%get3A_595, %get3A_596] {strides = array<i32>} : memref<4x2048xf32, #tpu.memory_space<vmem>>, vector<1x16xf32>,
        %get3A_598 = vector.shape_cast %get3A_597 : vector<1x16xf32> to vector<16xf32>
        %swap3A_599 = arith.constant 1 : i32
        %swap3A_600 = arith.index_cast %swap3A_599 : i32 to index
        %swap3A_601 = arith.index_cast %add3A_593 : i32 to index
        %swap3A_602 = tpu.vector_load %arg11[%swap3A_600, %swap3A_601] {strides = array<i32>} : memref<4x2048xf32, #tpu.memory_space<vmem>>, vector<1x16xf32>,
        %swap3A_603 = vector.shape_cast %swap3A_602 : vector<1x16xf32> to vector<16xf32>
        %swap3A_604 = vector.shape_cast %get3A_598 : vector<16xf32> to vector<1x16xf32>
        tpu.vector_store %arg11[%swap3A_600, %swap3A_601], %swap3A_604 {add = true, strides = array<i32>} : memref<4x2048xf32, #tpu.memory_space<vmem>>, vector<1x16xf32>,
        %add3A_605 = arith.constant 112 : i32
        %add3A_606 = arith.addi %mul3A_411, %add3A_605 : i32
        %get3A_607 = arith.constant 1 : i32
        %get3A_608 = arith.index_cast %get3A_607 : i32 to index
        %get3A_609 = arith.index_cast %add3A_606 : i32 to index
        %get3A_610 = tpu.vector_load %arg14[%get3A_608, %get3A_609] {strides = array<i32>} : memref<4x2048xf32, #tpu.memory_space<vmem>>, vector<1x16xf32>,
        %get3A_611 = vector.shape_cast %get3A_610 : vector<1x16xf32> to vector<16xf32>
        %swap3A_612 = arith.constant 1 : i32
        %swap3A_613 = arith.index_cast %swap3A_612 : i32 to index
        %swap3A_614 = arith.index_cast %add3A_606 : i32 to index
        %swap3A_615 = tpu.vector_load %arg11[%swap3A_613, %swap3A_614] {strides = array<i32>} : memref<4x2048xf32, #tpu.memory_space<vmem>>, vector<1x16xf32>,
        %swap3A_616 = vector.shape_cast %swap3A_615 : vector<1x16xf32> to vector<16xf32>
        %swap3A_617 = vector.shape_cast %get3A_611 : vector<16xf32> to vector<1x16xf32>
        tpu.vector_store %arg11[%swap3A_613, %swap3A_614], %swap3A_617 {add = true, strides = array<i32>} : memref<4x2048xf32, #tpu.memory_space<vmem>>, vector<1x16xf32>,
        %add3A_618 = arith.constant 0 : i32
        %add3A_619 = arith.addi %mul3A_411, %add3A_618 : i32
        %get3A_620 = arith.constant 2 : i32
        %get3A_621 = arith.index_cast %get3A_620 : i32 to index
        %get3A_622 = arith.index_cast %add3A_619 : i32 to index
        %get3A_623 = tpu.vector_load %arg14[%get3A_621, %get3A_622] {strides = array<i32>} : memref<4x2048xf32, #tpu.memory_space<vmem>>, vector<1x16xf32>,
        %get3A_624 = vector.shape_cast %get3A_623 : vector<1x16xf32> to vector<16xf32>
        %swap3A_625 = arith.constant 2 : i32
        %swap3A_626 = arith.index_cast %swap3A_625 : i32 to index
        %swap3A_627 = arith.index_cast %add3A_619 : i32 to index
        %swap3A_628 = tpu.vector_load %arg11[%swap3A_626, %swap3A_627] {strides = array<i32>} : memref<4x2048xf32, #tpu.memory_space<vmem>>, vector<1x16xf32>,
        %swap3A_629 = vector.shape_cast %swap3A_628 : vector<1x16xf32> to vector<16xf32>
        %swap3A_630 = vector.shape_cast %get3A_624 : vector<16xf32> to vector<1x16xf32>
        tpu.vector_store %arg11[%swap3A_626, %swap3A_627], %swap3A_630 {add = true, strides = array<i32>} : memref<4x2048xf32, #tpu.memory_space<vmem>>, vector<1x16xf32>,
        %add3A_631 = arith.constant 16 : i32
        %add3A_632 = arith.addi %mul3A_411, %add3A_631 : i32
        %get3A_633 = arith.constant 2 : i32
        %get3A_634 = arith.index_cast %get3A_633 : i32 to index
        %get3A_635 = arith.index_cast %add3A_632 : i32 to index
        %get3A_636 = tpu.vector_load %arg14[%get3A_634, %get3A_635] {strides = array<i32>} : memref<4x2048xf32, #tpu.memory_space<vmem>>, vector<1x16xf32>,
        %get3A_637 = vector.shape_cast %get3A_636 : vector<1x16xf32> to vector<16xf32>
        %swap3A_638 = arith.constant 2 : i32
        %swap3A_639 = arith.index_cast %swap3A_638 : i32 to index
        %swap3A_640 = arith.index_cast %add3A_632 : i32 to index
        %swap3A_641 = tpu.vector_load %arg11[%swap3A_639, %swap3A_640] {strides = array<i32>} : memref<4x2048xf32, #tpu.memory_space<vmem>>, vector<1x16xf32>,
        %swap3A_642 = vector.shape_cast %swap3A_641 : vector<1x16xf32> to vector<16xf32>
        %swap3A_643 = vector.shape_cast %get3A_637 : vector<16xf32> to vector<1x16xf32>
        tpu.vector_store %arg11[%swap3A_639, %swap3A_640], %swap3A_643 {add = true, strides = array<i32>} : memref<4x2048xf32, #tpu.memory_space<vmem>>, vector<1x16xf32>,
        %add3A_644 = arith.constant 32 : i32
        %add3A_645 = arith.addi %mul3A_411, %add3A_644 : i32
        %get3A_646 = arith.constant 2 : i32
        %get3A_647 = arith.index_cast %get3A_646 : i32 to index
        %get3A_648 = arith.index_cast %add3A_645 : i32 to index
        %get3A_649 = tpu.vector_load %arg14[%get3A_647, %get3A_648] {strides = array<i32>} : memref<4x2048xf32, #tpu.memory_space<vmem>>, vector<1x16xf32>,
        %get3A_650 = vector.shape_cast %get3A_649 : vector<1x16xf32> to vector<16xf32>
        %swap3A_651 = arith.constant 2 : i32
        %swap3A_652 = arith.index_cast %swap3A_651 : i32 to index
        %swap3A_653 = arith.index_cast %add3A_645 : i32 to index
        %swap3A_654 = tpu.vector_load %arg11[%swap3A_652, %swap3A_653] {strides = array<i32>} : memref<4x2048xf32, #tpu.memory_space<vmem>>, vector<1x16xf32>,
        %swap3A_655 = vector.shape_cast %swap3A_654 : vector<1x16xf32> to vector<16xf32>
        %swap3A_656 = vector.shape_cast %get3A_650 : vector<16xf32> to vector<1x16xf32>
        tpu.vector_store %arg11[%swap3A_652, %swap3A_653], %swap3A_656 {add = true, strides = array<i32>} : memref<4x2048xf32, #tpu.memory_space<vmem>>, vector<1x16xf32>,
        %add3A_657 = arith.constant 48 : i32
        %add3A_658 = arith.addi %mul3A_411, %add3A_657 : i32
        %get3A_659 = arith.constant 2 : i32
        %get3A_660 = arith.index_cast %get3A_659 : i32 to index
        %get3A_661 = arith.index_cast %add3A_658 : i32 to index
        %get3A_662 = tpu.vector_load %arg14[%get3A_660, %get3A_661] {strides = array<i32>} : memref<4x2048xf32, #tpu.memory_space<vmem>>, vector<1x16xf32>,
        %get3A_663 = vector.shape_cast %get3A_662 : vector<1x16xf32> to vector<16xf32>
        %swap3A_664 = arith.constant 2 : i32
        %swap3A_665 = arith.index_cast %swap3A_664 : i32 to index
        %swap3A_666 = arith.index_cast %add3A_658 : i32 to index
        %swap3A_667 = tpu.vector_load %arg11[%swap3A_665, %swap3A_666] {strides = array<i32>} : memref<4x2048xf32, #tpu.memory_space<vmem>>, vector<1x16xf32>,
        %swap3A_668 = vector.shape_cast %swap3A_667 : vector<1x16xf32> to vector<16xf32>
        %swap3A_669 = vector.shape_cast %get3A_663 : vector<16xf32> to vector<1x16xf32>
        tpu.vector_store %arg11[%swap3A_665, %swap3A_666], %swap3A_669 {add = true, strides = array<i32>} : memref<4x2048xf32, #tpu.memory_space<vmem>>, vector<1x16xf32>,
        %add3A_670 = arith.constant 64 : i32
        %add3A_671 = arith.addi %mul3A_411, %add3A_670 : i32
        %get3A_672 = arith.constant 2 : i32
        %get3A_673 = arith.index_cast %get3A_672 : i32 to index
        %get3A_674 = arith.index_cast %add3A_671 : i32 to index
        %get3A_675 = tpu.vector_load %arg14[%get3A_673, %get3A_674] {strides = array<i32>} : memref<4x2048xf32, #tpu.memory_space<vmem>>, vector<1x16xf32>,
        %get3A_676 = vector.shape_cast %get3A_675 : vector<1x16xf32> to vector<16xf32>
        %swap3A_677 = arith.constant 2 : i32
        %swap3A_678 = arith.index_cast %swap3A_677 : i32 to index
        %swap3A_679 = arith.index_cast %add3A_671 : i32 to index
        %swap3A_680 = tpu.vector_load %arg11[%swap3A_678, %swap3A_679] {strides = array<i32>} : memref<4x2048xf32, #tpu.memory_space<vmem>>, vector<1x16xf32>,
        %swap3A_681 = vector.shape_cast %swap3A_680 : vector<1x16xf32> to vector<16xf32>
        %swap3A_682 = vector.shape_cast %get3A_676 : vector<16xf32> to vector<1x16xf32>
        tpu.vector_store %arg11[%swap3A_678, %swap3A_679], %swap3A_682 {add = true, strides = array<i32>} : memref<4x2048xf32, #tpu.memory_space<vmem>>, vector<1x16xf32>,
        %add3A_683 = arith.constant 80 : i32
        %add3A_684 = arith.addi %mul3A_411, %add3A_683 : i32
        %get3A_685 = arith.constant 2 : i32
        %get3A_686 = arith.index_cast %get3A_685 : i32 to index
        %get3A_687 = arith.index_cast %add3A_684 : i32 to index
        %get3A_688 = tpu.vector_load %arg14[%get3A_686, %get3A_687] {strides = array<i32>} : memref<4x2048xf32, #tpu.memory_space<vmem>>, vector<1x16xf32>,
        %get3A_689 = vector.shape_cast %get3A_688 : vector<1x16xf32> to vector<16xf32>
        %swap3A_690 = arith.constant 2 : i32
        %swap3A_691 = arith.index_cast %swap3A_690 : i32 to index
        %swap3A_692 = arith.index_cast %add3A_684 : i32 to index
        %swap3A_693 = tpu.vector_load %arg11[%swap3A_691, %swap3A_692] {strides = array<i32>} : memref<4x2048xf32, #tpu.memory_space<vmem>>, vector<1x16xf32>,
        %swap3A_694 = vector.shape_cast %swap3A_693 : vector<1x16xf32> to vector<16xf32>
        %swap3A_695 = vector.shape_cast %get3A_689 : vector<16xf32> to vector<1x16xf32>
        tpu.vector_store %arg11[%swap3A_691, %swap3A_692], %swap3A_695 {add = true, strides = array<i32>} : memref<4x2048xf32, #tpu.memory_space<vmem>>, vector<1x16xf32>,
        %add3A_696 = arith.constant 96 : i32
        %add3A_697 = arith.addi %mul3A_411, %add3A_696 : i32
        %get3A_698 = arith.constant 2 : i32
        %get3A_699 = arith.index_cast %get3A_698 : i32 to index
        %get3A_700 = arith.index_cast %add3A_697 : i32 to index
        %get3A_701 = tpu.vector_load %arg14[%get3A_699, %get3A_700] {strides = array<i32>} : memref<4x2048xf32, #tpu.memory_space<vmem>>, vector<1x16xf32>,
        %get3A_702 = vector.shape_cast %get3A_701 : vector<1x16xf32> to vector<16xf32>
        %swap3A_703 = arith.constant 2 : i32
        %swap3A_704 = arith.index_cast %swap3A_703 : i32 to index
        %swap3A_705 = arith.index_cast %add3A_697 : i32 to index
        %swap3A_706 = tpu.vector_load %arg11[%swap3A_704, %swap3A_705] {strides = array<i32>} : memref<4x2048xf32, #tpu.memory_space<vmem>>, vector<1x16xf32>,
        %swap3A_707 = vector.shape_cast %swap3A_706 : vector<1x16xf32> to vector<16xf32>
        %swap3A_708 = vector.shape_cast %get3A_702 : vector<16xf32> to vector<1x16xf32>
        tpu.vector_store %arg11[%swap3A_704, %swap3A_705], %swap3A_708 {add = true, strides = array<i32>} : memref<4x2048xf32, #tpu.memory_space<vmem>>, vector<1x16xf32>,
        %add3A_709 = arith.constant 112 : i32
        %add3A_710 = arith.addi %mul3A_411, %add3A_709 : i32
        %get3A_711 = arith.constant 2 : i32
        %get3A_712 = arith.index_cast %get3A_711 : i32 to index
        %get3A_713 = arith.index_cast %add3A_710 : i32 to index
        %get3A_714 = tpu.vector_load %arg14[%get3A_712, %get3A_713] {strides = array<i32>} : memref<4x2048xf32, #tpu.memory_space<vmem>>, vector<1x16xf32>,
        %get3A_715 = vector.shape_cast %get3A_714 : vector<1x16xf32> to vector<16xf32>
        %swap3A_716 = arith.constant 2 : i32
        %swap3A_717 = arith.index_cast %swap3A_716 : i32 to index
        %swap3A_718 = arith.index_cast %add3A_710 : i32 to index
        %swap3A_719 = tpu.vector_load %arg11[%swap3A_717, %swap3A_718] {strides = array<i32>} : memref<4x2048xf32, #tpu.memory_space<vmem>>, vector<1x16xf32>,
        %swap3A_720 = vector.shape_cast %swap3A_719 : vector<1x16xf32> to vector<16xf32>
        %swap3A_721 = vector.shape_cast %get3A_715 : vector<16xf32> to vector<1x16xf32>
        tpu.vector_store %arg11[%swap3A_717, %swap3A_718], %swap3A_721 {add = true, strides = array<i32>} : memref<4x2048xf32, #tpu.memory_space<vmem>>, vector<1x16xf32>,
        %add3A_722 = arith.constant 0 : i32
        %add3A_723 = arith.addi %mul3A_411, %add3A_722 : i32
        %get3A_724 = arith.constant 3 : i32
        %get3A_725 = arith.index_cast %get3A_724 : i32 to index
        %get3A_726 = arith.index_cast %add3A_723 : i32 to index
        %get3A_727 = tpu.vector_load %arg14[%get3A_725, %get3A_726] {strides = array<i32>} : memref<4x2048xf32, #tpu.memory_space<vmem>>, vector<1x16xf32>,
        %get3A_728 = vector.shape_cast %get3A_727 : vector<1x16xf32> to vector<16xf32>
        %swap3A_729 = arith.constant 3 : i32
        %swap3A_730 = arith.index_cast %swap3A_729 : i32 to index
        %swap3A_731 = arith.index_cast %add3A_723 : i32 to index
        %swap3A_732 = tpu.vector_load %arg11[%swap3A_730, %swap3A_731] {strides = array<i32>} : memref<4x2048xf32, #tpu.memory_space<vmem>>, vector<1x16xf32>,
        %swap3A_733 = vector.shape_cast %swap3A_732 : vector<1x16xf32> to vector<16xf32>
        %swap3A_734 = vector.shape_cast %get3A_728 : vector<16xf32> to vector<1x16xf32>
        tpu.vector_store %arg11[%swap3A_730, %swap3A_731], %swap3A_734 {add = true, strides = array<i32>} : memref<4x2048xf32, #tpu.memory_space<vmem>>, vector<1x16xf32>,
        %add3A_735 = arith.constant 16 : i32
        %add3A_736 = arith.addi %mul3A_411, %add3A_735 : i32
        %get3A_737 = arith.constant 3 : i32
        %get3A_738 = arith.index_cast %get3A_737 : i32 to index
        %get3A_739 = arith.index_cast %add3A_736 : i32 to index
        %get3A_740 = tpu.vector_load %arg14[%get3A_738, %get3A_739] {strides = array<i32>} : memref<4x2048xf32, #tpu.memory_space<vmem>>, vector<1x16xf32>,
        %get3A_741 = vector.shape_cast %get3A_740 : vector<1x16xf32> to vector<16xf32>
        %swap3A_742 = arith.constant 3 : i32
        %swap3A_743 = arith.index_cast %swap3A_742 : i32 to index
        %swap3A_744 = arith.index_cast %add3A_736 : i32 to index
        %swap3A_745 = tpu.vector_load %arg11[%swap3A_743, %swap3A_744] {strides = array<i32>} : memref<4x2048xf32, #tpu.memory_space<vmem>>, vector<1x16xf32>,
        %swap3A_746 = vector.shape_cast %swap3A_745 : vector<1x16xf32> to vector<16xf32>
        %swap3A_747 = vector.shape_cast %get3A_741 : vector<16xf32> to vector<1x16xf32>
        tpu.vector_store %arg11[%swap3A_743, %swap3A_744], %swap3A_747 {add = true, strides = array<i32>} : memref<4x2048xf32, #tpu.memory_space<vmem>>, vector<1x16xf32>,
        %add3A_748 = arith.constant 32 : i32
        %add3A_749 = arith.addi %mul3A_411, %add3A_748 : i32
        %get3A_750 = arith.constant 3 : i32
        %get3A_751 = arith.index_cast %get3A_750 : i32 to index
        %get3A_752 = arith.index_cast %add3A_749 : i32 to index
        %get3A_753 = tpu.vector_load %arg14[%get3A_751, %get3A_752] {strides = array<i32>} : memref<4x2048xf32, #tpu.memory_space<vmem>>, vector<1x16xf32>,
        %get3A_754 = vector.shape_cast %get3A_753 : vector<1x16xf32> to vector<16xf32>
        %swap3A_755 = arith.constant 3 : i32
        %swap3A_756 = arith.index_cast %swap3A_755 : i32 to index
        %swap3A_757 = arith.index_cast %add3A_749 : i32 to index
        %swap3A_758 = tpu.vector_load %arg11[%swap3A_756, %swap3A_757] {strides = array<i32>} : memref<4x2048xf32, #tpu.memory_space<vmem>>, vector<1x16xf32>,
        %swap3A_759 = vector.shape_cast %swap3A_758 : vector<1x16xf32> to vector<16xf32>
        %swap3A_760 = vector.shape_cast %get3A_754 : vector<16xf32> to vector<1x16xf32>
        tpu.vector_store %arg11[%swap3A_756, %swap3A_757], %swap3A_760 {add = true, strides = array<i32>} : memref<4x2048xf32, #tpu.memory_space<vmem>>, vector<1x16xf32>,
        %add3A_761 = arith.constant 48 : i32
        %add3A_762 = arith.addi %mul3A_411, %add3A_761 : i32
        %get3A_763 = arith.constant 3 : i32
        %get3A_764 = arith.index_cast %get3A_763 : i32 to index
        %get3A_765 = arith.index_cast %add3A_762 : i32 to index
        %get3A_766 = tpu.vector_load %arg14[%get3A_764, %get3A_765] {strides = array<i32>} : memref<4x2048xf32, #tpu.memory_space<vmem>>, vector<1x16xf32>,
        %get3A_767 = vector.shape_cast %get3A_766 : vector<1x16xf32> to vector<16xf32>
        %swap3A_768 = arith.constant 3 : i32
        %swap3A_769 = arith.index_cast %swap3A_768 : i32 to index
        %swap3A_770 = arith.index_cast %add3A_762 : i32 to index
        %swap3A_771 = tpu.vector_load %arg11[%swap3A_769, %swap3A_770] {strides = array<i32>} : memref<4x2048xf32, #tpu.memory_space<vmem>>, vector<1x16xf32>,
        %swap3A_772 = vector.shape_cast %swap3A_771 : vector<1x16xf32> to vector<16xf32>
        %swap3A_773 = vector.shape_cast %get3A_767 : vector<16xf32> to vector<1x16xf32>
        tpu.vector_store %arg11[%swap3A_769, %swap3A_770], %swap3A_773 {add = true, strides = array<i32>} : memref<4x2048xf32, #tpu.memory_space<vmem>>, vector<1x16xf32>,
        %add3A_774 = arith.constant 64 : i32
        %add3A_775 = arith.addi %mul3A_411, %add3A_774 : i32
        %get3A_776 = arith.constant 3 : i32
        %get3A_777 = arith.index_cast %get3A_776 : i32 to index
        %get3A_778 = arith.index_cast %add3A_775 : i32 to index
        %get3A_779 = tpu.vector_load %arg14[%get3A_777, %get3A_778] {strides = array<i32>} : memref<4x2048xf32, #tpu.memory_space<vmem>>, vector<1x16xf32>,
        %get3A_780 = vector.shape_cast %get3A_779 : vector<1x16xf32> to vector<16xf32>
        %swap3A_781 = arith.constant 3 : i32
        %swap3A_782 = arith.index_cast %swap3A_781 : i32 to index
        %swap3A_783 = arith.index_cast %add3A_775 : i32 to index
        %swap3A_784 = tpu.vector_load %arg11[%swap3A_782, %swap3A_783] {strides = array<i32>} : memref<4x2048xf32, #tpu.memory_space<vmem>>, vector<1x16xf32>,
        %swap3A_785 = vector.shape_cast %swap3A_784 : vector<1x16xf32> to vector<16xf32>
        %swap3A_786 = vector.shape_cast %get3A_780 : vector<16xf32> to vector<1x16xf32>
        tpu.vector_store %arg11[%swap3A_782, %swap3A_783], %swap3A_786 {add = true, strides = array<i32>} : memref<4x2048xf32, #tpu.memory_space<vmem>>, vector<1x16xf32>,
        %add3A_787 = arith.constant 80 : i32
        %add3A_788 = arith.addi %mul3A_411, %add3A_787 : i32
        %get3A_789 = arith.constant 3 : i32
        %get3A_790 = arith.index_cast %get3A_789 : i32 to index
        %get3A_791 = arith.index_cast %add3A_788 : i32 to index
        %get3A_792 = tpu.vector_load %arg14[%get3A_790, %get3A_791] {strides = array<i32>} : memref<4x2048xf32, #tpu.memory_space<vmem>>, vector<1x16xf32>,
        %get3A_793 = vector.shape_cast %get3A_792 : vector<1x16xf32> to vector<16xf32>
        %swap3A_794 = arith.constant 3 : i32
        %swap3A_795 = arith.index_cast %swap3A_794 : i32 to index
        %swap3A_796 = arith.index_cast %add3A_788 : i32 to index
        %swap3A_797 = tpu.vector_load %arg11[%swap3A_795, %swap3A_796] {strides = array<i32>} : memref<4x2048xf32, #tpu.memory_space<vmem>>, vector<1x16xf32>,
        %swap3A_798 = vector.shape_cast %swap3A_797 : vector<1x16xf32> to vector<16xf32>
        %swap3A_799 = vector.shape_cast %get3A_793 : vector<16xf32> to vector<1x16xf32>
        tpu.vector_store %arg11[%swap3A_795, %swap3A_796], %swap3A_799 {add = true, strides = array<i32>} : memref<4x2048xf32, #tpu.memory_space<vmem>>, vector<1x16xf32>,
        %add3A_800 = arith.constant 96 : i32
        %add3A_801 = arith.addi %mul3A_411, %add3A_800 : i32
        %get3A_802 = arith.constant 3 : i32
        %get3A_803 = arith.index_cast %get3A_802 : i32 to index
        %get3A_804 = arith.index_cast %add3A_801 : i32 to index
        %get3A_805 = tpu.vector_load %arg14[%get3A_803, %get3A_804] {strides = array<i32>} : memref<4x2048xf32, #tpu.memory_space<vmem>>, vector<1x16xf32>,
        %get3A_806 = vector.shape_cast %get3A_805 : vector<1x16xf32> to vector<16xf32>
        %swap3A_807 = arith.constant 3 : i32
        %swap3A_808 = arith.index_cast %swap3A_807 : i32 to index
        %swap3A_809 = arith.index_cast %add3A_801 : i32 to index
        %swap3A_810 = tpu.vector_load %arg11[%swap3A_808, %swap3A_809] {strides = array<i32>} : memref<4x2048xf32, #tpu.memory_space<vmem>>, vector<1x16xf32>,
        %swap3A_811 = vector.shape_cast %swap3A_810 : vector<1x16xf32> to vector<16xf32>
        %swap3A_812 = vector.shape_cast %get3A_806 : vector<16xf32> to vector<1x16xf32>
        tpu.vector_store %arg11[%swap3A_808, %swap3A_809], %swap3A_812 {add = true, strides = array<i32>} : memref<4x2048xf32, #tpu.memory_space<vmem>>, vector<1x16xf32>,
        %add3A_813 = arith.constant 112 : i32
        %add3A_814 = arith.addi %mul3A_411, %add3A_813 : i32
        %get3A_815 = arith.constant 3 : i32
        %get3A_816 = arith.index_cast %get3A_815 : i32 to index
        %get3A_817 = arith.index_cast %add3A_814 : i32 to index
        %get3A_818 = tpu.vector_load %arg14[%get3A_816, %get3A_817] {strides = array<i32>} : memref<4x2048xf32, #tpu.memory_space<vmem>>, vector<1x16xf32>,
        %get3A_819 = vector.shape_cast %get3A_818 : vector<1x16xf32> to vector<16xf32>
        %swap3A_820 = arith.constant 3 : i32
        %swap3A_821 = arith.index_cast %swap3A_820 : i32 to index
        %swap3A_822 = arith.index_cast %add3A_814 : i32 to index
        %swap3A_823 = tpu.vector_load %arg11[%swap3A_821, %swap3A_822] {strides = array<i32>} : memref<4x2048xf32, #tpu.memory_space<vmem>>, vector<1x16xf32>,
        %swap3A_824 = vector.shape_cast %swap3A_823 : vector<1x16xf32> to vector<16xf32>
        %swap3A_825 = vector.shape_cast %get3A_819 : vector<16xf32> to vector<1x16xf32>
        tpu.vector_store %arg11[%swap3A_821, %swap3A_822], %swap3A_825 {add = true, strides = array<i32>} : memref<4x2048xf32, #tpu.memory_space<vmem>>, vector<1x16xf32>,
      }
      %scan3A_352 = arith.constant 16 : i32
      %add3A_353 = arith.constant 8192 : i32
      %add3A_354 = arith.addi %add3A_353, %mul3A_2 : i32
      %mul3A_355 = arith.constant 4 : i32
      %mul3A_356 = arith.muli %add3A_340, %mul3A_355 : i32
      %add3A_357 = arith.addi %add3A_354, %mul3A_356 : i32
      %dma_start3A_358 = arith.constant 0 : i32
      %dma_start3A_359 = tpu.memref_slice %arg4[%add3A_357, %dma_start3A_358] : memref<16384x2048xf32, #tpu.memory_space<hbm>> -> memref<4x2048xf32, #tpu.memory_space<hbm>>
      %dma_start3A_360 = arith.constant 0 : i32
      %dma_start3A_361 = tpu.memref_slice %arg4[%add3A_357, %dma_start3A_360] : memref<16384x2048xf32, #tpu.memory_space<hbm>> -> memref<4x2048xf32, #tpu.memory_space<hbm>>
      tpu.enqueue_dma source(%arg11 : memref<4x2048xf32, #tpu.memory_space<vmem>>) target(%dma_start3A_361 : memref<4x2048xf32, #tpu.memory_space<hbm>>) target_semaphore(%arg17 : memref<!tpu.dma_semaphore, #tpu.memory_space<semaphore_mem>>)
      %dma_wait3A_362 = arith.constant 0 : i32
      %dma_wait3A_363 = arith.constant 0 : i32
      %dma_wait3A_364 = tpu.memref_slice %arg4[%dma_wait3A_362, %dma_wait3A_363] : memref<16384x2048xf32, #tpu.memory_space<hbm>> -> memref<4x2048xf32, #tpu.memory_space<hbm>>
      %dma_wait3A_365 = arith.constant 0 : i32
      %dma_wait3A_366 = arith.constant 0 : i32
      %dma_wait3A_367 = tpu.memref_slice %arg4[%dma_wait3A_365, %dma_wait3A_366] : memref<16384x2048xf32, #tpu.memory_space<hbm>> -> memref<4x2048xf32, #tpu.memory_space<hbm>>
      tpu.wait_dma2 semaphore(%arg17 : memref<!tpu.dma_semaphore, #tpu.memory_space<semaphore_mem>>) src(%arg7 : memref<4x2048xf32, #tpu.memory_space<vmem>>) dst(%dma_wait3A_367 : memref<4x2048xf32, #tpu.memory_space<hbm>>)
      %lt3A_368 = arith.constant 15 : i32
      %lt3A_369 = arith.cmpi slt, %scan3A_68, %lt3A_368 : i32
      %convert_element_type3A_370 = arith.extui %lt3A_369 : i1 to i32
      %cond3A_371 = arith.constant 0 : i32
      %cond3A_372 = arith.cmpi ne, %convert_element_type3A_370, %cond3A_371 : i32
      scf.if %cond3A_372 {
        %mul3A_409 = arith.constant 2 : i32
        %mul3A_410 = arith.muli %mul3A_409, %scan3A_68 : i32
        %add3A_411 = arith.constant 2 : i32
        %add3A_412 = arith.addi %mul3A_410, %add3A_411 : i32
        %add3A_413 = arith.constant 8192 : i32
        %add3A_414 = arith.addi %add3A_413, %mul3A_2 : i32
        %mul3A_415 = arith.constant 4 : i32
        %mul3A_416 = arith.muli %add3A_412, %mul3A_415 : i32
        %add3A_417 = arith.addi %add3A_414, %mul3A_416 : i32
        %dma_start3A_418 = arith.constant 0 : i32
        %dma_start3A_419 = tpu.memref_slice %arg2[%add3A_417, %dma_start3A_418] : memref<16384x2048xf32, #tpu.memory_space<hbm>> -> memref<4x2048xf32, #tpu.memory_space<hbm>>
        %dma_start3A_420 = arith.constant 0 : i32
        %dma_start3A_421 = tpu.memref_slice %arg2[%add3A_417, %dma_start3A_420] : memref<16384x2048xf32, #tpu.memory_space<hbm>> -> memref<4x2048xf32, #tpu.memory_space<hbm>>
        tpu.enqueue_dma source(%dma_start3A_421 : memref<4x2048xf32, #tpu.memory_space<hbm>>) target(%arg7 : memref<4x2048xf32, #tpu.memory_space<vmem>>) target_semaphore(%arg15 : memref<!tpu.dma_semaphore, #tpu.memory_space<semaphore_mem>>)
      } else {
      }
      %mul3A_373 = arith.constant 2 : i32
      %mul3A_374 = arith.muli %mul3A_373, %scan3A_68 : i32
      %add3A_375 = arith.constant 1 : i32
      %add3A_376 = arith.addi %mul3A_374, %add3A_375 : i32
      %dma_wait3A_377 = arith.constant 0 : i32
      %dma_wait3A_378 = arith.constant 0 : i32
      %dma_wait3A_379 = tpu.memref_slice %arg2[%dma_wait3A_377, %dma_wait3A_378] : memref<16384x2048xf32, #tpu.memory_space<hbm>> -> memref<4x2048xf32, #tpu.memory_space<hbm>>
      %dma_wait3A_380 = arith.constant 0 : i32
      %dma_wait3A_381 = arith.constant 0 : i32
      %dma_wait3A_382 = tpu.memref_slice %arg2[%dma_wait3A_380, %dma_wait3A_381] : memref<16384x2048xf32, #tpu.memory_space<hbm>> -> memref<4x2048xf32, #tpu.memory_space<hbm>>
      tpu.wait_dma2 semaphore(%arg15 : memref<!tpu.dma_semaphore, #tpu.memory_space<semaphore_mem>>) src(%dma_wait3A_382 : memref<4x2048xf32, #tpu.memory_space<hbm>>) dst(%arg12 : memref<4x2048xf32, #tpu.memory_space<vmem>>)
      %scan3A_383 = arith.constant 0 : i32
      %scan3A_384 = arith.constant 0 : i32
      %scan3A_385 = arith.constant 16 : i32
      %scan3A_386 = arith.addi %scan3A_384, %scan3A_385 : i32
      %scan3A_387 = arith.constant 1 : i32
      scf.for %scan3A_409 = %scan3A_384 to %scan3A_386 step %scan3A_387  : i32 {
        %mul3A_410 = arith.constant 128 : i32
        %mul3A_411 = arith.muli %scan3A_409, %mul3A_410 : i32
        %add3A_412 = arith.constant 0 : i32
        %add3A_413 = arith.addi %mul3A_411, %add3A_412 : i32
        %get3A = arith.constant 0 : i32
        %get3A_414 = arith.index_cast %get3A : i32 to index
        %get3A_415 = arith.index_cast %add3A_413 : i32 to index
        %get3A_416 = tpu.vector_load %arg14[%get3A_414, %get3A_415] {strides = array<i32>} : memref<4x2048xf32, #tpu.memory_space<vmem>>, vector<1x16xf32>,
        %get3A_417 = vector.shape_cast %get3A_416 : vector<1x16xf32> to vector<16xf32>
        %swap3A = arith.constant 0 : i32
        %swap3A_418 = arith.index_cast %swap3A : i32 to index
        %swap3A_419 = arith.index_cast %add3A_413 : i32 to index
        %swap3A_420 = tpu.vector_load %arg12[%swap3A_418, %swap3A_419] {strides = array<i32>} : memref<4x2048xf32, #tpu.memory_space<vmem>>, vector<1x16xf32>,
        %swap3A_421 = vector.shape_cast %swap3A_420 : vector<1x16xf32> to vector<16xf32>
        %swap3A_422 = vector.shape_cast %get3A_417 : vector<16xf32> to vector<1x16xf32>
        tpu.vector_store %arg12[%swap3A_418, %swap3A_419], %swap3A_422 {add = true, strides = array<i32>} : memref<4x2048xf32, #tpu.memory_space<vmem>>, vector<1x16xf32>,
        %add3A_423 = arith.constant 16 : i32
        %add3A_424 = arith.addi %mul3A_411, %add3A_423 : i32
        %get3A_425 = arith.constant 0 : i32
        %get3A_426 = arith.index_cast %get3A_425 : i32 to index
        %get3A_427 = arith.index_cast %add3A_424 : i32 to index
        %get3A_428 = tpu.vector_load %arg14[%get3A_426, %get3A_427] {strides = array<i32>} : memref<4x2048xf32, #tpu.memory_space<vmem>>, vector<1x16xf32>,
        %get3A_429 = vector.shape_cast %get3A_428 : vector<1x16xf32> to vector<16xf32>
        %swap3A_430 = arith.constant 0 : i32
        %swap3A_431 = arith.index_cast %swap3A_430 : i32 to index
        %swap3A_432 = arith.index_cast %add3A_424 : i32 to index
        %swap3A_433 = tpu.vector_load %arg12[%swap3A_431, %swap3A_432] {strides = array<i32>} : memref<4x2048xf32, #tpu.memory_space<vmem>>, vector<1x16xf32>,
        %swap3A_434 = vector.shape_cast %swap3A_433 : vector<1x16xf32> to vector<16xf32>
        %swap3A_435 = vector.shape_cast %get3A_429 : vector<16xf32> to vector<1x16xf32>
        tpu.vector_store %arg12[%swap3A_431, %swap3A_432], %swap3A_435 {add = true, strides = array<i32>} : memref<4x2048xf32, #tpu.memory_space<vmem>>, vector<1x16xf32>,
        %add3A_436 = arith.constant 32 : i32
        %add3A_437 = arith.addi %mul3A_411, %add3A_436 : i32
        %get3A_438 = arith.constant 0 : i32
        %get3A_439 = arith.index_cast %get3A_438 : i32 to index
        %get3A_440 = arith.index_cast %add3A_437 : i32 to index
        %get3A_441 = tpu.vector_load %arg14[%get3A_439, %get3A_440] {strides = array<i32>} : memref<4x2048xf32, #tpu.memory_space<vmem>>, vector<1x16xf32>,
        %get3A_442 = vector.shape_cast %get3A_441 : vector<1x16xf32> to vector<16xf32>
        %swap3A_443 = arith.constant 0 : i32
        %swap3A_444 = arith.index_cast %swap3A_443 : i32 to index
        %swap3A_445 = arith.index_cast %add3A_437 : i32 to index
        %swap3A_446 = tpu.vector_load %arg12[%swap3A_444, %swap3A_445] {strides = array<i32>} : memref<4x2048xf32, #tpu.memory_space<vmem>>, vector<1x16xf32>,
        %swap3A_447 = vector.shape_cast %swap3A_446 : vector<1x16xf32> to vector<16xf32>
        %swap3A_448 = vector.shape_cast %get3A_442 : vector<16xf32> to vector<1x16xf32>
        tpu.vector_store %arg12[%swap3A_444, %swap3A_445], %swap3A_448 {add = true, strides = array<i32>} : memref<4x2048xf32, #tpu.memory_space<vmem>>, vector<1x16xf32>,
        %add3A_449 = arith.constant 48 : i32
        %add3A_450 = arith.addi %mul3A_411, %add3A_449 : i32
        %get3A_451 = arith.constant 0 : i32
        %get3A_452 = arith.index_cast %get3A_451 : i32 to index
        %get3A_453 = arith.index_cast %add3A_450 : i32 to index
        %get3A_454 = tpu.vector_load %arg14[%get3A_452, %get3A_453] {strides = array<i32>} : memref<4x2048xf32, #tpu.memory_space<vmem>>, vector<1x16xf32>,
        %get3A_455 = vector.shape_cast %get3A_454 : vector<1x16xf32> to vector<16xf32>
        %swap3A_456 = arith.constant 0 : i32
        %swap3A_457 = arith.index_cast %swap3A_456 : i32 to index
        %swap3A_458 = arith.index_cast %add3A_450 : i32 to index
        %swap3A_459 = tpu.vector_load %arg12[%swap3A_457, %swap3A_458] {strides = array<i32>} : memref<4x2048xf32, #tpu.memory_space<vmem>>, vector<1x16xf32>,
        %swap3A_460 = vector.shape_cast %swap3A_459 : vector<1x16xf32> to vector<16xf32>
        %swap3A_461 = vector.shape_cast %get3A_455 : vector<16xf32> to vector<1x16xf32>
        tpu.vector_store %arg12[%swap3A_457, %swap3A_458], %swap3A_461 {add = true, strides = array<i32>} : memref<4x2048xf32, #tpu.memory_space<vmem>>, vector<1x16xf32>,
        %add3A_462 = arith.constant 64 : i32
        %add3A_463 = arith.addi %mul3A_411, %add3A_462 : i32
        %get3A_464 = arith.constant 0 : i32
        %get3A_465 = arith.index_cast %get3A_464 : i32 to index
        %get3A_466 = arith.index_cast %add3A_463 : i32 to index
        %get3A_467 = tpu.vector_load %arg14[%get3A_465, %get3A_466] {strides = array<i32>} : memref<4x2048xf32, #tpu.memory_space<vmem>>, vector<1x16xf32>,
        %get3A_468 = vector.shape_cast %get3A_467 : vector<1x16xf32> to vector<16xf32>
        %swap3A_469 = arith.constant 0 : i32
        %swap3A_470 = arith.index_cast %swap3A_469 : i32 to index
        %swap3A_471 = arith.index_cast %add3A_463 : i32 to index
        %swap3A_472 = tpu.vector_load %arg12[%swap3A_470, %swap3A_471] {strides = array<i32>} : memref<4x2048xf32, #tpu.memory_space<vmem>>, vector<1x16xf32>,
        %swap3A_473 = vector.shape_cast %swap3A_472 : vector<1x16xf32> to vector<16xf32>
        %swap3A_474 = vector.shape_cast %get3A_468 : vector<16xf32> to vector<1x16xf32>
        tpu.vector_store %arg12[%swap3A_470, %swap3A_471], %swap3A_474 {add = true, strides = array<i32>} : memref<4x2048xf32, #tpu.memory_space<vmem>>, vector<1x16xf32>,
        %add3A_475 = arith.constant 80 : i32
        %add3A_476 = arith.addi %mul3A_411, %add3A_475 : i32
        %get3A_477 = arith.constant 0 : i32
        %get3A_478 = arith.index_cast %get3A_477 : i32 to index
        %get3A_479 = arith.index_cast %add3A_476 : i32 to index
        %get3A_480 = tpu.vector_load %arg14[%get3A_478, %get3A_479] {strides = array<i32>} : memref<4x2048xf32, #tpu.memory_space<vmem>>, vector<1x16xf32>,
        %get3A_481 = vector.shape_cast %get3A_480 : vector<1x16xf32> to vector<16xf32>
        %swap3A_482 = arith.constant 0 : i32
        %swap3A_483 = arith.index_cast %swap3A_482 : i32 to index
        %swap3A_484 = arith.index_cast %add3A_476 : i32 to index
        %swap3A_485 = tpu.vector_load %arg12[%swap3A_483, %swap3A_484] {strides = array<i32>} : memref<4x2048xf32, #tpu.memory_space<vmem>>, vector<1x16xf32>,
        %swap3A_486 = vector.shape_cast %swap3A_485 : vector<1x16xf32> to vector<16xf32>
        %swap3A_487 = vector.shape_cast %get3A_481 : vector<16xf32> to vector<1x16xf32>
        tpu.vector_store %arg12[%swap3A_483, %swap3A_484], %swap3A_487 {add = true, strides = array<i32>} : memref<4x2048xf32, #tpu.memory_space<vmem>>, vector<1x16xf32>,
        %add3A_488 = arith.constant 96 : i32
        %add3A_489 = arith.addi %mul3A_411, %add3A_488 : i32
        %get3A_490 = arith.constant 0 : i32
        %get3A_491 = arith.index_cast %get3A_490 : i32 to index
        %get3A_492 = arith.index_cast %add3A_489 : i32 to index
        %get3A_493 = tpu.vector_load %arg14[%get3A_491, %get3A_492] {strides = array<i32>} : memref<4x2048xf32, #tpu.memory_space<vmem>>, vector<1x16xf32>,
        %get3A_494 = vector.shape_cast %get3A_493 : vector<1x16xf32> to vector<16xf32>
        %swap3A_495 = arith.constant 0 : i32
        %swap3A_496 = arith.index_cast %swap3A_495 : i32 to index
        %swap3A_497 = arith.index_cast %add3A_489 : i32 to index
        %swap3A_498 = tpu.vector_load %arg12[%swap3A_496, %swap3A_497] {strides = array<i32>} : memref<4x2048xf32, #tpu.memory_space<vmem>>, vector<1x16xf32>,
        %swap3A_499 = vector.shape_cast %swap3A_498 : vector<1x16xf32> to vector<16xf32>
        %swap3A_500 = vector.shape_cast %get3A_494 : vector<16xf32> to vector<1x16xf32>
        tpu.vector_store %arg12[%swap3A_496, %swap3A_497], %swap3A_500 {add = true, strides = array<i32>} : memref<4x2048xf32, #tpu.memory_space<vmem>>, vector<1x16xf32>,
        %add3A_501 = arith.constant 112 : i32
        %add3A_502 = arith.addi %mul3A_411, %add3A_501 : i32
        %get3A_503 = arith.constant 0 : i32
        %get3A_504 = arith.index_cast %get3A_503 : i32 to index
        %get3A_505 = arith.index_cast %add3A_502 : i32 to index
        %get3A_506 = tpu.vector_load %arg14[%get3A_504, %get3A_505] {strides = array<i32>} : memref<4x2048xf32, #tpu.memory_space<vmem>>, vector<1x16xf32>,
        %get3A_507 = vector.shape_cast %get3A_506 : vector<1x16xf32> to vector<16xf32>
        %swap3A_508 = arith.constant 0 : i32
        %swap3A_509 = arith.index_cast %swap3A_508 : i32 to index
        %swap3A_510 = arith.index_cast %add3A_502 : i32 to index
        %swap3A_511 = tpu.vector_load %arg12[%swap3A_509, %swap3A_510] {strides = array<i32>} : memref<4x2048xf32, #tpu.memory_space<vmem>>, vector<1x16xf32>,
        %swap3A_512 = vector.shape_cast %swap3A_511 : vector<1x16xf32> to vector<16xf32>
        %swap3A_513 = vector.shape_cast %get3A_507 : vector<16xf32> to vector<1x16xf32>
        tpu.vector_store %arg12[%swap3A_509, %swap3A_510], %swap3A_513 {add = true, strides = array<i32>} : memref<4x2048xf32, #tpu.memory_space<vmem>>, vector<1x16xf32>,
        %add3A_514 = arith.constant 0 : i32
        %add3A_515 = arith.addi %mul3A_411, %add3A_514 : i32
        %get3A_516 = arith.constant 1 : i32
        %get3A_517 = arith.index_cast %get3A_516 : i32 to index
        %get3A_518 = arith.index_cast %add3A_515 : i32 to index
        %get3A_519 = tpu.vector_load %arg14[%get3A_517, %get3A_518] {strides = array<i32>} : memref<4x2048xf32, #tpu.memory_space<vmem>>, vector<1x16xf32>,
        %get3A_520 = vector.shape_cast %get3A_519 : vector<1x16xf32> to vector<16xf32>
        %swap3A_521 = arith.constant 1 : i32
        %swap3A_522 = arith.index_cast %swap3A_521 : i32 to index
        %swap3A_523 = arith.index_cast %add3A_515 : i32 to index
        %swap3A_524 = tpu.vector_load %arg12[%swap3A_522, %swap3A_523] {strides = array<i32>} : memref<4x2048xf32, #tpu.memory_space<vmem>>, vector<1x16xf32>,
        %swap3A_525 = vector.shape_cast %swap3A_524 : vector<1x16xf32> to vector<16xf32>
        %swap3A_526 = vector.shape_cast %get3A_520 : vector<16xf32> to vector<1x16xf32>
        tpu.vector_store %arg12[%swap3A_522, %swap3A_523], %swap3A_526 {add = true, strides = array<i32>} : memref<4x2048xf32, #tpu.memory_space<vmem>>, vector<1x16xf32>,
        %add3A_527 = arith.constant 16 : i32
        %add3A_528 = arith.addi %mul3A_411, %add3A_527 : i32
        %get3A_529 = arith.constant 1 : i32
        %get3A_530 = arith.index_cast %get3A_529 : i32 to index
        %get3A_531 = arith.index_cast %add3A_528 : i32 to index
        %get3A_532 = tpu.vector_load %arg14[%get3A_530, %get3A_531] {strides = array<i32>} : memref<4x2048xf32, #tpu.memory_space<vmem>>, vector<1x16xf32>,
        %get3A_533 = vector.shape_cast %get3A_532 : vector<1x16xf32> to vector<16xf32>
        %swap3A_534 = arith.constant 1 : i32
        %swap3A_535 = arith.index_cast %swap3A_534 : i32 to index
        %swap3A_536 = arith.index_cast %add3A_528 : i32 to index
        %swap3A_537 = tpu.vector_load %arg12[%swap3A_535, %swap3A_536] {strides = array<i32>} : memref<4x2048xf32, #tpu.memory_space<vmem>>, vector<1x16xf32>,
        %swap3A_538 = vector.shape_cast %swap3A_537 : vector<1x16xf32> to vector<16xf32>
        %swap3A_539 = vector.shape_cast %get3A_533 : vector<16xf32> to vector<1x16xf32>
        tpu.vector_store %arg12[%swap3A_535, %swap3A_536], %swap3A_539 {add = true, strides = array<i32>} : memref<4x2048xf32, #tpu.memory_space<vmem>>, vector<1x16xf32>,
        %add3A_540 = arith.constant 32 : i32
        %add3A_541 = arith.addi %mul3A_411, %add3A_540 : i32
        %get3A_542 = arith.constant 1 : i32
        %get3A_543 = arith.index_cast %get3A_542 : i32 to index
        %get3A_544 = arith.index_cast %add3A_541 : i32 to index
        %get3A_545 = tpu.vector_load %arg14[%get3A_543, %get3A_544] {strides = array<i32>} : memref<4x2048xf32, #tpu.memory_space<vmem>>, vector<1x16xf32>,
        %get3A_546 = vector.shape_cast %get3A_545 : vector<1x16xf32> to vector<16xf32>
        %swap3A_547 = arith.constant 1 : i32
        %swap3A_548 = arith.index_cast %swap3A_547 : i32 to index
        %swap3A_549 = arith.index_cast %add3A_541 : i32 to index
        %swap3A_550 = tpu.vector_load %arg12[%swap3A_548, %swap3A_549] {strides = array<i32>} : memref<4x2048xf32, #tpu.memory_space<vmem>>, vector<1x16xf32>,
        %swap3A_551 = vector.shape_cast %swap3A_550 : vector<1x16xf32> to vector<16xf32>
        %swap3A_552 = vector.shape_cast %get3A_546 : vector<16xf32> to vector<1x16xf32>
        tpu.vector_store %arg12[%swap3A_548, %swap3A_549], %swap3A_552 {add = true, strides = array<i32>} : memref<4x2048xf32, #tpu.memory_space<vmem>>, vector<1x16xf32>,
        %add3A_553 = arith.constant 48 : i32
        %add3A_554 = arith.addi %mul3A_411, %add3A_553 : i32
        %get3A_555 = arith.constant 1 : i32
        %get3A_556 = arith.index_cast %get3A_555 : i32 to index
        %get3A_557 = arith.index_cast %add3A_554 : i32 to index
        %get3A_558 = tpu.vector_load %arg14[%get3A_556, %get3A_557] {strides = array<i32>} : memref<4x2048xf32, #tpu.memory_space<vmem>>, vector<1x16xf32>,
        %get3A_559 = vector.shape_cast %get3A_558 : vector<1x16xf32> to vector<16xf32>
        %swap3A_560 = arith.constant 1 : i32
        %swap3A_561 = arith.index_cast %swap3A_560 : i32 to index
        %swap3A_562 = arith.index_cast %add3A_554 : i32 to index
        %swap3A_563 = tpu.vector_load %arg12[%swap3A_561, %swap3A_562] {strides = array<i32>} : memref<4x2048xf32, #tpu.memory_space<vmem>>, vector<1x16xf32>,
        %swap3A_564 = vector.shape_cast %swap3A_563 : vector<1x16xf32> to vector<16xf32>
        %swap3A_565 = vector.shape_cast %get3A_559 : vector<16xf32> to vector<1x16xf32>
        tpu.vector_store %arg12[%swap3A_561, %swap3A_562], %swap3A_565 {add = true, strides = array<i32>} : memref<4x2048xf32, #tpu.memory_space<vmem>>, vector<1x16xf32>,
        %add3A_566 = arith.constant 64 : i32
        %add3A_567 = arith.addi %mul3A_411, %add3A_566 : i32
        %get3A_568 = arith.constant 1 : i32
        %get3A_569 = arith.index_cast %get3A_568 : i32 to index
        %get3A_570 = arith.index_cast %add3A_567 : i32 to index
        %get3A_571 = tpu.vector_load %arg14[%get3A_569, %get3A_570] {strides = array<i32>} : memref<4x2048xf32, #tpu.memory_space<vmem>>, vector<1x16xf32>,
        %get3A_572 = vector.shape_cast %get3A_571 : vector<1x16xf32> to vector<16xf32>
        %swap3A_573 = arith.constant 1 : i32
        %swap3A_574 = arith.index_cast %swap3A_573 : i32 to index
        %swap3A_575 = arith.index_cast %add3A_567 : i32 to index
        %swap3A_576 = tpu.vector_load %arg12[%swap3A_574, %swap3A_575] {strides = array<i32>} : memref<4x2048xf32, #tpu.memory_space<vmem>>, vector<1x16xf32>,
        %swap3A_577 = vector.shape_cast %swap3A_576 : vector<1x16xf32> to vector<16xf32>
        %swap3A_578 = vector.shape_cast %get3A_572 : vector<16xf32> to vector<1x16xf32>
        tpu.vector_store %arg12[%swap3A_574, %swap3A_575], %swap3A_578 {add = true, strides = array<i32>} : memref<4x2048xf32, #tpu.memory_space<vmem>>, vector<1x16xf32>,
        %add3A_579 = arith.constant 80 : i32
        %add3A_580 = arith.addi %mul3A_411, %add3A_579 : i32
        %get3A_581 = arith.constant 1 : i32
        %get3A_582 = arith.index_cast %get3A_581 : i32 to index
        %get3A_583 = arith.index_cast %add3A_580 : i32 to index
        %get3A_584 = tpu.vector_load %arg14[%get3A_582, %get3A_583] {strides = array<i32>} : memref<4x2048xf32, #tpu.memory_space<vmem>>, vector<1x16xf32>,
        %get3A_585 = vector.shape_cast %get3A_584 : vector<1x16xf32> to vector<16xf32>
        %swap3A_586 = arith.constant 1 : i32
        %swap3A_587 = arith.index_cast %swap3A_586 : i32 to index
        %swap3A_588 = arith.index_cast %add3A_580 : i32 to index
        %swap3A_589 = tpu.vector_load %arg12[%swap3A_587, %swap3A_588] {strides = array<i32>} : memref<4x2048xf32, #tpu.memory_space<vmem>>, vector<1x16xf32>,
        %swap3A_590 = vector.shape_cast %swap3A_589 : vector<1x16xf32> to vector<16xf32>
        %swap3A_591 = vector.shape_cast %get3A_585 : vector<16xf32> to vector<1x16xf32>
        tpu.vector_store %arg12[%swap3A_587, %swap3A_588], %swap3A_591 {add = true, strides = array<i32>} : memref<4x2048xf32, #tpu.memory_space<vmem>>, vector<1x16xf32>,
        %add3A_592 = arith.constant 96 : i32
        %add3A_593 = arith.addi %mul3A_411, %add3A_592 : i32
        %get3A_594 = arith.constant 1 : i32
        %get3A_595 = arith.index_cast %get3A_594 : i32 to index
        %get3A_596 = arith.index_cast %add3A_593 : i32 to index
        %get3A_597 = tpu.vector_load %arg14[%get3A_595, %get3A_596] {strides = array<i32>} : memref<4x2048xf32, #tpu.memory_space<vmem>>, vector<1x16xf32>,
        %get3A_598 = vector.shape_cast %get3A_597 : vector<1x16xf32> to vector<16xf32>
        %swap3A_599 = arith.constant 1 : i32
        %swap3A_600 = arith.index_cast %swap3A_599 : i32 to index
        %swap3A_601 = arith.index_cast %add3A_593 : i32 to index
        %swap3A_602 = tpu.vector_load %arg12[%swap3A_600, %swap3A_601] {strides = array<i32>} : memref<4x2048xf32, #tpu.memory_space<vmem>>, vector<1x16xf32>,
        %swap3A_603 = vector.shape_cast %swap3A_602 : vector<1x16xf32> to vector<16xf32>
        %swap3A_604 = vector.shape_cast %get3A_598 : vector<16xf32> to vector<1x16xf32>
        tpu.vector_store %arg12[%swap3A_600, %swap3A_601], %swap3A_604 {add = true, strides = array<i32>} : memref<4x2048xf32, #tpu.memory_space<vmem>>, vector<1x16xf32>,
        %add3A_605 = arith.constant 112 : i32
        %add3A_606 = arith.addi %mul3A_411, %add3A_605 : i32
        %get3A_607 = arith.constant 1 : i32
        %get3A_608 = arith.index_cast %get3A_607 : i32 to index
        %get3A_609 = arith.index_cast %add3A_606 : i32 to index
        %get3A_610 = tpu.vector_load %arg14[%get3A_608, %get3A_609] {strides = array<i32>} : memref<4x2048xf32, #tpu.memory_space<vmem>>, vector<1x16xf32>,
        %get3A_611 = vector.shape_cast %get3A_610 : vector<1x16xf32> to vector<16xf32>
        %swap3A_612 = arith.constant 1 : i32
        %swap3A_613 = arith.index_cast %swap3A_612 : i32 to index
        %swap3A_614 = arith.index_cast %add3A_606 : i32 to index
        %swap3A_615 = tpu.vector_load %arg12[%swap3A_613, %swap3A_614] {strides = array<i32>} : memref<4x2048xf32, #tpu.memory_space<vmem>>, vector<1x16xf32>,
        %swap3A_616 = vector.shape_cast %swap3A_615 : vector<1x16xf32> to vector<16xf32>
        %swap3A_617 = vector.shape_cast %get3A_611 : vector<16xf32> to vector<1x16xf32>
        tpu.vector_store %arg12[%swap3A_613, %swap3A_614], %swap3A_617 {add = true, strides = array<i32>} : memref<4x2048xf32, #tpu.memory_space<vmem>>, vector<1x16xf32>,
        %add3A_618 = arith.constant 0 : i32
        %add3A_619 = arith.addi %mul3A_411, %add3A_618 : i32
        %get3A_620 = arith.constant 2 : i32
        %get3A_621 = arith.index_cast %get3A_620 : i32 to index
        %get3A_622 = arith.index_cast %add3A_619 : i32 to index
        %get3A_623 = tpu.vector_load %arg14[%get3A_621, %get3A_622] {strides = array<i32>} : memref<4x2048xf32, #tpu.memory_space<vmem>>, vector<1x16xf32>,
        %get3A_624 = vector.shape_cast %get3A_623 : vector<1x16xf32> to vector<16xf32>
        %swap3A_625 = arith.constant 2 : i32
        %swap3A_626 = arith.index_cast %swap3A_625 : i32 to index
        %swap3A_627 = arith.index_cast %add3A_619 : i32 to index
        %swap3A_628 = tpu.vector_load %arg12[%swap3A_626, %swap3A_627] {strides = array<i32>} : memref<4x2048xf32, #tpu.memory_space<vmem>>, vector<1x16xf32>,
        %swap3A_629 = vector.shape_cast %swap3A_628 : vector<1x16xf32> to vector<16xf32>
        %swap3A_630 = vector.shape_cast %get3A_624 : vector<16xf32> to vector<1x16xf32>
        tpu.vector_store %arg12[%swap3A_626, %swap3A_627], %swap3A_630 {add = true, strides = array<i32>} : memref<4x2048xf32, #tpu.memory_space<vmem>>, vector<1x16xf32>,
        %add3A_631 = arith.constant 16 : i32
        %add3A_632 = arith.addi %mul3A_411, %add3A_631 : i32
        %get3A_633 = arith.constant 2 : i32
        %get3A_634 = arith.index_cast %get3A_633 : i32 to index
        %get3A_635 = arith.index_cast %add3A_632 : i32 to index
        %get3A_636 = tpu.vector_load %arg14[%get3A_634, %get3A_635] {strides = array<i32>} : memref<4x2048xf32, #tpu.memory_space<vmem>>, vector<1x16xf32>,
        %get3A_637 = vector.shape_cast %get3A_636 : vector<1x16xf32> to vector<16xf32>
        %swap3A_638 = arith.constant 2 : i32
        %swap3A_639 = arith.index_cast %swap3A_638 : i32 to index
        %swap3A_640 = arith.index_cast %add3A_632 : i32 to index
        %swap3A_641 = tpu.vector_load %arg12[%swap3A_639, %swap3A_640] {strides = array<i32>} : memref<4x2048xf32, #tpu.memory_space<vmem>>, vector<1x16xf32>,
        %swap3A_642 = vector.shape_cast %swap3A_641 : vector<1x16xf32> to vector<16xf32>
        %swap3A_643 = vector.shape_cast %get3A_637 : vector<16xf32> to vector<1x16xf32>
        tpu.vector_store %arg12[%swap3A_639, %swap3A_640], %swap3A_643 {add = true, strides = array<i32>} : memref<4x2048xf32, #tpu.memory_space<vmem>>, vector<1x16xf32>,
        %add3A_644 = arith.constant 32 : i32
        %add3A_645 = arith.addi %mul3A_411, %add3A_644 : i32
        %get3A_646 = arith.constant 2 : i32
        %get3A_647 = arith.index_cast %get3A_646 : i32 to index
        %get3A_648 = arith.index_cast %add3A_645 : i32 to index
        %get3A_649 = tpu.vector_load %arg14[%get3A_647, %get3A_648] {strides = array<i32>} : memref<4x2048xf32, #tpu.memory_space<vmem>>, vector<1x16xf32>,
        %get3A_650 = vector.shape_cast %get3A_649 : vector<1x16xf32> to vector<16xf32>
        %swap3A_651 = arith.constant 2 : i32
        %swap3A_652 = arith.index_cast %swap3A_651 : i32 to index
        %swap3A_653 = arith.index_cast %add3A_645 : i32 to index
        %swap3A_654 = tpu.vector_load %arg12[%swap3A_652, %swap3A_653] {strides = array<i32>} : memref<4x2048xf32, #tpu.memory_space<vmem>>, vector<1x16xf32>,
        %swap3A_655 = vector.shape_cast %swap3A_654 : vector<1x16xf32> to vector<16xf32>
        %swap3A_656 = vector.shape_cast %get3A_650 : vector<16xf32> to vector<1x16xf32>
        tpu.vector_store %arg12[%swap3A_652, %swap3A_653], %swap3A_656 {add = true, strides = array<i32>} : memref<4x2048xf32, #tpu.memory_space<vmem>>, vector<1x16xf32>,
        %add3A_657 = arith.constant 48 : i32
        %add3A_658 = arith.addi %mul3A_411, %add3A_657 : i32
        %get3A_659 = arith.constant 2 : i32
        %get3A_660 = arith.index_cast %get3A_659 : i32 to index
        %get3A_661 = arith.index_cast %add3A_658 : i32 to index
        %get3A_662 = tpu.vector_load %arg14[%get3A_660, %get3A_661] {strides = array<i32>} : memref<4x2048xf32, #tpu.memory_space<vmem>>, vector<1x16xf32>,
        %get3A_663 = vector.shape_cast %get3A_662 : vector<1x16xf32> to vector<16xf32>
        %swap3A_664 = arith.constant 2 : i32
        %swap3A_665 = arith.index_cast %swap3A_664 : i32 to index
        %swap3A_666 = arith.index_cast %add3A_658 : i32 to index
        %swap3A_667 = tpu.vector_load %arg12[%swap3A_665, %swap3A_666] {strides = array<i32>} : memref<4x2048xf32, #tpu.memory_space<vmem>>, vector<1x16xf32>,
        %swap3A_668 = vector.shape_cast %swap3A_667 : vector<1x16xf32> to vector<16xf32>
        %swap3A_669 = vector.shape_cast %get3A_663 : vector<16xf32> to vector<1x16xf32>
        tpu.vector_store %arg12[%swap3A_665, %swap3A_666], %swap3A_669 {add = true, strides = array<i32>} : memref<4x2048xf32, #tpu.memory_space<vmem>>, vector<1x16xf32>,
        %add3A_670 = arith.constant 64 : i32
        %add3A_671 = arith.addi %mul3A_411, %add3A_670 : i32
        %get3A_672 = arith.constant 2 : i32
        %get3A_673 = arith.index_cast %get3A_672 : i32 to index
        %get3A_674 = arith.index_cast %add3A_671 : i32 to index
        %get3A_675 = tpu.vector_load %arg14[%get3A_673, %get3A_674] {strides = array<i32>} : memref<4x2048xf32, #tpu.memory_space<vmem>>, vector<1x16xf32>,
        %get3A_676 = vector.shape_cast %get3A_675 : vector<1x16xf32> to vector<16xf32>
        %swap3A_677 = arith.constant 2 : i32
        %swap3A_678 = arith.index_cast %swap3A_677 : i32 to index
        %swap3A_679 = arith.index_cast %add3A_671 : i32 to index
        %swap3A_680 = tpu.vector_load %arg12[%swap3A_678, %swap3A_679] {strides = array<i32>} : memref<4x2048xf32, #tpu.memory_space<vmem>>, vector<1x16xf32>,
        %swap3A_681 = vector.shape_cast %swap3A_680 : vector<1x16xf32> to vector<16xf32>
        %swap3A_682 = vector.shape_cast %get3A_676 : vector<16xf32> to vector<1x16xf32>
        tpu.vector_store %arg12[%swap3A_678, %swap3A_679], %swap3A_682 {add = true, strides = array<i32>} : memref<4x2048xf32, #tpu.memory_space<vmem>>, vector<1x16xf32>,
        %add3A_683 = arith.constant 80 : i32
        %add3A_684 = arith.addi %mul3A_411, %add3A_683 : i32
        %get3A_685 = arith.constant 2 : i32
        %get3A_686 = arith.index_cast %get3A_685 : i32 to index
        %get3A_687 = arith.index_cast %add3A_684 : i32 to index
        %get3A_688 = tpu.vector_load %arg14[%get3A_686, %get3A_687] {strides = array<i32>} : memref<4x2048xf32, #tpu.memory_space<vmem>>, vector<1x16xf32>,
        %get3A_689 = vector.shape_cast %get3A_688 : vector<1x16xf32> to vector<16xf32>
        %swap3A_690 = arith.constant 2 : i32
        %swap3A_691 = arith.index_cast %swap3A_690 : i32 to index
        %swap3A_692 = arith.index_cast %add3A_684 : i32 to index
        %swap3A_693 = tpu.vector_load %arg12[%swap3A_691, %swap3A_692] {strides = array<i32>} : memref<4x2048xf32, #tpu.memory_space<vmem>>, vector<1x16xf32>,
        %swap3A_694 = vector.shape_cast %swap3A_693 : vector<1x16xf32> to vector<16xf32>
        %swap3A_695 = vector.shape_cast %get3A_689 : vector<16xf32> to vector<1x16xf32>
        tpu.vector_store %arg12[%swap3A_691, %swap3A_692], %swap3A_695 {add = true, strides = array<i32>} : memref<4x2048xf32, #tpu.memory_space<vmem>>, vector<1x16xf32>,
        %add3A_696 = arith.constant 96 : i32
        %add3A_697 = arith.addi %mul3A_411, %add3A_696 : i32
        %get3A_698 = arith.constant 2 : i32
        %get3A_699 = arith.index_cast %get3A_698 : i32 to index
        %get3A_700 = arith.index_cast %add3A_697 : i32 to index
        %get3A_701 = tpu.vector_load %arg14[%get3A_699, %get3A_700] {strides = array<i32>} : memref<4x2048xf32, #tpu.memory_space<vmem>>, vector<1x16xf32>,
        %get3A_702 = vector.shape_cast %get3A_701 : vector<1x16xf32> to vector<16xf32>
        %swap3A_703 = arith.constant 2 : i32
        %swap3A_704 = arith.index_cast %swap3A_703 : i32 to index
        %swap3A_705 = arith.index_cast %add3A_697 : i32 to index
        %swap3A_706 = tpu.vector_load %arg12[%swap3A_704, %swap3A_705] {strides = array<i32>} : memref<4x2048xf32, #tpu.memory_space<vmem>>, vector<1x16xf32>,
        %swap3A_707 = vector.shape_cast %swap3A_706 : vector<1x16xf32> to vector<16xf32>
        %swap3A_708 = vector.shape_cast %get3A_702 : vector<16xf32> to vector<1x16xf32>
        tpu.vector_store %arg12[%swap3A_704, %swap3A_705], %swap3A_708 {add = true, strides = array<i32>} : memref<4x2048xf32, #tpu.memory_space<vmem>>, vector<1x16xf32>,
        %add3A_709 = arith.constant 112 : i32
        %add3A_710 = arith.addi %mul3A_411, %add3A_709 : i32
        %get3A_711 = arith.constant 2 : i32
        %get3A_712 = arith.index_cast %get3A_711 : i32 to index
        %get3A_713 = arith.index_cast %add3A_710 : i32 to index
        %get3A_714 = tpu.vector_load %arg14[%get3A_712, %get3A_713] {strides = array<i32>} : memref<4x2048xf32, #tpu.memory_space<vmem>>, vector<1x16xf32>,
        %get3A_715 = vector.shape_cast %get3A_714 : vector<1x16xf32> to vector<16xf32>
        %swap3A_716 = arith.constant 2 : i32
        %swap3A_717 = arith.index_cast %swap3A_716 : i32 to index
        %swap3A_718 = arith.index_cast %add3A_710 : i32 to index
        %swap3A_719 = tpu.vector_load %arg12[%swap3A_717, %swap3A_718] {strides = array<i32>} : memref<4x2048xf32, #tpu.memory_space<vmem>>, vector<1x16xf32>,
        %swap3A_720 = vector.shape_cast %swap3A_719 : vector<1x16xf32> to vector<16xf32>
        %swap3A_721 = vector.shape_cast %get3A_715 : vector<16xf32> to vector<1x16xf32>
        tpu.vector_store %arg12[%swap3A_717, %swap3A_718], %swap3A_721 {add = true, strides = array<i32>} : memref<4x2048xf32, #tpu.memory_space<vmem>>, vector<1x16xf32>,
        %add3A_722 = arith.constant 0 : i32
        %add3A_723 = arith.addi %mul3A_411, %add3A_722 : i32
        %get3A_724 = arith.constant 3 : i32
        %get3A_725 = arith.index_cast %get3A_724 : i32 to index
        %get3A_726 = arith.index_cast %add3A_723 : i32 to index
        %get3A_727 = tpu.vector_load %arg14[%get3A_725, %get3A_726] {strides = array<i32>} : memref<4x2048xf32, #tpu.memory_space<vmem>>, vector<1x16xf32>,
        %get3A_728 = vector.shape_cast %get3A_727 : vector<1x16xf32> to vector<16xf32>
        %swap3A_729 = arith.constant 3 : i32
        %swap3A_730 = arith.index_cast %swap3A_729 : i32 to index
        %swap3A_731 = arith.index_cast %add3A_723 : i32 to index
        %swap3A_732 = tpu.vector_load %arg12[%swap3A_730, %swap3A_731] {strides = array<i32>} : memref<4x2048xf32, #tpu.memory_space<vmem>>, vector<1x16xf32>,
        %swap3A_733 = vector.shape_cast %swap3A_732 : vector<1x16xf32> to vector<16xf32>
        %swap3A_734 = vector.shape_cast %get3A_728 : vector<16xf32> to vector<1x16xf32>
        tpu.vector_store %arg12[%swap3A_730, %swap3A_731], %swap3A_734 {add = true, strides = array<i32>} : memref<4x2048xf32, #tpu.memory_space<vmem>>, vector<1x16xf32>,
        %add3A_735 = arith.constant 16 : i32
        %add3A_736 = arith.addi %mul3A_411, %add3A_735 : i32
        %get3A_737 = arith.constant 3 : i32
        %get3A_738 = arith.index_cast %get3A_737 : i32 to index
        %get3A_739 = arith.index_cast %add3A_736 : i32 to index
        %get3A_740 = tpu.vector_load %arg14[%get3A_738, %get3A_739] {strides = array<i32>} : memref<4x2048xf32, #tpu.memory_space<vmem>>, vector<1x16xf32>,
        %get3A_741 = vector.shape_cast %get3A_740 : vector<1x16xf32> to vector<16xf32>
        %swap3A_742 = arith.constant 3 : i32
        %swap3A_743 = arith.index_cast %swap3A_742 : i32 to index
        %swap3A_744 = arith.index_cast %add3A_736 : i32 to index
        %swap3A_745 = tpu.vector_load %arg12[%swap3A_743, %swap3A_744] {strides = array<i32>} : memref<4x2048xf32, #tpu.memory_space<vmem>>, vector<1x16xf32>,
        %swap3A_746 = vector.shape_cast %swap3A_745 : vector<1x16xf32> to vector<16xf32>
        %swap3A_747 = vector.shape_cast %get3A_741 : vector<16xf32> to vector<1x16xf32>
        tpu.vector_store %arg12[%swap3A_743, %swap3A_744], %swap3A_747 {add = true, strides = array<i32>} : memref<4x2048xf32, #tpu.memory_space<vmem>>, vector<1x16xf32>,
        %add3A_748 = arith.constant 32 : i32
        %add3A_749 = arith.addi %mul3A_411, %add3A_748 : i32
        %get3A_750 = arith.constant 3 : i32
        %get3A_751 = arith.index_cast %get3A_750 : i32 to index
        %get3A_752 = arith.index_cast %add3A_749 : i32 to index
        %get3A_753 = tpu.vector_load %arg14[%get3A_751, %get3A_752] {strides = array<i32>} : memref<4x2048xf32, #tpu.memory_space<vmem>>, vector<1x16xf32>,
        %get3A_754 = vector.shape_cast %get3A_753 : vector<1x16xf32> to vector<16xf32>
        %swap3A_755 = arith.constant 3 : i32
        %swap3A_756 = arith.index_cast %swap3A_755 : i32 to index
        %swap3A_757 = arith.index_cast %add3A_749 : i32 to index
        %swap3A_758 = tpu.vector_load %arg12[%swap3A_756, %swap3A_757] {strides = array<i32>} : memref<4x2048xf32, #tpu.memory_space<vmem>>, vector<1x16xf32>,
        %swap3A_759 = vector.shape_cast %swap3A_758 : vector<1x16xf32> to vector<16xf32>
        %swap3A_760 = vector.shape_cast %get3A_754 : vector<16xf32> to vector<1x16xf32>
        tpu.vector_store %arg12[%swap3A_756, %swap3A_757], %swap3A_760 {add = true, strides = array<i32>} : memref<4x2048xf32, #tpu.memory_space<vmem>>, vector<1x16xf32>,
        %add3A_761 = arith.constant 48 : i32
        %add3A_762 = arith.addi %mul3A_411, %add3A_761 : i32
        %get3A_763 = arith.constant 3 : i32
        %get3A_764 = arith.index_cast %get3A_763 : i32 to index
        %get3A_765 = arith.index_cast %add3A_762 : i32 to index
        %get3A_766 = tpu.vector_load %arg14[%get3A_764, %get3A_765] {strides = array<i32>} : memref<4x2048xf32, #tpu.memory_space<vmem>>, vector<1x16xf32>,
        %get3A_767 = vector.shape_cast %get3A_766 : vector<1x16xf32> to vector<16xf32>
        %swap3A_768 = arith.constant 3 : i32
        %swap3A_769 = arith.index_cast %swap3A_768 : i32 to index
        %swap3A_770 = arith.index_cast %add3A_762 : i32 to index
        %swap3A_771 = tpu.vector_load %arg12[%swap3A_769, %swap3A_770] {strides = array<i32>} : memref<4x2048xf32, #tpu.memory_space<vmem>>, vector<1x16xf32>,
        %swap3A_772 = vector.shape_cast %swap3A_771 : vector<1x16xf32> to vector<16xf32>
        %swap3A_773 = vector.shape_cast %get3A_767 : vector<16xf32> to vector<1x16xf32>
        tpu.vector_store %arg12[%swap3A_769, %swap3A_770], %swap3A_773 {add = true, strides = array<i32>} : memref<4x2048xf32, #tpu.memory_space<vmem>>, vector<1x16xf32>,
        %add3A_774 = arith.constant 64 : i32
        %add3A_775 = arith.addi %mul3A_411, %add3A_774 : i32
        %get3A_776 = arith.constant 3 : i32
        %get3A_777 = arith.index_cast %get3A_776 : i32 to index
        %get3A_778 = arith.index_cast %add3A_775 : i32 to index
        %get3A_779 = tpu.vector_load %arg14[%get3A_777, %get3A_778] {strides = array<i32>} : memref<4x2048xf32, #tpu.memory_space<vmem>>, vector<1x16xf32>,
        %get3A_780 = vector.shape_cast %get3A_779 : vector<1x16xf32> to vector<16xf32>
        %swap3A_781 = arith.constant 3 : i32
        %swap3A_782 = arith.index_cast %swap3A_781 : i32 to index
        %swap3A_783 = arith.index_cast %add3A_775 : i32 to index
        %swap3A_784 = tpu.vector_load %arg12[%swap3A_782, %swap3A_783] {strides = array<i32>} : memref<4x2048xf32, #tpu.memory_space<vmem>>, vector<1x16xf32>,
        %swap3A_785 = vector.shape_cast %swap3A_784 : vector<1x16xf32> to vector<16xf32>
        %swap3A_786 = vector.shape_cast %get3A_780 : vector<16xf32> to vector<1x16xf32>
        tpu.vector_store %arg12[%swap3A_782, %swap3A_783], %swap3A_786 {add = true, strides = array<i32>} : memref<4x2048xf32, #tpu.memory_space<vmem>>, vector<1x16xf32>,
        %add3A_787 = arith.constant 80 : i32
        %add3A_788 = arith.addi %mul3A_411, %add3A_787 : i32
        %get3A_789 = arith.constant 3 : i32
        %get3A_790 = arith.index_cast %get3A_789 : i32 to index
        %get3A_791 = arith.index_cast %add3A_788 : i32 to index
        %get3A_792 = tpu.vector_load %arg14[%get3A_790, %get3A_791] {strides = array<i32>} : memref<4x2048xf32, #tpu.memory_space<vmem>>, vector<1x16xf32>,
        %get3A_793 = vector.shape_cast %get3A_792 : vector<1x16xf32> to vector<16xf32>
        %swap3A_794 = arith.constant 3 : i32
        %swap3A_795 = arith.index_cast %swap3A_794 : i32 to index
        %swap3A_796 = arith.index_cast %add3A_788 : i32 to index
        %swap3A_797 = tpu.vector_load %arg12[%swap3A_795, %swap3A_796] {strides = array<i32>} : memref<4x2048xf32, #tpu.memory_space<vmem>>, vector<1x16xf32>,
        %swap3A_798 = vector.shape_cast %swap3A_797 : vector<1x16xf32> to vector<16xf32>
        %swap3A_799 = vector.shape_cast %get3A_793 : vector<16xf32> to vector<1x16xf32>
        tpu.vector_store %arg12[%swap3A_795, %swap3A_796], %swap3A_799 {add = true, strides = array<i32>} : memref<4x2048xf32, #tpu.memory_space<vmem>>, vector<1x16xf32>,
        %add3A_800 = arith.constant 96 : i32
        %add3A_801 = arith.addi %mul3A_411, %add3A_800 : i32
        %get3A_802 = arith.constant 3 : i32
        %get3A_803 = arith.index_cast %get3A_802 : i32 to index
        %get3A_804 = arith.index_cast %add3A_801 : i32 to index
        %get3A_805 = tpu.vector_load %arg14[%get3A_803, %get3A_804] {strides = array<i32>} : memref<4x2048xf32, #tpu.memory_space<vmem>>, vector<1x16xf32>,
        %get3A_806 = vector.shape_cast %get3A_805 : vector<1x16xf32> to vector<16xf32>
        %swap3A_807 = arith.constant 3 : i32
        %swap3A_808 = arith.index_cast %swap3A_807 : i32 to index
        %swap3A_809 = arith.index_cast %add3A_801 : i32 to index
        %swap3A_810 = tpu.vector_load %arg12[%swap3A_808, %swap3A_809] {strides = array<i32>} : memref<4x2048xf32, #tpu.memory_space<vmem>>, vector<1x16xf32>,
        %swap3A_811 = vector.shape_cast %swap3A_810 : vector<1x16xf32> to vector<16xf32>
        %swap3A_812 = vector.shape_cast %get3A_806 : vector<16xf32> to vector<1x16xf32>
        tpu.vector_store %arg12[%swap3A_808, %swap3A_809], %swap3A_812 {add = true, strides = array<i32>} : memref<4x2048xf32, #tpu.memory_space<vmem>>, vector<1x16xf32>,
        %add3A_813 = arith.constant 112 : i32
        %add3A_814 = arith.addi %mul3A_411, %add3A_813 : i32
        %get3A_815 = arith.constant 3 : i32
        %get3A_816 = arith.index_cast %get3A_815 : i32 to index
        %get3A_817 = arith.index_cast %add3A_814 : i32 to index
        %get3A_818 = tpu.vector_load %arg14[%get3A_816, %get3A_817] {strides = array<i32>} : memref<4x2048xf32, #tpu.memory_space<vmem>>, vector<1x16xf32>,
        %get3A_819 = vector.shape_cast %get3A_818 : vector<1x16xf32> to vector<16xf32>
        %swap3A_820 = arith.constant 3 : i32
        %swap3A_821 = arith.index_cast %swap3A_820 : i32 to index
        %swap3A_822 = arith.index_cast %add3A_814 : i32 to index
        %swap3A_823 = tpu.vector_load %arg12[%swap3A_821, %swap3A_822] {strides = array<i32>} : memref<4x2048xf32, #tpu.memory_space<vmem>>, vector<1x16xf32>,
        %swap3A_824 = vector.shape_cast %swap3A_823 : vector<1x16xf32> to vector<16xf32>
        %swap3A_825 = vector.shape_cast %get3A_819 : vector<16xf32> to vector<1x16xf32>
        tpu.vector_store %arg12[%swap3A_821, %swap3A_822], %swap3A_825 {add = true, strides = array<i32>} : memref<4x2048xf32, #tpu.memory_space<vmem>>, vector<1x16xf32>,
      }
      %scan3A_388 = arith.constant 16 : i32
      %add3A_389 = arith.constant 12288 : i32
      %add3A_390 = arith.addi %add3A_389, %mul3A_2 : i32
      %mul3A_391 = arith.constant 4 : i32
      %mul3A_392 = arith.muli %add3A_376, %mul3A_391 : i32
      %add3A_393 = arith.addi %add3A_390, %mul3A_392 : i32
      %dma_start3A_394 = arith.constant 0 : i32
      %dma_start3A_395 = tpu.memref_slice %arg4[%add3A_393, %dma_start3A_394] : memref<16384x2048xf32, #tpu.memory_space<hbm>> -> memref<4x2048xf32, #tpu.memory_space<hbm>>
      %dma_start3A_396 = arith.constant 0 : i32
      %dma_start3A_397 = tpu.memref_slice %arg4[%add3A_393, %dma_start3A_396] : memref<16384x2048xf32, #tpu.memory_space<hbm>> -> memref<4x2048xf32, #tpu.memory_space<hbm>>
      tpu.enqueue_dma source(%arg12 : memref<4x2048xf32, #tpu.memory_space<vmem>>) target(%dma_start3A_397 : memref<4x2048xf32, #tpu.memory_space<hbm>>) target_semaphore(%arg17 : memref<!tpu.dma_semaphore, #tpu.memory_space<semaphore_mem>>)
      %dma_wait3A_398 = arith.constant 0 : i32
      %dma_wait3A_399 = arith.constant 0 : i32
      %dma_wait3A_400 = tpu.memref_slice %arg4[%dma_wait3A_398, %dma_wait3A_399] : memref<16384x2048xf32, #tpu.memory_space<hbm>> -> memref<4x2048xf32, #tpu.memory_space<hbm>>
      %dma_wait3A_401 = arith.constant 0 : i32
      %dma_wait3A_402 = arith.constant 0 : i32
      %dma_wait3A_403 = tpu.memref_slice %arg4[%dma_wait3A_401, %dma_wait3A_402] : memref<16384x2048xf32, #tpu.memory_space<hbm>> -> memref<4x2048xf32, #tpu.memory_space<hbm>>
      tpu.wait_dma2 semaphore(%arg17 : memref<!tpu.dma_semaphore, #tpu.memory_space<semaphore_mem>>) src(%arg8 : memref<4x2048xf32, #tpu.memory_space<vmem>>) dst(%dma_wait3A_403 : memref<4x2048xf32, #tpu.memory_space<hbm>>)
      %lt3A_404 = arith.constant 15 : i32
      %lt3A_405 = arith.cmpi slt, %scan3A_68, %lt3A_404 : i32
      %convert_element_type3A_406 = arith.extui %lt3A_405 : i1 to i32
      %cond3A_407 = arith.constant 0 : i32
      %cond3A_408 = arith.cmpi ne, %convert_element_type3A_406, %cond3A_407 : i32
      scf.if %cond3A_408 {
        %mul3A_409 = arith.constant 2 : i32
        %mul3A_410 = arith.muli %mul3A_409, %scan3A_68 : i32
        %add3A_411 = arith.constant 2 : i32
        %add3A_412 = arith.addi %mul3A_410, %add3A_411 : i32
        %add3A_413 = arith.constant 12288 : i32
        %add3A_414 = arith.addi %add3A_413, %mul3A_2 : i32
        %mul3A_415 = arith.constant 4 : i32
        %mul3A_416 = arith.muli %add3A_412, %mul3A_415 : i32
        %add3A_417 = arith.addi %add3A_414, %mul3A_416 : i32
        %dma_start3A_418 = arith.constant 0 : i32
        %dma_start3A_419 = tpu.memref_slice %arg2[%add3A_417, %dma_start3A_418] : memref<16384x2048xf32, #tpu.memory_space<hbm>> -> memref<4x2048xf32, #tpu.memory_space<hbm>>
        %dma_start3A_420 = arith.constant 0 : i32
        %dma_start3A_421 = tpu.memref_slice %arg2[%add3A_417, %dma_start3A_420] : memref<16384x2048xf32, #tpu.memory_space<hbm>> -> memref<4x2048xf32, #tpu.memory_space<hbm>>
        tpu.enqueue_dma source(%dma_start3A_421 : memref<4x2048xf32, #tpu.memory_space<hbm>>) target(%arg8 : memref<4x2048xf32, #tpu.memory_space<vmem>>) target_semaphore(%arg15 : memref<!tpu.dma_semaphore, #tpu.memory_space<semaphore_mem>>)
      } else {
      }
    }
    %scan3A_44 = arith.constant 16 : i32
    %dma_wait3A = arith.constant 0 : i32
    %dma_wait3A_45 = arith.constant 0 : i32
    %dma_wait3A_46 = tpu.memref_slice %arg4[%dma_wait3A, %dma_wait3A_45] : memref<16384x2048xf32, #tpu.memory_space<hbm>> -> memref<4x2048xf32, #tpu.memory_space<hbm>>
    %dma_wait3A_47 = arith.constant 0 : i32
    %dma_wait3A_48 = arith.constant 0 : i32
    %dma_wait3A_49 = tpu.memref_slice %arg4[%dma_wait3A_47, %dma_wait3A_48] : memref<16384x2048xf32, #tpu.memory_space<hbm>> -> memref<4x2048xf32, #tpu.memory_space<hbm>>
    tpu.wait_dma2 semaphore(%arg17 : memref<!tpu.dma_semaphore, #tpu.memory_space<semaphore_mem>>) src(%arg9 : memref<4x2048xf32, #tpu.memory_space<vmem>>) dst(%dma_wait3A_49 : memref<4x2048xf32, #tpu.memory_space<hbm>>)
    %dma_wait3A_50 = arith.constant 0 : i32
    %dma_wait3A_51 = arith.constant 0 : i32
    %dma_wait3A_52 = tpu.memref_slice %arg4[%dma_wait3A_50, %dma_wait3A_51] : memref<16384x2048xf32, #tpu.memory_space<hbm>> -> memref<4x2048xf32, #tpu.memory_space<hbm>>
    %dma_wait3A_53 = arith.constant 0 : i32
    %dma_wait3A_54 = arith.constant 0 : i32
    %dma_wait3A_55 = tpu.memref_slice %arg4[%dma_wait3A_53, %dma_wait3A_54] : memref<16384x2048xf32, #tpu.memory_space<hbm>> -> memref<4x2048xf32, #tpu.memory_space<hbm>>
    tpu.wait_dma2 semaphore(%arg17 : memref<!tpu.dma_semaphore, #tpu.memory_space<semaphore_mem>>) src(%arg10 : memref<4x2048xf32, #tpu.memory_space<vmem>>) dst(%dma_wait3A_55 : memref<4x2048xf32, #tpu.memory_space<hbm>>)
    %dma_wait3A_56 = arith.constant 0 : i32
    %dma_wait3A_57 = arith.constant 0 : i32
    %dma_wait3A_58 = tpu.memref_slice %arg4[%dma_wait3A_56, %dma_wait3A_57] : memref<16384x2048xf32, #tpu.memory_space<hbm>> -> memref<4x2048xf32, #tpu.memory_space<hbm>>
    %dma_wait3A_59 = arith.constant 0 : i32
    %dma_wait3A_60 = arith.constant 0 : i32
    %dma_wait3A_61 = tpu.memref_slice %arg4[%dma_wait3A_59, %dma_wait3A_60] : memref<16384x2048xf32, #tpu.memory_space<hbm>> -> memref<4x2048xf32, #tpu.memory_space<hbm>>
    tpu.wait_dma2 semaphore(%arg17 : memref<!tpu.dma_semaphore, #tpu.memory_space<semaphore_mem>>) src(%arg11 : memref<4x2048xf32, #tpu.memory_space<vmem>>) dst(%dma_wait3A_61 : memref<4x2048xf32, #tpu.memory_space<hbm>>)
    %dma_wait3A_62 = arith.constant 0 : i32
    %dma_wait3A_63 = arith.constant 0 : i32
    %dma_wait3A_64 = tpu.memref_slice %arg4[%dma_wait3A_62, %dma_wait3A_63] : memref<16384x2048xf32, #tpu.memory_space<hbm>> -> memref<4x2048xf32, #tpu.memory_space<hbm>>
    %dma_wait3A_65 = arith.constant 0 : i32
    %dma_wait3A_66 = arith.constant 0 : i32
    %dma_wait3A_67 = tpu.memref_slice %arg4[%dma_wait3A_65, %dma_wait3A_66] : memref<16384x2048xf32, #tpu.memory_space<hbm>> -> memref<4x2048xf32, #tpu.memory_space<hbm>>
    tpu.wait_dma2 semaphore(%arg17 : memref<!tpu.dma_semaphore, #tpu.memory_space<semaphore_mem>>) src(%arg12 : memref<4x2048xf32, #tpu.memory_space<vmem>>) dst(%dma_wait3A_67 : memref<4x2048xf32, #tpu.memory_space<hbm>>)
    return
  }
}

</mosaic_0001>

<sc_bundles>
// kernel: kernel.3.cloned.1.call-start
scs
__scs_entry_jumppad:
0x0: {  	(pc) =	sbr.rel $0x88, $3  }
0x1: {  	(tag) =	ssettag $0x0;
	lr =	simm.s32 $0x1  }
0x2: {  	[smem:$0x3F9F] =	sst lr;
	_ =	strace $0xD0000000  }
0x3: {  	_ = 	snop  }
0x4: {  	_ = 	snop  }
0x5: {  	_ = 	snop  }
0x6: {  	_ = 	snop  }
0x7: {  	_ = 	snop  }
__scs_overlays_trampoline_lowered:
0x8: {  	[smem:$0x3FAE] =	sst s0  }
0x9: {  	[smem:$0x3FAF] =	sst s1  }
0xa: {  	[smem:$0x3FB0] =	sst s2  }
0xb: {  	[smem:$0x3FB1] =	sst s3  }
0xc: {  	[smem:$0x3FB2] =	sst s4  }
0xd: {  	[smem:$0x3FB3] =	sst s5  }
0xe: {  	[smem:$0x3FB4] =	sst s6  }
0xf: {  	[smem:$0x3FB5] =	sst s7  }
0x10: {  	[smem:$0x3FB6] =	sst s8  }
0x11: {  	[smem:$0x3FB7] =	sst s9;
	s0 =	simm.s32 @!p0 $0x0  }
0x12: {  	s1 =	sld [smem:$0x3F9D];
	s0 =	simm.s32 @p0 $0x1  }
0x13: {  	[smem:$0x3FB8] =	sst s0;
	s0 =	simm.s32 @!p1 $0x0  }
0x14: {  	s2 =	sld [smem:$0x3F9C];
	s0 =	simm.s32 @p1 $0x1  }
0x15: {  	[smem:$0x3FB9] =	sst s0;
	s0 =	simm.s32 @!p2 $0x0  }
0x16: {  	s3 =	sld [smem:$0x3FDB];
	s0 =	simm.s32 @p2 $0x1  }
0x17: {  	s4 =	simm.s32 $0x1BF5;
	[smem:$0x3FBB] =	sst s0  }
0x18: {  	s0 =	sld [smem:$0x3F9E];
	_ =	swait.ge [sflag:s4], $0x0  }
0x19: {  	s7 =	sld [smem:$0x3F9F]  }
0x1a: {  	s8 =	sadd.s32 $0xFFFFE003, lr  }
0x1b: {  	s9 =	sadd.s32 $0xFFFFFEF7, lr;
	s5 =	simm.s32 $0xFFFFFFFF;
	p2 =	slt.u32 s8, $0xFFFFF086  }
0x1c: {  	p1 =	slt.u32 s9, $0xF7A;
	s5 =	simm.s32 @!p2 $0x0  }
0x1d: {  	s5 =	simm.s32 @p1 $0x1;
	p0 =	seq.s32 s7, s2  }
0x1e: {  	s7 =	smul.u32 @!p0 $0xF7A, s2;
	p2 =	seq.s32 @!p0 s5, $0x0  }
0x1f: {  	s9 =	smul.u32 $0xF7A, s1;
	s8 =	simm.s32 @!p0 $0x1BF5;
	p2 =	por !p2, p0  }
0x20: {  	[sflag:s8] =	ssyncset.s32 @!p0 $0xFFFFF086;
	s6 =	sadd.s32 @!p0 s3, s7;
	s7 =	simm.s32 @!p0 $0x108  }
0x21: {  	s3 =	sadd.s32 s3, s9;
	s6 =	sadd.s32 @!p0 $0x88, s6;
	s7 =	simm.s32 @p2 $0x1082  }
0x22: {  	[simem:s7], [sflag:s8] =	dma.local @!p0 [hbm:s6], $0xF7A  }
0x23: {  	s9 =	sor.u32 $0xD0000000, s2;
	s6 =	simm.s32 $0x108;
	_ =	swait.ge @!p0 [sflag:s8], $0x0  }
0x24: {  	s3 =	sadd.s32 $0x88, s3;
	s6 =	simm.s32 @!p1 $0x1082;
	[sflag:s4] =	ssyncset.s32 $0xFFFFF086  }
0x25: {  	[simem:s6], [sflag:s4] =	dma.local [hbm:s3], $0xF7A  }
0x26: {  	[smem:$0x3F9F] =	sst s1;
	(tag) =	ssettag s2;
	_ =	strace s9  }
0x27: {  	s1 =	sld [smem:$0x3FAF]  }
0x28: {  	s2 =	sld [smem:$0x3FB0]  }
0x29: {  	s4 =	sld [smem:$0x3FB2]  }
0x2a: {  	p0 =	seq.s32 s5, $0x0;
	s5 =	sld [smem:$0x3FB3]  }
0x2b: {  	s6 =	sld [smem:$0x3FB4]  }
0x2c: {  	s7 =	sld [smem:$0x3FB5]  }
0x2d: {  	s3 =	simm.s32 $0x108;
	s8 =	sld [smem:$0x3FB6]  }
0x2e: {  	s3 =	simm.s32 @!p0 $0x1082;
	s9 =	sld [smem:$0x3FB7]  }
0x2f: {  	lr =	sadd.s32 s0, s3;
	s0 =	sld [smem:$0x3FAE]  }
0x30: {  	s3 =	sld [smem:$0x3FB1]  }
0x31: {  	[smem:$0x3FBA] =	sst s10  }
0x32: {  	s10 =	sld [smem:$0x3FB8];
	_ =	sdelay $0x3  }
0x33: {  	p0 =	seq.s32 s10, $0x1;
	s10 =	sld [smem:$0x3FBA];
	_ =	sdelay $0x3  }
0x34: {  	[smem:$0x3FBA] =	sst s10  }
0x35: {  	s10 =	sld [smem:$0x3FB9];
	_ =	sdelay $0x3  }
0x36: {  	p1 =	seq.s32 s10, $0x1;
	s10 =	sld [smem:$0x3FBA];
	_ =	sdelay $0x3  }
0x37: {  	[smem:$0x3FBA] =	sst s10  }
0x38: {  	s10 =	sld [smem:$0x3FBB]  }
0x39: {  	_ = 	snop;
	(pc) =	sbr.ind lr, $3  }
0x3a: {  	_ = 	snop  }
0x3b: {  	_ = 	snop  }
0x3c: {  	p2 =	seq.s32 s10, $0x1;
	s10 =	sld [smem:$0x3FBA]  }
0x3d: {  	_ =	shalt  }
0x3e: {  	_ =	shalt  }
0x3f: {  	_ =	shalt  }
0x40: {  	_ =	shalt  }
0x41: {  	_ =	shalt  }
0x42: {  	_ =	shalt  }
0x43: {  	_ =	shalt  }
0x44: {  	_ =	shalt  }
0x45: {  	_ =	shalt  }
0x46: {  	_ =	shalt  }
0x47: {  	_ =	shalt  }
0x48: {  	_ =	shalt  }
0x49: {  	_ =	shalt  }
0x4a: {  	_ =	shalt  }
0x4b: {  	_ =	shalt  }
0x4c: {  	_ =	shalt  }
0x4d: {  	_ =	shalt  }
0x4e: {  	_ =	shalt  }
0x4f: {  	_ =	shalt  }
0x50: {  	_ =	shalt  }
0x51: {  	_ =	shalt  }
0x52: {  	_ =	shalt  }
0x53: {  	_ =	shalt  }
0x54: {  	_ =	shalt  }
0x55: {  	_ =	shalt  }
0x56: {  	_ =	shalt  }
0x57: {  	_ =	shalt  }
0x58: {  	_ =	shalt  }
0x59: {  	_ =	shalt  }
0x5a: {  	_ =	shalt  }
0x5b: {  	_ =	shalt  }
0x5c: {  	_ =	shalt  }
0x5d: {  	_ =	shalt  }
0x5e: {  	_ =	shalt  }
0x5f: {  	_ =	shalt  }
0x60: {  	_ =	shalt  }
0x61: {  	_ =	shalt  }
0x62: {  	_ =	shalt  }
0x63: {  	_ =	shalt  }
0x64: {  	_ =	shalt  }
0x65: {  	_ =	shalt  }
0x66: {  	_ =	shalt  }
0x67: {  	_ =	shalt  }
0x68: {  	_ =	shalt  }
0x69: {  	_ =	shalt  }
0x6a: {  	_ =	shalt  }
0x6b: {  	_ =	shalt  }
0x6c: {  	_ =	shalt  }
0x6d: {  	_ =	shalt  }
0x6e: {  	_ =	shalt  }
0x6f: {  	_ =	shalt  }
0x70: {  	_ =	shalt  }
0x71: {  	_ =	shalt  }
0x72: {  	_ =	shalt  }
0x73: {  	_ =	shalt  }
0x74: {  	_ =	shalt  }
0x75: {  	_ =	shalt  }
0x76: {  	_ =	shalt  }
0x77: {  	_ =	shalt  }
0x78: {  	_ =	shalt  }
0x79: {  	_ =	shalt  }
0x7a: {  	_ =	shalt  }
0x7b: {  	_ =	shalt  }
0x7c: {  	_ =	shalt  }
0x7d: {  	_ =	shalt  }
0x7e: {  	_ =	shalt  }
0x7f: {  	_ =	shalt  }
0x80: {  	_ =	shalt  }
0x81: {  	_ =	shalt  }
0x82: {  	_ =	shalt  }
0x83: {  	_ =	shalt  }
0x84: {  	_ =	shalt  }
0x85: {  	_ =	shalt  }
0x86: {  	_ =	shalt  }
0x87: {  	_ =	shalt  }
.Lfunc_end0:
.L_simem_size_0:
called_computation_lowered:
.L_overlay_start_0:
0x88: {  	s2 =	sld [smem:$0x3FD9]  }
0x89: {  	s3 =	sld [smem:$0x3FFE];
	_ =	sdelay $0x1  }
0x8a: {  	s1 =	srdreg.scid  }
0x8b: {  	s0 =	sand.u32 $0x1, s1  }
0x8c: {  	s18 =	sshll.u32 s0, $0xA;
	s2 =	sadd.s32 s3, s2  }
0x8d: {  	s2 =	sadd.s32 s2, s18  }
0x8e: {  	[smem:$0x3FC6] =	sst s2  }
0x8f: {  	_ = 	snop  }
0x90: {  	s2 =	sld [smem:$0x3FC9]  }
0x91: {  	s19 =	sld [smem:$0x3FC8]  }
0x92: {  	s4 =	sld [smem:$0x3FD0];
	(tm) =	ssettm $0x1  }
0x93: {  	s5 =	sld [smem:$0x3FFB];
	_ =	sdelay $0x3  }
0x94: {  	_ =	strace s5  }
0x95: {  	s5 =	sld [smem:$0x3FFC];
	_ =	sdelay $0x3  }
0x96: {  	_ =	strace s5  }
0x97: {  	s5 =	sld [smem:$0x3FFD];
	_ =	sdelay $0x3  }
0x98: {  	_ =	strace s5  }
0x99: {  	_ =	strace $0x8FFFFFFF  }
0x9a: {  	s20 =	sld [smem:$0x3FDB];
	_ =	sdelay $0x1  }
0x9b: {  	s6 =	simm.s32 $_scs_section_size  }
0x9c: {  	s7 =	simm.s32 $_size__tile_overlayer_lowered;
	s8 =	simm.s32 $_tile_overlayer_lowered  }
0x9d: {  	s23 =	simm.s32 $0x1BFF;
	s22 =	sshll.u32 s8, $0x1;
	s5 =	sadd.s32 s6, s20  }
0x9e: {  	s9 =	simm.s32 $0x0;
	s21 =	sshll.u32 s7, $0x1;
	s7 =	sadd.s32 s22, s5  }
0x9f: {  	[timem:s9], [sflag:s23] =	dma.local [hbm:s7], s21  }
0xa0: {  	_ =	swait.ge [sflag:s23], s21  }
0xa1: {  	s6 =	ssub.s32 $0x0, s21;
	[sflag:s23] =	ssyncset.done $0x0  }
0xa2: {  	[sflag:s23] =	ssyncadd.s32 s6;
	_ =	sdelay $0x1  }
0xa3: {  	s24 =	simm.s32 $0x1B8B  }
0xa4: {  	_ =	swait.ge [sflag:s24], $0x1  }
0xa5: {  	[sflag:s24] =	ssyncset.done $0x0  }
0xa6: {  	s25 =	simm.s32 $0x1B8E;
	[sflag:s24] =	ssyncadd.s32 $0xFFFFFFFF  }
0xa7: {  	s26 =	simm.s32 $execute0_lowered;
	[smem:$0x3FD2] =	sst s25  }
0xa8: {  	s6 =	sshll.u32 s26, $0x1;
	_ =	strace $0x80000046;
	[dreg:$0x1] =	wrdreg $0xFFFFFFFF  }
0xa9: {  	s28 =	simm.s32 $_size_execute0_lowered;
	s5 =	sadd.s32 s5, s6;
	[dreg:$0x0] =	wrdreg $0x0  }
0xaa: {  	s6 =	sshll.u32 s28, $0x1;
	[dreg:$0x2] =	wrdreg s5  }
0xab: {  	[dreg:$0x3] =	wrdreg s6  }
0xac: {  	[dreg:$0x4] =	wrdreg $0xC0  }
0xad: {  	_ =	task [dreg:s9], $0x5FFFF  }
0xae: {  	[dreg:$0x1] =	wrdreg $0xFFFFFFFF  }
0xaf: {  	[dreg:$0x0] =	wrdreg $0x60  }
0xb0: {  	[dreg:$0x2] =	wrdreg s2  }
0xb1: {  	[dreg:$0x3] =	wrdreg s19  }
0xb2: {  	[dreg:$0x4] =	wrdreg s4  }
0xb3: {  	[dreg:$0x5] =	wrdreg $0x9  }
0xb4: {  	_ =	task.clear_ibuf [dreg:s9], $0x6FFFF;
	_ =	strace $0x90000046  }
0xb5: {  	s29 =	simm.s32 $0x9;
	_ =	strace $0x80000048  }
0xb6: {  	_ =	swait.ge [sflag:s29], $0x1  }
0xb7: {  	[sflag:s29] =	ssyncadd.s32 $0xFFFFFFFF  }
0xb8: {  	_ =	strace $0x90000048  }
0xb9: {  	_ =	sfence  }
0xba: {  	s30 =	sld [smem:$0x0];
	_ =	sdelay $0x2  }
0xbb: {  	s31 =	sshll.u32 s1, $0xD;
	s1 =	sshrl.u32 s1, $0x2  }
0xbc: {  	s3 =	sand.u32 $0x4000, s31;
	s1 =	sadd.s32 s1, s30  }
0xbd: {  	s0 =	sor.u32 s3, s0;
	s1 =	sshll.u32 s1, $0x11  }
0xbe: {  	s0 =	sor.u32 s1, s0  }
0xbf: {  	s0 =	sadd.s32 $0x8F2B, s0  }
0xc0: {  	[sflag:s0] =	ssyncadd.remote.s32 $0x1  }
0xc1: {  	_ =	sfence.sel $0xFFFF  }
0xc2: {  	[dreg:$0x0] =	wrdreg $0xFFFFFFFF;
	(pc) =	sbr.abs _section_cstart, $3  }
0xc3: {  	[dreg:$0x1] =	wrdreg $0xFFFFFFFF  }
0xc4: {  	_ =	task.clear_ibuf [dreg:s9], $0x2FFFF;
	_ =	strace $0x9FFFFFFF  }
0xc5: {  	(tm) =	ssettm $0x7FFFFFFF  }
tec
execute0_lowered:
.L_overlay_start_1:
0x0: {  	(tag) =	ssettag $0x1  }
0x1: {  	s2 =	rddreg [dreg:$0x0]  }
0x2: {  	s3 =	rddreg [dreg:$0x1];
	s0 =	srdreg.scid  }
0x3: {  	s4 =	rddreg [dreg:$0x2];
	s1 =	stileid.u32;
	s7 =	simm.s32 $0x0  }
0x4: {  	s28 =	simm.s32 $0x2;
	s30 =	simm.s32 $0x8000;
	s31 =	simm.s32 $0xA000  }
0x5: {  	s0 =	sand.u32 $0x1, s0;
	s1 =	sshll.u32 s1, $0x8;
	[smem:$0x7FF] =	sst s7  }
0x6: {  	s7 =	simm.s32 $0x0;
	s5 =	sshll.u32 s0, $0x7;
	s0 =	ssub.s32 $0x2, s0  }
0x7: {  	_ =	strace $0x80000047;
	s6 =	sor.u32 s5, s1;
	s20 =	sshrl.u32 s0, $0x1  }
0x8: {  	s5 =	sshll.u32 s6, $0x8;
	s0 =	ssub.s32 s0, s20;
	s9 =	sor.u32 $0x1000, s6  }
0x9: {  	s10 =	sor.u32 $0x2000, s6;
	s11 =	sor.u32 $0x3000, s6;
	s15 =	sor.u32 $0x8, s6  }
0xa: {  	s16 =	sor.u32 $0x1008, s6;
	s17 =	sor.u32 $0x2008, s6;
	s29 =	sor.u32 $0x3008, s6  }
0xb: {  	s20 =	simm.s32 $0x200;
	s21 =	sadd.s32 s3, s5;
	s22 =	sadd.s32 s2, s5  }
0xc: {  	s23 =	sshll.u32 s9, $0x8;
	s24 =	sshll.u32 s10, $0x8;
	[dreg:$0x9] =	wrdreg s29  }
0xd: {  	s26 =	sshll.u32 s11, $0x8;
	s0 =	smax.u32 s0, $0x1;
	[dreg:$0x4] =	wrdreg s21  }
.Ltmp0:
0xe: {  	[dreg:$0x5] =	wrdreg s22;
	s1 =	sadd.s32 s2, s23;
	(pc) =	sbr.rel .LBB2_1-.Ltmp0, $4  }
0xf: {  	s25 =	sadd.s32 s2, s24;
	[dreg:$0xa] =	wrdreg s0;
	s21 =	simm.s32 $0x400  }
0x10: {  	s0 =	simm.s32 $0xC000;
	s22 =	simm.s32 $0x3;
	[dreg:$0x6] =	wrdreg s1  }
0x11: {  	[dreg:$0x7] =	wrdreg s25;
	s1 =	sadd.s32 s2, s26;
	s25 =	simm.s32 $0x6000  }
0x12: {  	s26 =	simm.s32 $0x1;
	[dreg:$0x8] =	wrdreg s1;
	s1 =	simm.s32 $0xE000  }
.LBB2_20:
0x13: {  	_ =	swait.ge [sflag:s22], $0x2000  }
0x14: {  	[sflag:s22] =	ssyncset.done $0x0  }
0x15: {  	[sflag:s22] =	ssyncadd.s32 $0xFFFFE000  }
0x16: {  	_ =	swait.ge [sflag:s22], $0x2000  }
0x17: {  	[sflag:s22] =	ssyncset.done $0x0  }
0x18: {  	[sflag:s22] =	ssyncadd.s32 $0xFFFFE000  }
0x19: {  	_ =	swait.ge [sflag:s22], $0x2000  }
0x1a: {  	[sflag:s22] =	ssyncset.done $0x0  }
0x1b: {  	[sflag:s22] =	ssyncadd.s32 $0xFFFFE000  }
0x1c: {  	_ =	swait.ge [sflag:s22], $0x2000  }
0x1d: {  	s7 =	rddreg [dreg:$0xb]  }
0x1e: {  	s5 =	rddreg [dreg:$0xa];
	s7 =	sadd.s32 $0x1, s7  }
0x1f: {  	p0 =	sne.s32 s7, s5  }
.Ltmp1:
0x20: {  	_ = 	snop;
	(pc) =	sbr.rel @!p0 .LBB2_21-.Ltmp1, $3  }
0x21: {  	_ =	sdelay $0x1  }
0x22: {  	[sflag:s22] =	ssyncset.done $0x0  }
0x23: {  	[sflag:s22] =	ssyncadd.s32 $0xFFFFE000  }
.LBB2_1:
0x24: {  	[dreg:$0xb] =	wrdreg s7  }
0x25: {  	s5 =	rddreg [dreg:$0x4];
	s12 =	simm.s32 $0x10000  }
0x26: {  	[tilespmem:s12], [sflag:$0x2] =	stream.strided.gather [hbm4b:s5+s20], $0x2000, s21, s20, $0x38;
	[tilespmem:$0x14000] =	vst v63  }
0x27: {  	s13 =	simm.s32 $0x0;
	s14 =	rddreg [dreg:$0x5]  }
0x28: {  	[tilespmem:s13], [sflag:$0x1] =	stream.strided.gather [hbm4b:s14+s20], $0x2000, s21, s20, $0x38;
	[tilespmem:$0x14000] =	vst v63  }
0x29: {  	s18 =	rddreg [dreg:$0x6];
	s19 =	simm.s32 $0x2000  }
0x2a: {  	[tilespmem:s19], [sflag:$0x1] =	stream.strided.gather [hbm4b:s18+s20], $0x2000, s21, s20, $0x38;
	[tilespmem:$0x14000] =	vst v63  }
0x2b: {  	s23 =	rddreg [dreg:$0x7];
	s24 =	simm.s32 $0x4000  }
0x2c: {  	[tilespmem:s24], [sflag:$0x1] =	stream.strided.gather [hbm4b:s23+s20], $0x2000, s21, s20, $0x38;
	[tilespmem:$0x14000] =	vst v63  }
0x2d: {  	s29 =	rddreg [dreg:$0x8];
	s8 =	simm.s32 $0x0  }
0x2e: {  	[tilespmem:s25], [sflag:$0x1] =	stream.strided.gather [hbm4b:s29+s20], $0x2000, s21, s20, $0x38;
	[tilespmem:$0x14000] =	vst v63  }
.LBB2_2:
0x2f: {  	_ =	swait.ge [sflag:s26], $0x2000  }
0x30: {  	s12 =	sshll.u32 s8, $0x3;
	[sflag:s26] =	ssyncset.done $0x0  }
0x31: {  	s5 =	sor.u32 s6, s12;
	[sflag:s26] =	ssyncadd.s32 $0xFFFFE000  }
0x32: {  	s7 =	sshll.u32 s5, $0x8;
	_ =	swait.ge [sflag:s28], $0x2000  }
0x33: {  	s13 =	sor.u32 $0x40, s7;
	[sflag:s28] =	ssyncset.done $0x0  }
0x34: {  	s14 =	simm.s32 $0x12000;
	s29 =	sadd.s32 s3, s13;
	[sflag:s28] =	ssyncadd.s32 $0xFFFFE000  }
0x35: {  	[tilespmem:s14], [sflag:$0x2] =	stream.strided.gather [hbm4b:s29+s20], $0x2000, s21, s20, $0x38;
	[tilespmem:$0x14000] =	vst v63  }
0x36: {  	s5 =	simm.s32 $0x800;
	s14 =	simm.s32 $0x0  }
.LBB2_3:
0x37: {  	p0 =	sne.s32 s5, $0x7800;
	v0 =	vld [tilespmem:s14+$0x101F0]  }
0x38: {  	v1 =	vld [tilespmem:s14+$0x10000]  }
0x39: {  	v2 =	vld [tilespmem:s14+$0x10010]  }
0x3a: {  	v3 =	vld [tilespmem:s14+$0x10020]  }
0x3b: {  	v4 =	vld [tilespmem:s14+$0x10030]  }
0x3c: {  	[tilespmem:s14+$0x1F0] =	vst.add.f32.msk $0xffff, v0  }
0x3d: {  	v0 =	vld [tilespmem:s14+$0x10040]  }
0x3e: {  	v5 =	vld [tilespmem:s14+$0x10050]  }
0x3f: {  	v6 =	vld [tilespmem:s14+$0x10060]  }
0x40: {  	v7 =	vld [tilespmem:s14+$0x10070]  }
0x41: {  	v8 =	vld [tilespmem:s14+$0x10080]  }
0x42: {  	v9 =	vld [tilespmem:s14+$0x10090]  }
0x43: {  	v10 =	vld [tilespmem:s14+$0x100A0]  }
0x44: {  	v11 =	vld [tilespmem:s14+$0x100B0]  }
0x45: {  	v12 =	vld [tilespmem:s14+$0x100C0]  }
0x46: {  	v13 =	vld [tilespmem:s14+$0x100D0]  }
0x47: {  	v14 =	vld [tilespmem:s14+$0x100E0]  }
0x48: {  	v15 =	vld [tilespmem:s14+$0x100F0]  }
0x49: {  	v16 =	vld [tilespmem:s14+$0x10100]  }
0x4a: {  	v17 =	vld [tilespmem:s14+$0x10110]  }
0x4b: {  	v18 =	vld [tilespmem:s14+$0x10120]  }
0x4c: {  	v19 =	vld [tilespmem:s14+$0x10130]  }
0x4d: {  	v20 =	vld [tilespmem:s14+$0x10140]  }
0x4e: {  	v21 =	vld [tilespmem:s14+$0x10150]  }
0x4f: {  	v22 =	vld [tilespmem:s14+$0x10160]  }
0x50: {  	v23 =	vld [tilespmem:s14+$0x10170]  }
0x51: {  	v24 =	vld [tilespmem:s14+$0x10180]  }
0x52: {  	v25 =	vld [tilespmem:s14+$0x10190]  }
0x53: {  	v26 =	vld [tilespmem:s14+$0x101A0]  }
0x54: {  	v27 =	vld [tilespmem:s14+$0x101B0]  }
0x55: {  	v28 =	vld [tilespmem:s14+$0x101C0]  }
0x56: {  	v29 =	vld [tilespmem:s14+$0x101D0]  }
0x57: {  	v30 =	vld [tilespmem:s14+$0x101E0]  }
0x58: {  	[tilespmem:s14+$0x0] =	vst.add.f32.msk $0xffff, v1  }
0x59: {  	[tilespmem:s14+$0x10] =	vst.add.f32.msk $0xffff, v2  }
0x5a: {  	[tilespmem:s14+$0x20] =	vst.add.f32.msk $0xffff, v3  }
0x5b: {  	[tilespmem:s14+$0x30] =	vst.add.f32.msk $0xffff, v4  }
0x5c: {  	[tilespmem:s14+$0x40] =	vst.add.f32.msk $0xffff, v0  }
0x5d: {  	[tilespmem:s14+$0x50] =	vst.add.f32.msk $0xffff, v5  }
0x5e: {  	[tilespmem:s14+$0x60] =	vst.add.f32.msk $0xffff, v6  }
0x5f: {  	[tilespmem:s14+$0x70] =	vst.add.f32.msk $0xffff, v7  }
0x60: {  	[tilespmem:s14+$0x80] =	vst.add.f32.msk $0xffff, v8  }
0x61: {  	[tilespmem:s14+$0x90] =	vst.add.f32.msk $0xffff, v9  }
0x62: {  	[tilespmem:s14+$0xA0] =	vst.add.f32.msk $0xffff, v10  }
0x63: {  	[tilespmem:s14+$0xB0] =	vst.add.f32.msk $0xffff, v11  }
0x64: {  	[tilespmem:s14+$0xC0] =	vst.add.f32.msk $0xffff, v12  }
0x65: {  	[tilespmem:s14+$0xD0] =	vst.add.f32.msk $0xffff, v13  }
0x66: {  	[tilespmem:s14+$0xE0] =	vst.add.f32.msk $0xffff, v14  }
0x67: {  	[tilespmem:s14+$0xF0] =	vst.add.f32.msk $0xffff, v15  }
0x68: {  	[tilespmem:s14+$0x100] =	vst.add.f32.msk $0xffff, v16  }
0x69: {  	[tilespmem:s14+$0x110] =	vst.add.f32.msk $0xffff, v17  }
0x6a: {  	[tilespmem:s14+$0x120] =	vst.add.f32.msk $0xffff, v18  }
0x6b: {  	[tilespmem:s14+$0x130] =	vst.add.f32.msk $0xffff, v19  }
0x6c: {  	[tilespmem:s14+$0x140] =	vst.add.f32.msk $0xffff, v20  }
0x6d: {  	[tilespmem:s14+$0x150] =	vst.add.f32.msk $0xffff, v21  }
0x6e: {  	[tilespmem:s14+$0x160] =	vst.add.f32.msk $0xffff, v22  }
0x6f: {  	[tilespmem:s14+$0x170] =	vst.add.f32.msk $0xffff, v23  }
0x70: {  	[tilespmem:s14+$0x180] =	vst.add.f32.msk $0xffff, v24  }
0x71: {  	[tilespmem:s14+$0x190] =	vst.add.f32.msk $0xffff, v25  }
.Ltmp2:
0x72: {  	[tilespmem:s14+$0x1A0] =	vst.add.f32.msk $0xffff, v26;
	(pc) =	sbr.rel @p0 .LBB2_3-.Ltmp2, $4  }
0x73: {  	[tilespmem:s14+$0x1B0] =	vst.add.f32.msk $0xffff, v27  }
0x74: {  	[tilespmem:s14+$0x1C0] =	vst.add.f32.msk $0xffff, v28  }
0x75: {  	[tilespmem:s14+$0x1D0] =	vst.add.f32.msk $0xffff, v29  }
0x76: {  	[tilespmem:s14+$0x1E0] =	vst.add.f32.msk $0xffff, v30;
	s14 =	sshra.s32 s5, $0x2;
	s5 =	sadd.s32 $0x800, s5  }
0x77: {  	v0 =	vld [tilespmem:s14+$0x101F0]  }
0x78: {  	v1 =	vld [tilespmem:s14+$0x10000]  }
0x79: {  	v2 =	vld [tilespmem:s14+$0x10010]  }
0x7a: {  	v3 =	vld [tilespmem:s14+$0x10020]  }
0x7b: {  	v4 =	vld [tilespmem:s14+$0x10030]  }
0x7c: {  	v63 =	vld [tilespmem:s14+$0x10040]  }
0x7d: {  	v5 =	vld [tilespmem:s14+$0x10050]  }
0x7e: {  	v6 =	vld [tilespmem:s14+$0x10060]  }
0x7f: {  	v7 =	vld [tilespmem:s14+$0x10070]  }
0x80: {  	v8 =	vld [tilespmem:s14+$0x10080]  }
0x81: {  	v9 =	vld [tilespmem:s14+$0x10090]  }
0x82: {  	v10 =	vld [tilespmem:s14+$0x100A0]  }
0x83: {  	v11 =	vld [tilespmem:s14+$0x100B0]  }
0x84: {  	v12 =	vld [tilespmem:s14+$0x100C0]  }
0x85: {  	v13 =	vld [tilespmem:s14+$0x100D0]  }
0x86: {  	v14 =	vld [tilespmem:s14+$0x100E0]  }
0x87: {  	v15 =	vld [tilespmem:s14+$0x100F0]  }
0x88: {  	v16 =	vld [tilespmem:s14+$0x10100]  }
0x89: {  	v17 =	vld [tilespmem:s14+$0x10110]  }
0x8a: {  	v18 =	vld [tilespmem:s14+$0x10120]  }
0x8b: {  	v19 =	vld [tilespmem:s14+$0x10130]  }
0x8c: {  	v20 =	vld [tilespmem:s14+$0x10140]  }
0x8d: {  	v21 =	vld [tilespmem:s14+$0x10150]  }
0x8e: {  	v22 =	vld [tilespmem:s14+$0x10160]  }
0x8f: {  	v23 =	vld [tilespmem:s14+$0x10170]  }
0x90: {  	v24 =	vld [tilespmem:s14+$0x10180]  }
0x91: {  	v25 =	vld [tilespmem:s14+$0x10190]  }
0x92: {  	v26 =	vld [tilespmem:s14+$0x101A0]  }
0x93: {  	v27 =	vld [tilespmem:s14+$0x101B0]  }
0x94: {  	v28 =	vld [tilespmem:s14+$0x101C0]  }
0x95: {  	v29 =	vld [tilespmem:s14+$0x101D0]  }
0x96: {  	v30 =	vld [tilespmem:s14+$0x101E0]  }
0x97: {  	[tilespmem:s14+$0x1F0] =	vst.add.f32.msk $0xffff, v0  }
0x98: {  	[tilespmem:s14+$0x0] =	vst.add.f32.msk $0xffff, v1  }
0x99: {  	[tilespmem:s14+$0x10] =	vst.add.f32.msk $0xffff, v2  }
0x9a: {  	[tilespmem:s14+$0x20] =	vst.add.f32.msk $0xffff, v3  }
0x9b: {  	[tilespmem:s14+$0x30] =	vst.add.f32.msk $0xffff, v4  }
0x9c: {  	[tilespmem:s14+$0x40] =	vst.add.f32.msk $0xffff, v63  }
0x9d: {  	[tilespmem:s14+$0x50] =	vst.add.f32.msk $0xffff, v5  }
0x9e: {  	[tilespmem:s14+$0x60] =	vst.add.f32.msk $0xffff, v6  }
0x9f: {  	[tilespmem:s14+$0x70] =	vst.add.f32.msk $0xffff, v7  }
0xa0: {  	[tilespmem:s14+$0x80] =	vst.add.f32.msk $0xffff, v8  }
0xa1: {  	[tilespmem:s14+$0x90] =	vst.add.f32.msk $0xffff, v9  }
0xa2: {  	[tilespmem:s14+$0xA0] =	vst.add.f32.msk $0xffff, v10  }
0xa3: {  	[tilespmem:s14+$0xB0] =	vst.add.f32.msk $0xffff, v11  }
0xa4: {  	[tilespmem:s14+$0xC0] =	vst.add.f32.msk $0xffff, v12  }
0xa5: {  	[tilespmem:s14+$0xD0] =	vst.add.f32.msk $0xffff, v13  }
0xa6: {  	[tilespmem:s14+$0xE0] =	vst.add.f32.msk $0xffff, v14  }
0xa7: {  	[tilespmem:s14+$0xF0] =	vst.add.f32.msk $0xffff, v15  }
0xa8: {  	[tilespmem:s14+$0x100] =	vst.add.f32.msk $0xffff, v16  }
0xa9: {  	[tilespmem:s14+$0x110] =	vst.add.f32.msk $0xffff, v17  }
0xaa: {  	[tilespmem:s14+$0x120] =	vst.add.f32.msk $0xffff, v18  }
0xab: {  	[tilespmem:s14+$0x130] =	vst.add.f32.msk $0xffff, v19  }
0xac: {  	[tilespmem:s14+$0x140] =	vst.add.f32.msk $0xffff, v20  }
0xad: {  	[tilespmem:s14+$0x150] =	vst.add.f32.msk $0xffff, v21  }
0xae: {  	[tilespmem:s14+$0x160] =	vst.add.f32.msk $0xffff, v22  }
0xaf: {  	[tilespmem:s14+$0x170] =	vst.add.f32.msk $0xffff, v23  }
0xb0: {  	[tilespmem:s14+$0x180] =	vst.add.f32.msk $0xffff, v24  }
0xb1: {  	[tilespmem:s14+$0x190] =	vst.add.f32.msk $0xffff, v25  }
0xb2: {  	[tilespmem:s14+$0x1A0] =	vst.add.f32.msk $0xffff, v26  }
0xb3: {  	[tilespmem:s14+$0x1B0] =	vst.add.f32.msk $0xffff, v27  }
0xb4: {  	[tilespmem:s14+$0x1C0] =	vst.add.f32.msk $0xffff, v28  }
0xb5: {  	[tilespmem:s14+$0x1D0] =	vst.add.f32.msk $0xffff, v29  }
0xb6: {  	s5 =	sadd.s32 s4, s7;
	s24 =	simm.s32 $0x0;
	p0 =	seq.s32 s8, $0x0;
	[tilespmem:s14+$0x1E0] =	vst.add.f32.msk $0xffff, v30  }
0xb7: {  	[hbm4b:s5+s20] =	stream.strided.scatter [tilespmem:s24], [sflag:$0x3], $0x2000, s21, s20, $0x38;
	[tilespmem:$0x14000] =	vst v63  }
0xb8: {  	s5 =	simm.s32 @!p0 $0x3  }
0xb9: {  	_ =	swait.ge @!p0 [sflag:s5], $0x2000  }
0xba: {  	[sflag:s5] =	ssyncset.done @!p0 $0x0  }
0xbb: {  	s29 =	sadd.s32 s2, s13;
	[sflag:s5] =	ssyncadd.s32 @!p0 $0xFFFFE000  }
0xbc: {  	[tilespmem:s30], [sflag:$0x1] =	stream.strided.gather [hbm4b:s29+s20], $0x2000, s21, s20, $0x38;
	[tilespmem:$0x14000] =	vst v63  }
0xbd: {  	_ =	swait.ge [sflag:s26], $0x2000  }
0xbe: {  	[sflag:s26] =	ssyncset.done $0x0  }
0xbf: {  	s7 =	simm.s32 $0x0;
	s5 =	simm.s32 $0x800;
	[sflag:s26] =	ssyncadd.s32 $0xFFFFE000  }
.LBB2_5:
0xc0: {  	p1 =	sne.s32 s5, $0x7800;
	v0 =	vld [tilespmem:s7+$0x101F0]  }
0xc1: {  	v1 =	vld [tilespmem:s7+$0x10000]  }
0xc2: {  	v2 =	vld [tilespmem:s7+$0x10010]  }
0xc3: {  	v3 =	vld [tilespmem:s7+$0x10020]  }
0xc4: {  	v4 =	vld [tilespmem:s7+$0x10030]  }
0xc5: {  	[tilespmem:s7+$0x21F0] =	vst.add.f32.msk $0xffff, v0  }
0xc6: {  	v0 =	vld [tilespmem:s7+$0x10040]  }
0xc7: {  	v5 =	vld [tilespmem:s7+$0x10050]  }
0xc8: {  	v6 =	vld [tilespmem:s7+$0x10060]  }
0xc9: {  	v7 =	vld [tilespmem:s7+$0x10070]  }
0xca: {  	v8 =	vld [tilespmem:s7+$0x10080]  }
0xcb: {  	v9 =	vld [tilespmem:s7+$0x10090]  }
0xcc: {  	v10 =	vld [tilespmem:s7+$0x100A0]  }
0xcd: {  	v11 =	vld [tilespmem:s7+$0x100B0]  }
0xce: {  	v12 =	vld [tilespmem:s7+$0x100C0]  }
0xcf: {  	v13 =	vld [tilespmem:s7+$0x100D0]  }
0xd0: {  	v14 =	vld [tilespmem:s7+$0x100E0]  }
0xd1: {  	v15 =	vld [tilespmem:s7+$0x100F0]  }
0xd2: {  	v16 =	vld [tilespmem:s7+$0x10100]  }
0xd3: {  	v17 =	vld [tilespmem:s7+$0x10110]  }
0xd4: {  	v18 =	vld [tilespmem:s7+$0x10120]  }
0xd5: {  	v19 =	vld [tilespmem:s7+$0x10130]  }
0xd6: {  	v20 =	vld [tilespmem:s7+$0x10140]  }
0xd7: {  	v21 =	vld [tilespmem:s7+$0x10150]  }
0xd8: {  	v22 =	vld [tilespmem:s7+$0x10160]  }
0xd9: {  	v23 =	vld [tilespmem:s7+$0x10170]  }
0xda: {  	v24 =	vld [tilespmem:s7+$0x10180]  }
0xdb: {  	v25 =	vld [tilespmem:s7+$0x10190]  }
0xdc: {  	v26 =	vld [tilespmem:s7+$0x101A0]  }
0xdd: {  	v27 =	vld [tilespmem:s7+$0x101B0]  }
0xde: {  	v28 =	vld [tilespmem:s7+$0x101C0]  }
0xdf: {  	v29 =	vld [tilespmem:s7+$0x101D0]  }
0xe0: {  	v30 =	vld [tilespmem:s7+$0x101E0]  }
0xe1: {  	[tilespmem:s7+$0x2000] =	vst.add.f32.msk $0xffff, v1  }
0xe2: {  	[tilespmem:s7+$0x2010] =	vst.add.f32.msk $0xffff, v2  }
0xe3: {  	[tilespmem:s7+$0x2020] =	vst.add.f32.msk $0xffff, v3  }
0xe4: {  	[tilespmem:s7+$0x2030] =	vst.add.f32.msk $0xffff, v4  }
0xe5: {  	[tilespmem:s7+$0x2040] =	vst.add.f32.msk $0xffff, v0  }
0xe6: {  	[tilespmem:s7+$0x2050] =	vst.add.f32.msk $0xffff, v5  }
0xe7: {  	[tilespmem:s7+$0x2060] =	vst.add.f32.msk $0xffff, v6  }
0xe8: {  	[tilespmem:s7+$0x2070] =	vst.add.f32.msk $0xffff, v7  }
0xe9: {  	[tilespmem:s7+$0x2080] =	vst.add.f32.msk $0xffff, v8  }
0xea: {  	[tilespmem:s7+$0x2090] =	vst.add.f32.msk $0xffff, v9  }
0xeb: {  	[tilespmem:s7+$0x20A0] =	vst.add.f32.msk $0xffff, v10  }
0xec: {  	[tilespmem:s7+$0x20B0] =	vst.add.f32.msk $0xffff, v11  }
0xed: {  	[tilespmem:s7+$0x20C0] =	vst.add.f32.msk $0xffff, v12  }
0xee: {  	[tilespmem:s7+$0x20D0] =	vst.add.f32.msk $0xffff, v13  }
0xef: {  	[tilespmem:s7+$0x20E0] =	vst.add.f32.msk $0xffff, v14  }
0xf0: {  	[tilespmem:s7+$0x20F0] =	vst.add.f32.msk $0xffff, v15  }
0xf1: {  	[tilespmem:s7+$0x2100] =	vst.add.f32.msk $0xffff, v16  }
0xf2: {  	[tilespmem:s7+$0x2110] =	vst.add.f32.msk $0xffff, v17  }
0xf3: {  	[tilespmem:s7+$0x2120] =	vst.add.f32.msk $0xffff, v18  }
0xf4: {  	[tilespmem:s7+$0x2130] =	vst.add.f32.msk $0xffff, v19  }
0xf5: {  	[tilespmem:s7+$0x2140] =	vst.add.f32.msk $0xffff, v20  }
0xf6: {  	[tilespmem:s7+$0x2150] =	vst.add.f32.msk $0xffff, v21  }
0xf7: {  	[tilespmem:s7+$0x2160] =	vst.add.f32.msk $0xffff, v22  }
0xf8: {  	[tilespmem:s7+$0x2170] =	vst.add.f32.msk $0xffff, v23  }
0xf9: {  	[tilespmem:s7+$0x2180] =	vst.add.f32.msk $0xffff, v24  }
0xfa: {  	[tilespmem:s7+$0x2190] =	vst.add.f32.msk $0xffff, v25  }
.Ltmp3:
0xfb: {  	[tilespmem:s7+$0x21A0] =	vst.add.f32.msk $0xffff, v26;
	(pc) =	sbr.rel @p1 .LBB2_5-.Ltmp3, $4  }
0xfc: {  	[tilespmem:s7+$0x21B0] =	vst.add.f32.msk $0xffff, v27  }
0xfd: {  	[tilespmem:s7+$0x21C0] =	vst.add.f32.msk $0xffff, v28  }
0xfe: {  	[tilespmem:s7+$0x21D0] =	vst.add.f32.msk $0xffff, v29  }
0xff: {  	[tilespmem:s7+$0x21E0] =	vst.add.f32.msk $0xffff, v30;
	s7 =	sshra.s32 s5, $0x2;
	s5 =	sadd.s32 $0x800, s5  }
0x100: {  	v0 =	vld [tilespmem:s7+$0x101F0]  }
0x101: {  	v1 =	vld [tilespmem:s7+$0x10000]  }
0x102: {  	v2 =	vld [tilespmem:s7+$0x10010]  }
0x103: {  	v3 =	vld [tilespmem:s7+$0x10020]  }
0x104: {  	v4 =	vld [tilespmem:s7+$0x10030]  }
0x105: {  	v63 =	vld [tilespmem:s7+$0x10040]  }
0x106: {  	v5 =	vld [tilespmem:s7+$0x10050]  }
0x107: {  	v6 =	vld [tilespmem:s7+$0x10060]  }
0x108: {  	v7 =	vld [tilespmem:s7+$0x10070]  }
0x109: {  	v8 =	vld [tilespmem:s7+$0x10080]  }
0x10a: {  	v9 =	vld [tilespmem:s7+$0x10090]  }
0x10b: {  	v10 =	vld [tilespmem:s7+$0x100A0]  }
0x10c: {  	v11 =	vld [tilespmem:s7+$0x100B0]  }
0x10d: {  	v12 =	vld [tilespmem:s7+$0x100C0]  }
0x10e: {  	v13 =	vld [tilespmem:s7+$0x100D0]  }
0x10f: {  	v14 =	vld [tilespmem:s7+$0x100E0]  }
0x110: {  	v15 =	vld [tilespmem:s7+$0x100F0]  }
0x111: {  	v16 =	vld [tilespmem:s7+$0x10100]  }
0x112: {  	v17 =	vld [tilespmem:s7+$0x10110]  }
0x113: {  	v18 =	vld [tilespmem:s7+$0x10120]  }
0x114: {  	v19 =	vld [tilespmem:s7+$0x10130]  }
0x115: {  	v20 =	vld [tilespmem:s7+$0x10140]  }
0x116: {  	v21 =	vld [tilespmem:s7+$0x10150]  }
0x117: {  	v22 =	vld [tilespmem:s7+$0x10160]  }
0x118: {  	v23 =	vld [tilespmem:s7+$0x10170]  }
0x119: {  	v24 =	vld [tilespmem:s7+$0x10180]  }
0x11a: {  	v25 =	vld [tilespmem:s7+$0x10190]  }
0x11b: {  	v26 =	vld [tilespmem:s7+$0x101A0]  }
0x11c: {  	v27 =	vld [tilespmem:s7+$0x101B0]  }
0x11d: {  	v28 =	vld [tilespmem:s7+$0x101C0]  }
0x11e: {  	v29 =	vld [tilespmem:s7+$0x101D0]  }
0x11f: {  	v30 =	vld [tilespmem:s7+$0x101E0]  }
0x120: {  	[tilespmem:s7+$0x21F0] =	vst.add.f32.msk $0xffff, v0  }
0x121: {  	[tilespmem:s7+$0x2000] =	vst.add.f32.msk $0xffff, v1  }
0x122: {  	[tilespmem:s7+$0x2010] =	vst.add.f32.msk $0xffff, v2  }
0x123: {  	[tilespmem:s7+$0x2020] =	vst.add.f32.msk $0xffff, v3  }
0x124: {  	[tilespmem:s7+$0x2030] =	vst.add.f32.msk $0xffff, v4  }
0x125: {  	[tilespmem:s7+$0x2040] =	vst.add.f32.msk $0xffff, v63  }
0x126: {  	[tilespmem:s7+$0x2050] =	vst.add.f32.msk $0xffff, v5  }
0x127: {  	[tilespmem:s7+$0x2060] =	vst.add.f32.msk $0xffff, v6  }
0x128: {  	[tilespmem:s7+$0x2070] =	vst.add.f32.msk $0xffff, v7  }
0x129: {  	[tilespmem:s7+$0x2080] =	vst.add.f32.msk $0xffff, v8  }
0x12a: {  	[tilespmem:s7+$0x2090] =	vst.add.f32.msk $0xffff, v9  }
0x12b: {  	[tilespmem:s7+$0x20A0] =	vst.add.f32.msk $0xffff, v10  }
0x12c: {  	[tilespmem:s7+$0x20B0] =	vst.add.f32.msk $0xffff, v11  }
0x12d: {  	[tilespmem:s7+$0x20C0] =	vst.add.f32.msk $0xffff, v12  }
0x12e: {  	[tilespmem:s7+$0x20D0] =	vst.add.f32.msk $0xffff, v13  }
0x12f: {  	[tilespmem:s7+$0x20E0] =	vst.add.f32.msk $0xffff, v14  }
0x130: {  	[tilespmem:s7+$0x20F0] =	vst.add.f32.msk $0xffff, v15  }
0x131: {  	[tilespmem:s7+$0x2100] =	vst.add.f32.msk $0xffff, v16  }
0x132: {  	[tilespmem:s7+$0x2110] =	vst.add.f32.msk $0xffff, v17  }
0x133: {  	[tilespmem:s7+$0x2120] =	vst.add.f32.msk $0xffff, v18  }
0x134: {  	[tilespmem:s7+$0x2130] =	vst.add.f32.msk $0xffff, v19  }
0x135: {  	[tilespmem:s7+$0x2140] =	vst.add.f32.msk $0xffff, v20  }
0x136: {  	[tilespmem:s7+$0x2150] =	vst.add.f32.msk $0xffff, v21  }
0x137: {  	[tilespmem:s7+$0x2160] =	vst.add.f32.msk $0xffff, v22  }
0x138: {  	[tilespmem:s7+$0x2170] =	vst.add.f32.msk $0xffff, v23  }
0x139: {  	[tilespmem:s7+$0x2180] =	vst.add.f32.msk $0xffff, v24  }
0x13a: {  	[tilespmem:s7+$0x2190] =	vst.add.f32.msk $0xffff, v25  }
0x13b: {  	[tilespmem:s7+$0x21A0] =	vst.add.f32.msk $0xffff, v26  }
0x13c: {  	s5 =	sadd.s32 s9, s12;
	[tilespmem:s7+$0x21B0] =	vst.add.f32.msk $0xffff, v27  }
0x13d: {  	s5 =	sshll.u32 s5, $0x8;
	[tilespmem:s7+$0x21C0] =	vst.add.f32.msk $0xffff, v28  }
0x13e: {  	s5 =	sand.u32 $0x1FFFF800, s5;
	[tilespmem:s7+$0x21D0] =	vst.add.f32.msk $0xffff, v29  }
0x13f: {  	s14 =	simm.s32 $0x2000;
	s29 =	sadd.s32 s4, s5;
	[tilespmem:s7+$0x21E0] =	vst.add.f32.msk $0xffff, v30  }
0x140: {  	[hbm4b:s29+s20] =	stream.strided.scatter [tilespmem:s14], [sflag:$0x3], $0x2000, s21, s20, $0x38;
	[tilespmem:$0x14000] =	vst v63  }
0x141: {  	s14 =	simm.s32 @!p0 $0x3  }
0x142: {  	_ =	swait.ge @!p0 [sflag:s14], $0x2000  }
0x143: {  	s7 =	sor.u32 $0x40, s5;
	[sflag:s14] =	ssyncset.done @!p0 $0x0  }
0x144: {  	s5 =	sadd.s32 s2, s7;
	[sflag:s14] =	ssyncadd.s32 @!p0 $0xFFFFE000  }
0x145: {  	[tilespmem:s31], [sflag:$0x1] =	stream.strided.gather [hbm4b:s5+s20], $0x2000, s21, s20, $0x38;
	[tilespmem:$0x14000] =	vst v63  }
0x146: {  	_ =	swait.ge [sflag:s26], $0x2000  }
0x147: {  	[sflag:s26] =	ssyncset.done $0x0  }
0x148: {  	s14 =	simm.s32 $0x0;
	s5 =	simm.s32 $0x800;
	[sflag:s26] =	ssyncadd.s32 $0xFFFFE000  }
.LBB2_7:
0x149: {  	p1 =	sne.s32 s5, $0x7800;
	v0 =	vld [tilespmem:s14+$0x101F0]  }
0x14a: {  	v1 =	vld [tilespmem:s14+$0x10000]  }
0x14b: {  	v2 =	vld [tilespmem:s14+$0x10010]  }
0x14c: {  	v3 =	vld [tilespmem:s14+$0x10020]  }
0x14d: {  	v4 =	vld [tilespmem:s14+$0x10030]  }
0x14e: {  	[tilespmem:s14+$0x41F0] =	vst.add.f32.msk $0xffff, v0  }
0x14f: {  	v0 =	vld [tilespmem:s14+$0x10040]  }
0x150: {  	v5 =	vld [tilespmem:s14+$0x10050]  }
0x151: {  	v6 =	vld [tilespmem:s14+$0x10060]  }
0x152: {  	v7 =	vld [tilespmem:s14+$0x10070]  }
0x153: {  	v8 =	vld [tilespmem:s14+$0x10080]  }
0x154: {  	v9 =	vld [tilespmem:s14+$0x10090]  }
0x155: {  	v10 =	vld [tilespmem:s14+$0x100A0]  }
0x156: {  	v11 =	vld [tilespmem:s14+$0x100B0]  }
0x157: {  	v12 =	vld [tilespmem:s14+$0x100C0]  }
0x158: {  	v13 =	vld [tilespmem:s14+$0x100D0]  }
0x159: {  	v14 =	vld [tilespmem:s14+$0x100E0]  }
0x15a: {  	v15 =	vld [tilespmem:s14+$0x100F0]  }
0x15b: {  	v16 =	vld [tilespmem:s14+$0x10100]  }
0x15c: {  	v17 =	vld [tilespmem:s14+$0x10110]  }
0x15d: {  	v18 =	vld [tilespmem:s14+$0x10120]  }
0x15e: {  	v19 =	vld [tilespmem:s14+$0x10130]  }
0x15f: {  	v20 =	vld [tilespmem:s14+$0x10140]  }
0x160: {  	v21 =	vld [tilespmem:s14+$0x10150]  }
0x161: {  	v22 =	vld [tilespmem:s14+$0x10160]  }
0x162: {  	v23 =	vld [tilespmem:s14+$0x10170]  }
0x163: {  	v24 =	vld [tilespmem:s14+$0x10180]  }
0x164: {  	v25 =	vld [tilespmem:s14+$0x10190]  }
0x165: {  	v26 =	vld [tilespmem:s14+$0x101A0]  }
0x166: {  	v27 =	vld [tilespmem:s14+$0x101B0]  }
0x167: {  	v28 =	vld [tilespmem:s14+$0x101C0]  }
0x168: {  	v29 =	vld [tilespmem:s14+$0x101D0]  }
0x169: {  	v30 =	vld [tilespmem:s14+$0x101E0]  }
0x16a: {  	[tilespmem:s14+$0x4000] =	vst.add.f32.msk $0xffff, v1  }
0x16b: {  	[tilespmem:s14+$0x4010] =	vst.add.f32.msk $0xffff, v2  }
0x16c: {  	[tilespmem:s14+$0x4020] =	vst.add.f32.msk $0xffff, v3  }
0x16d: {  	[tilespmem:s14+$0x4030] =	vst.add.f32.msk $0xffff, v4  }
0x16e: {  	[tilespmem:s14+$0x4040] =	vst.add.f32.msk $0xffff, v0  }
0x16f: {  	[tilespmem:s14+$0x4050] =	vst.add.f32.msk $0xffff, v5  }
0x170: {  	[tilespmem:s14+$0x4060] =	vst.add.f32.msk $0xffff, v6  }
0x171: {  	[tilespmem:s14+$0x4070] =	vst.add.f32.msk $0xffff, v7  }
0x172: {  	[tilespmem:s14+$0x4080] =	vst.add.f32.msk $0xffff, v8  }
0x173: {  	[tilespmem:s14+$0x4090] =	vst.add.f32.msk $0xffff, v9  }
0x174: {  	[tilespmem:s14+$0x40A0] =	vst.add.f32.msk $0xffff, v10  }
0x175: {  	[tilespmem:s14+$0x40B0] =	vst.add.f32.msk $0xffff, v11  }
0x176: {  	[tilespmem:s14+$0x40C0] =	vst.add.f32.msk $0xffff, v12  }
0x177: {  	[tilespmem:s14+$0x40D0] =	vst.add.f32.msk $0xffff, v13  }
0x178: {  	[tilespmem:s14+$0x40E0] =	vst.add.f32.msk $0xffff, v14  }
0x179: {  	[tilespmem:s14+$0x40F0] =	vst.add.f32.msk $0xffff, v15  }
0x17a: {  	[tilespmem:s14+$0x4100] =	vst.add.f32.msk $0xffff, v16  }
0x17b: {  	[tilespmem:s14+$0x4110] =	vst.add.f32.msk $0xffff, v17  }
0x17c: {  	[tilespmem:s14+$0x4120] =	vst.add.f32.msk $0xffff, v18  }
0x17d: {  	[tilespmem:s14+$0x4130] =	vst.add.f32.msk $0xffff, v19  }
0x17e: {  	[tilespmem:s14+$0x4140] =	vst.add.f32.msk $0xffff, v20  }
0x17f: {  	[tilespmem:s14+$0x4150] =	vst.add.f32.msk $0xffff, v21  }
0x180: {  	[tilespmem:s14+$0x4160] =	vst.add.f32.msk $0xffff, v22  }
0x181: {  	[tilespmem:s14+$0x4170] =	vst.add.f32.msk $0xffff, v23  }
0x182: {  	[tilespmem:s14+$0x4180] =	vst.add.f32.msk $0xffff, v24  }
0x183: {  	[tilespmem:s14+$0x4190] =	vst.add.f32.msk $0xffff, v25  }
.Ltmp4:
0x184: {  	[tilespmem:s14+$0x41A0] =	vst.add.f32.msk $0xffff, v26;
	(pc) =	sbr.rel @p1 .LBB2_7-.Ltmp4, $4  }
0x185: {  	[tilespmem:s14+$0x41B0] =	vst.add.f32.msk $0xffff, v27  }
0x186: {  	[tilespmem:s14+$0x41C0] =	vst.add.f32.msk $0xffff, v28  }
0x187: {  	[tilespmem:s14+$0x41D0] =	vst.add.f32.msk $0xffff, v29  }
0x188: {  	[tilespmem:s14+$0x41E0] =	vst.add.f32.msk $0xffff, v30;
	s14 =	sshra.s32 s5, $0x2;
	s5 =	sadd.s32 $0x800, s5  }
0x189: {  	v0 =	vld [tilespmem:s14+$0x101F0]  }
0x18a: {  	v1 =	vld [tilespmem:s14+$0x10000]  }
0x18b: {  	v2 =	vld [tilespmem:s14+$0x10010]  }
0x18c: {  	v3 =	vld [tilespmem:s14+$0x10020]  }
0x18d: {  	v4 =	vld [tilespmem:s14+$0x10030]  }
0x18e: {  	v63 =	vld [tilespmem:s14+$0x10040]  }
0x18f: {  	v5 =	vld [tilespmem:s14+$0x10050]  }
0x190: {  	v6 =	vld [tilespmem:s14+$0x10060]  }
0x191: {  	v7 =	vld [tilespmem:s14+$0x10070]  }
0x192: {  	v8 =	vld [tilespmem:s14+$0x10080]  }
0x193: {  	v9 =	vld [tilespmem:s14+$0x10090]  }
0x194: {  	v10 =	vld [tilespmem:s14+$0x100A0]  }
0x195: {  	v11 =	vld [tilespmem:s14+$0x100B0]  }
0x196: {  	v12 =	vld [tilespmem:s14+$0x100C0]  }
0x197: {  	v13 =	vld [tilespmem:s14+$0x100D0]  }
0x198: {  	v14 =	vld [tilespmem:s14+$0x100E0]  }
0x199: {  	v15 =	vld [tilespmem:s14+$0x100F0]  }
0x19a: {  	v16 =	vld [tilespmem:s14+$0x10100]  }
0x19b: {  	v17 =	vld [tilespmem:s14+$0x10110]  }
0x19c: {  	v18 =	vld [tilespmem:s14+$0x10120]  }
0x19d: {  	v19 =	vld [tilespmem:s14+$0x10130]  }
0x19e: {  	v20 =	vld [tilespmem:s14+$0x10140]  }
0x19f: {  	v21 =	vld [tilespmem:s14+$0x10150]  }
0x1a0: {  	v22 =	vld [tilespmem:s14+$0x10160]  }
0x1a1: {  	v23 =	vld [tilespmem:s14+$0x10170]  }
0x1a2: {  	v24 =	vld [tilespmem:s14+$0x10180]  }
0x1a3: {  	v25 =	vld [tilespmem:s14+$0x10190]  }
0x1a4: {  	v26 =	vld [tilespmem:s14+$0x101A0]  }
0x1a5: {  	v27 =	vld [tilespmem:s14+$0x101B0]  }
0x1a6: {  	v28 =	vld [tilespmem:s14+$0x101C0]  }
0x1a7: {  	v29 =	vld [tilespmem:s14+$0x101D0]  }
0x1a8: {  	v30 =	vld [tilespmem:s14+$0x101E0]  }
0x1a9: {  	[tilespmem:s14+$0x41F0] =	vst.add.f32.msk $0xffff, v0  }
0x1aa: {  	[tilespmem:s14+$0x4000] =	vst.add.f32.msk $0xffff, v1  }
0x1ab: {  	[tilespmem:s14+$0x4010] =	vst.add.f32.msk $0xffff, v2  }
0x1ac: {  	[tilespmem:s14+$0x4020] =	vst.add.f32.msk $0xffff, v3  }
0x1ad: {  	[tilespmem:s14+$0x4030] =	vst.add.f32.msk $0xffff, v4  }
0x1ae: {  	[tilespmem:s14+$0x4040] =	vst.add.f32.msk $0xffff, v63  }
0x1af: {  	[tilespmem:s14+$0x4050] =	vst.add.f32.msk $0xffff, v5  }
0x1b0: {  	[tilespmem:s14+$0x4060] =	vst.add.f32.msk $0xffff, v6  }
0x1b1: {  	[tilespmem:s14+$0x4070] =	vst.add.f32.msk $0xffff, v7  }
0x1b2: {  	[tilespmem:s14+$0x4080] =	vst.add.f32.msk $0xffff, v8  }
0x1b3: {  	[tilespmem:s14+$0x4090] =	vst.add.f32.msk $0xffff, v9  }
0x1b4: {  	[tilespmem:s14+$0x40A0] =	vst.add.f32.msk $0xffff, v10  }
0x1b5: {  	[tilespmem:s14+$0x40B0] =	vst.add.f32.msk $0xffff, v11  }
0x1b6: {  	[tilespmem:s14+$0x40C0] =	vst.add.f32.msk $0xffff, v12  }
0x1b7: {  	[tilespmem:s14+$0x40D0] =	vst.add.f32.msk $0xffff, v13  }
0x1b8: {  	[tilespmem:s14+$0x40E0] =	vst.add.f32.msk $0xffff, v14  }
0x1b9: {  	[tilespmem:s14+$0x40F0] =	vst.add.f32.msk $0xffff, v15  }
0x1ba: {  	[tilespmem:s14+$0x4100] =	vst.add.f32.msk $0xffff, v16  }
0x1bb: {  	[tilespmem:s14+$0x4110] =	vst.add.f32.msk $0xffff, v17  }
0x1bc: {  	[tilespmem:s14+$0x4120] =	vst.add.f32.msk $0xffff, v18  }
0x1bd: {  	[tilespmem:s14+$0x4130] =	vst.add.f32.msk $0xffff, v19  }
0x1be: {  	[tilespmem:s14+$0x4140] =	vst.add.f32.msk $0xffff, v20  }
0x1bf: {  	[tilespmem:s14+$0x4150] =	vst.add.f32.msk $0xffff, v21  }
0x1c0: {  	[tilespmem:s14+$0x4160] =	vst.add.f32.msk $0xffff, v22  }
0x1c1: {  	[tilespmem:s14+$0x4170] =	vst.add.f32.msk $0xffff, v23  }
0x1c2: {  	[tilespmem:s14+$0x4180] =	vst.add.f32.msk $0xffff, v24  }
0x1c3: {  	[tilespmem:s14+$0x4190] =	vst.add.f32.msk $0xffff, v25  }
0x1c4: {  	[tilespmem:s14+$0x41A0] =	vst.add.f32.msk $0xffff, v26  }
0x1c5: {  	s5 =	sadd.s32 s10, s12;
	[tilespmem:s14+$0x41B0] =	vst.add.f32.msk $0xffff, v27  }
0x1c6: {  	s5 =	sshll.u32 s5, $0x8;
	[tilespmem:s14+$0x41C0] =	vst.add.f32.msk $0xffff, v28  }
0x1c7: {  	s5 =	sand.u32 $0x1FFFF800, s5;
	[tilespmem:s14+$0x41D0] =	vst.add.f32.msk $0xffff, v29  }
0x1c8: {  	s18 =	simm.s32 $0x4000;
	s29 =	sadd.s32 s4, s5;
	[tilespmem:s14+$0x41E0] =	vst.add.f32.msk $0xffff, v30;
	s14 =	simm.s32 @!p0 $0x3  }
0x1c9: {  	[hbm4b:s29+s20] =	stream.strided.scatter [tilespmem:s18], [sflag:$0x3], $0x2000, s21, s20, $0x38;
	[tilespmem:$0x14000] =	vst v63  }
0x1ca: {  	_ =	swait.ge @!p0 [sflag:s14], $0x2000  }
0x1cb: {  	s19 =	sor.u32 $0x40, s5;
	[sflag:s14] =	ssyncset.done @!p0 $0x0  }
0x1cc: {  	s5 =	sadd.s32 s2, s19;
	[sflag:s14] =	ssyncadd.s32 @!p0 $0xFFFFE000  }
0x1cd: {  	[tilespmem:s0], [sflag:$0x1] =	stream.strided.gather [hbm4b:s5+s20], $0x2000, s21, s20, $0x38;
	[tilespmem:$0x14000] =	vst v63  }
0x1ce: {  	_ =	swait.ge [sflag:s26], $0x2000  }
0x1cf: {  	[sflag:s26] =	ssyncset.done $0x0  }
0x1d0: {  	s14 =	simm.s32 $0x0;
	s5 =	simm.s32 $0x800;
	[sflag:s26] =	ssyncadd.s32 $0xFFFFE000  }
.LBB2_9:
0x1d1: {  	p1 =	sne.s32 s5, $0x7800;
	v0 =	vld [tilespmem:s14+$0x101F0]  }
0x1d2: {  	v1 =	vld [tilespmem:s14+$0x10000]  }
0x1d3: {  	v2 =	vld [tilespmem:s14+$0x10010]  }
0x1d4: {  	v3 =	vld [tilespmem:s14+$0x10020]  }
0x1d5: {  	v4 =	vld [tilespmem:s14+$0x10030]  }
0x1d6: {  	[tilespmem:s14+$0x61F0] =	vst.add.f32.msk $0xffff, v0  }
0x1d7: {  	v0 =	vld [tilespmem:s14+$0x10040]  }
0x1d8: {  	v5 =	vld [tilespmem:s14+$0x10050]  }
0x1d9: {  	v6 =	vld [tilespmem:s14+$0x10060]  }
0x1da: {  	v7 =	vld [tilespmem:s14+$0x10070]  }
0x1db: {  	v8 =	vld [tilespmem:s14+$0x10080]  }
0x1dc: {  	v9 =	vld [tilespmem:s14+$0x10090]  }
0x1dd: {  	v10 =	vld [tilespmem:s14+$0x100A0]  }
0x1de: {  	v11 =	vld [tilespmem:s14+$0x100B0]  }
0x1df: {  	v12 =	vld [tilespmem:s14+$0x100C0]  }
0x1e0: {  	v13 =	vld [tilespmem:s14+$0x100D0]  }
0x1e1: {  	v14 =	vld [tilespmem:s14+$0x100E0]  }
0x1e2: {  	v15 =	vld [tilespmem:s14+$0x100F0]  }
0x1e3: {  	v16 =	vld [tilespmem:s14+$0x10100]  }
0x1e4: {  	v17 =	vld [tilespmem:s14+$0x10110]  }
0x1e5: {  	v18 =	vld [tilespmem:s14+$0x10120]  }
0x1e6: {  	v19 =	vld [tilespmem:s14+$0x10130]  }
0x1e7: {  	v20 =	vld [tilespmem:s14+$0x10140]  }
0x1e8: {  	v21 =	vld [tilespmem:s14+$0x10150]  }
0x1e9: {  	v22 =	vld [tilespmem:s14+$0x10160]  }
0x1ea: {  	v23 =	vld [tilespmem:s14+$0x10170]  }
0x1eb: {  	v24 =	vld [tilespmem:s14+$0x10180]  }
0x1ec: {  	v25 =	vld [tilespmem:s14+$0x10190]  }
0x1ed: {  	v26 =	vld [tilespmem:s14+$0x101A0]  }
0x1ee: {  	v27 =	vld [tilespmem:s14+$0x101B0]  }
0x1ef: {  	v28 =	vld [tilespmem:s14+$0x101C0]  }
0x1f0: {  	v29 =	vld [tilespmem:s14+$0x101D0]  }
0x1f1: {  	v30 =	vld [tilespmem:s14+$0x101E0]  }
0x1f2: {  	[tilespmem:s14+$0x6000] =	vst.add.f32.msk $0xffff, v1  }
0x1f3: {  	[tilespmem:s14+$0x6010] =	vst.add.f32.msk $0xffff, v2  }
0x1f4: {  	[tilespmem:s14+$0x6020] =	vst.add.f32.msk $0xffff, v3  }
0x1f5: {  	[tilespmem:s14+$0x6030] =	vst.add.f32.msk $0xffff, v4  }
0x1f6: {  	[tilespmem:s14+$0x6040] =	vst.add.f32.msk $0xffff, v0  }
0x1f7: {  	[tilespmem:s14+$0x6050] =	vst.add.f32.msk $0xffff, v5  }
0x1f8: {  	[tilespmem:s14+$0x6060] =	vst.add.f32.msk $0xffff, v6  }
0x1f9: {  	[tilespmem:s14+$0x6070] =	vst.add.f32.msk $0xffff, v7  }
0x1fa: {  	[tilespmem:s14+$0x6080] =	vst.add.f32.msk $0xffff, v8  }
0x1fb: {  	[tilespmem:s14+$0x6090] =	vst.add.f32.msk $0xffff, v9  }
0x1fc: {  	[tilespmem:s14+$0x60A0] =	vst.add.f32.msk $0xffff, v10  }
0x1fd: {  	[tilespmem:s14+$0x60B0] =	vst.add.f32.msk $0xffff, v11  }
0x1fe: {  	[tilespmem:s14+$0x60C0] =	vst.add.f32.msk $0xffff, v12  }
0x1ff: {  	[tilespmem:s14+$0x60D0] =	vst.add.f32.msk $0xffff, v13  }
0x200: {  	[tilespmem:s14+$0x60E0] =	vst.add.f32.msk $0xffff, v14  }
0x201: {  	[tilespmem:s14+$0x60F0] =	vst.add.f32.msk $0xffff, v15  }
0x202: {  	[tilespmem:s14+$0x6100] =	vst.add.f32.msk $0xffff, v16  }
0x203: {  	[tilespmem:s14+$0x6110] =	vst.add.f32.msk $0xffff, v17  }
0x204: {  	[tilespmem:s14+$0x6120] =	vst.add.f32.msk $0xffff, v18  }
0x205: {  	[tilespmem:s14+$0x6130] =	vst.add.f32.msk $0xffff, v19  }
0x206: {  	[tilespmem:s14+$0x6140] =	vst.add.f32.msk $0xffff, v20  }
0x207: {  	[tilespmem:s14+$0x6150] =	vst.add.f32.msk $0xffff, v21  }
0x208: {  	[tilespmem:s14+$0x6160] =	vst.add.f32.msk $0xffff, v22  }
0x209: {  	[tilespmem:s14+$0x6170] =	vst.add.f32.msk $0xffff, v23  }
0x20a: {  	[tilespmem:s14+$0x6180] =	vst.add.f32.msk $0xffff, v24  }
0x20b: {  	[tilespmem:s14+$0x6190] =	vst.add.f32.msk $0xffff, v25  }
.Ltmp5:
0x20c: {  	[tilespmem:s14+$0x61A0] =	vst.add.f32.msk $0xffff, v26;
	(pc) =	sbr.rel @p1 .LBB2_9-.Ltmp5, $4  }
0x20d: {  	[tilespmem:s14+$0x61B0] =	vst.add.f32.msk $0xffff, v27  }
0x20e: {  	[tilespmem:s14+$0x61C0] =	vst.add.f32.msk $0xffff, v28  }
0x20f: {  	[tilespmem:s14+$0x61D0] =	vst.add.f32.msk $0xffff, v29  }
0x210: {  	[tilespmem:s14+$0x61E0] =	vst.add.f32.msk $0xffff, v30;
	s14 =	sshra.s32 s5, $0x2;
	s5 =	sadd.s32 $0x800, s5  }
0x211: {  	v0 =	vld [tilespmem:s14+$0x101F0]  }
0x212: {  	v1 =	vld [tilespmem:s14+$0x10000]  }
0x213: {  	v2 =	vld [tilespmem:s14+$0x10010]  }
0x214: {  	v3 =	vld [tilespmem:s14+$0x10020]  }
0x215: {  	v4 =	vld [tilespmem:s14+$0x10030]  }
0x216: {  	v63 =	vld [tilespmem:s14+$0x10040]  }
0x217: {  	v5 =	vld [tilespmem:s14+$0x10050]  }
0x218: {  	v6 =	vld [tilespmem:s14+$0x10060]  }
0x219: {  	v7 =	vld [tilespmem:s14+$0x10070]  }
0x21a: {  	v8 =	vld [tilespmem:s14+$0x10080]  }
0x21b: {  	v9 =	vld [tilespmem:s14+$0x10090]  }
0x21c: {  	v10 =	vld [tilespmem:s14+$0x100A0]  }
0x21d: {  	v11 =	vld [tilespmem:s14+$0x100B0]  }
0x21e: {  	v12 =	vld [tilespmem:s14+$0x100C0]  }
0x21f: {  	v13 =	vld [tilespmem:s14+$0x100D0]  }
0x220: {  	v14 =	vld [tilespmem:s14+$0x100E0]  }
0x221: {  	v15 =	vld [tilespmem:s14+$0x100F0]  }
0x222: {  	v16 =	vld [tilespmem:s14+$0x10100]  }
0x223: {  	v17 =	vld [tilespmem:s14+$0x10110]  }
0x224: {  	v18 =	vld [tilespmem:s14+$0x10120]  }
0x225: {  	v19 =	vld [tilespmem:s14+$0x10130]  }
0x226: {  	v20 =	vld [tilespmem:s14+$0x10140]  }
0x227: {  	v21 =	vld [tilespmem:s14+$0x10150]  }
0x228: {  	v22 =	vld [tilespmem:s14+$0x10160]  }
0x229: {  	v23 =	vld [tilespmem:s14+$0x10170]  }
0x22a: {  	v24 =	vld [tilespmem:s14+$0x10180]  }
0x22b: {  	v25 =	vld [tilespmem:s14+$0x10190]  }
0x22c: {  	v26 =	vld [tilespmem:s14+$0x101A0]  }
0x22d: {  	v27 =	vld [tilespmem:s14+$0x101B0]  }
0x22e: {  	v28 =	vld [tilespmem:s14+$0x101C0]  }
0x22f: {  	v29 =	vld [tilespmem:s14+$0x101D0]  }
0x230: {  	v30 =	vld [tilespmem:s14+$0x101E0]  }
0x231: {  	[tilespmem:s14+$0x61F0] =	vst.add.f32.msk $0xffff, v0  }
0x232: {  	[tilespmem:s14+$0x6000] =	vst.add.f32.msk $0xffff, v1  }
0x233: {  	[tilespmem:s14+$0x6010] =	vst.add.f32.msk $0xffff, v2  }
0x234: {  	[tilespmem:s14+$0x6020] =	vst.add.f32.msk $0xffff, v3  }
0x235: {  	[tilespmem:s14+$0x6030] =	vst.add.f32.msk $0xffff, v4  }
0x236: {  	[tilespmem:s14+$0x6040] =	vst.add.f32.msk $0xffff, v63  }
0x237: {  	[tilespmem:s14+$0x6050] =	vst.add.f32.msk $0xffff, v5  }
0x238: {  	[tilespmem:s14+$0x6060] =	vst.add.f32.msk $0xffff, v6  }
0x239: {  	[tilespmem:s14+$0x6070] =	vst.add.f32.msk $0xffff, v7  }
0x23a: {  	[tilespmem:s14+$0x6080] =	vst.add.f32.msk $0xffff, v8  }
0x23b: {  	[tilespmem:s14+$0x6090] =	vst.add.f32.msk $0xffff, v9  }
0x23c: {  	[tilespmem:s14+$0x60A0] =	vst.add.f32.msk $0xffff, v10  }
0x23d: {  	[tilespmem:s14+$0x60B0] =	vst.add.f32.msk $0xffff, v11  }
0x23e: {  	[tilespmem:s14+$0x60C0] =	vst.add.f32.msk $0xffff, v12  }
0x23f: {  	[tilespmem:s14+$0x60D0] =	vst.add.f32.msk $0xffff, v13  }
0x240: {  	[tilespmem:s14+$0x60E0] =	vst.add.f32.msk $0xffff, v14  }
0x241: {  	[tilespmem:s14+$0x60F0] =	vst.add.f32.msk $0xffff, v15  }
0x242: {  	[tilespmem:s14+$0x6100] =	vst.add.f32.msk $0xffff, v16  }
0x243: {  	[tilespmem:s14+$0x6110] =	vst.add.f32.msk $0xffff, v17  }
0x244: {  	[tilespmem:s14+$0x6120] =	vst.add.f32.msk $0xffff, v18  }
0x245: {  	[tilespmem:s14+$0x6130] =	vst.add.f32.msk $0xffff, v19  }
0x246: {  	[tilespmem:s14+$0x6140] =	vst.add.f32.msk $0xffff, v20  }
0x247: {  	[tilespmem:s14+$0x6150] =	vst.add.f32.msk $0xffff, v21  }
0x248: {  	[tilespmem:s14+$0x6160] =	vst.add.f32.msk $0xffff, v22  }
0x249: {  	[tilespmem:s14+$0x6170] =	vst.add.f32.msk $0xffff, v23  }
0x24a: {  	[tilespmem:s14+$0x6180] =	vst.add.f32.msk $0xffff, v24  }
0x24b: {  	[tilespmem:s14+$0x6190] =	vst.add.f32.msk $0xffff, v25  }
0x24c: {  	[tilespmem:s14+$0x61A0] =	vst.add.f32.msk $0xffff, v26  }
0x24d: {  	s5 =	sadd.s32 s11, s12;
	[tilespmem:s14+$0x61B0] =	vst.add.f32.msk $0xffff, v27  }
0x24e: {  	s5 =	sshll.u32 s5, $0x8;
	[tilespmem:s14+$0x61C0] =	vst.add.f32.msk $0xffff, v28  }
0x24f: {  	s5 =	sand.u32 $0x1FFFF800, s5;
	[tilespmem:s14+$0x61D0] =	vst.add.f32.msk $0xffff, v29  }
0x250: {  	s23 =	simm.s32 @!p0 $0x3;
	s24 =	sadd.s32 s4, s5;
	[tilespmem:s14+$0x61E0] =	vst.add.f32.msk $0xffff, v30  }
0x251: {  	[hbm4b:s24+s20] =	stream.strided.scatter [tilespmem:s25], [sflag:$0x3], $0x2000, s21, s20, $0x38;
	[tilespmem:$0x14000] =	vst v63  }
0x252: {  	_ =	swait.ge @!p0 [sflag:s23], $0x2000  }
0x253: {  	s14 =	sor.u32 $0x40, s5;
	[sflag:s23] =	ssyncset.done @!p0 $0x0  }
0x254: {  	s5 =	sadd.s32 s2, s14;
	[sflag:s23] =	ssyncadd.s32 @!p0 $0xFFFFE000  }
0x255: {  	[tilespmem:s1], [sflag:$0x1] =	stream.strided.gather [hbm4b:s5+s20], $0x2000, s21, s20, $0x38;
	[tilespmem:$0x14000] =	vst v63  }
0x256: {  	_ =	swait.ge [sflag:s26], $0x2000  }
0x257: {  	[sflag:s26] =	ssyncset.done $0x0  }
0x258: {  	p0 =	seq.s32 s8, $0xF;
	[sflag:s26] =	ssyncadd.s32 $0xFFFFE000  }
0x259: {  	s5 =	sadd.s32 @!p0 s12, s15;
	s23 =	simm.s32 @!p0 $0x200;
	_ =	swait.ge [sflag:s28], $0x2000  }
0x25a: {  	s24 =	simm.s32 @!p0 $0x400;
	s29 =	sshll.u32 @!p0 s5, $0x8;
	[sflag:s28] =	ssyncset.done $0x0  }
0x25b: {  	s18 =	simm.s32 @!p0 $0x10000;
	s5 =	sadd.s32 @!p0 s3, s29;
	[sflag:s28] =	ssyncadd.s32 $0xFFFFE000  }
0x25c: {  	[tilespmem:s18], [sflag:$0x2] =	stream.strided.gather @!p0 [hbm4b:s5+s23], $0x2000, s24, s23, $0x38;
	[tilespmem:$0x14000] =	vst v63  }
0x25d: {  	s5 =	simm.s32 $0x0;
	s23 =	simm.s32 $0x800  }
.LBB2_11:
0x25e: {  	p1 =	sne.s32 s23, $0x7800;
	v0 =	vld [tilespmem:s5+$0x121F0]  }
0x25f: {  	v1 =	vld [tilespmem:s5+$0x12000]  }
0x260: {  	v2 =	vld [tilespmem:s5+$0x12010]  }
0x261: {  	v3 =	vld [tilespmem:s5+$0x12020]  }
0x262: {  	v4 =	vld [tilespmem:s5+$0x12030]  }
0x263: {  	[tilespmem:s5+$0x81F0] =	vst.add.f32.msk $0xffff, v0  }
0x264: {  	v0 =	vld [tilespmem:s5+$0x12040]  }
0x265: {  	v5 =	vld [tilespmem:s5+$0x12050]  }
0x266: {  	v6 =	vld [tilespmem:s5+$0x12060]  }
0x267: {  	v7 =	vld [tilespmem:s5+$0x12070]  }
0x268: {  	v8 =	vld [tilespmem:s5+$0x12080]  }
0x269: {  	v9 =	vld [tilespmem:s5+$0x12090]  }
0x26a: {  	v10 =	vld [tilespmem:s5+$0x120A0]  }
0x26b: {  	v11 =	vld [tilespmem:s5+$0x120B0]  }
0x26c: {  	v12 =	vld [tilespmem:s5+$0x120C0]  }
0x26d: {  	v13 =	vld [tilespmem:s5+$0x120D0]  }
0x26e: {  	v14 =	vld [tilespmem:s5+$0x120E0]  }
0x26f: {  	v15 =	vld [tilespmem:s5+$0x120F0]  }
0x270: {  	v16 =	vld [tilespmem:s5+$0x12100]  }
0x271: {  	v17 =	vld [tilespmem:s5+$0x12110]  }
0x272: {  	v18 =	vld [tilespmem:s5+$0x12120]  }
0x273: {  	v19 =	vld [tilespmem:s5+$0x12130]  }
0x274: {  	v20 =	vld [tilespmem:s5+$0x12140]  }
0x275: {  	v21 =	vld [tilespmem:s5+$0x12150]  }
0x276: {  	v22 =	vld [tilespmem:s5+$0x12160]  }
0x277: {  	v23 =	vld [tilespmem:s5+$0x12170]  }
0x278: {  	v24 =	vld [tilespmem:s5+$0x12180]  }
0x279: {  	v25 =	vld [tilespmem:s5+$0x12190]  }
0x27a: {  	v26 =	vld [tilespmem:s5+$0x121A0]  }
0x27b: {  	v27 =	vld [tilespmem:s5+$0x121B0]  }
0x27c: {  	v28 =	vld [tilespmem:s5+$0x121C0]  }
0x27d: {  	v29 =	vld [tilespmem:s5+$0x121D0]  }
0x27e: {  	v30 =	vld [tilespmem:s5+$0x121E0]  }
0x27f: {  	[tilespmem:s5+$0x8000] =	vst.add.f32.msk $0xffff, v1  }
0x280: {  	[tilespmem:s5+$0x8010] =	vst.add.f32.msk $0xffff, v2  }
0x281: {  	[tilespmem:s5+$0x8020] =	vst.add.f32.msk $0xffff, v3  }
0x282: {  	[tilespmem:s5+$0x8030] =	vst.add.f32.msk $0xffff, v4  }
0x283: {  	[tilespmem:s5+$0x8040] =	vst.add.f32.msk $0xffff, v0  }
0x284: {  	[tilespmem:s5+$0x8050] =	vst.add.f32.msk $0xffff, v5  }
0x285: {  	[tilespmem:s5+$0x8060] =	vst.add.f32.msk $0xffff, v6  }
0x286: {  	[tilespmem:s5+$0x8070] =	vst.add.f32.msk $0xffff, v7  }
0x287: {  	[tilespmem:s5+$0x8080] =	vst.add.f32.msk $0xffff, v8  }
0x288: {  	[tilespmem:s5+$0x8090] =	vst.add.f32.msk $0xffff, v9  }
0x289: {  	[tilespmem:s5+$0x80A0] =	vst.add.f32.msk $0xffff, v10  }
0x28a: {  	[tilespmem:s5+$0x80B0] =	vst.add.f32.msk $0xffff, v11  }
0x28b: {  	[tilespmem:s5+$0x80C0] =	vst.add.f32.msk $0xffff, v12  }
0x28c: {  	[tilespmem:s5+$0x80D0] =	vst.add.f32.msk $0xffff, v13  }
0x28d: {  	[tilespmem:s5+$0x80E0] =	vst.add.f32.msk $0xffff, v14  }
0x28e: {  	[tilespmem:s5+$0x80F0] =	vst.add.f32.msk $0xffff, v15  }
0x28f: {  	[tilespmem:s5+$0x8100] =	vst.add.f32.msk $0xffff, v16  }
0x290: {  	[tilespmem:s5+$0x8110] =	vst.add.f32.msk $0xffff, v17  }
0x291: {  	[tilespmem:s5+$0x8120] =	vst.add.f32.msk $0xffff, v18  }
0x292: {  	[tilespmem:s5+$0x8130] =	vst.add.f32.msk $0xffff, v19  }
0x293: {  	[tilespmem:s5+$0x8140] =	vst.add.f32.msk $0xffff, v20  }
0x294: {  	[tilespmem:s5+$0x8150] =	vst.add.f32.msk $0xffff, v21  }
0x295: {  	[tilespmem:s5+$0x8160] =	vst.add.f32.msk $0xffff, v22  }
0x296: {  	[tilespmem:s5+$0x8170] =	vst.add.f32.msk $0xffff, v23  }
0x297: {  	[tilespmem:s5+$0x8180] =	vst.add.f32.msk $0xffff, v24  }
0x298: {  	[tilespmem:s5+$0x8190] =	vst.add.f32.msk $0xffff, v25  }
.Ltmp6:
0x299: {  	[tilespmem:s5+$0x81A0] =	vst.add.f32.msk $0xffff, v26;
	(pc) =	sbr.rel @p1 .LBB2_11-.Ltmp6, $4  }
0x29a: {  	[tilespmem:s5+$0x81B0] =	vst.add.f32.msk $0xffff, v27  }
0x29b: {  	[tilespmem:s5+$0x81C0] =	vst.add.f32.msk $0xffff, v28  }
0x29c: {  	[tilespmem:s5+$0x81D0] =	vst.add.f32.msk $0xffff, v29  }
0x29d: {  	[tilespmem:s5+$0x81E0] =	vst.add.f32.msk $0xffff, v30;
	s5 =	sshra.s32 s23, $0x2;
	s23 =	sadd.s32 $0x800, s23  }
0x29e: {  	v0 =	vld [tilespmem:s5+$0x121F0]  }
0x29f: {  	v1 =	vld [tilespmem:s5+$0x12000]  }
0x2a0: {  	v2 =	vld [tilespmem:s5+$0x12010]  }
0x2a1: {  	v3 =	vld [tilespmem:s5+$0x12020]  }
0x2a2: {  	v4 =	vld [tilespmem:s5+$0x12030]  }
0x2a3: {  	v63 =	vld [tilespmem:s5+$0x12040]  }
0x2a4: {  	v5 =	vld [tilespmem:s5+$0x12050]  }
0x2a5: {  	v6 =	vld [tilespmem:s5+$0x12060]  }
0x2a6: {  	v7 =	vld [tilespmem:s5+$0x12070]  }
0x2a7: {  	v8 =	vld [tilespmem:s5+$0x12080]  }
0x2a8: {  	v9 =	vld [tilespmem:s5+$0x12090]  }
0x2a9: {  	v10 =	vld [tilespmem:s5+$0x120A0]  }
0x2aa: {  	v11 =	vld [tilespmem:s5+$0x120B0]  }
0x2ab: {  	v12 =	vld [tilespmem:s5+$0x120C0]  }
0x2ac: {  	v13 =	vld [tilespmem:s5+$0x120D0]  }
0x2ad: {  	v14 =	vld [tilespmem:s5+$0x120E0]  }
0x2ae: {  	v15 =	vld [tilespmem:s5+$0x120F0]  }
0x2af: {  	v16 =	vld [tilespmem:s5+$0x12100]  }
0x2b0: {  	v17 =	vld [tilespmem:s5+$0x12110]  }
0x2b1: {  	v18 =	vld [tilespmem:s5+$0x12120]  }
0x2b2: {  	v19 =	vld [tilespmem:s5+$0x12130]  }
0x2b3: {  	v20 =	vld [tilespmem:s5+$0x12140]  }
0x2b4: {  	v21 =	vld [tilespmem:s5+$0x12150]  }
0x2b5: {  	v22 =	vld [tilespmem:s5+$0x12160]  }
0x2b6: {  	v23 =	vld [tilespmem:s5+$0x12170]  }
0x2b7: {  	v24 =	vld [tilespmem:s5+$0x12180]  }
0x2b8: {  	v25 =	vld [tilespmem:s5+$0x12190]  }
0x2b9: {  	v26 =	vld [tilespmem:s5+$0x121A0]  }
0x2ba: {  	v27 =	vld [tilespmem:s5+$0x121B0]  }
0x2bb: {  	v28 =	vld [tilespmem:s5+$0x121C0]  }
0x2bc: {  	v29 =	vld [tilespmem:s5+$0x121D0]  }
0x2bd: {  	v30 =	vld [tilespmem:s5+$0x121E0]  }
0x2be: {  	[tilespmem:s5+$0x81F0] =	vst.add.f32.msk $0xffff, v0  }
0x2bf: {  	[tilespmem:s5+$0x8000] =	vst.add.f32.msk $0xffff, v1  }
0x2c0: {  	[tilespmem:s5+$0x8010] =	vst.add.f32.msk $0xffff, v2  }
0x2c1: {  	[tilespmem:s5+$0x8020] =	vst.add.f32.msk $0xffff, v3  }
0x2c2: {  	[tilespmem:s5+$0x8030] =	vst.add.f32.msk $0xffff, v4  }
0x2c3: {  	[tilespmem:s5+$0x8040] =	vst.add.f32.msk $0xffff, v63  }
0x2c4: {  	[tilespmem:s5+$0x8050] =	vst.add.f32.msk $0xffff, v5  }
0x2c5: {  	[tilespmem:s5+$0x8060] =	vst.add.f32.msk $0xffff, v6  }
0x2c6: {  	[tilespmem:s5+$0x8070] =	vst.add.f32.msk $0xffff, v7  }
0x2c7: {  	[tilespmem:s5+$0x8080] =	vst.add.f32.msk $0xffff, v8  }
0x2c8: {  	[tilespmem:s5+$0x8090] =	vst.add.f32.msk $0xffff, v9  }
0x2c9: {  	[tilespmem:s5+$0x80A0] =	vst.add.f32.msk $0xffff, v10  }
0x2ca: {  	[tilespmem:s5+$0x80B0] =	vst.add.f32.msk $0xffff, v11  }
0x2cb: {  	[tilespmem:s5+$0x80C0] =	vst.add.f32.msk $0xffff, v12  }
0x2cc: {  	[tilespmem:s5+$0x80D0] =	vst.add.f32.msk $0xffff, v13  }
0x2cd: {  	[tilespmem:s5+$0x80E0] =	vst.add.f32.msk $0xffff, v14  }
0x2ce: {  	[tilespmem:s5+$0x80F0] =	vst.add.f32.msk $0xffff, v15  }
0x2cf: {  	[tilespmem:s5+$0x8100] =	vst.add.f32.msk $0xffff, v16  }
0x2d0: {  	[tilespmem:s5+$0x8110] =	vst.add.f32.msk $0xffff, v17  }
0x2d1: {  	[tilespmem:s5+$0x8120] =	vst.add.f32.msk $0xffff, v18  }
0x2d2: {  	[tilespmem:s5+$0x8130] =	vst.add.f32.msk $0xffff, v19  }
0x2d3: {  	[tilespmem:s5+$0x8140] =	vst.add.f32.msk $0xffff, v20  }
0x2d4: {  	[tilespmem:s5+$0x8150] =	vst.add.f32.msk $0xffff, v21  }
0x2d5: {  	[tilespmem:s5+$0x8160] =	vst.add.f32.msk $0xffff, v22  }
0x2d6: {  	[tilespmem:s5+$0x8170] =	vst.add.f32.msk $0xffff, v23  }
0x2d7: {  	[tilespmem:s5+$0x8180] =	vst.add.f32.msk $0xffff, v24  }
0x2d8: {  	[tilespmem:s5+$0x8190] =	vst.add.f32.msk $0xffff, v25  }
0x2d9: {  	[tilespmem:s5+$0x81A0] =	vst.add.f32.msk $0xffff, v26  }
0x2da: {  	[tilespmem:s5+$0x81B0] =	vst.add.f32.msk $0xffff, v27  }
0x2db: {  	[tilespmem:s5+$0x81C0] =	vst.add.f32.msk $0xffff, v28  }
0x2dc: {  	[tilespmem:s5+$0x81D0] =	vst.add.f32.msk $0xffff, v29  }
0x2dd: {  	s24 =	sadd.s32 s4, s13;
	[tilespmem:s5+$0x81E0] =	vst.add.f32.msk $0xffff, v30  }
0x2de: {  	[hbm4b:s24+s20] =	stream.strided.scatter [tilespmem:s30], [sflag:$0x3], $0x2000, s21, s20, $0x38;
	[tilespmem:$0x14000] =	vst v63  }
0x2df: {  	_ =	swait.ge [sflag:s22], $0x2000  }
0x2e0: {  	s13 =	simm.s32 @!p0 $0x200;
	s18 =	simm.s32 @!p0 $0x400;
	[sflag:s22] =	ssyncset.done $0x0  }
0x2e1: {  	s23 =	simm.s32 @!p0 $0x0;
	s5 =	sadd.s32 @!p0 s2, s29;
	[sflag:s22] =	ssyncadd.s32 $0xFFFFE000  }
0x2e2: {  	[tilespmem:s23], [sflag:$0x1] =	stream.strided.gather @!p0 [hbm4b:s5+s13], $0x2000, s18, s13, $0x38;
	[tilespmem:$0x14000] =	vst v63  }
0x2e3: {  	_ =	swait.ge [sflag:s26], $0x2000  }
0x2e4: {  	[sflag:s26] =	ssyncset.done $0x0  }
0x2e5: {  	s5 =	simm.s32 $0x0;
	s13 =	simm.s32 $0x800;
	[sflag:s26] =	ssyncadd.s32 $0xFFFFE000  }
.LBB2_13:
0x2e6: {  	p1 =	sne.s32 s13, $0x7800;
	v0 =	vld [tilespmem:s5+$0x121F0]  }
0x2e7: {  	v1 =	vld [tilespmem:s5+$0x12000]  }
0x2e8: {  	v2 =	vld [tilespmem:s5+$0x12010]  }
0x2e9: {  	v3 =	vld [tilespmem:s5+$0x12020]  }
0x2ea: {  	v4 =	vld [tilespmem:s5+$0x12030]  }
0x2eb: {  	[tilespmem:s5+$0xA1F0] =	vst.add.f32.msk $0xffff, v0  }
0x2ec: {  	v0 =	vld [tilespmem:s5+$0x12040]  }
0x2ed: {  	v5 =	vld [tilespmem:s5+$0x12050]  }
0x2ee: {  	v6 =	vld [tilespmem:s5+$0x12060]  }
0x2ef: {  	v7 =	vld [tilespmem:s5+$0x12070]  }
0x2f0: {  	v8 =	vld [tilespmem:s5+$0x12080]  }
0x2f1: {  	v9 =	vld [tilespmem:s5+$0x12090]  }
0x2f2: {  	v10 =	vld [tilespmem:s5+$0x120A0]  }
0x2f3: {  	v11 =	vld [tilespmem:s5+$0x120B0]  }
0x2f4: {  	v12 =	vld [tilespmem:s5+$0x120C0]  }
0x2f5: {  	v13 =	vld [tilespmem:s5+$0x120D0]  }
0x2f6: {  	v14 =	vld [tilespmem:s5+$0x120E0]  }
0x2f7: {  	v15 =	vld [tilespmem:s5+$0x120F0]  }
0x2f8: {  	v16 =	vld [tilespmem:s5+$0x12100]  }
0x2f9: {  	v17 =	vld [tilespmem:s5+$0x12110]  }
0x2fa: {  	v18 =	vld [tilespmem:s5+$0x12120]  }
0x2fb: {  	v19 =	vld [tilespmem:s5+$0x12130]  }
0x2fc: {  	v20 =	vld [tilespmem:s5+$0x12140]  }
0x2fd: {  	v21 =	vld [tilespmem:s5+$0x12150]  }
0x2fe: {  	v22 =	vld [tilespmem:s5+$0x12160]  }
0x2ff: {  	v23 =	vld [tilespmem:s5+$0x12170]  }
0x300: {  	v24 =	vld [tilespmem:s5+$0x12180]  }
0x301: {  	v25 =	vld [tilespmem:s5+$0x12190]  }
0x302: {  	v26 =	vld [tilespmem:s5+$0x121A0]  }
0x303: {  	v27 =	vld [tilespmem:s5+$0x121B0]  }
0x304: {  	v28 =	vld [tilespmem:s5+$0x121C0]  }
0x305: {  	v29 =	vld [tilespmem:s5+$0x121D0]  }
0x306: {  	v30 =	vld [tilespmem:s5+$0x121E0]  }
0x307: {  	[tilespmem:s5+$0xA000] =	vst.add.f32.msk $0xffff, v1  }
0x308: {  	[tilespmem:s5+$0xA010] =	vst.add.f32.msk $0xffff, v2  }
0x309: {  	[tilespmem:s5+$0xA020] =	vst.add.f32.msk $0xffff, v3  }
0x30a: {  	[tilespmem:s5+$0xA030] =	vst.add.f32.msk $0xffff, v4  }
0x30b: {  	[tilespmem:s5+$0xA040] =	vst.add.f32.msk $0xffff, v0  }
0x30c: {  	[tilespmem:s5+$0xA050] =	vst.add.f32.msk $0xffff, v5  }
0x30d: {  	[tilespmem:s5+$0xA060] =	vst.add.f32.msk $0xffff, v6  }
0x30e: {  	[tilespmem:s5+$0xA070] =	vst.add.f32.msk $0xffff, v7  }
0x30f: {  	[tilespmem:s5+$0xA080] =	vst.add.f32.msk $0xffff, v8  }
0x310: {  	[tilespmem:s5+$0xA090] =	vst.add.f32.msk $0xffff, v9  }
0x311: {  	[tilespmem:s5+$0xA0A0] =	vst.add.f32.msk $0xffff, v10  }
0x312: {  	[tilespmem:s5+$0xA0B0] =	vst.add.f32.msk $0xffff, v11  }
0x313: {  	[tilespmem:s5+$0xA0C0] =	vst.add.f32.msk $0xffff, v12  }
0x314: {  	[tilespmem:s5+$0xA0D0] =	vst.add.f32.msk $0xffff, v13  }
0x315: {  	[tilespmem:s5+$0xA0E0] =	vst.add.f32.msk $0xffff, v14  }
0x316: {  	[tilespmem:s5+$0xA0F0] =	vst.add.f32.msk $0xffff, v15  }
0x317: {  	[tilespmem:s5+$0xA100] =	vst.add.f32.msk $0xffff, v16  }
0x318: {  	[tilespmem:s5+$0xA110] =	vst.add.f32.msk $0xffff, v17  }
0x319: {  	[tilespmem:s5+$0xA120] =	vst.add.f32.msk $0xffff, v18  }
0x31a: {  	[tilespmem:s5+$0xA130] =	vst.add.f32.msk $0xffff, v19  }
0x31b: {  	[tilespmem:s5+$0xA140] =	vst.add.f32.msk $0xffff, v20  }
0x31c: {  	[tilespmem:s5+$0xA150] =	vst.add.f32.msk $0xffff, v21  }
0x31d: {  	[tilespmem:s5+$0xA160] =	vst.add.f32.msk $0xffff, v22  }
0x31e: {  	[tilespmem:s5+$0xA170] =	vst.add.f32.msk $0xffff, v23  }
0x31f: {  	[tilespmem:s5+$0xA180] =	vst.add.f32.msk $0xffff, v24  }
0x320: {  	[tilespmem:s5+$0xA190] =	vst.add.f32.msk $0xffff, v25  }
.Ltmp7:
0x321: {  	[tilespmem:s5+$0xA1A0] =	vst.add.f32.msk $0xffff, v26;
	(pc) =	sbr.rel @p1 .LBB2_13-.Ltmp7, $4  }
0x322: {  	[tilespmem:s5+$0xA1B0] =	vst.add.f32.msk $0xffff, v27  }
0x323: {  	[tilespmem:s5+$0xA1C0] =	vst.add.f32.msk $0xffff, v28  }
0x324: {  	[tilespmem:s5+$0xA1D0] =	vst.add.f32.msk $0xffff, v29  }
0x325: {  	[tilespmem:s5+$0xA1E0] =	vst.add.f32.msk $0xffff, v30;
	s5 =	sshra.s32 s13, $0x2;
	s13 =	sadd.s32 $0x800, s13  }
0x326: {  	v0 =	vld [tilespmem:s5+$0x121F0]  }
0x327: {  	v1 =	vld [tilespmem:s5+$0x12000]  }
0x328: {  	v2 =	vld [tilespmem:s5+$0x12010]  }
0x329: {  	v3 =	vld [tilespmem:s5+$0x12020]  }
0x32a: {  	v4 =	vld [tilespmem:s5+$0x12030]  }
0x32b: {  	v63 =	vld [tilespmem:s5+$0x12040]  }
0x32c: {  	v5 =	vld [tilespmem:s5+$0x12050]  }
0x32d: {  	v6 =	vld [tilespmem:s5+$0x12060]  }
0x32e: {  	v7 =	vld [tilespmem:s5+$0x12070]  }
0x32f: {  	v8 =	vld [tilespmem:s5+$0x12080]  }
0x330: {  	v9 =	vld [tilespmem:s5+$0x12090]  }
0x331: {  	v10 =	vld [tilespmem:s5+$0x120A0]  }
0x332: {  	v11 =	vld [tilespmem:s5+$0x120B0]  }
0x333: {  	v12 =	vld [tilespmem:s5+$0x120C0]  }
0x334: {  	v13 =	vld [tilespmem:s5+$0x120D0]  }
0x335: {  	v14 =	vld [tilespmem:s5+$0x120E0]  }
0x336: {  	v15 =	vld [tilespmem:s5+$0x120F0]  }
0x337: {  	v16 =	vld [tilespmem:s5+$0x12100]  }
0x338: {  	v17 =	vld [tilespmem:s5+$0x12110]  }
0x339: {  	v18 =	vld [tilespmem:s5+$0x12120]  }
0x33a: {  	v19 =	vld [tilespmem:s5+$0x12130]  }
0x33b: {  	v20 =	vld [tilespmem:s5+$0x12140]  }
0x33c: {  	v21 =	vld [tilespmem:s5+$0x12150]  }
0x33d: {  	v22 =	vld [tilespmem:s5+$0x12160]  }
0x33e: {  	v23 =	vld [tilespmem:s5+$0x12170]  }
0x33f: {  	v24 =	vld [tilespmem:s5+$0x12180]  }
0x340: {  	v25 =	vld [tilespmem:s5+$0x12190]  }
0x341: {  	v26 =	vld [tilespmem:s5+$0x121A0]  }
0x342: {  	v27 =	vld [tilespmem:s5+$0x121B0]  }
0x343: {  	v28 =	vld [tilespmem:s5+$0x121C0]  }
0x344: {  	v29 =	vld [tilespmem:s5+$0x121D0]  }
0x345: {  	v30 =	vld [tilespmem:s5+$0x121E0]  }
0x346: {  	[tilespmem:s5+$0xA1F0] =	vst.add.f32.msk $0xffff, v0  }
0x347: {  	[tilespmem:s5+$0xA000] =	vst.add.f32.msk $0xffff, v1  }
0x348: {  	[tilespmem:s5+$0xA010] =	vst.add.f32.msk $0xffff, v2  }
0x349: {  	[tilespmem:s5+$0xA020] =	vst.add.f32.msk $0xffff, v3  }
0x34a: {  	[tilespmem:s5+$0xA030] =	vst.add.f32.msk $0xffff, v4  }
0x34b: {  	[tilespmem:s5+$0xA040] =	vst.add.f32.msk $0xffff, v63  }
0x34c: {  	[tilespmem:s5+$0xA050] =	vst.add.f32.msk $0xffff, v5  }
0x34d: {  	[tilespmem:s5+$0xA060] =	vst.add.f32.msk $0xffff, v6  }
0x34e: {  	[tilespmem:s5+$0xA070] =	vst.add.f32.msk $0xffff, v7  }
0x34f: {  	[tilespmem:s5+$0xA080] =	vst.add.f32.msk $0xffff, v8  }
0x350: {  	[tilespmem:s5+$0xA090] =	vst.add.f32.msk $0xffff, v9  }
0x351: {  	[tilespmem:s5+$0xA0A0] =	vst.add.f32.msk $0xffff, v10  }
0x352: {  	[tilespmem:s5+$0xA0B0] =	vst.add.f32.msk $0xffff, v11  }
0x353: {  	[tilespmem:s5+$0xA0C0] =	vst.add.f32.msk $0xffff, v12  }
0x354: {  	[tilespmem:s5+$0xA0D0] =	vst.add.f32.msk $0xffff, v13  }
0x355: {  	[tilespmem:s5+$0xA0E0] =	vst.add.f32.msk $0xffff, v14  }
0x356: {  	[tilespmem:s5+$0xA0F0] =	vst.add.f32.msk $0xffff, v15  }
0x357: {  	[tilespmem:s5+$0xA100] =	vst.add.f32.msk $0xffff, v16  }
0x358: {  	[tilespmem:s5+$0xA110] =	vst.add.f32.msk $0xffff, v17  }
0x359: {  	[tilespmem:s5+$0xA120] =	vst.add.f32.msk $0xffff, v18  }
0x35a: {  	[tilespmem:s5+$0xA130] =	vst.add.f32.msk $0xffff, v19  }
0x35b: {  	[tilespmem:s5+$0xA140] =	vst.add.f32.msk $0xffff, v20  }
0x35c: {  	[tilespmem:s5+$0xA150] =	vst.add.f32.msk $0xffff, v21  }
0x35d: {  	[tilespmem:s5+$0xA160] =	vst.add.f32.msk $0xffff, v22  }
0x35e: {  	[tilespmem:s5+$0xA170] =	vst.add.f32.msk $0xffff, v23  }
0x35f: {  	[tilespmem:s5+$0xA180] =	vst.add.f32.msk $0xffff, v24  }
0x360: {  	[tilespmem:s5+$0xA190] =	vst.add.f32.msk $0xffff, v25  }
0x361: {  	[tilespmem:s5+$0xA1A0] =	vst.add.f32.msk $0xffff, v26  }
0x362: {  	[tilespmem:s5+$0xA1B0] =	vst.add.f32.msk $0xffff, v27  }
0x363: {  	[tilespmem:s5+$0xA1C0] =	vst.add.f32.msk $0xffff, v28  }
0x364: {  	[tilespmem:s5+$0xA1D0] =	vst.add.f32.msk $0xffff, v29  }
0x365: {  	s29 =	sadd.s32 s4, s7;
	[tilespmem:s5+$0xA1E0] =	vst.add.f32.msk $0xffff, v30;
	s5 =	sadd.s32 @!p0 s12, s16  }
0x366: {  	[hbm4b:s29+s20] =	stream.strided.scatter [tilespmem:s31], [sflag:$0x3], $0x2000, s21, s20, $0x38;
	[tilespmem:$0x14000] =	vst v63  }
0x367: {  	s7 =	simm.s32 @!p0 $0x200;
	s5 =	sshll.u32 @!p0 s5, $0x8;
	_ =	swait.ge [sflag:s22], $0x2000  }
0x368: {  	s13 =	simm.s32 @!p0 $0x400;
	s5 =	sand.u32 @!p0 $0x1FFFF800, s5;
	[sflag:s22] =	ssyncset.done $0x0  }
0x369: {  	s18 =	simm.s32 @!p0 $0x2000;
	s5 =	sadd.s32 @!p0 s2, s5;
	[sflag:s22] =	ssyncadd.s32 $0xFFFFE000  }
0x36a: {  	[tilespmem:s18], [sflag:$0x1] =	stream.strided.gather @!p0 [hbm4b:s5+s7], $0x2000, s13, s7, $0x38;
	[tilespmem:$0x14000] =	vst v63  }
0x36b: {  	_ =	swait.ge [sflag:s26], $0x2000  }
0x36c: {  	[sflag:s26] =	ssyncset.done $0x0  }
0x36d: {  	s5 =	simm.s32 $0x0;
	s7 =	simm.s32 $0x800;
	[sflag:s26] =	ssyncadd.s32 $0xFFFFE000  }
.LBB2_15:
0x36e: {  	p1 =	sne.s32 s7, $0x7800;
	v0 =	vld [tilespmem:s5+$0x121F0]  }
0x36f: {  	v1 =	vld [tilespmem:s5+$0x12000]  }
0x370: {  	v2 =	vld [tilespmem:s5+$0x12010]  }
0x371: {  	v3 =	vld [tilespmem:s5+$0x12020]  }
0x372: {  	v4 =	vld [tilespmem:s5+$0x12030]  }
0x373: {  	[tilespmem:s5+$0xC1F0] =	vst.add.f32.msk $0xffff, v0  }
0x374: {  	v0 =	vld [tilespmem:s5+$0x12040]  }
0x375: {  	v5 =	vld [tilespmem:s5+$0x12050]  }
0x376: {  	v6 =	vld [tilespmem:s5+$0x12060]  }
0x377: {  	v7 =	vld [tilespmem:s5+$0x12070]  }
0x378: {  	v8 =	vld [tilespmem:s5+$0x12080]  }
0x379: {  	v9 =	vld [tilespmem:s5+$0x12090]  }
0x37a: {  	v10 =	vld [tilespmem:s5+$0x120A0]  }
0x37b: {  	v11 =	vld [tilespmem:s5+$0x120B0]  }
0x37c: {  	v12 =	vld [tilespmem:s5+$0x120C0]  }
0x37d: {  	v13 =	vld [tilespmem:s5+$0x120D0]  }
0x37e: {  	v14 =	vld [tilespmem:s5+$0x120E0]  }
0x37f: {  	v15 =	vld [tilespmem:s5+$0x120F0]  }
0x380: {  	v16 =	vld [tilespmem:s5+$0x12100]  }
0x381: {  	v17 =	vld [tilespmem:s5+$0x12110]  }
0x382: {  	v18 =	vld [tilespmem:s5+$0x12120]  }
0x383: {  	v19 =	vld [tilespmem:s5+$0x12130]  }
0x384: {  	v20 =	vld [tilespmem:s5+$0x12140]  }
0x385: {  	v21 =	vld [tilespmem:s5+$0x12150]  }
0x386: {  	v22 =	vld [tilespmem:s5+$0x12160]  }
0x387: {  	v23 =	vld [tilespmem:s5+$0x12170]  }
0x388: {  	v24 =	vld [tilespmem:s5+$0x12180]  }
0x389: {  	v25 =	vld [tilespmem:s5+$0x12190]  }
0x38a: {  	v26 =	vld [tilespmem:s5+$0x121A0]  }
0x38b: {  	v27 =	vld [tilespmem:s5+$0x121B0]  }
0x38c: {  	v28 =	vld [tilespmem:s5+$0x121C0]  }
0x38d: {  	v29 =	vld [tilespmem:s5+$0x121D0]  }
0x38e: {  	v30 =	vld [tilespmem:s5+$0x121E0]  }
0x38f: {  	[tilespmem:s5+$0xC000] =	vst.add.f32.msk $0xffff, v1  }
0x390: {  	[tilespmem:s5+$0xC010] =	vst.add.f32.msk $0xffff, v2  }
0x391: {  	[tilespmem:s5+$0xC020] =	vst.add.f32.msk $0xffff, v3  }
0x392: {  	[tilespmem:s5+$0xC030] =	vst.add.f32.msk $0xffff, v4  }
0x393: {  	[tilespmem:s5+$0xC040] =	vst.add.f32.msk $0xffff, v0  }
0x394: {  	[tilespmem:s5+$0xC050] =	vst.add.f32.msk $0xffff, v5  }
0x395: {  	[tilespmem:s5+$0xC060] =	vst.add.f32.msk $0xffff, v6  }
0x396: {  	[tilespmem:s5+$0xC070] =	vst.add.f32.msk $0xffff, v7  }
0x397: {  	[tilespmem:s5+$0xC080] =	vst.add.f32.msk $0xffff, v8  }
0x398: {  	[tilespmem:s5+$0xC090] =	vst.add.f32.msk $0xffff, v9  }
0x399: {  	[tilespmem:s5+$0xC0A0] =	vst.add.f32.msk $0xffff, v10  }
0x39a: {  	[tilespmem:s5+$0xC0B0] =	vst.add.f32.msk $0xffff, v11  }
0x39b: {  	[tilespmem:s5+$0xC0C0] =	vst.add.f32.msk $0xffff, v12  }
0x39c: {  	[tilespmem:s5+$0xC0D0] =	vst.add.f32.msk $0xffff, v13  }
0x39d: {  	[tilespmem:s5+$0xC0E0] =	vst.add.f32.msk $0xffff, v14  }
0x39e: {  	[tilespmem:s5+$0xC0F0] =	vst.add.f32.msk $0xffff, v15  }
0x39f: {  	[tilespmem:s5+$0xC100] =	vst.add.f32.msk $0xffff, v16  }
0x3a0: {  	[tilespmem:s5+$0xC110] =	vst.add.f32.msk $0xffff, v17  }
0x3a1: {  	[tilespmem:s5+$0xC120] =	vst.add.f32.msk $0xffff, v18  }
0x3a2: {  	[tilespmem:s5+$0xC130] =	vst.add.f32.msk $0xffff, v19  }
0x3a3: {  	[tilespmem:s5+$0xC140] =	vst.add.f32.msk $0xffff, v20  }
0x3a4: {  	[tilespmem:s5+$0xC150] =	vst.add.f32.msk $0xffff, v21  }
0x3a5: {  	[tilespmem:s5+$0xC160] =	vst.add.f32.msk $0xffff, v22  }
0x3a6: {  	[tilespmem:s5+$0xC170] =	vst.add.f32.msk $0xffff, v23  }
0x3a7: {  	[tilespmem:s5+$0xC180] =	vst.add.f32.msk $0xffff, v24  }
0x3a8: {  	[tilespmem:s5+$0xC190] =	vst.add.f32.msk $0xffff, v25  }
.Ltmp8:
0x3a9: {  	[tilespmem:s5+$0xC1A0] =	vst.add.f32.msk $0xffff, v26;
	(pc) =	sbr.rel @p1 .LBB2_15-.Ltmp8, $4  }
0x3aa: {  	[tilespmem:s5+$0xC1B0] =	vst.add.f32.msk $0xffff, v27  }
0x3ab: {  	[tilespmem:s5+$0xC1C0] =	vst.add.f32.msk $0xffff, v28  }
0x3ac: {  	[tilespmem:s5+$0xC1D0] =	vst.add.f32.msk $0xffff, v29  }
0x3ad: {  	[tilespmem:s5+$0xC1E0] =	vst.add.f32.msk $0xffff, v30;
	s5 =	sshra.s32 s7, $0x2;
	s7 =	sadd.s32 $0x800, s7  }
0x3ae: {  	v0 =	vld [tilespmem:s5+$0x121F0]  }
0x3af: {  	v1 =	vld [tilespmem:s5+$0x12000]  }
0x3b0: {  	v2 =	vld [tilespmem:s5+$0x12010]  }
0x3b1: {  	v3 =	vld [tilespmem:s5+$0x12020]  }
0x3b2: {  	v4 =	vld [tilespmem:s5+$0x12030]  }
0x3b3: {  	v63 =	vld [tilespmem:s5+$0x12040]  }
0x3b4: {  	v5 =	vld [tilespmem:s5+$0x12050]  }
0x3b5: {  	v6 =	vld [tilespmem:s5+$0x12060]  }
0x3b6: {  	v7 =	vld [tilespmem:s5+$0x12070]  }
0x3b7: {  	v8 =	vld [tilespmem:s5+$0x12080]  }
0x3b8: {  	v9 =	vld [tilespmem:s5+$0x12090]  }
0x3b9: {  	v10 =	vld [tilespmem:s5+$0x120A0]  }
0x3ba: {  	v11 =	vld [tilespmem:s5+$0x120B0]  }
0x3bb: {  	v12 =	vld [tilespmem:s5+$0x120C0]  }
0x3bc: {  	v13 =	vld [tilespmem:s5+$0x120D0]  }
0x3bd: {  	v14 =	vld [tilespmem:s5+$0x120E0]  }
0x3be: {  	v15 =	vld [tilespmem:s5+$0x120F0]  }
0x3bf: {  	v16 =	vld [tilespmem:s5+$0x12100]  }
0x3c0: {  	v17 =	vld [tilespmem:s5+$0x12110]  }
0x3c1: {  	v18 =	vld [tilespmem:s5+$0x12120]  }
0x3c2: {  	v19 =	vld [tilespmem:s5+$0x12130]  }
0x3c3: {  	v20 =	vld [tilespmem:s5+$0x12140]  }
0x3c4: {  	v21 =	vld [tilespmem:s5+$0x12150]  }
0x3c5: {  	v22 =	vld [tilespmem:s5+$0x12160]  }
0x3c6: {  	v23 =	vld [tilespmem:s5+$0x12170]  }
0x3c7: {  	v24 =	vld [tilespmem:s5+$0x12180]  }
0x3c8: {  	v25 =	vld [tilespmem:s5+$0x12190]  }
0x3c9: {  	v26 =	vld [tilespmem:s5+$0x121A0]  }
0x3ca: {  	v27 =	vld [tilespmem:s5+$0x121B0]  }
0x3cb: {  	v28 =	vld [tilespmem:s5+$0x121C0]  }
0x3cc: {  	v29 =	vld [tilespmem:s5+$0x121D0]  }
0x3cd: {  	v30 =	vld [tilespmem:s5+$0x121E0]  }
0x3ce: {  	[tilespmem:s5+$0xC1F0] =	vst.add.f32.msk $0xffff, v0  }
0x3cf: {  	[tilespmem:s5+$0xC000] =	vst.add.f32.msk $0xffff, v1  }
0x3d0: {  	[tilespmem:s5+$0xC010] =	vst.add.f32.msk $0xffff, v2  }
0x3d1: {  	[tilespmem:s5+$0xC020] =	vst.add.f32.msk $0xffff, v3  }
0x3d2: {  	[tilespmem:s5+$0xC030] =	vst.add.f32.msk $0xffff, v4  }
0x3d3: {  	[tilespmem:s5+$0xC040] =	vst.add.f32.msk $0xffff, v63  }
0x3d4: {  	[tilespmem:s5+$0xC050] =	vst.add.f32.msk $0xffff, v5  }
0x3d5: {  	[tilespmem:s5+$0xC060] =	vst.add.f32.msk $0xffff, v6  }
0x3d6: {  	[tilespmem:s5+$0xC070] =	vst.add.f32.msk $0xffff, v7  }
0x3d7: {  	[tilespmem:s5+$0xC080] =	vst.add.f32.msk $0xffff, v8  }
0x3d8: {  	[tilespmem:s5+$0xC090] =	vst.add.f32.msk $0xffff, v9  }
0x3d9: {  	[tilespmem:s5+$0xC0A0] =	vst.add.f32.msk $0xffff, v10  }
0x3da: {  	[tilespmem:s5+$0xC0B0] =	vst.add.f32.msk $0xffff, v11  }
0x3db: {  	[tilespmem:s5+$0xC0C0] =	vst.add.f32.msk $0xffff, v12  }
0x3dc: {  	[tilespmem:s5+$0xC0D0] =	vst.add.f32.msk $0xffff, v13  }
0x3dd: {  	[tilespmem:s5+$0xC0E0] =	vst.add.f32.msk $0xffff, v14  }
0x3de: {  	[tilespmem:s5+$0xC0F0] =	vst.add.f32.msk $0xffff, v15  }
0x3df: {  	[tilespmem:s5+$0xC100] =	vst.add.f32.msk $0xffff, v16  }
0x3e0: {  	[tilespmem:s5+$0xC110] =	vst.add.f32.msk $0xffff, v17  }
0x3e1: {  	[tilespmem:s5+$0xC120] =	vst.add.f32.msk $0xffff, v18  }
0x3e2: {  	[tilespmem:s5+$0xC130] =	vst.add.f32.msk $0xffff, v19  }
0x3e3: {  	[tilespmem:s5+$0xC140] =	vst.add.f32.msk $0xffff, v20  }
0x3e4: {  	[tilespmem:s5+$0xC150] =	vst.add.f32.msk $0xffff, v21  }
0x3e5: {  	[tilespmem:s5+$0xC160] =	vst.add.f32.msk $0xffff, v22  }
0x3e6: {  	[tilespmem:s5+$0xC170] =	vst.add.f32.msk $0xffff, v23  }
0x3e7: {  	[tilespmem:s5+$0xC180] =	vst.add.f32.msk $0xffff, v24  }
0x3e8: {  	[tilespmem:s5+$0xC190] =	vst.add.f32.msk $0xffff, v25  }
0x3e9: {  	[tilespmem:s5+$0xC1A0] =	vst.add.f32.msk $0xffff, v26  }
0x3ea: {  	[tilespmem:s5+$0xC1B0] =	vst.add.f32.msk $0xffff, v27  }
0x3eb: {  	[tilespmem:s5+$0xC1C0] =	vst.add.f32.msk $0xffff, v28  }
0x3ec: {  	[tilespmem:s5+$0xC1D0] =	vst.add.f32.msk $0xffff, v29  }
0x3ed: {  	s29 =	sadd.s32 s4, s19;
	[tilespmem:s5+$0xC1E0] =	vst.add.f32.msk $0xffff, v30;
	s5 =	sadd.s32 @!p0 s12, s17  }
0x3ee: {  	[hbm4b:s29+s20] =	stream.strided.scatter [tilespmem:s0], [sflag:$0x3], $0x2000, s21, s20, $0x38;
	[tilespmem:$0x14000] =	vst v63  }
0x3ef: {  	s7 =	simm.s32 @!p0 $0x200;
	s5 =	sshll.u32 @!p0 s5, $0x8;
	_ =	swait.ge [sflag:s22], $0x2000  }
0x3f0: {  	s13 =	simm.s32 @!p0 $0x400;
	s5 =	sand.u32 @!p0 $0x1FFFF800, s5;
	[sflag:s22] =	ssyncset.done $0x0  }
0x3f1: {  	s18 =	simm.s32 @!p0 $0x4000;
	s5 =	sadd.s32 @!p0 s2, s5;
	[sflag:s22] =	ssyncadd.s32 $0xFFFFE000  }
0x3f2: {  	[tilespmem:s18], [sflag:$0x1] =	stream.strided.gather @!p0 [hbm4b:s5+s7], $0x2000, s13, s7, $0x38;
	[tilespmem:$0x14000] =	vst v63  }
0x3f3: {  	_ =	swait.ge [sflag:s26], $0x2000  }
0x3f4: {  	[sflag:s26] =	ssyncset.done $0x0  }
0x3f5: {  	s5 =	simm.s32 $0x0;
	s7 =	simm.s32 $0x800;
	[sflag:s26] =	ssyncadd.s32 $0xFFFFE000  }
.LBB2_17:
0x3f6: {  	p1 =	sne.s32 s7, $0x7800;
	v0 =	vld [tilespmem:s5+$0x121F0]  }
0x3f7: {  	v1 =	vld [tilespmem:s5+$0x12000]  }
0x3f8: {  	v2 =	vld [tilespmem:s5+$0x12010]  }
0x3f9: {  	v3 =	vld [tilespmem:s5+$0x12020]  }
0x3fa: {  	v4 =	vld [tilespmem:s5+$0x12030]  }
0x3fb: {  	[tilespmem:s5+$0xE1F0] =	vst.add.f32.msk $0xffff, v0  }
0x3fc: {  	v0 =	vld [tilespmem:s5+$0x12040]  }
0x3fd: {  	v5 =	vld [tilespmem:s5+$0x12050]  }
0x3fe: {  	v6 =	vld [tilespmem:s5+$0x12060]  }
0x3ff: {  	v7 =	vld [tilespmem:s5+$0x12070]  }
0x400: {  	v8 =	vld [tilespmem:s5+$0x12080]  }
0x401: {  	v9 =	vld [tilespmem:s5+$0x12090]  }
0x402: {  	v10 =	vld [tilespmem:s5+$0x120A0]  }
0x403: {  	v11 =	vld [tilespmem:s5+$0x120B0]  }
0x404: {  	v12 =	vld [tilespmem:s5+$0x120C0]  }
0x405: {  	v13 =	vld [tilespmem:s5+$0x120D0]  }
0x406: {  	v14 =	vld [tilespmem:s5+$0x120E0]  }
0x407: {  	v15 =	vld [tilespmem:s5+$0x120F0]  }
0x408: {  	v16 =	vld [tilespmem:s5+$0x12100]  }
0x409: {  	v17 =	vld [tilespmem:s5+$0x12110]  }
0x40a: {  	v18 =	vld [tilespmem:s5+$0x12120]  }
0x40b: {  	v19 =	vld [tilespmem:s5+$0x12130]  }
0x40c: {  	v20 =	vld [tilespmem:s5+$0x12140]  }
0x40d: {  	v21 =	vld [tilespmem:s5+$0x12150]  }
0x40e: {  	v22 =	vld [tilespmem:s5+$0x12160]  }
0x40f: {  	v23 =	vld [tilespmem:s5+$0x12170]  }
0x410: {  	v24 =	vld [tilespmem:s5+$0x12180]  }
0x411: {  	v25 =	vld [tilespmem:s5+$0x12190]  }
0x412: {  	v26 =	vld [tilespmem:s5+$0x121A0]  }
0x413: {  	v27 =	vld [tilespmem:s5+$0x121B0]  }
0x414: {  	v28 =	vld [tilespmem:s5+$0x121C0]  }
0x415: {  	v29 =	vld [tilespmem:s5+$0x121D0]  }
0x416: {  	v30 =	vld [tilespmem:s5+$0x121E0]  }
0x417: {  	[tilespmem:s5+$0xE000] =	vst.add.f32.msk $0xffff, v1  }
0x418: {  	[tilespmem:s5+$0xE010] =	vst.add.f32.msk $0xffff, v2  }
0x419: {  	[tilespmem:s5+$0xE020] =	vst.add.f32.msk $0xffff, v3  }
0x41a: {  	[tilespmem:s5+$0xE030] =	vst.add.f32.msk $0xffff, v4  }
0x41b: {  	[tilespmem:s5+$0xE040] =	vst.add.f32.msk $0xffff, v0  }
0x41c: {  	[tilespmem:s5+$0xE050] =	vst.add.f32.msk $0xffff, v5  }
0x41d: {  	[tilespmem:s5+$0xE060] =	vst.add.f32.msk $0xffff, v6  }
0x41e: {  	[tilespmem:s5+$0xE070] =	vst.add.f32.msk $0xffff, v7  }
0x41f: {  	[tilespmem:s5+$0xE080] =	vst.add.f32.msk $0xffff, v8  }
0x420: {  	[tilespmem:s5+$0xE090] =	vst.add.f32.msk $0xffff, v9  }
0x421: {  	[tilespmem:s5+$0xE0A0] =	vst.add.f32.msk $0xffff, v10  }
0x422: {  	[tilespmem:s5+$0xE0B0] =	vst.add.f32.msk $0xffff, v11  }
0x423: {  	[tilespmem:s5+$0xE0C0] =	vst.add.f32.msk $0xffff, v12  }
0x424: {  	[tilespmem:s5+$0xE0D0] =	vst.add.f32.msk $0xffff, v13  }
0x425: {  	[tilespmem:s5+$0xE0E0] =	vst.add.f32.msk $0xffff, v14  }
0x426: {  	[tilespmem:s5+$0xE0F0] =	vst.add.f32.msk $0xffff, v15  }
0x427: {  	[tilespmem:s5+$0xE100] =	vst.add.f32.msk $0xffff, v16  }
0x428: {  	[tilespmem:s5+$0xE110] =	vst.add.f32.msk $0xffff, v17  }
0x429: {  	[tilespmem:s5+$0xE120] =	vst.add.f32.msk $0xffff, v18  }
0x42a: {  	[tilespmem:s5+$0xE130] =	vst.add.f32.msk $0xffff, v19  }
0x42b: {  	[tilespmem:s5+$0xE140] =	vst.add.f32.msk $0xffff, v20  }
0x42c: {  	[tilespmem:s5+$0xE150] =	vst.add.f32.msk $0xffff, v21  }
0x42d: {  	[tilespmem:s5+$0xE160] =	vst.add.f32.msk $0xffff, v22  }
0x42e: {  	[tilespmem:s5+$0xE170] =	vst.add.f32.msk $0xffff, v23  }
0x42f: {  	[tilespmem:s5+$0xE180] =	vst.add.f32.msk $0xffff, v24  }
0x430: {  	[tilespmem:s5+$0xE190] =	vst.add.f32.msk $0xffff, v25  }
.Ltmp9:
0x431: {  	[tilespmem:s5+$0xE1A0] =	vst.add.f32.msk $0xffff, v26;
	(pc) =	sbr.rel @p1 .LBB2_17-.Ltmp9, $4  }
0x432: {  	[tilespmem:s5+$0xE1B0] =	vst.add.f32.msk $0xffff, v27  }
0x433: {  	[tilespmem:s5+$0xE1C0] =	vst.add.f32.msk $0xffff, v28  }
0x434: {  	[tilespmem:s5+$0xE1D0] =	vst.add.f32.msk $0xffff, v29  }
0x435: {  	[tilespmem:s5+$0xE1E0] =	vst.add.f32.msk $0xffff, v30;
	s5 =	sshra.s32 s7, $0x2;
	s7 =	sadd.s32 $0x800, s7  }
0x436: {  	v0 =	vld [tilespmem:s5+$0x121F0]  }
0x437: {  	v1 =	vld [tilespmem:s5+$0x12000]  }
0x438: {  	v2 =	vld [tilespmem:s5+$0x12010]  }
0x439: {  	v3 =	vld [tilespmem:s5+$0x12020]  }
0x43a: {  	v4 =	vld [tilespmem:s5+$0x12030]  }
0x43b: {  	v63 =	vld [tilespmem:s5+$0x12040]  }
0x43c: {  	v5 =	vld [tilespmem:s5+$0x12050]  }
0x43d: {  	v6 =	vld [tilespmem:s5+$0x12060]  }
0x43e: {  	v7 =	vld [tilespmem:s5+$0x12070]  }
0x43f: {  	v8 =	vld [tilespmem:s5+$0x12080]  }
0x440: {  	v9 =	vld [tilespmem:s5+$0x12090]  }
0x441: {  	v10 =	vld [tilespmem:s5+$0x120A0]  }
0x442: {  	v11 =	vld [tilespmem:s5+$0x120B0]  }
0x443: {  	v12 =	vld [tilespmem:s5+$0x120C0]  }
0x444: {  	v13 =	vld [tilespmem:s5+$0x120D0]  }
0x445: {  	v14 =	vld [tilespmem:s5+$0x120E0]  }
0x446: {  	v15 =	vld [tilespmem:s5+$0x120F0]  }
0x447: {  	v16 =	vld [tilespmem:s5+$0x12100]  }
0x448: {  	v17 =	vld [tilespmem:s5+$0x12110]  }
0x449: {  	v18 =	vld [tilespmem:s5+$0x12120]  }
0x44a: {  	v19 =	vld [tilespmem:s5+$0x12130]  }
0x44b: {  	v20 =	vld [tilespmem:s5+$0x12140]  }
0x44c: {  	v21 =	vld [tilespmem:s5+$0x12150]  }
0x44d: {  	v22 =	vld [tilespmem:s5+$0x12160]  }
0x44e: {  	v23 =	vld [tilespmem:s5+$0x12170]  }
0x44f: {  	v24 =	vld [tilespmem:s5+$0x12180]  }
0x450: {  	v25 =	vld [tilespmem:s5+$0x12190]  }
0x451: {  	v26 =	vld [tilespmem:s5+$0x121A0]  }
0x452: {  	v27 =	vld [tilespmem:s5+$0x121B0]  }
0x453: {  	v28 =	vld [tilespmem:s5+$0x121C0]  }
0x454: {  	v29 =	vld [tilespmem:s5+$0x121D0]  }
0x455: {  	v30 =	vld [tilespmem:s5+$0x121E0]  }
0x456: {  	[tilespmem:s5+$0xE1F0] =	vst.add.f32.msk $0xffff, v0  }
0x457: {  	[tilespmem:s5+$0xE000] =	vst.add.f32.msk $0xffff, v1  }
0x458: {  	[tilespmem:s5+$0xE010] =	vst.add.f32.msk $0xffff, v2  }
0x459: {  	[tilespmem:s5+$0xE020] =	vst.add.f32.msk $0xffff, v3  }
0x45a: {  	[tilespmem:s5+$0xE030] =	vst.add.f32.msk $0xffff, v4  }
0x45b: {  	[tilespmem:s5+$0xE040] =	vst.add.f32.msk $0xffff, v63  }
0x45c: {  	[tilespmem:s5+$0xE050] =	vst.add.f32.msk $0xffff, v5  }
0x45d: {  	[tilespmem:s5+$0xE060] =	vst.add.f32.msk $0xffff, v6  }
0x45e: {  	[tilespmem:s5+$0xE070] =	vst.add.f32.msk $0xffff, v7  }
0x45f: {  	[tilespmem:s5+$0xE080] =	vst.add.f32.msk $0xffff, v8  }
0x460: {  	[tilespmem:s5+$0xE090] =	vst.add.f32.msk $0xffff, v9  }
0x461: {  	[tilespmem:s5+$0xE0A0] =	vst.add.f32.msk $0xffff, v10  }
0x462: {  	[tilespmem:s5+$0xE0B0] =	vst.add.f32.msk $0xffff, v11  }
0x463: {  	[tilespmem:s5+$0xE0C0] =	vst.add.f32.msk $0xffff, v12  }
0x464: {  	[tilespmem:s5+$0xE0D0] =	vst.add.f32.msk $0xffff, v13  }
0x465: {  	[tilespmem:s5+$0xE0E0] =	vst.add.f32.msk $0xffff, v14  }
0x466: {  	[tilespmem:s5+$0xE0F0] =	vst.add.f32.msk $0xffff, v15  }
0x467: {  	[tilespmem:s5+$0xE100] =	vst.add.f32.msk $0xffff, v16  }
0x468: {  	[tilespmem:s5+$0xE110] =	vst.add.f32.msk $0xffff, v17  }
0x469: {  	[tilespmem:s5+$0xE120] =	vst.add.f32.msk $0xffff, v18  }
0x46a: {  	[tilespmem:s5+$0xE130] =	vst.add.f32.msk $0xffff, v19  }
0x46b: {  	[tilespmem:s5+$0xE140] =	vst.add.f32.msk $0xffff, v20  }
0x46c: {  	[tilespmem:s5+$0xE150] =	vst.add.f32.msk $0xffff, v21  }
0x46d: {  	[tilespmem:s5+$0xE160] =	vst.add.f32.msk $0xffff, v22  }
0x46e: {  	[tilespmem:s5+$0xE170] =	vst.add.f32.msk $0xffff, v23  }
0x46f: {  	[tilespmem:s5+$0xE180] =	vst.add.f32.msk $0xffff, v24  }
0x470: {  	[tilespmem:s5+$0xE190] =	vst.add.f32.msk $0xffff, v25  }
0x471: {  	[tilespmem:s5+$0xE1A0] =	vst.add.f32.msk $0xffff, v26  }
0x472: {  	[tilespmem:s5+$0xE1B0] =	vst.add.f32.msk $0xffff, v27  }
0x473: {  	[tilespmem:s5+$0xE1C0] =	vst.add.f32.msk $0xffff, v28  }
0x474: {  	[tilespmem:s5+$0xE1D0] =	vst.add.f32.msk $0xffff, v29  }
.Ltmp10:
0x475: {  	s29 =	sadd.s32 s4, s14;
	[tilespmem:s5+$0xE1E0] =	vst.add.f32.msk $0xffff, v30;
	(pc) =	sbr.rel @p0 .LBB2_20-.Ltmp10, $4  }
0x476: {  	[hbm4b:s29+s20] =	stream.strided.scatter [tilespmem:s1], [sflag:$0x3], $0x2000, s21, s20, $0x38;
	[tilespmem:$0x14000] =	vst v63  }
0x477: {  	_ =	swait.ge [sflag:s22], $0x2000  }
0x478: {  	[sflag:s22] =	ssyncset.done $0x0  }
0x479: {  	[sflag:s22] =	ssyncadd.s32 $0xFFFFE000  }
0x47a: {  	s5 =	rddreg [dreg:$0x9]  }
.Ltmp11:
0x47b: {  	s5 =	sadd.s32 s12, s5;
	(pc) =	sbr.rel .LBB2_2-.Ltmp11, $4  }
0x47c: {  	s5 =	sshll.u32 s5, $0x8  }
0x47d: {  	s5 =	sand.u32 $0x1FFFF800, s5  }
0x47e: {  	s8 =	sadd.s32 $0x1, s8;
	s5 =	sadd.s32 s2, s5  }
0x47f: {  	[tilespmem:s25], [sflag:$0x1] =	stream.strided.gather [hbm4b:s5+s20], $0x2000, s21, s20, $0x38;
	[tilespmem:$0x14000] =	vst v63  }
.LBB2_21:
0x480: {  	_ =	sfence.sel $0x180000  }
0x481: {  	[bflag:$0x0] =	sbarrier.arrive $0xFFFF  }
0x482: {  	_ =	strace $0x90000047  }
0x483: {  	s0 =	stileid.u32;
	[bflag:$0x2] =	sbarrier.arrive $0xFFFF  }
0x484: {  	p0 =	sne.s32 s0, $0x0;
	s0 =	rddreg [dreg:$0x3]  }
0x485: {  	s0 =	sadd.s32 @!p0 $0x100000, s0  }
0x486: {  	[sflag:s0] =	ssyncadd.tile.s32 @!p0 $0x1;
	_ =	shalt  }
.Lfunc_end2:
_tile_overlayer_lowered:
.L_overlay_start_2:
0x487: {  	(tag) =	ssettag $0x2  }
0x488: {  	s0 =	rddreg [dreg:$0x0];
	s2 =	stileid.u32  }
0x489: {  	s1 =	rddreg [dreg:$0x1];
	p0 =	sne.s32 s2, $0x0  }
0x48a: {  	s3 =	rddreg [dreg:$0x2];
	[bflag:$0x3] =	sbarrier.arrive $0xFFFF;
	s2 =	simm.s32 @!p0 $0x1C04  }
0x48b: {  	[timem:s3], [sflag:s2] =	dma.local @!p0 [hbm:s0], s1  }
0x48c: {  	s0 =	simm.s32 @!p0 $0x4  }
0x48d: {  	_ =	swait.ge @!p0 [sflag:s0], s1  }
0x48e: {  	s1 =	ssub.s32 @!p0 $0x0, s1;
	[sflag:s0] =	ssyncset.done @!p0 $0x0  }
0x48f: {  	[sflag:s0] =	ssyncadd.s32 @!p0 s1  }
0x490: {  	[bflag:$0x3] =	sbarrier.arrive $0xFFFF  }
0x491: {  	_ =	shalt  }

</sc_bundles>
